<compile_context>
chip_gen: v7x
topology: tpu7x:2x2x1
jax: 0.10.2.dev20260603
libtpu: 0.0.44.dev20260713+nightly
codegen_flags: <defaults>
</compile_context>

<pallas_src>
import jax
import jax.numpy as jnp
from jax import lax
from jax.experimental import pallas as pl
from jax.experimental.pallas import tpu as pltpu
from jax.experimental.pallas import tpu_sc as plsc

F32 = jnp.float32

N1 = 10000
E1 = 320000
D = 128
HD = D // 2
N2 = 256
E2 = 2048
NUM_REL = 2048
NB = 30
NBP = 32

NC = 2
NS = 16
NW = NC * NS

CH = 128
NCH = E1 // CH
CPT = 78
NXT = NCH - NW * CPT

RPT = 632
AGG_ROWS = NS * RPT

A_ROWS = N2 * N2
A_RPT = A_ROWS // NS
EPT2 = E2 // NS

_HIGH = lax.Precision.HIGHEST


def _sc_count_body(col3d, etype2d, dst2d, src2d, comp8, zeros8, ones8,
                   deg_out, a_out, cnt_out,
                   degmat_sh, a_sh, cnt_sh,
                   colbuf, compbuf, onesbuf, zbuf8, ebuf, dbuf, sbuf,
                   fbuf, dsem):
    cid = lax.axis_index("c")
    sid = lax.axis_index("s")
    wid = cid * NS + sid

    pltpu.sync_copy(zeros8, zbuf8)
    pltpu.sync_copy(ones8, onesbuf)
    pltpu.sync_copy(zbuf8.at[pl.ds(0, RPT)], degmat_sh.at[pl.ds(sid * RPT, RPT)])

    @pl.when(jnp.logical_and(cid == 0, sid == 0))
    def _zero_cnt():
        pltpu.sync_copy(zbuf8.at[pl.ds(0, N2)], cnt_sh)

    @pl.when(cid == 0)
    def _stage_c0():
        pltpu.sync_copy(col3d.at[pl.ds(sid * CPT, CPT)],
                        colbuf.at[pl.ds(0, CPT)])

    @pl.when(cid == 1)
    def _stage_c1():
        pltpu.sync_copy(col3d.at[pl.ds(NS * CPT + sid * CPT, CPT)],
                        colbuf.at[pl.ds(0, CPT)])

    @pl.when(jnp.logical_and(cid == 1, sid >= NS - NXT))
    def _stage_cx():
        pltpu.sync_copy(col3d.at[pl.ds(2 * NS * CPT + sid - (NS - NXT), 1)],
                        colbuf.at[pl.ds(CPT, 1)])
    pltpu.sync_copy(etype2d.at[sid], ebuf.at[0])
    pltpu.sync_copy(dst2d.at[sid], dbuf.at[0])
    pltpu.sync_copy(src2d.at[sid], sbuf.at[0])

    for k in range(EPT2 // 16):
        sl = pl.ds(k * 16, 16)
        fbuf[0, sl] = dbuf[0, sl] * N2 + sbuf[0, sl]

    plsc.subcore_barrier()

    def deg_step(i, carry):
        for k in range(6):
            pltpu.async_copy(onesbuf, degmat_sh.at[colbuf.at[i * 6 + k]],
                             dsem, add=True)
        for k in range(6):
            pltpu.make_async_copy(
                onesbuf, degmat_sh.at[colbuf.at[i * 6 + k]], dsem).wait()
        return carry

    lax.fori_loop(0, CPT // 6, deg_step, 0)

    @pl.when(jnp.logical_and(cid == 1, sid >= NS - NXT))
    def _deg_extra():
        pltpu.sync_copy(onesbuf, degmat_sh.at[colbuf.at[CPT]], add=True)

    @pl.when(cid == 0)
    def _cnt():
        pltpu.sync_copy(onesbuf, cnt_sh.at[dbuf.at[0]], add=True)

    for g in range(2):
        gidx = cid * 2 + g
        for k in range(EPT2 // 16):
            sl = pl.ds(k * 16, 16)
            ebuf[1, sl] = ebuf[0, sl] + gidx * NUM_REL
        pltpu.sync_copy(zbuf8, a_sh.at[pl.ds(sid * A_RPT, A_RPT)])
        plsc.subcore_barrier()
        pltpu.sync_copy(comp8.at[ebuf.at[1]], compbuf)
        pltpu.sync_copy(compbuf, a_sh.at[fbuf.at[0]], add=True)
        plsc.subcore_barrier()
        pltpu.sync_copy(a_sh.at[pl.ds(sid * A_RPT, A_RPT)],
                        a_out.at[gidx, pl.ds(sid * A_RPT, A_RPT)])

    plsc.subcore_barrier()
    pltpu.sync_copy(degmat_sh.at[pl.ds(sid * RPT, RPT)],
                    deg_out.at[cid, pl.ds(sid * RPT, RPT)])

    @pl.when(cid == 0)
    def _dump_cnt():
        pltpu.sync_copy(cnt_sh.at[pl.ds(sid * 16, 16)],
                        cnt_out.at[pl.ds(sid * 16, 16)])


def _sc_count(col3d, etype2d, dst2d, src2d, comp8, zeros8, ones8):
    mesh = plsc.VectorSubcoreMesh(core_axis_name="c", subcore_axis_name="s")
    return pl.kernel(
        _sc_count_body,
        out_type=(
            jax.ShapeDtypeStruct((NC, AGG_ROWS, 8), F32),
            jax.ShapeDtypeStruct((4, A_ROWS, 8), F32),
            jax.ShapeDtypeStruct((N2, 8), F32),
        ),
        mesh=mesh,
        compiler_params=pltpu.CompilerParams(use_tc_tiling_on_sc=False),
        scratch_types=(
            pltpu.VMEM_SHARED((AGG_ROWS, 8), F32),
            pltpu.VMEM_SHARED((A_ROWS, 8), F32),
            pltpu.VMEM_SHARED((N2, 8), F32),
            pltpu.VMEM((CPT + 1, CH), jnp.int32),
            pltpu.VMEM((CH, 8), F32),
            pltpu.VMEM((CH, 8), F32),
            pltpu.VMEM((A_RPT, 8), F32),
            pltpu.VMEM((2, CH), jnp.int32),
            pltpu.VMEM((1, CH), jnp.int32),
            pltpu.VMEM((1, CH), jnp.int32),
            pltpu.VMEM((1, CH), jnp.int32),
            pltpu.SemaphoreType.DMA,
        ),
    )(col3d, etype2d, dst2d, src2d, comp8, zeros8, ones8)


G = 3


def _sc_agg_body(z2, rows2, col2d, zeros64,
                 agg_out,
                 agg_sh, rowbuf, colbuf, gbufs, zbuf, gsem, ssem):
    cid = lax.axis_index("c")
    sid = lax.axis_index("s")
    base = sid * RPT

    pltpu.sync_copy(zeros64, zbuf)

    def stage_rows(h):
        hb = h * NCH

        @pl.when(cid == 0)
        def _stage_a():
            pltpu.sync_copy(rows2.at[pl.ds(hb + sid * CPT, CPT)],
                            rowbuf.at[pl.ds(0, CPT)])

        @pl.when(cid == 1)
        def _stage_b():
            pltpu.sync_copy(rows2.at[pl.ds(hb + NS * CPT + sid * CPT, CPT)],
                            rowbuf.at[pl.ds(0, CPT)])

        @pl.when(jnp.logical_and(cid == 1, sid >= NS - NXT))
        def _stage_x():
            pltpu.sync_copy(
                rows2.at[pl.ds(hb + 2 * NS * CPT + sid - (NS - NXT), 1)],
                rowbuf.at[pl.ds(CPT, 1)])

    @pl.when(cid == 0)
    def _stage_ca():
        pltpu.sync_copy(col2d.at[pl.ds(sid * CPT, CPT)],
                        colbuf.at[pl.ds(0, CPT)])

    @pl.when(cid == 1)
    def _stage_cb():
        pltpu.sync_copy(col2d.at[pl.ds(NS * CPT + sid * CPT, CPT)],
                        colbuf.at[pl.ds(0, CPT)])

    @pl.when(jnp.logical_and(cid == 1, sid >= NS - NXT))
    def _stage_cx2():
        pltpu.sync_copy(col2d.at[pl.ds(2 * NS * CPT + sid - (NS - NXT), 1)],
                        colbuf.at[pl.ds(CPT, 1)])

    def run_pipeline(zref, cpt):
        ngp = cpt // (2 * G)

        def fire_gathers(j0, bufset):
            for k in range(G):
                pltpu.async_copy(zref.at[rowbuf.at[j0 + k]],
                                 gbufs.at[bufset * G + k], gsem)

        def drain_gathers(bufset):
            for k in range(G):
                pltpu.make_async_copy(zref.at[rowbuf.at[0]],
                                      gbufs.at[bufset * G + k], gsem).wait()

        def fire_scatters(j0, bufset):
            for k in range(G):
                pltpu.async_copy(gbufs.at[bufset * G + k],
                                 agg_sh.at[colbuf.at[j0 + k]], ssem, add=True)

        def drain_scatters(bufset):
            for k in range(G):
                pltpu.make_async_copy(gbufs.at[bufset * G + k],
                                      agg_sh.at[colbuf.at[0]], ssem).wait()

        fire_gathers(0, 0)

        def step(i, carry):
            j0 = 2 * G * i
            drain_gathers(0)

            @pl.when(i > 0)
            def _():
                drain_scatters(1)

            fire_gathers(j0 + G, 1)
            fire_scatters(j0, 0)
            drain_gathers(1)
            drain_scatters(0)

            @pl.when(i < ngp - 1)
            def _():
                fire_gathers(j0 + 2 * G, 0)

            fire_scatters(j0 + G, 1)
            return carry

        lax.fori_loop(0, ngp, step, 0)
        drain_scatters(1)

    for h in range(2):
        stage_rows(h)
        for k in range(4):
            pltpu.sync_copy(zbuf, agg_sh.at[pl.ds(base + k * CH, CH)])
        pltpu.sync_copy(zbuf.at[pl.ds(0, RPT - 4 * CH)],
                        agg_sh.at[pl.ds(base + 4 * CH, RPT - 4 * CH)])
        plsc.subcore_barrier()

        run_pipeline(z2, CPT)

        @pl.when(jnp.logical_and(cid == 1, sid >= NS - NXT))
        def _extra():
            pltpu.sync_copy(z2.at[rowbuf.at[CPT]], gbufs.at[0])
            pltpu.sync_copy(gbufs.at[0], agg_sh.at[colbuf.at[CPT]], add=True)

        plsc.subcore_barrier()
        pltpu.sync_copy(agg_sh.at[pl.ds(base, RPT)],
                        agg_out.at[cid, pl.ds(base, RPT), pl.ds(h * HD, HD)])
        plsc.subcore_barrier()


def _sc_agg(z2, rows2, col2d, zeros64):
    mesh = plsc.VectorSubcoreMesh(core_axis_name="c", subcore_axis_name="s")
    return pl.kernel(
        _sc_agg_body,
        out_type=jax.ShapeDtypeStruct((NC, AGG_ROWS, D), F32),
        mesh=mesh,
        compiler_params=pltpu.CompilerParams(use_tc_tiling_on_sc=False),
        scratch_types=(
            pltpu.VMEM_SHARED((AGG_ROWS, HD), F32),
            pltpu.VMEM((CPT + 1, CH), jnp.int32),
            pltpu.VMEM((CPT + 1, CH), jnp.int32),
            pltpu.VMEM((2 * G, CH, HD), F32),
            pltpu.VMEM((CH, HD), F32),
            pltpu.SemaphoreType.DMA,
            pltpu.SemaphoreType.DMA,
        ),
    )(z2, rows2, col2d, zeros64)


def _tc_prep_body(dm_ref, x_ref, z_ref, dinv_ref):
    dm = dm_ref[...]
    deg = dm[0, :, 0:1] + dm[1, :, 0:1]
    dinv = jnp.where(deg > 0.0, lax.rsqrt(jnp.maximum(deg, 1.0)), 0.0)
    z_ref[...] = x_ref[...] * dinv
    dinv_ref[...] = dinv


def _tc_prep(degmat, x_g1):
    blk = 1000
    grid = N1 // blk
    return pl.pallas_call(
        _tc_prep_body,
        grid=(grid,),
        in_specs=[
            pl.BlockSpec((NC, blk, 8), lambda i: (0, i, 0)),
            pl.BlockSpec((blk, D), lambda i: (i, 0)),
        ],
        out_specs=[
            pl.BlockSpec((blk, D), lambda i: (i, 0)),
            pl.BlockSpec((blk, 1), lambda i: (i, 0)),
        ],
        out_shape=[
            jax.ShapeDtypeStruct((N1, D), F32),
            jax.ShapeDtypeStruct((N1, 1), F32),
        ],
    )(degmat, x_g1)


def _tc_out1_body(agg_ref, dinv_ref, w_ref, b_ref, o_ref):
    a = (agg_ref[0] + agg_ref[1]) * dinv_ref[...]
    h = jnp.dot(a, w_ref[...], preferred_element_type=F32,
                precision=_HIGH) + b_ref[...]
    h = jnp.maximum(h, 0.0)
    t = h - jnp.max(h, axis=1, keepdims=True)
    o_ref[...] = t - jnp.log(jnp.sum(jnp.exp(t), axis=1, keepdims=True))


def _tc_out1(aggp, dinv, W1, b1):
    blk = 1000
    grid = N1 // blk
    return pl.pallas_call(
        _tc_out1_body,
        grid=(grid,),
        in_specs=[
            pl.BlockSpec((NC, blk, D), lambda i: (0, i, 0)),
            pl.BlockSpec((blk, 1), lambda i: (i, 0)),
            pl.BlockSpec((D, D), lambda i: (0, 0)),
            pl.BlockSpec((1, D), lambda i: (0, 0)),
        ],
        out_specs=pl.BlockSpec((blk, D), lambda i: (i, 0)),
        out_shape=jax.ShapeDtypeStruct((N1, D), F32),
    )(aggp, dinv, W1, b1)


def _tc_xb_body(x_ref, b_ref, o_ref):
    gidx = pl.program_id(0)
    x = x_ref[...]
    parts = []
    for bb in range(8):
        r = jnp.dot(x, b_ref[bb], preferred_element_type=F32,
                    precision=_HIGH)
        r = jnp.where(gidx * 8 + bb < NB, r, 0.0)
        parts.append(r[:, None, :])
    o_ref[...] = jnp.concatenate(parts, axis=1)[None]


def _tc_xb(x_g2, bases):
    return pl.pallas_call(
        _tc_xb_body,
        grid=(NBP // 8,),
        in_specs=[
            pl.BlockSpec((N2, N2), lambda i: (0, 0)),
            pl.BlockSpec((8, N2, N2), lambda i: (i, 0, 0)),
        ],
        out_specs=pl.BlockSpec((1, N2, 8, N2), lambda i: (i, 0, 0, 0)),
        out_shape=jax.ShapeDtypeStruct((4, N2, 8, N2), F32),
    )(x_g2, bases)


def _tc_out2_body(a4_ref, xb3_ref, x_ref, root_ref, cnt_ref, b2_ref, o_ref,
                  acc_ref):
    g = pl.program_id(0)
    part = jnp.dot(a4_ref[0], xb3_ref[0],
                   preferred_element_type=F32, precision=_HIGH)

    @pl.when(g == 0)
    def _():
        acc_ref[...] = part

    @pl.when(g > 0)
    def _():
        acc_ref[...] = acc_ref[...] + part

    @pl.when(g == 3)
    def _():
        s = acc_ref[...]
        cnt = jnp.maximum(cnt_ref[...][:, 0:1], 1.0)
        h = s / cnt + jnp.dot(x_ref[...], root_ref[...],
                              preferred_element_type=F32,
                              precision=_HIGH) + b2_ref[...]
        h = jnp.maximum(h, 0.0)
        t = h - jnp.max(h, axis=1, keepdims=True)
        o_ref[...] = t - jnp.log(jnp.sum(jnp.exp(t), axis=1, keepdims=True))


def _tc_out2(a_raw, xb2, x_g2, root, cntmat, b2):
    return pl.pallas_call(
        _tc_out2_body,
        grid=(4,),
        in_specs=[
            pl.BlockSpec((1, N2, N2 * 8), lambda g: (g, 0, 0)),
            pl.BlockSpec((1, 8 * N2, N2), lambda g: (g, 0, 0)),
            pl.BlockSpec((N2, N2), lambda g: (0, 0)),
            pl.BlockSpec((N2, N2), lambda g: (0, 0)),
            pl.BlockSpec((N2, 8), lambda g: (0, 0)),
            pl.BlockSpec((1, N2), lambda g: (0, 0)),
        ],
        out_specs=pl.BlockSpec((N2, N2), lambda g: (0, 0)),
        out_shape=jax.ShapeDtypeStruct((N2, N2), F32),
        scratch_shapes=[pltpu.VMEM((N2, N2), F32)],
    )(a_raw, xb2, x_g2, root, cntmat, b2)


def kernel(x_g1, edge_index_g1, W1, b1, x_g2, edge_index_g2, edge_type_g2,
           bases, comp, root, b2):
    i32 = jnp.int32
    rlo = edge_index_g1[0] * 2
    rows2 = jnp.stack([rlo, rlo + 1]).reshape(2 * NCH, CH)
    col2d = edge_index_g1[1].reshape(NCH, CH)

    etype2d = edge_type_g2.reshape(NS, EPT2)
    src2d = edge_index_g2[0].reshape(NS, EPT2)
    dst2d = edge_index_g2[1].reshape(NS, EPT2)

    comp_pad = jnp.pad(comp, ((0, 0), (0, NBP - NB)))
    comp8 = jnp.concatenate(
        [comp_pad[:, q * 8:(q + 1) * 8] for q in range(4)], axis=0)

    zeros8 = jnp.zeros((A_RPT, 8), F32)
    lane = lax.broadcasted_iota(i32, (CH, 8), 1)
    ones8 = jnp.where(lane == 0, 1.0, 0.0).astype(F32)
    zeros64 = jnp.zeros((CH, HD), F32)

    degmat, a_raw, cntmat = _sc_count(
        col2d, etype2d, dst2d, src2d, comp8, zeros8, ones8)

    z, dinv = _tc_prep(degmat, x_g1)

    aggp = _sc_agg(z.reshape(2 * N1, HD), rows2, col2d, zeros64)

    out1 = _tc_out1(aggp, dinv, W1, b1.reshape(1, D))

    xb2 = _tc_xb(x_g2, bases).reshape(4, 8 * N2, N2)
    a_r = a_raw.reshape(4, N2, N2 * 8)
    out2 = _tc_out2(a_r, xb2, x_g2, root, cntmat, b2.reshape(1, N2))

    return (out1, out2)

# --- scband reference (transcript-rebuilt; emitter-appended) ---
"""Pipeline reference for scband-net-51642686767930 (READ-ONLY COPY).

The authoritative reference and input builder live on the scoring server;
editing this copy changes nothing except your own understanding.
"""

import jax, jax.numpy as jnp
import numpy as np

N1 = 10000
E1 = 320000
IN_DIM = 128
OUT_DIM = 128
N2 = 256
E2 = 2048
NUM_REL = 2048
NUM_BASES = 30


def setup_inputs(seed: int = 0) -> dict:
    key = jax.random.key(seed)
    ks = jax.random.split(key, 12)
    edge_index_g1 = jax.random.randint(ks[0], (2, E1), 0, N1, dtype=jnp.int32)
    edge_index_g2 = jax.random.randint(ks[1], (2, E2), 0, N2, dtype=jnp.int32)
    edge_type_g2 = jax.random.randint(ks[2], (E2,), 0, NUM_REL, dtype=jnp.int32)
    # learned parameters
    x_g1 = jax.random.normal(ks[3], (N1, IN_DIM), dtype=jnp.float32)
    W1 = jax.random.normal(ks[4], (IN_DIM, OUT_DIM), dtype=jnp.float32) * 0.05
    b1 = jnp.zeros((OUT_DIM,), dtype=jnp.float32)
    x_g2 = jax.random.normal(ks[5], (N2, N2), dtype=jnp.float32)
    bases = jax.random.normal(ks[6], (NUM_BASES, N2, N2), dtype=jnp.float32) * 0.05
    comp = jax.random.normal(ks[7], (NUM_REL, NUM_BASES), dtype=jnp.float32) * 0.05
    root = jax.random.normal(ks[8], (N2, N2), dtype=jnp.float32) * 0.05
    b2 = jnp.zeros((N2,), dtype=jnp.float32)
    return {
        "x_g1": x_g1, "edge_index_g1": edge_index_g1, "W1": W1, "b1": b1,
        "x_g2": x_g2, "edge_index_g2": edge_index_g2, "edge_type_g2": edge_type_g2,
        "bases": bases, "comp": comp, "root": root, "b2": b2,
    }


def _stc_conv(x, edge_index, W, b):
    # GCN-style spatial conv: symmetric-normalized scatter-add then linear
    row = edge_index[0]
    col = edge_index[1]
    ones = jnp.ones((edge_index.shape[1],), dtype=jnp.float32)
    deg = jax.ops.segment_sum(ones, col, num_segments=x.shape[0])
    deg_inv_sqrt = jnp.where(deg > 0, 1.0 / jnp.sqrt(jnp.where(deg > 0, deg, 1.0)), 0.0)
    norm = deg_inv_sqrt[row] * deg_inv_sqrt[col]
    msg = x[row] * norm[:, None]
    agg = jax.ops.segment_sum(msg, col, num_segments=x.shape[0])
    return agg @ W + b


def _rgcn_conv(x, edge_index, edge_type, bases, comp, root, bias):
    # Basis-decomposition RGCN with mean aggregation and root/self transform
    src = edge_index[0]
    dst = edge_index[1]
    # precompute per-node per-basis transforms: [N, NB, out]
    xb = jnp.einsum('ni,bio->nbo', x, bases)
    mb = xb[src]                      # [E, NB, out] gather
    c = comp[edge_type]               # [E, NB] gather
    msg = jnp.einsum('ebo,eb->eo', mb, c)
    s = jax.ops.segment_sum(msg, dst, num_segments=x.shape[0])
    cnt = jax.ops.segment_sum(jnp.ones((edge_index.shape[1],), dtype=jnp.float32), dst, num_segments=x.shape[0])
    agg = s / jnp.clip(cnt, 1.0)[:, None]
    return agg + x @ root + bias


def reference(x_g1, edge_index_g1, W1, b1, x_g2, edge_index_g2, edge_type_g2, bases, comp, root, b2):
    h1 = _stc_conv(x_g1, edge_index_g1, W1, b1)
    h1 = jax.nn.relu(h1)
    h2 = _rgcn_conv(x_g2, edge_index_g2, edge_type_g2, bases, comp, root, b2)
    h2 = jax.nn.relu(h2)
    return (jax.nn.log_softmax(h1, axis=1), jax.nn.log_softmax(h2, axis=1))

if __name__ == "__main__":
    import jax
    _d = setup_inputs()
    print(jax.jit(kernel)(*tuple(_d.values())))

</pallas_src>

<mosaic_0001>
#map = affine_map<(d0, d1) -> (0, 0)>
#map1 = affine_map<(d0, d1) -> (0, 0, 0)>
module attributes {stable_mosaic.version = 14 : i64} {
  func.func @_sc_agg_body(%arg0: i32, %arg1: i32, %arg2: memref<20000x64xf32, #tpu.memory_space<hbm>>, %arg3: memref<5000x128xi32, #tpu.memory_space<hbm>>, %arg4: memref<2500x128xi32, #tpu.memory_space<hbm>>, %arg5: memref<128x64xf32, #tpu.memory_space<hbm>>, %arg6: memref<2x10112x128xf32, #tpu.memory_space<hbm>>, %arg7: memref<10112x64xf32, #tpu.memory_space<vmem_shared>>, %arg8: memref<79x128xi32, #tpu.memory_space<vmem>>, %arg9: memref<79x128xi32, #tpu.memory_space<vmem>>, %arg10: memref<6x128x64xf32, #tpu.memory_space<vmem>>, %arg11: memref<128x64xf32, #tpu.memory_space<vmem>>, %arg12: memref<!tpu.dma_semaphore, #tpu.memory_space<semaphore_mem>>, %arg13: memref<!tpu.dma_semaphore, #tpu.memory_space<semaphore_mem>>) attributes {dimension_semantics = [#tpu.dimension_semantics<core_parallel>, #tpu.dimension_semantics<subcore_parallel>], iteration_bounds = array<i64: 2, 16>, scalar_prefetch = 0 : i64, scratch_operands = 7 : i64, tpu.core_type = #tpu.core_type<sc_vector_subcore>, window_params = [{transform_indices = #map}, {transform_indices = #map}, {transform_indices = #map}, {transform_indices = #map}, {transform_indices = #map1}]} {
    %mul3A = arith.constant 632 : i32
    %mul3A_0 = arith.muli %arg1, %mul3A : i32
    "tpu.region"() ({
      %run_scoped3A = tpu.sem_alloc : memref<!tpu.dma_semaphore, #tpu.memory_space<semaphore_mem>>
      tpu.enqueue_dma source(%arg5 : memref<128x64xf32, #tpu.memory_space<hbm>>) target(%arg11 : memref<128x64xf32, #tpu.memory_space<vmem>>) target_semaphore(%run_scoped3A : memref<!tpu.dma_semaphore, #tpu.memory_space<semaphore_mem>>)
      tpu.wait_dma2 semaphore(%run_scoped3A : memref<!tpu.dma_semaphore, #tpu.memory_space<semaphore_mem>>) src(%arg5 : memref<128x64xf32, #tpu.memory_space<hbm>>) dst(%arg11 : memref<128x64xf32, #tpu.memory_space<vmem>>)
      tpu.yield
    }) : () -> ()
    %eq3A = arith.constant 0 : i32
    %eq3A_1 = arith.cmpi eq, %arg0, %eq3A : i32
    %convert_element_type3A = arith.extui %eq3A_1 : i1 to i32
    %cond3A = arith.constant 0 : i32
    %cond3A_2 = arith.cmpi ne, %convert_element_type3A, %cond3A : i32
    scf.if %cond3A_2 {
      %mul3A_243 = arith.constant 78 : i32
      %mul3A_244 = arith.muli %arg1, %mul3A_243 : i32
      "tpu.region"() ({
        %run_scoped3A = tpu.sem_alloc : memref<!tpu.dma_semaphore, #tpu.memory_space<semaphore_mem>>
        %dma_start3A_245 = arith.constant 0 : i32
        %dma_start3A_246 = arith.constant 0 : i32
        %dma_start3A_247 = tpu.memref_slice %arg9[%dma_start3A_245, %dma_start3A_246] : memref<79x128xi32, #tpu.memory_space<vmem>> -> memref<78x128xi32, #tpu.memory_space<vmem>>
        %dma_start3A_248 = arith.constant 0 : i32
        %dma_start3A_249 = tpu.memref_slice %arg4[%mul3A_244, %dma_start3A_248] : memref<2500x128xi32, #tpu.memory_space<hbm>> -> memref<78x128xi32, #tpu.memory_space<hbm>>
        %dma_start3A_250 = arith.constant 0 : i32
        %dma_start3A_251 = arith.constant 0 : i32
        %dma_start3A_252 = tpu.memref_slice %arg9[%dma_start3A_250, %dma_start3A_251] : memref<79x128xi32, #tpu.memory_space<vmem>> -> memref<78x128xi32, #tpu.memory_space<vmem>>
        %dma_start3A_253 = arith.constant 0 : i32
        %dma_start3A_254 = tpu.memref_slice %arg4[%mul3A_244, %dma_start3A_253] : memref<2500x128xi32, #tpu.memory_space<hbm>> -> memref<78x128xi32, #tpu.memory_space<hbm>>
        tpu.enqueue_dma source(%dma_start3A_254 : memref<78x128xi32, #tpu.memory_space<hbm>>) target(%dma_start3A_252 : memref<78x128xi32, #tpu.memory_space<vmem>>) target_semaphore(%run_scoped3A : memref<!tpu.dma_semaphore, #tpu.memory_space<semaphore_mem>>)
        %dma_wait3A_255 = arith.constant 0 : i32
        %dma_wait3A_256 = arith.constant 0 : i32
        %dma_wait3A_257 = tpu.memref_slice %arg9[%dma_wait3A_255, %dma_wait3A_256] : memref<79x128xi32, #tpu.memory_space<vmem>> -> memref<78x128xi32, #tpu.memory_space<vmem>>
        %dma_wait3A_258 = arith.constant 0 : i32
        %dma_wait3A_259 = tpu.memref_slice %arg4[%mul3A_244, %dma_wait3A_258] : memref<2500x128xi32, #tpu.memory_space<hbm>> -> memref<78x128xi32, #tpu.memory_space<hbm>>
        %dma_wait3A_260 = arith.constant 0 : i32
        %dma_wait3A_261 = arith.constant 0 : i32
        %dma_wait3A_262 = tpu.memref_slice %arg9[%dma_wait3A_260, %dma_wait3A_261] : memref<79x128xi32, #tpu.memory_space<vmem>> -> memref<78x128xi32, #tpu.memory_space<vmem>>
        %dma_wait3A_263 = arith.constant 0 : i32
        %dma_wait3A_264 = tpu.memref_slice %arg4[%mul3A_244, %dma_wait3A_263] : memref<2500x128xi32, #tpu.memory_space<hbm>> -> memref<78x128xi32, #tpu.memory_space<hbm>>
        tpu.wait_dma2 semaphore(%run_scoped3A : memref<!tpu.dma_semaphore, #tpu.memory_space<semaphore_mem>>) src(%dma_wait3A_264 : memref<78x128xi32, #tpu.memory_space<hbm>>) dst(%dma_wait3A_262 : memref<78x128xi32, #tpu.memory_space<vmem>>)
        tpu.yield
      }) : () -> ()
    } else {
    }
    %eq3A_3 = arith.constant 1 : i32
    %eq3A_4 = arith.cmpi eq, %arg0, %eq3A_3 : i32
    %convert_element_type3A_5 = arith.extui %eq3A_4 : i1 to i32
    %cond3A_6 = arith.constant 0 : i32
    %cond3A_7 = arith.cmpi ne, %convert_element_type3A_5, %cond3A_6 : i32
    scf.if %cond3A_7 {
      %mul3A_243 = arith.constant 78 : i32
      %mul3A_244 = arith.muli %arg1, %mul3A_243 : i32
      %add3A_245 = arith.constant 1248 : i32
      %add3A_246 = arith.addi %add3A_245, %mul3A_244 : i32
      "tpu.region"() ({
        %run_scoped3A = tpu.sem_alloc : memref<!tpu.dma_semaphore, #tpu.memory_space<semaphore_mem>>
        %dma_start3A_247 = arith.constant 0 : i32
        %dma_start3A_248 = arith.constant 0 : i32
        %dma_start3A_249 = tpu.memref_slice %arg9[%dma_start3A_247, %dma_start3A_248] : memref<79x128xi32, #tpu.memory_space<vmem>> -> memref<78x128xi32, #tpu.memory_space<vmem>>
        %dma_start3A_250 = arith.constant 0 : i32
        %dma_start3A_251 = tpu.memref_slice %arg4[%add3A_246, %dma_start3A_250] : memref<2500x128xi32, #tpu.memory_space<hbm>> -> memref<78x128xi32, #tpu.memory_space<hbm>>
        %dma_start3A_252 = arith.constant 0 : i32
        %dma_start3A_253 = arith.constant 0 : i32
        %dma_start3A_254 = tpu.memref_slice %arg9[%dma_start3A_252, %dma_start3A_253] : memref<79x128xi32, #tpu.memory_space<vmem>> -> memref<78x128xi32, #tpu.memory_space<vmem>>
        %dma_start3A_255 = arith.constant 0 : i32
        %dma_start3A_256 = tpu.memref_slice %arg4[%add3A_246, %dma_start3A_255] : memref<2500x128xi32, #tpu.memory_space<hbm>> -> memref<78x128xi32, #tpu.memory_space<hbm>>
        tpu.enqueue_dma source(%dma_start3A_256 : memref<78x128xi32, #tpu.memory_space<hbm>>) target(%dma_start3A_254 : memref<78x128xi32, #tpu.memory_space<vmem>>) target_semaphore(%run_scoped3A : memref<!tpu.dma_semaphore, #tpu.memory_space<semaphore_mem>>)
        %dma_wait3A_257 = arith.constant 0 : i32
        %dma_wait3A_258 = arith.constant 0 : i32
        %dma_wait3A_259 = tpu.memref_slice %arg9[%dma_wait3A_257, %dma_wait3A_258] : memref<79x128xi32, #tpu.memory_space<vmem>> -> memref<78x128xi32, #tpu.memory_space<vmem>>
        %dma_wait3A_260 = arith.constant 0 : i32
        %dma_wait3A_261 = tpu.memref_slice %arg4[%add3A_246, %dma_wait3A_260] : memref<2500x128xi32, #tpu.memory_space<hbm>> -> memref<78x128xi32, #tpu.memory_space<hbm>>
        %dma_wait3A_262 = arith.constant 0 : i32
        %dma_wait3A_263 = arith.constant 0 : i32
        %dma_wait3A_264 = tpu.memref_slice %arg9[%dma_wait3A_262, %dma_wait3A_263] : memref<79x128xi32, #tpu.memory_space<vmem>> -> memref<78x128xi32, #tpu.memory_space<vmem>>
        %dma_wait3A_265 = arith.constant 0 : i32
        %dma_wait3A_266 = tpu.memref_slice %arg4[%add3A_246, %dma_wait3A_265] : memref<2500x128xi32, #tpu.memory_space<hbm>> -> memref<78x128xi32, #tpu.memory_space<hbm>>
        tpu.wait_dma2 semaphore(%run_scoped3A : memref<!tpu.dma_semaphore, #tpu.memory_space<semaphore_mem>>) src(%dma_wait3A_266 : memref<78x128xi32, #tpu.memory_space<hbm>>) dst(%dma_wait3A_264 : memref<78x128xi32, #tpu.memory_space<vmem>>)
        tpu.yield
      }) : () -> ()
    } else {
    }
    %eq3A_8 = arith.constant 1 : i32
    %eq3A_9 = arith.cmpi eq, %arg0, %eq3A_8 : i32
    %ge3A = arith.constant 12 : i32
    %ge3A_10 = arith.cmpi sge, %arg1, %ge3A : i32
    %and3A = arith.andi %eq3A_9, %ge3A_10 : i1
    %convert_element_type3A_11 = arith.extui %and3A : i1 to i32
    %cond3A_12 = arith.constant 0 : i32
    %cond3A_13 = arith.cmpi ne, %convert_element_type3A_11, %cond3A_12 : i32
    scf.if %cond3A_13 {
      %add3A_243 = arith.constant 2496 : i32
      %add3A_244 = arith.addi %add3A_243, %arg1 : i32
      %sub3A = arith.constant 12 : i32
      %sub3A_245 = arith.subi %add3A_244, %sub3A : i32
      "tpu.region"() ({
        %run_scoped3A = tpu.sem_alloc : memref<!tpu.dma_semaphore, #tpu.memory_space<semaphore_mem>>
        %dma_start3A_246 = arith.constant 78 : i32
        %dma_start3A_247 = arith.constant 0 : i32
        %dma_start3A_248 = tpu.memref_slice %arg9[%dma_start3A_246, %dma_start3A_247] : memref<79x128xi32, #tpu.memory_space<vmem>> -> memref<1x128xi32, #tpu.memory_space<vmem>>
        %dma_start3A_249 = arith.constant 0 : i32
        %dma_start3A_250 = tpu.memref_slice %arg4[%sub3A_245, %dma_start3A_249] : memref<2500x128xi32, #tpu.memory_space<hbm>> -> memref<1x128xi32, #tpu.memory_space<hbm>>
        %dma_start3A_251 = arith.constant 78 : i32
        %dma_start3A_252 = arith.constant 0 : i32
        %dma_start3A_253 = tpu.memref_slice %arg9[%dma_start3A_251, %dma_start3A_252] : memref<79x128xi32, #tpu.memory_space<vmem>> -> memref<1x128xi32, #tpu.memory_space<vmem>>
        %dma_start3A_254 = arith.constant 0 : i32
        %dma_start3A_255 = tpu.memref_slice %arg4[%sub3A_245, %dma_start3A_254] : memref<2500x128xi32, #tpu.memory_space<hbm>> -> memref<1x128xi32, #tpu.memory_space<hbm>>
        tpu.enqueue_dma source(%dma_start3A_255 : memref<1x128xi32, #tpu.memory_space<hbm>>) target(%dma_start3A_253 : memref<1x128xi32, #tpu.memory_space<vmem>>) target_semaphore(%run_scoped3A : memref<!tpu.dma_semaphore, #tpu.memory_space<semaphore_mem>>)
        %dma_wait3A_256 = arith.constant 78 : i32
        %dma_wait3A_257 = arith.constant 0 : i32
        %dma_wait3A_258 = tpu.memref_slice %arg9[%dma_wait3A_256, %dma_wait3A_257] : memref<79x128xi32, #tpu.memory_space<vmem>> -> memref<1x128xi32, #tpu.memory_space<vmem>>
        %dma_wait3A_259 = arith.constant 0 : i32
        %dma_wait3A_260 = tpu.memref_slice %arg4[%sub3A_245, %dma_wait3A_259] : memref<2500x128xi32, #tpu.memory_space<hbm>> -> memref<1x128xi32, #tpu.memory_space<hbm>>
        %dma_wait3A_261 = arith.constant 78 : i32
        %dma_wait3A_262 = arith.constant 0 : i32
        %dma_wait3A_263 = tpu.memref_slice %arg9[%dma_wait3A_261, %dma_wait3A_262] : memref<79x128xi32, #tpu.memory_space<vmem>> -> memref<1x128xi32, #tpu.memory_space<vmem>>
        %dma_wait3A_264 = arith.constant 0 : i32
        %dma_wait3A_265 = tpu.memref_slice %arg4[%sub3A_245, %dma_wait3A_264] : memref<2500x128xi32, #tpu.memory_space<hbm>> -> memref<1x128xi32, #tpu.memory_space<hbm>>
        tpu.wait_dma2 semaphore(%run_scoped3A : memref<!tpu.dma_semaphore, #tpu.memory_space<semaphore_mem>>) src(%dma_wait3A_265 : memref<1x128xi32, #tpu.memory_space<hbm>>) dst(%dma_wait3A_263 : memref<1x128xi32, #tpu.memory_space<vmem>>)
        tpu.yield
      }) : () -> ()
    } else {
    }
    %eq3A_14 = arith.constant 0 : i32
    %eq3A_15 = arith.cmpi eq, %arg0, %eq3A_14 : i32
    %convert_element_type3A_16 = arith.extui %eq3A_15 : i1 to i32
    %cond3A_17 = arith.constant 0 : i32
    %cond3A_18 = arith.cmpi ne, %convert_element_type3A_16, %cond3A_17 : i32
    scf.if %cond3A_18 {
      %mul3A_243 = arith.constant 78 : i32
      %mul3A_244 = arith.muli %arg1, %mul3A_243 : i32
      %add3A_245 = arith.constant 0 : i32
      %add3A_246 = arith.addi %add3A_245, %mul3A_244 : i32
      "tpu.region"() ({
        %run_scoped3A = tpu.sem_alloc : memref<!tpu.dma_semaphore, #tpu.memory_space<semaphore_mem>>
        %dma_start3A_247 = arith.constant 0 : i32
        %dma_start3A_248 = arith.constant 0 : i32
        %dma_start3A_249 = tpu.memref_slice %arg8[%dma_start3A_247, %dma_start3A_248] : memref<79x128xi32, #tpu.memory_space<vmem>> -> memref<78x128xi32, #tpu.memory_space<vmem>>
        %dma_start3A_250 = arith.constant 0 : i32
        %dma_start3A_251 = tpu.memref_slice %arg3[%add3A_246, %dma_start3A_250] : memref<5000x128xi32, #tpu.memory_space<hbm>> -> memref<78x128xi32, #tpu.memory_space<hbm>>
        %dma_start3A_252 = arith.constant 0 : i32
        %dma_start3A_253 = arith.constant 0 : i32
        %dma_start3A_254 = tpu.memref_slice %arg8[%dma_start3A_252, %dma_start3A_253] : memref<79x128xi32, #tpu.memory_space<vmem>> -> memref<78x128xi32, #tpu.memory_space<vmem>>
        %dma_start3A_255 = arith.constant 0 : i32
        %dma_start3A_256 = tpu.memref_slice %arg3[%add3A_246, %dma_start3A_255] : memref<5000x128xi32, #tpu.memory_space<hbm>> -> memref<78x128xi32, #tpu.memory_space<hbm>>
        tpu.enqueue_dma source(%dma_start3A_256 : memref<78x128xi32, #tpu.memory_space<hbm>>) target(%dma_start3A_254 : memref<78x128xi32, #tpu.memory_space<vmem>>) target_semaphore(%run_scoped3A : memref<!tpu.dma_semaphore, #tpu.memory_space<semaphore_mem>>)
        %dma_wait3A_257 = arith.constant 0 : i32
        %dma_wait3A_258 = arith.constant 0 : i32
        %dma_wait3A_259 = tpu.memref_slice %arg8[%dma_wait3A_257, %dma_wait3A_258] : memref<79x128xi32, #tpu.memory_space<vmem>> -> memref<78x128xi32, #tpu.memory_space<vmem>>
        %dma_wait3A_260 = arith.constant 0 : i32
        %dma_wait3A_261 = tpu.memref_slice %arg3[%add3A_246, %dma_wait3A_260] : memref<5000x128xi32, #tpu.memory_space<hbm>> -> memref<78x128xi32, #tpu.memory_space<hbm>>
        %dma_wait3A_262 = arith.constant 0 : i32
        %dma_wait3A_263 = arith.constant 0 : i32
        %dma_wait3A_264 = tpu.memref_slice %arg8[%dma_wait3A_262, %dma_wait3A_263] : memref<79x128xi32, #tpu.memory_space<vmem>> -> memref<78x128xi32, #tpu.memory_space<vmem>>
        %dma_wait3A_265 = arith.constant 0 : i32
        %dma_wait3A_266 = tpu.memref_slice %arg3[%add3A_246, %dma_wait3A_265] : memref<5000x128xi32, #tpu.memory_space<hbm>> -> memref<78x128xi32, #tpu.memory_space<hbm>>
        tpu.wait_dma2 semaphore(%run_scoped3A : memref<!tpu.dma_semaphore, #tpu.memory_space<semaphore_mem>>) src(%dma_wait3A_266 : memref<78x128xi32, #tpu.memory_space<hbm>>) dst(%dma_wait3A_264 : memref<78x128xi32, #tpu.memory_space<vmem>>)
        tpu.yield
      }) : () -> ()
    } else {
    }
    %eq3A_19 = arith.constant 1 : i32
    %eq3A_20 = arith.cmpi eq, %arg0, %eq3A_19 : i32
    %convert_element_type3A_21 = arith.extui %eq3A_20 : i1 to i32
    %cond3A_22 = arith.constant 0 : i32
    %cond3A_23 = arith.cmpi ne, %convert_element_type3A_21, %cond3A_22 : i32
    scf.if %cond3A_23 {
      %mul3A_243 = arith.constant 78 : i32
      %mul3A_244 = arith.muli %arg1, %mul3A_243 : i32
      %add3A_245 = arith.constant 1248 : i32
      %add3A_246 = arith.addi %add3A_245, %mul3A_244 : i32
      "tpu.region"() ({
        %run_scoped3A = tpu.sem_alloc : memref<!tpu.dma_semaphore, #tpu.memory_space<semaphore_mem>>
        %dma_start3A_247 = arith.constant 0 : i32
        %dma_start3A_248 = arith.constant 0 : i32
        %dma_start3A_249 = tpu.memref_slice %arg8[%dma_start3A_247, %dma_start3A_248] : memref<79x128xi32, #tpu.memory_space<vmem>> -> memref<78x128xi32, #tpu.memory_space<vmem>>
        %dma_start3A_250 = arith.constant 0 : i32
        %dma_start3A_251 = tpu.memref_slice %arg3[%add3A_246, %dma_start3A_250] : memref<5000x128xi32, #tpu.memory_space<hbm>> -> memref<78x128xi32, #tpu.memory_space<hbm>>
        %dma_start3A_252 = arith.constant 0 : i32
        %dma_start3A_253 = arith.constant 0 : i32
        %dma_start3A_254 = tpu.memref_slice %arg8[%dma_start3A_252, %dma_start3A_253] : memref<79x128xi32, #tpu.memory_space<vmem>> -> memref<78x128xi32, #tpu.memory_space<vmem>>
        %dma_start3A_255 = arith.constant 0 : i32
        %dma_start3A_256 = tpu.memref_slice %arg3[%add3A_246, %dma_start3A_255] : memref<5000x128xi32, #tpu.memory_space<hbm>> -> memref<78x128xi32, #tpu.memory_space<hbm>>
        tpu.enqueue_dma source(%dma_start3A_256 : memref<78x128xi32, #tpu.memory_space<hbm>>) target(%dma_start3A_254 : memref<78x128xi32, #tpu.memory_space<vmem>>) target_semaphore(%run_scoped3A : memref<!tpu.dma_semaphore, #tpu.memory_space<semaphore_mem>>)
        %dma_wait3A_257 = arith.constant 0 : i32
        %dma_wait3A_258 = arith.constant 0 : i32
        %dma_wait3A_259 = tpu.memref_slice %arg8[%dma_wait3A_257, %dma_wait3A_258] : memref<79x128xi32, #tpu.memory_space<vmem>> -> memref<78x128xi32, #tpu.memory_space<vmem>>
        %dma_wait3A_260 = arith.constant 0 : i32
        %dma_wait3A_261 = tpu.memref_slice %arg3[%add3A_246, %dma_wait3A_260] : memref<5000x128xi32, #tpu.memory_space<hbm>> -> memref<78x128xi32, #tpu.memory_space<hbm>>
        %dma_wait3A_262 = arith.constant 0 : i32
        %dma_wait3A_263 = arith.constant 0 : i32
        %dma_wait3A_264 = tpu.memref_slice %arg8[%dma_wait3A_262, %dma_wait3A_263] : memref<79x128xi32, #tpu.memory_space<vmem>> -> memref<78x128xi32, #tpu.memory_space<vmem>>
        %dma_wait3A_265 = arith.constant 0 : i32
        %dma_wait3A_266 = tpu.memref_slice %arg3[%add3A_246, %dma_wait3A_265] : memref<5000x128xi32, #tpu.memory_space<hbm>> -> memref<78x128xi32, #tpu.memory_space<hbm>>
        tpu.wait_dma2 semaphore(%run_scoped3A : memref<!tpu.dma_semaphore, #tpu.memory_space<semaphore_mem>>) src(%dma_wait3A_266 : memref<78x128xi32, #tpu.memory_space<hbm>>) dst(%dma_wait3A_264 : memref<78x128xi32, #tpu.memory_space<vmem>>)
        tpu.yield
      }) : () -> ()
    } else {
    }
    %eq3A_24 = arith.constant 1 : i32
    %eq3A_25 = arith.cmpi eq, %arg0, %eq3A_24 : i32
    %ge3A_26 = arith.constant 12 : i32
    %ge3A_27 = arith.cmpi sge, %arg1, %ge3A_26 : i32
    %and3A_28 = arith.andi %eq3A_25, %ge3A_27 : i1
    %convert_element_type3A_29 = arith.extui %and3A_28 : i1 to i32
    %cond3A_30 = arith.constant 0 : i32
    %cond3A_31 = arith.cmpi ne, %convert_element_type3A_29, %cond3A_30 : i32
    scf.if %cond3A_31 {
      %add3A_243 = arith.constant 2496 : i32
      %add3A_244 = arith.addi %add3A_243, %arg1 : i32
      %sub3A = arith.constant 12 : i32
      %sub3A_245 = arith.subi %add3A_244, %sub3A : i32
      "tpu.region"() ({
        %run_scoped3A = tpu.sem_alloc : memref<!tpu.dma_semaphore, #tpu.memory_space<semaphore_mem>>
        %dma_start3A_246 = arith.constant 78 : i32
        %dma_start3A_247 = arith.constant 0 : i32
        %dma_start3A_248 = tpu.memref_slice %arg8[%dma_start3A_246, %dma_start3A_247] : memref<79x128xi32, #tpu.memory_space<vmem>> -> memref<1x128xi32, #tpu.memory_space<vmem>>
        %dma_start3A_249 = arith.constant 0 : i32
        %dma_start3A_250 = tpu.memref_slice %arg3[%sub3A_245, %dma_start3A_249] : memref<5000x128xi32, #tpu.memory_space<hbm>> -> memref<1x128xi32, #tpu.memory_space<hbm>>
        %dma_start3A_251 = arith.constant 78 : i32
        %dma_start3A_252 = arith.constant 0 : i32
        %dma_start3A_253 = tpu.memref_slice %arg8[%dma_start3A_251, %dma_start3A_252] : memref<79x128xi32, #tpu.memory_space<vmem>> -> memref<1x128xi32, #tpu.memory_space<vmem>>
        %dma_start3A_254 = arith.constant 0 : i32
        %dma_start3A_255 = tpu.memref_slice %arg3[%sub3A_245, %dma_start3A_254] : memref<5000x128xi32, #tpu.memory_space<hbm>> -> memref<1x128xi32, #tpu.memory_space<hbm>>
        tpu.enqueue_dma source(%dma_start3A_255 : memref<1x128xi32, #tpu.memory_space<hbm>>) target(%dma_start3A_253 : memref<1x128xi32, #tpu.memory_space<vmem>>) target_semaphore(%run_scoped3A : memref<!tpu.dma_semaphore, #tpu.memory_space<semaphore_mem>>)
        %dma_wait3A_256 = arith.constant 78 : i32
        %dma_wait3A_257 = arith.constant 0 : i32
        %dma_wait3A_258 = tpu.memref_slice %arg8[%dma_wait3A_256, %dma_wait3A_257] : memref<79x128xi32, #tpu.memory_space<vmem>> -> memref<1x128xi32, #tpu.memory_space<vmem>>
        %dma_wait3A_259 = arith.constant 0 : i32
        %dma_wait3A_260 = tpu.memref_slice %arg3[%sub3A_245, %dma_wait3A_259] : memref<5000x128xi32, #tpu.memory_space<hbm>> -> memref<1x128xi32, #tpu.memory_space<hbm>>
        %dma_wait3A_261 = arith.constant 78 : i32
        %dma_wait3A_262 = arith.constant 0 : i32
        %dma_wait3A_263 = tpu.memref_slice %arg8[%dma_wait3A_261, %dma_wait3A_262] : memref<79x128xi32, #tpu.memory_space<vmem>> -> memref<1x128xi32, #tpu.memory_space<vmem>>
        %dma_wait3A_264 = arith.constant 0 : i32
        %dma_wait3A_265 = tpu.memref_slice %arg3[%sub3A_245, %dma_wait3A_264] : memref<5000x128xi32, #tpu.memory_space<hbm>> -> memref<1x128xi32, #tpu.memory_space<hbm>>
        tpu.wait_dma2 semaphore(%run_scoped3A : memref<!tpu.dma_semaphore, #tpu.memory_space<semaphore_mem>>) src(%dma_wait3A_265 : memref<1x128xi32, #tpu.memory_space<hbm>>) dst(%dma_wait3A_263 : memref<1x128xi32, #tpu.memory_space<vmem>>)
        tpu.yield
      }) : () -> ()
    } else {
    }
    %add3A = arith.constant 0 : i32
    %add3A_32 = arith.addi %mul3A_0, %add3A : i32
    "tpu.region"() ({
      %run_scoped3A = tpu.sem_alloc : memref<!tpu.dma_semaphore, #tpu.memory_space<semaphore_mem>>
      %dma_start3A_243 = arith.constant 0 : i32
      %dma_start3A_244 = tpu.memref_slice %arg7[%add3A_32, %dma_start3A_243] : memref<10112x64xf32, #tpu.memory_space<vmem_shared>> -> memref<128x64xf32, #tpu.memory_space<vmem_shared>>
      %dma_start3A_245 = arith.constant 0 : i32
      %dma_start3A_246 = tpu.memref_slice %arg7[%add3A_32, %dma_start3A_245] : memref<10112x64xf32, #tpu.memory_space<vmem_shared>> -> memref<128x64xf32, #tpu.memory_space<vmem_shared>>
      tpu.enqueue_dma source(%arg11 : memref<128x64xf32, #tpu.memory_space<vmem>>) target(%dma_start3A_246 : memref<128x64xf32, #tpu.memory_space<vmem_shared>>) target_semaphore(%run_scoped3A : memref<!tpu.dma_semaphore, #tpu.memory_space<semaphore_mem>>)
      %dma_wait3A_247 = arith.constant 0 : i32
      %dma_wait3A_248 = tpu.memref_slice %arg7[%add3A_32, %dma_wait3A_247] : memref<10112x64xf32, #tpu.memory_space<vmem_shared>> -> memref<128x64xf32, #tpu.memory_space<vmem_shared>>
      %dma_wait3A_249 = arith.constant 0 : i32
      %dma_wait3A_250 = tpu.memref_slice %arg7[%add3A_32, %dma_wait3A_249] : memref<10112x64xf32, #tpu.memory_space<vmem_shared>> -> memref<128x64xf32, #tpu.memory_space<vmem_shared>>
      tpu.wait_dma2 semaphore(%run_scoped3A : memref<!tpu.dma_semaphore, #tpu.memory_space<semaphore_mem>>) src(%arg11 : memref<128x64xf32, #tpu.memory_space<vmem>>) dst(%dma_wait3A_250 : memref<128x64xf32, #tpu.memory_space<vmem_shared>>)
      tpu.yield
    }) : () -> ()
    %add3A_33 = arith.constant 128 : i32
    %add3A_34 = arith.addi %mul3A_0, %add3A_33 : i32
    "tpu.region"() ({
      %run_scoped3A = tpu.sem_alloc : memref<!tpu.dma_semaphore, #tpu.memory_space<semaphore_mem>>
      %dma_start3A_243 = arith.constant 0 : i32
      %dma_start3A_244 = tpu.memref_slice %arg7[%add3A_34, %dma_start3A_243] : memref<10112x64xf32, #tpu.memory_space<vmem_shared>> -> memref<128x64xf32, #tpu.memory_space<vmem_shared>>
      %dma_start3A_245 = arith.constant 0 : i32
      %dma_start3A_246 = tpu.memref_slice %arg7[%add3A_34, %dma_start3A_245] : memref<10112x64xf32, #tpu.memory_space<vmem_shared>> -> memref<128x64xf32, #tpu.memory_space<vmem_shared>>
      tpu.enqueue_dma source(%arg11 : memref<128x64xf32, #tpu.memory_space<vmem>>) target(%dma_start3A_246 : memref<128x64xf32, #tpu.memory_space<vmem_shared>>) target_semaphore(%run_scoped3A : memref<!tpu.dma_semaphore, #tpu.memory_space<semaphore_mem>>)
      %dma_wait3A_247 = arith.constant 0 : i32
      %dma_wait3A_248 = tpu.memref_slice %arg7[%add3A_34, %dma_wait3A_247] : memref<10112x64xf32, #tpu.memory_space<vmem_shared>> -> memref<128x64xf32, #tpu.memory_space<vmem_shared>>
      %dma_wait3A_249 = arith.constant 0 : i32
      %dma_wait3A_250 = tpu.memref_slice %arg7[%add3A_34, %dma_wait3A_249] : memref<10112x64xf32, #tpu.memory_space<vmem_shared>> -> memref<128x64xf32, #tpu.memory_space<vmem_shared>>
      tpu.wait_dma2 semaphore(%run_scoped3A : memref<!tpu.dma_semaphore, #tpu.memory_space<semaphore_mem>>) src(%arg11 : memref<128x64xf32, #tpu.memory_space<vmem>>) dst(%dma_wait3A_250 : memref<128x64xf32, #tpu.memory_space<vmem_shared>>)
      tpu.yield
    }) : () -> ()
    %add3A_35 = arith.constant 256 : i32
    %add3A_36 = arith.addi %mul3A_0, %add3A_35 : i32
    "tpu.region"() ({
      %run_scoped3A = tpu.sem_alloc : memref<!tpu.dma_semaphore, #tpu.memory_space<semaphore_mem>>
      %dma_start3A_243 = arith.constant 0 : i32
      %dma_start3A_244 = tpu.memref_slice %arg7[%add3A_36, %dma_start3A_243] : memref<10112x64xf32, #tpu.memory_space<vmem_shared>> -> memref<128x64xf32, #tpu.memory_space<vmem_shared>>
      %dma_start3A_245 = arith.constant 0 : i32
      %dma_start3A_246 = tpu.memref_slice %arg7[%add3A_36, %dma_start3A_245] : memref<10112x64xf32, #tpu.memory_space<vmem_shared>> -> memref<128x64xf32, #tpu.memory_space<vmem_shared>>
      tpu.enqueue_dma source(%arg11 : memref<128x64xf32, #tpu.memory_space<vmem>>) target(%dma_start3A_246 : memref<128x64xf32, #tpu.memory_space<vmem_shared>>) target_semaphore(%run_scoped3A : memref<!tpu.dma_semaphore, #tpu.memory_space<semaphore_mem>>)
      %dma_wait3A_247 = arith.constant 0 : i32
      %dma_wait3A_248 = tpu.memref_slice %arg7[%add3A_36, %dma_wait3A_247] : memref<10112x64xf32, #tpu.memory_space<vmem_shared>> -> memref<128x64xf32, #tpu.memory_space<vmem_shared>>
      %dma_wait3A_249 = arith.constant 0 : i32
      %dma_wait3A_250 = tpu.memref_slice %arg7[%add3A_36, %dma_wait3A_249] : memref<10112x64xf32, #tpu.memory_space<vmem_shared>> -> memref<128x64xf32, #tpu.memory_space<vmem_shared>>
      tpu.wait_dma2 semaphore(%run_scoped3A : memref<!tpu.dma_semaphore, #tpu.memory_space<semaphore_mem>>) src(%arg11 : memref<128x64xf32, #tpu.memory_space<vmem>>) dst(%dma_wait3A_250 : memref<128x64xf32, #tpu.memory_space<vmem_shared>>)
      tpu.yield
    }) : () -> ()
    %add3A_37 = arith.constant 384 : i32
    %add3A_38 = arith.addi %mul3A_0, %add3A_37 : i32
    "tpu.region"() ({
      %run_scoped3A = tpu.sem_alloc : memref<!tpu.dma_semaphore, #tpu.memory_space<semaphore_mem>>
      %dma_start3A_243 = arith.constant 0 : i32
      %dma_start3A_244 = tpu.memref_slice %arg7[%add3A_38, %dma_start3A_243] : memref<10112x64xf32, #tpu.memory_space<vmem_shared>> -> memref<128x64xf32, #tpu.memory_space<vmem_shared>>
      %dma_start3A_245 = arith.constant 0 : i32
      %dma_start3A_246 = tpu.memref_slice %arg7[%add3A_38, %dma_start3A_245] : memref<10112x64xf32, #tpu.memory_space<vmem_shared>> -> memref<128x64xf32, #tpu.memory_space<vmem_shared>>
      tpu.enqueue_dma source(%arg11 : memref<128x64xf32, #tpu.memory_space<vmem>>) target(%dma_start3A_246 : memref<128x64xf32, #tpu.memory_space<vmem_shared>>) target_semaphore(%run_scoped3A : memref<!tpu.dma_semaphore, #tpu.memory_space<semaphore_mem>>)
      %dma_wait3A_247 = arith.constant 0 : i32
      %dma_wait3A_248 = tpu.memref_slice %arg7[%add3A_38, %dma_wait3A_247] : memref<10112x64xf32, #tpu.memory_space<vmem_shared>> -> memref<128x64xf32, #tpu.memory_space<vmem_shared>>
      %dma_wait3A_249 = arith.constant 0 : i32
      %dma_wait3A_250 = tpu.memref_slice %arg7[%add3A_38, %dma_wait3A_249] : memref<10112x64xf32, #tpu.memory_space<vmem_shared>> -> memref<128x64xf32, #tpu.memory_space<vmem_shared>>
      tpu.wait_dma2 semaphore(%run_scoped3A : memref<!tpu.dma_semaphore, #tpu.memory_space<semaphore_mem>>) src(%arg11 : memref<128x64xf32, #tpu.memory_space<vmem>>) dst(%dma_wait3A_250 : memref<128x64xf32, #tpu.memory_space<vmem_shared>>)
      tpu.yield
    }) : () -> ()
    %add3A_39 = arith.constant 512 : i32
    %add3A_40 = arith.addi %mul3A_0, %add3A_39 : i32
    "tpu.region"() ({
      %run_scoped3A = tpu.sem_alloc : memref<!tpu.dma_semaphore, #tpu.memory_space<semaphore_mem>>
      %dma_start3A_243 = arith.constant 0 : i32
      %dma_start3A_244 = arith.constant 0 : i32
      %dma_start3A_245 = tpu.memref_slice %arg11[%dma_start3A_243, %dma_start3A_244] : memref<128x64xf32, #tpu.memory_space<vmem>> -> memref<120x64xf32, #tpu.memory_space<vmem>>
      %dma_start3A_246 = arith.constant 0 : i32
      %dma_start3A_247 = tpu.memref_slice %arg7[%add3A_40, %dma_start3A_246] : memref<10112x64xf32, #tpu.memory_space<vmem_shared>> -> memref<120x64xf32, #tpu.memory_space<vmem_shared>>
      %dma_start3A_248 = arith.constant 0 : i32
      %dma_start3A_249 = tpu.memref_slice %arg7[%add3A_40, %dma_start3A_248] : memref<10112x64xf32, #tpu.memory_space<vmem_shared>> -> memref<120x64xf32, #tpu.memory_space<vmem_shared>>
      %dma_start3A_250 = arith.constant 0 : i32
      %dma_start3A_251 = arith.constant 0 : i32
      %dma_start3A_252 = tpu.memref_slice %arg11[%dma_start3A_250, %dma_start3A_251] : memref<128x64xf32, #tpu.memory_space<vmem>> -> memref<120x64xf32, #tpu.memory_space<vmem>>
      tpu.enqueue_dma source(%dma_start3A_252 : memref<120x64xf32, #tpu.memory_space<vmem>>) target(%dma_start3A_249 : memref<120x64xf32, #tpu.memory_space<vmem_shared>>) target_semaphore(%run_scoped3A : memref<!tpu.dma_semaphore, #tpu.memory_space<semaphore_mem>>)
      %dma_wait3A_253 = arith.constant 0 : i32
      %dma_wait3A_254 = arith.constant 0 : i32
      %dma_wait3A_255 = tpu.memref_slice %arg11[%dma_wait3A_253, %dma_wait3A_254] : memref<128x64xf32, #tpu.memory_space<vmem>> -> memref<120x64xf32, #tpu.memory_space<vmem>>
      %dma_wait3A_256 = arith.constant 0 : i32
      %dma_wait3A_257 = tpu.memref_slice %arg7[%add3A_40, %dma_wait3A_256] : memref<10112x64xf32, #tpu.memory_space<vmem_shared>> -> memref<120x64xf32, #tpu.memory_space<vmem_shared>>
      %dma_wait3A_258 = arith.constant 0 : i32
      %dma_wait3A_259 = tpu.memref_slice %arg7[%add3A_40, %dma_wait3A_258] : memref<10112x64xf32, #tpu.memory_space<vmem_shared>> -> memref<120x64xf32, #tpu.memory_space<vmem_shared>>
      %dma_wait3A_260 = arith.constant 0 : i32
      %dma_wait3A_261 = arith.constant 0 : i32
      %dma_wait3A_262 = tpu.memref_slice %arg11[%dma_wait3A_260, %dma_wait3A_261] : memref<128x64xf32, #tpu.memory_space<vmem>> -> memref<120x64xf32, #tpu.memory_space<vmem>>
      tpu.wait_dma2 semaphore(%run_scoped3A : memref<!tpu.dma_semaphore, #tpu.memory_space<semaphore_mem>>) src(%dma_wait3A_262 : memref<120x64xf32, #tpu.memory_space<vmem>>) dst(%dma_wait3A_259 : memref<120x64xf32, #tpu.memory_space<vmem_shared>>)
      tpu.yield
    }) : () -> ()
    %barrier3A = arith.constant 0 : index
    tpu.barrier barrier_id(%barrier3A)
    %dma_start3A = arith.constant 0 : i32
    %dma_start3A_41 = arith.constant 0 : i32
    %dma_start3A_42 = arith.constant 0 : i32
    %dma_start3A_43 = arith.constant 0 : i32
    %dma_start3A_44 = tpu.memref_slice %arg10[%dma_start3A_41, %dma_start3A_42, %dma_start3A_43] : memref<6x128x64xf32, #tpu.memory_space<vmem>> -> memref<1x128x64xf32, #tpu.memory_space<vmem>>
    %dma_start3A_45 = tpu.memref_squeeze %dma_start3A_44 : memref<1x128x64xf32, #tpu.memory_space<vmem>> -> memref<128x64xf32, #tpu.memory_space<vmem>>
    %dma_start3A_46 = arith.constant 0 : i32
    %dma_start3A_47 = tpu.memref_slice %arg8[%dma_start3A, %dma_start3A_46] : memref<79x128xi32, #tpu.memory_space<vmem>> -> memref<1x128xi32, #tpu.memory_space<vmem>>
    %dma_start3A_48 = tpu.memref_squeeze %dma_start3A_47 : memref<1x128xi32, #tpu.memory_space<vmem>> -> memref<128xi32, #tpu.memory_space<vmem>>
    %dma_start3A_49 = arith.constant 0 : i32
    %dma_start3A_50 = arith.constant 0 : i32
    %dma_start3A_51 = tpu.memref_slice %arg2[%dma_start3A_49, %dma_start3A_50] : memref<20000x64xf32, #tpu.memory_space<hbm>> -> memref<20000x64xf32, #tpu.memory_space<hbm>>
    tpu.enqueue_indirect_dma source(%dma_start3A_51 : memref<20000x64xf32, #tpu.memory_space<hbm>>) target(%dma_start3A_45 : memref<128x64xf32, #tpu.memory_space<vmem>>) offsets(%dma_start3A_48 : memref<128xi32, #tpu.memory_space<vmem>>) semaphore(%arg12 : memref<!tpu.dma_semaphore, #tpu.memory_space<semaphore_mem>>)
    %dma_start3A_52 = arith.constant 1 : i32
    %dma_start3A_53 = arith.constant 1 : i32
    %dma_start3A_54 = arith.constant 0 : i32
    %dma_start3A_55 = arith.constant 0 : i32
    %dma_start3A_56 = tpu.memref_slice %arg10[%dma_start3A_53, %dma_start3A_54, %dma_start3A_55] : memref<6x128x64xf32, #tpu.memory_space<vmem>> -> memref<1x128x64xf32, #tpu.memory_space<vmem>>
    %dma_start3A_57 = tpu.memref_squeeze %dma_start3A_56 : memref<1x128x64xf32, #tpu.memory_space<vmem>> -> memref<128x64xf32, #tpu.memory_space<vmem>>
    %dma_start3A_58 = arith.constant 0 : i32
    %dma_start3A_59 = tpu.memref_slice %arg8[%dma_start3A_52, %dma_start3A_58] : memref<79x128xi32, #tpu.memory_space<vmem>> -> memref<1x128xi32, #tpu.memory_space<vmem>>
    %dma_start3A_60 = tpu.memref_squeeze %dma_start3A_59 : memref<1x128xi32, #tpu.memory_space<vmem>> -> memref<128xi32, #tpu.memory_space<vmem>>
    %dma_start3A_61 = arith.constant 0 : i32
    %dma_start3A_62 = arith.constant 0 : i32
    %dma_start3A_63 = tpu.memref_slice %arg2[%dma_start3A_61, %dma_start3A_62] : memref<20000x64xf32, #tpu.memory_space<hbm>> -> memref<20000x64xf32, #tpu.memory_space<hbm>>
    tpu.enqueue_indirect_dma source(%dma_start3A_63 : memref<20000x64xf32, #tpu.memory_space<hbm>>) target(%dma_start3A_57 : memref<128x64xf32, #tpu.memory_space<vmem>>) offsets(%dma_start3A_60 : memref<128xi32, #tpu.memory_space<vmem>>) semaphore(%arg12 : memref<!tpu.dma_semaphore, #tpu.memory_space<semaphore_mem>>)
    %dma_start3A_64 = arith.constant 2 : i32
    %dma_start3A_65 = arith.constant 2 : i32
    %dma_start3A_66 = arith.constant 0 : i32
    %dma_start3A_67 = arith.constant 0 : i32
    %dma_start3A_68 = tpu.memref_slice %arg10[%dma_start3A_65, %dma_start3A_66, %dma_start3A_67] : memref<6x128x64xf32, #tpu.memory_space<vmem>> -> memref<1x128x64xf32, #tpu.memory_space<vmem>>
    %dma_start3A_69 = tpu.memref_squeeze %dma_start3A_68 : memref<1x128x64xf32, #tpu.memory_space<vmem>> -> memref<128x64xf32, #tpu.memory_space<vmem>>
    %dma_start3A_70 = arith.constant 0 : i32
    %dma_start3A_71 = tpu.memref_slice %arg8[%dma_start3A_64, %dma_start3A_70] : memref<79x128xi32, #tpu.memory_space<vmem>> -> memref<1x128xi32, #tpu.memory_space<vmem>>
    %dma_start3A_72 = tpu.memref_squeeze %dma_start3A_71 : memref<1x128xi32, #tpu.memory_space<vmem>> -> memref<128xi32, #tpu.memory_space<vmem>>
    %dma_start3A_73 = arith.constant 0 : i32
    %dma_start3A_74 = arith.constant 0 : i32
    %dma_start3A_75 = tpu.memref_slice %arg2[%dma_start3A_73, %dma_start3A_74] : memref<20000x64xf32, #tpu.memory_space<hbm>> -> memref<20000x64xf32, #tpu.memory_space<hbm>>
    tpu.enqueue_indirect_dma source(%dma_start3A_75 : memref<20000x64xf32, #tpu.memory_space<hbm>>) target(%dma_start3A_69 : memref<128x64xf32, #tpu.memory_space<vmem>>) offsets(%dma_start3A_72 : memref<128xi32, #tpu.memory_space<vmem>>) semaphore(%arg12 : memref<!tpu.dma_semaphore, #tpu.memory_space<semaphore_mem>>)
    %scan3A = arith.constant 0 : i32
    %scan3A_76 = arith.constant 0 : i32
    %scan3A_77 = arith.constant 13 : i32
    %scan3A_78 = arith.addi %scan3A_76, %scan3A_77 : i32
    %scan3A_79 = arith.constant 1 : i32
    scf.for %scan3A_243 = %scan3A_76 to %scan3A_78 step %scan3A_79  : i32 {
      %mul3A_244 = arith.constant 6 : i32
      %mul3A_245 = arith.muli %mul3A_244, %scan3A_243 : i32
      %dma_wait3A_246 = arith.constant 0 : i32
      %dma_wait3A_247 = arith.constant 0 : i32
      %dma_wait3A_248 = arith.constant 0 : i32
      %dma_wait3A_249 = arith.constant 0 : i32
      %dma_wait3A_250 = tpu.memref_slice %arg10[%dma_wait3A_247, %dma_wait3A_248, %dma_wait3A_249] : memref<6x128x64xf32, #tpu.memory_space<vmem>> -> memref<1x128x64xf32, #tpu.memory_space<vmem>>
      %dma_wait3A_251 = tpu.memref_squeeze %dma_wait3A_250 : memref<1x128x64xf32, #tpu.memory_space<vmem>> -> memref<128x64xf32, #tpu.memory_space<vmem>>
      %dma_wait3A_252 = arith.constant 0 : i32
      %dma_wait3A_253 = tpu.memref_slice %arg8[%dma_wait3A_246, %dma_wait3A_252] : memref<79x128xi32, #tpu.memory_space<vmem>> -> memref<1x128xi32, #tpu.memory_space<vmem>>
      %dma_wait3A_254 = tpu.memref_squeeze %dma_wait3A_253 : memref<1x128xi32, #tpu.memory_space<vmem>> -> memref<128xi32, #tpu.memory_space<vmem>>
      %dma_wait3A_255 = arith.constant 0 : i32
      %dma_wait3A_256 = arith.constant 0 : i32
      %dma_wait3A_257 = tpu.memref_slice %arg2[%dma_wait3A_255, %dma_wait3A_256] : memref<20000x64xf32, #tpu.memory_space<hbm>> -> memref<20000x64xf32, #tpu.memory_space<hbm>>
      tpu.wait_indirect_dma semaphore(%arg12 : memref<!tpu.dma_semaphore, #tpu.memory_space<semaphore_mem>>) src(%dma_wait3A_257 : memref<20000x64xf32, #tpu.memory_space<hbm>>) dst(%dma_wait3A_251 : memref<128x64xf32, #tpu.memory_space<vmem>>)
      %dma_wait3A_258 = arith.constant 0 : i32
      %dma_wait3A_259 = arith.constant 1 : i32
      %dma_wait3A_260 = arith.constant 0 : i32
      %dma_wait3A_261 = arith.constant 0 : i32
      %dma_wait3A_262 = tpu.memref_slice %arg10[%dma_wait3A_259, %dma_wait3A_260, %dma_wait3A_261] : memref<6x128x64xf32, #tpu.memory_space<vmem>> -> memref<1x128x64xf32, #tpu.memory_space<vmem>>
      %dma_wait3A_263 = tpu.memref_squeeze %dma_wait3A_262 : memref<1x128x64xf32, #tpu.memory_space<vmem>> -> memref<128x64xf32, #tpu.memory_space<vmem>>
      %dma_wait3A_264 = arith.constant 0 : i32
      %dma_wait3A_265 = tpu.memref_slice %arg8[%dma_wait3A_258, %dma_wait3A_264] : memref<79x128xi32, #tpu.memory_space<vmem>> -> memref<1x128xi32, #tpu.memory_space<vmem>>
      %dma_wait3A_266 = tpu.memref_squeeze %dma_wait3A_265 : memref<1x128xi32, #tpu.memory_space<vmem>> -> memref<128xi32, #tpu.memory_space<vmem>>
      %dma_wait3A_267 = arith.constant 0 : i32
      %dma_wait3A_268 = arith.constant 0 : i32
      %dma_wait3A_269 = tpu.memref_slice %arg2[%dma_wait3A_267, %dma_wait3A_268] : memref<20000x64xf32, #tpu.memory_space<hbm>> -> memref<20000x64xf32, #tpu.memory_space<hbm>>
      tpu.wait_indirect_dma semaphore(%arg12 : memref<!tpu.dma_semaphore, #tpu.memory_space<semaphore_mem>>) src(%dma_wait3A_269 : memref<20000x64xf32, #tpu.memory_space<hbm>>) dst(%dma_wait3A_263 : memref<128x64xf32, #tpu.memory_space<vmem>>)
      %dma_wait3A_270 = arith.constant 0 : i32
      %dma_wait3A_271 = arith.constant 2 : i32
      %dma_wait3A_272 = arith.constant 0 : i32
      %dma_wait3A_273 = arith.constant 0 : i32
      %dma_wait3A_274 = tpu.memref_slice %arg10[%dma_wait3A_271, %dma_wait3A_272, %dma_wait3A_273] : memref<6x128x64xf32, #tpu.memory_space<vmem>> -> memref<1x128x64xf32, #tpu.memory_space<vmem>>
      %dma_wait3A_275 = tpu.memref_squeeze %dma_wait3A_274 : memref<1x128x64xf32, #tpu.memory_space<vmem>> -> memref<128x64xf32, #tpu.memory_space<vmem>>
      %dma_wait3A_276 = arith.constant 0 : i32
      %dma_wait3A_277 = tpu.memref_slice %arg8[%dma_wait3A_270, %dma_wait3A_276] : memref<79x128xi32, #tpu.memory_space<vmem>> -> memref<1x128xi32, #tpu.memory_space<vmem>>
      %dma_wait3A_278 = tpu.memref_squeeze %dma_wait3A_277 : memref<1x128xi32, #tpu.memory_space<vmem>> -> memref<128xi32, #tpu.memory_space<vmem>>
      %dma_wait3A_279 = arith.constant 0 : i32
      %dma_wait3A_280 = arith.constant 0 : i32
      %dma_wait3A_281 = tpu.memref_slice %arg2[%dma_wait3A_279, %dma_wait3A_280] : memref<20000x64xf32, #tpu.memory_space<hbm>> -> memref<20000x64xf32, #tpu.memory_space<hbm>>
      tpu.wait_indirect_dma semaphore(%arg12 : memref<!tpu.dma_semaphore, #tpu.memory_space<semaphore_mem>>) src(%dma_wait3A_281 : memref<20000x64xf32, #tpu.memory_space<hbm>>) dst(%dma_wait3A_275 : memref<128x64xf32, #tpu.memory_space<vmem>>)
      %gt3A = arith.constant 0 : i32
      %gt3A_282 = arith.cmpi sgt, %scan3A_243, %gt3A : i32
      %convert_element_type3A_283 = arith.extui %gt3A_282 : i1 to i32
      %cond3A_284 = arith.constant 0 : i32
      %cond3A_285 = arith.cmpi ne, %convert_element_type3A_283, %cond3A_284 : i32
      scf.if %cond3A_285 {
        %dma_wait3A_483 = arith.constant 3 : i32
        %dma_wait3A_484 = arith.constant 0 : i32
        %dma_wait3A_485 = arith.constant 0 : i32
        %dma_wait3A_486 = arith.constant 0 : i32
        %dma_wait3A_487 = tpu.memref_slice %arg10[%dma_wait3A_483, %dma_wait3A_485, %dma_wait3A_486] : memref<6x128x64xf32, #tpu.memory_space<vmem>> -> memref<1x128x64xf32, #tpu.memory_space<vmem>>
        %dma_wait3A_488 = tpu.memref_squeeze %dma_wait3A_487 : memref<1x128x64xf32, #tpu.memory_space<vmem>> -> memref<128x64xf32, #tpu.memory_space<vmem>>
        %dma_wait3A_489 = arith.constant 0 : i32
        %dma_wait3A_490 = tpu.memref_slice %arg9[%dma_wait3A_484, %dma_wait3A_489] : memref<79x128xi32, #tpu.memory_space<vmem>> -> memref<1x128xi32, #tpu.memory_space<vmem>>
        %dma_wait3A_491 = tpu.memref_squeeze %dma_wait3A_490 : memref<1x128xi32, #tpu.memory_space<vmem>> -> memref<128xi32, #tpu.memory_space<vmem>>
        %dma_wait3A_492 = arith.constant 0 : i32
        %dma_wait3A_493 = arith.constant 0 : i32
        %dma_wait3A_494 = tpu.memref_slice %arg7[%dma_wait3A_492, %dma_wait3A_493] : memref<10112x64xf32, #tpu.memory_space<vmem_shared>> -> memref<10112x64xf32, #tpu.memory_space<vmem_shared>>
        tpu.wait_indirect_dma semaphore(%arg13 : memref<!tpu.dma_semaphore, #tpu.memory_space<semaphore_mem>>) src(%dma_wait3A_488 : memref<128x64xf32, #tpu.memory_space<vmem>>) dst(%dma_wait3A_494 : memref<10112x64xf32, #tpu.memory_space<vmem_shared>>)
        %dma_wait3A_495 = arith.constant 4 : i32
        %dma_wait3A_496 = arith.constant 0 : i32
        %dma_wait3A_497 = arith.constant 0 : i32
        %dma_wait3A_498 = arith.constant 0 : i32
        %dma_wait3A_499 = tpu.memref_slice %arg10[%dma_wait3A_495, %dma_wait3A_497, %dma_wait3A_498] : memref<6x128x64xf32, #tpu.memory_space<vmem>> -> memref<1x128x64xf32, #tpu.memory_space<vmem>>
        %dma_wait3A_500 = tpu.memref_squeeze %dma_wait3A_499 : memref<1x128x64xf32, #tpu.memory_space<vmem>> -> memref<128x64xf32, #tpu.memory_space<vmem>>
        %dma_wait3A_501 = arith.constant 0 : i32
        %dma_wait3A_502 = tpu.memref_slice %arg9[%dma_wait3A_496, %dma_wait3A_501] : memref<79x128xi32, #tpu.memory_space<vmem>> -> memref<1x128xi32, #tpu.memory_space<vmem>>
        %dma_wait3A_503 = tpu.memref_squeeze %dma_wait3A_502 : memref<1x128xi32, #tpu.memory_space<vmem>> -> memref<128xi32, #tpu.memory_space<vmem>>
        %dma_wait3A_504 = arith.constant 0 : i32
        %dma_wait3A_505 = arith.constant 0 : i32
        %dma_wait3A_506 = tpu.memref_slice %arg7[%dma_wait3A_504, %dma_wait3A_505] : memref<10112x64xf32, #tpu.memory_space<vmem_shared>> -> memref<10112x64xf32, #tpu.memory_space<vmem_shared>>
        tpu.wait_indirect_dma semaphore(%arg13 : memref<!tpu.dma_semaphore, #tpu.memory_space<semaphore_mem>>) src(%dma_wait3A_500 : memref<128x64xf32, #tpu.memory_space<vmem>>) dst(%dma_wait3A_506 : memref<10112x64xf32, #tpu.memory_space<vmem_shared>>)
        %dma_wait3A_507 = arith.constant 5 : i32
        %dma_wait3A_508 = arith.constant 0 : i32
        %dma_wait3A_509 = arith.constant 0 : i32
        %dma_wait3A_510 = arith.constant 0 : i32
        %dma_wait3A_511 = tpu.memref_slice %arg10[%dma_wait3A_507, %dma_wait3A_509, %dma_wait3A_510] : memref<6x128x64xf32, #tpu.memory_space<vmem>> -> memref<1x128x64xf32, #tpu.memory_space<vmem>>
        %dma_wait3A_512 = tpu.memref_squeeze %dma_wait3A_511 : memref<1x128x64xf32, #tpu.memory_space<vmem>> -> memref<128x64xf32, #tpu.memory_space<vmem>>
        %dma_wait3A_513 = arith.constant 0 : i32
        %dma_wait3A_514 = tpu.memref_slice %arg9[%dma_wait3A_508, %dma_wait3A_513] : memref<79x128xi32, #tpu.memory_space<vmem>> -> memref<1x128xi32, #tpu.memory_space<vmem>>
        %dma_wait3A_515 = tpu.memref_squeeze %dma_wait3A_514 : memref<1x128xi32, #tpu.memory_space<vmem>> -> memref<128xi32, #tpu.memory_space<vmem>>
        %dma_wait3A_516 = arith.constant 0 : i32
        %dma_wait3A_517 = arith.constant 0 : i32
        %dma_wait3A_518 = tpu.memref_slice %arg7[%dma_wait3A_516, %dma_wait3A_517] : memref<10112x64xf32, #tpu.memory_space<vmem_shared>> -> memref<10112x64xf32, #tpu.memory_space<vmem_shared>>
        tpu.wait_indirect_dma semaphore(%arg13 : memref<!tpu.dma_semaphore, #tpu.memory_space<semaphore_mem>>) src(%dma_wait3A_512 : memref<128x64xf32, #tpu.memory_space<vmem>>) dst(%dma_wait3A_518 : memref<10112x64xf32, #tpu.memory_space<vmem_shared>>)
      } else {
      }
      %add3A_286 = arith.constant 3 : i32
      %add3A_287 = arith.addi %mul3A_245, %add3A_286 : i32
      %add3A_288 = arith.constant 0 : i32
      %add3A_289 = arith.addi %add3A_287, %add3A_288 : i32
      %dma_start3A_290 = arith.constant 3 : i32
      %dma_start3A_291 = arith.constant 0 : i32
      %dma_start3A_292 = arith.constant 0 : i32
      %dma_start3A_293 = tpu.memref_slice %arg10[%dma_start3A_290, %dma_start3A_291, %dma_start3A_292] : memref<6x128x64xf32, #tpu.memory_space<vmem>> -> memref<1x128x64xf32, #tpu.memory_space<vmem>>
      %dma_start3A_294 = tpu.memref_squeeze %dma_start3A_293 : memref<1x128x64xf32, #tpu.memory_space<vmem>> -> memref<128x64xf32, #tpu.memory_space<vmem>>
      %dma_start3A_295 = arith.constant 0 : i32
      %dma_start3A_296 = tpu.memref_slice %arg8[%add3A_289, %dma_start3A_295] : memref<79x128xi32, #tpu.memory_space<vmem>> -> memref<1x128xi32, #tpu.memory_space<vmem>>
      %dma_start3A_297 = tpu.memref_squeeze %dma_start3A_296 : memref<1x128xi32, #tpu.memory_space<vmem>> -> memref<128xi32, #tpu.memory_space<vmem>>
      %dma_start3A_298 = arith.constant 0 : i32
      %dma_start3A_299 = arith.constant 0 : i32
      %dma_start3A_300 = tpu.memref_slice %arg2[%dma_start3A_298, %dma_start3A_299] : memref<20000x64xf32, #tpu.memory_space<hbm>> -> memref<20000x64xf32, #tpu.memory_space<hbm>>
      tpu.enqueue_indirect_dma source(%dma_start3A_300 : memref<20000x64xf32, #tpu.memory_space<hbm>>) target(%dma_start3A_294 : memref<128x64xf32, #tpu.memory_space<vmem>>) offsets(%dma_start3A_297 : memref<128xi32, #tpu.memory_space<vmem>>) semaphore(%arg12 : memref<!tpu.dma_semaphore, #tpu.memory_space<semaphore_mem>>)
      %add3A_301 = arith.constant 1 : i32
      %add3A_302 = arith.addi %add3A_287, %add3A_301 : i32
      %dma_start3A_303 = arith.constant 4 : i32
      %dma_start3A_304 = arith.constant 0 : i32
      %dma_start3A_305 = arith.constant 0 : i32
      %dma_start3A_306 = tpu.memref_slice %arg10[%dma_start3A_303, %dma_start3A_304, %dma_start3A_305] : memref<6x128x64xf32, #tpu.memory_space<vmem>> -> memref<1x128x64xf32, #tpu.memory_space<vmem>>
      %dma_start3A_307 = tpu.memref_squeeze %dma_start3A_306 : memref<1x128x64xf32, #tpu.memory_space<vmem>> -> memref<128x64xf32, #tpu.memory_space<vmem>>
      %dma_start3A_308 = arith.constant 0 : i32
      %dma_start3A_309 = tpu.memref_slice %arg8[%add3A_302, %dma_start3A_308] : memref<79x128xi32, #tpu.memory_space<vmem>> -> memref<1x128xi32, #tpu.memory_space<vmem>>
      %dma_start3A_310 = tpu.memref_squeeze %dma_start3A_309 : memref<1x128xi32, #tpu.memory_space<vmem>> -> memref<128xi32, #tpu.memory_space<vmem>>
      %dma_start3A_311 = arith.constant 0 : i32
      %dma_start3A_312 = arith.constant 0 : i32
      %dma_start3A_313 = tpu.memref_slice %arg2[%dma_start3A_311, %dma_start3A_312] : memref<20000x64xf32, #tpu.memory_space<hbm>> -> memref<20000x64xf32, #tpu.memory_space<hbm>>
      tpu.enqueue_indirect_dma source(%dma_start3A_313 : memref<20000x64xf32, #tpu.memory_space<hbm>>) target(%dma_start3A_307 : memref<128x64xf32, #tpu.memory_space<vmem>>) offsets(%dma_start3A_310 : memref<128xi32, #tpu.memory_space<vmem>>) semaphore(%arg12 : memref<!tpu.dma_semaphore, #tpu.memory_space<semaphore_mem>>)
      %add3A_314 = arith.constant 2 : i32
      %add3A_315 = arith.addi %add3A_287, %add3A_314 : i32
      %dma_start3A_316 = arith.constant 5 : i32
      %dma_start3A_317 = arith.constant 0 : i32
      %dma_start3A_318 = arith.constant 0 : i32
      %dma_start3A_319 = tpu.memref_slice %arg10[%dma_start3A_316, %dma_start3A_317, %dma_start3A_318] : memref<6x128x64xf32, #tpu.memory_space<vmem>> -> memref<1x128x64xf32, #tpu.memory_space<vmem>>
      %dma_start3A_320 = tpu.memref_squeeze %dma_start3A_319 : memref<1x128x64xf32, #tpu.memory_space<vmem>> -> memref<128x64xf32, #tpu.memory_space<vmem>>
      %dma_start3A_321 = arith.constant 0 : i32
      %dma_start3A_322 = tpu.memref_slice %arg8[%add3A_315, %dma_start3A_321] : memref<79x128xi32, #tpu.memory_space<vmem>> -> memref<1x128xi32, #tpu.memory_space<vmem>>
      %dma_start3A_323 = tpu.memref_squeeze %dma_start3A_322 : memref<1x128xi32, #tpu.memory_space<vmem>> -> memref<128xi32, #tpu.memory_space<vmem>>
      %dma_start3A_324 = arith.constant 0 : i32
      %dma_start3A_325 = arith.constant 0 : i32
      %dma_start3A_326 = tpu.memref_slice %arg2[%dma_start3A_324, %dma_start3A_325] : memref<20000x64xf32, #tpu.memory_space<hbm>> -> memref<20000x64xf32, #tpu.memory_space<hbm>>
      tpu.enqueue_indirect_dma source(%dma_start3A_326 : memref<20000x64xf32, #tpu.memory_space<hbm>>) target(%dma_start3A_320 : memref<128x64xf32, #tpu.memory_space<vmem>>) offsets(%dma_start3A_323 : memref<128xi32, #tpu.memory_space<vmem>>) semaphore(%arg12 : memref<!tpu.dma_semaphore, #tpu.memory_space<semaphore_mem>>)
      %add3A_327 = arith.constant 0 : i32
      %add3A_328 = arith.addi %mul3A_245, %add3A_327 : i32
      %dma_start3A_329 = arith.constant 0 : i32
      %dma_start3A_330 = arith.constant 0 : i32
      %dma_start3A_331 = arith.constant 0 : i32
      %dma_start3A_332 = tpu.memref_slice %arg10[%dma_start3A_329, %dma_start3A_330, %dma_start3A_331] : memref<6x128x64xf32, #tpu.memory_space<vmem>> -> memref<1x128x64xf32, #tpu.memory_space<vmem>>
      %dma_start3A_333 = tpu.memref_squeeze %dma_start3A_332 : memref<1x128x64xf32, #tpu.memory_space<vmem>> -> memref<128x64xf32, #tpu.memory_space<vmem>>
      %dma_start3A_334 = arith.constant 0 : i32
      %dma_start3A_335 = tpu.memref_slice %arg9[%add3A_328, %dma_start3A_334] : memref<79x128xi32, #tpu.memory_space<vmem>> -> memref<1x128xi32, #tpu.memory_space<vmem>>
      %dma_start3A_336 = tpu.memref_squeeze %dma_start3A_335 : memref<1x128xi32, #tpu.memory_space<vmem>> -> memref<128xi32, #tpu.memory_space<vmem>>
      %dma_start3A_337 = arith.constant 0 : i32
      %dma_start3A_338 = arith.constant 0 : i32
      %dma_start3A_339 = tpu.memref_slice %arg7[%dma_start3A_337, %dma_start3A_338] : memref<10112x64xf32, #tpu.memory_space<vmem_shared>> -> memref<10112x64xf32, #tpu.memory_space<vmem_shared>>
      tpu.enqueue_indirect_dma source(%dma_start3A_333 : memref<128x64xf32, #tpu.memory_space<vmem>>) target(%dma_start3A_339 : memref<10112x64xf32, #tpu.memory_space<vmem_shared>>) offsets(%dma_start3A_336 : memref<128xi32, #tpu.memory_space<vmem>>) semaphore(%arg13 : memref<!tpu.dma_semaphore, #tpu.memory_space<semaphore_mem>>) {add = true}
      %add3A_340 = arith.constant 1 : i32
      %add3A_341 = arith.addi %mul3A_245, %add3A_340 : i32
      %dma_start3A_342 = arith.constant 1 : i32
      %dma_start3A_343 = arith.constant 0 : i32
      %dma_start3A_344 = arith.constant 0 : i32
      %dma_start3A_345 = tpu.memref_slice %arg10[%dma_start3A_342, %dma_start3A_343, %dma_start3A_344] : memref<6x128x64xf32, #tpu.memory_space<vmem>> -> memref<1x128x64xf32, #tpu.memory_space<vmem>>
      %dma_start3A_346 = tpu.memref_squeeze %dma_start3A_345 : memref<1x128x64xf32, #tpu.memory_space<vmem>> -> memref<128x64xf32, #tpu.memory_space<vmem>>
      %dma_start3A_347 = arith.constant 0 : i32
      %dma_start3A_348 = tpu.memref_slice %arg9[%add3A_341, %dma_start3A_347] : memref<79x128xi32, #tpu.memory_space<vmem>> -> memref<1x128xi32, #tpu.memory_space<vmem>>
      %dma_start3A_349 = tpu.memref_squeeze %dma_start3A_348 : memref<1x128xi32, #tpu.memory_space<vmem>> -> memref<128xi32, #tpu.memory_space<vmem>>
      %dma_start3A_350 = arith.constant 0 : i32
      %dma_start3A_351 = arith.constant 0 : i32
      %dma_start3A_352 = tpu.memref_slice %arg7[%dma_start3A_350, %dma_start3A_351] : memref<10112x64xf32, #tpu.memory_space<vmem_shared>> -> memref<10112x64xf32, #tpu.memory_space<vmem_shared>>
      tpu.enqueue_indirect_dma source(%dma_start3A_346 : memref<128x64xf32, #tpu.memory_space<vmem>>) target(%dma_start3A_352 : memref<10112x64xf32, #tpu.memory_space<vmem_shared>>) offsets(%dma_start3A_349 : memref<128xi32, #tpu.memory_space<vmem>>) semaphore(%arg13 : memref<!tpu.dma_semaphore, #tpu.memory_space<semaphore_mem>>) {add = true}
      %add3A_353 = arith.constant 2 : i32
      %add3A_354 = arith.addi %mul3A_245, %add3A_353 : i32
      %dma_start3A_355 = arith.constant 2 : i32
      %dma_start3A_356 = arith.constant 0 : i32
      %dma_start3A_357 = arith.constant 0 : i32
      %dma_start3A_358 = tpu.memref_slice %arg10[%dma_start3A_355, %dma_start3A_356, %dma_start3A_357] : memref<6x128x64xf32, #tpu.memory_space<vmem>> -> memref<1x128x64xf32, #tpu.memory_space<vmem>>
      %dma_start3A_359 = tpu.memref_squeeze %dma_start3A_358 : memref<1x128x64xf32, #tpu.memory_space<vmem>> -> memref<128x64xf32, #tpu.memory_space<vmem>>
      %dma_start3A_360 = arith.constant 0 : i32
      %dma_start3A_361 = tpu.memref_slice %arg9[%add3A_354, %dma_start3A_360] : memref<79x128xi32, #tpu.memory_space<vmem>> -> memref<1x128xi32, #tpu.memory_space<vmem>>
      %dma_start3A_362 = tpu.memref_squeeze %dma_start3A_361 : memref<1x128xi32, #tpu.memory_space<vmem>> -> memref<128xi32, #tpu.memory_space<vmem>>
      %dma_start3A_363 = arith.constant 0 : i32
      %dma_start3A_364 = arith.constant 0 : i32
      %dma_start3A_365 = tpu.memref_slice %arg7[%dma_start3A_363, %dma_start3A_364] : memref<10112x64xf32, #tpu.memory_space<vmem_shared>> -> memref<10112x64xf32, #tpu.memory_space<vmem_shared>>
      tpu.enqueue_indirect_dma source(%dma_start3A_359 : memref<128x64xf32, #tpu.memory_space<vmem>>) target(%dma_start3A_365 : memref<10112x64xf32, #tpu.memory_space<vmem_shared>>) offsets(%dma_start3A_362 : memref<128xi32, #tpu.memory_space<vmem>>) semaphore(%arg13 : memref<!tpu.dma_semaphore, #tpu.memory_space<semaphore_mem>>) {add = true}
      %dma_wait3A_366 = arith.constant 0 : i32
      %dma_wait3A_367 = arith.constant 3 : i32
      %dma_wait3A_368 = arith.constant 0 : i32
      %dma_wait3A_369 = arith.constant 0 : i32
      %dma_wait3A_370 = tpu.memref_slice %arg10[%dma_wait3A_367, %dma_wait3A_368, %dma_wait3A_369] : memref<6x128x64xf32, #tpu.memory_space<vmem>> -> memref<1x128x64xf32, #tpu.memory_space<vmem>>
      %dma_wait3A_371 = tpu.memref_squeeze %dma_wait3A_370 : memref<1x128x64xf32, #tpu.memory_space<vmem>> -> memref<128x64xf32, #tpu.memory_space<vmem>>
      %dma_wait3A_372 = arith.constant 0 : i32
      %dma_wait3A_373 = tpu.memref_slice %arg8[%dma_wait3A_366, %dma_wait3A_372] : memref<79x128xi32, #tpu.memory_space<vmem>> -> memref<1x128xi32, #tpu.memory_space<vmem>>
      %dma_wait3A_374 = tpu.memref_squeeze %dma_wait3A_373 : memref<1x128xi32, #tpu.memory_space<vmem>> -> memref<128xi32, #tpu.memory_space<vmem>>
      %dma_wait3A_375 = arith.constant 0 : i32
      %dma_wait3A_376 = arith.constant 0 : i32
      %dma_wait3A_377 = tpu.memref_slice %arg2[%dma_wait3A_375, %dma_wait3A_376] : memref<20000x64xf32, #tpu.memory_space<hbm>> -> memref<20000x64xf32, #tpu.memory_space<hbm>>
      tpu.wait_indirect_dma semaphore(%arg12 : memref<!tpu.dma_semaphore, #tpu.memory_space<semaphore_mem>>) src(%dma_wait3A_377 : memref<20000x64xf32, #tpu.memory_space<hbm>>) dst(%dma_wait3A_371 : memref<128x64xf32, #tpu.memory_space<vmem>>)
      %dma_wait3A_378 = arith.constant 0 : i32
      %dma_wait3A_379 = arith.constant 4 : i32
      %dma_wait3A_380 = arith.constant 0 : i32
      %dma_wait3A_381 = arith.constant 0 : i32
      %dma_wait3A_382 = tpu.memref_slice %arg10[%dma_wait3A_379, %dma_wait3A_380, %dma_wait3A_381] : memref<6x128x64xf32, #tpu.memory_space<vmem>> -> memref<1x128x64xf32, #tpu.memory_space<vmem>>
      %dma_wait3A_383 = tpu.memref_squeeze %dma_wait3A_382 : memref<1x128x64xf32, #tpu.memory_space<vmem>> -> memref<128x64xf32, #tpu.memory_space<vmem>>
      %dma_wait3A_384 = arith.constant 0 : i32
      %dma_wait3A_385 = tpu.memref_slice %arg8[%dma_wait3A_378, %dma_wait3A_384] : memref<79x128xi32, #tpu.memory_space<vmem>> -> memref<1x128xi32, #tpu.memory_space<vmem>>
      %dma_wait3A_386 = tpu.memref_squeeze %dma_wait3A_385 : memref<1x128xi32, #tpu.memory_space<vmem>> -> memref<128xi32, #tpu.memory_space<vmem>>
      %dma_wait3A_387 = arith.constant 0 : i32
      %dma_wait3A_388 = arith.constant 0 : i32
      %dma_wait3A_389 = tpu.memref_slice %arg2[%dma_wait3A_387, %dma_wait3A_388] : memref<20000x64xf32, #tpu.memory_space<hbm>> -> memref<20000x64xf32, #tpu.memory_space<hbm>>
      tpu.wait_indirect_dma semaphore(%arg12 : memref<!tpu.dma_semaphore, #tpu.memory_space<semaphore_mem>>) src(%dma_wait3A_389 : memref<20000x64xf32, #tpu.memory_space<hbm>>) dst(%dma_wait3A_383 : memref<128x64xf32, #tpu.memory_space<vmem>>)
      %dma_wait3A_390 = arith.constant 0 : i32
      %dma_wait3A_391 = arith.constant 5 : i32
      %dma_wait3A_392 = arith.constant 0 : i32
      %dma_wait3A_393 = arith.constant 0 : i32
      %dma_wait3A_394 = tpu.memref_slice %arg10[%dma_wait3A_391, %dma_wait3A_392, %dma_wait3A_393] : memref<6x128x64xf32, #tpu.memory_space<vmem>> -> memref<1x128x64xf32, #tpu.memory_space<vmem>>
      %dma_wait3A_395 = tpu.memref_squeeze %dma_wait3A_394 : memref<1x128x64xf32, #tpu.memory_space<vmem>> -> memref<128x64xf32, #tpu.memory_space<vmem>>
      %dma_wait3A_396 = arith.constant 0 : i32
      %dma_wait3A_397 = tpu.memref_slice %arg8[%dma_wait3A_390, %dma_wait3A_396] : memref<79x128xi32, #tpu.memory_space<vmem>> -> memref<1x128xi32, #tpu.memory_space<vmem>>
      %dma_wait3A_398 = tpu.memref_squeeze %dma_wait3A_397 : memref<1x128xi32, #tpu.memory_space<vmem>> -> memref<128xi32, #tpu.memory_space<vmem>>
      %dma_wait3A_399 = arith.constant 0 : i32
      %dma_wait3A_400 = arith.constant 0 : i32
      %dma_wait3A_401 = tpu.memref_slice %arg2[%dma_wait3A_399, %dma_wait3A_400] : memref<20000x64xf32, #tpu.memory_space<hbm>> -> memref<20000x64xf32, #tpu.memory_space<hbm>>
      tpu.wait_indirect_dma semaphore(%arg12 : memref<!tpu.dma_semaphore, #tpu.memory_space<semaphore_mem>>) src(%dma_wait3A_401 : memref<20000x64xf32, #tpu.memory_space<hbm>>) dst(%dma_wait3A_395 : memref<128x64xf32, #tpu.memory_space<vmem>>)
      %dma_wait3A_402 = arith.constant 0 : i32
      %dma_wait3A_403 = arith.constant 0 : i32
      %dma_wait3A_404 = arith.constant 0 : i32
      %dma_wait3A_405 = arith.constant 0 : i32
      %dma_wait3A_406 = tpu.memref_slice %arg10[%dma_wait3A_402, %dma_wait3A_404, %dma_wait3A_405] : memref<6x128x64xf32, #tpu.memory_space<vmem>> -> memref<1x128x64xf32, #tpu.memory_space<vmem>>
      %dma_wait3A_407 = tpu.memref_squeeze %dma_wait3A_406 : memref<1x128x64xf32, #tpu.memory_space<vmem>> -> memref<128x64xf32, #tpu.memory_space<vmem>>
      %dma_wait3A_408 = arith.constant 0 : i32
      %dma_wait3A_409 = tpu.memref_slice %arg9[%dma_wait3A_403, %dma_wait3A_408] : memref<79x128xi32, #tpu.memory_space<vmem>> -> memref<1x128xi32, #tpu.memory_space<vmem>>
      %dma_wait3A_410 = tpu.memref_squeeze %dma_wait3A_409 : memref<1x128xi32, #tpu.memory_space<vmem>> -> memref<128xi32, #tpu.memory_space<vmem>>
      %dma_wait3A_411 = arith.constant 0 : i32
      %dma_wait3A_412 = arith.constant 0 : i32
      %dma_wait3A_413 = tpu.memref_slice %arg7[%dma_wait3A_411, %dma_wait3A_412] : memref<10112x64xf32, #tpu.memory_space<vmem_shared>> -> memref<10112x64xf32, #tpu.memory_space<vmem_shared>>
      tpu.wait_indirect_dma semaphore(%arg13 : memref<!tpu.dma_semaphore, #tpu.memory_space<semaphore_mem>>) src(%dma_wait3A_407 : memref<128x64xf32, #tpu.memory_space<vmem>>) dst(%dma_wait3A_413 : memref<10112x64xf32, #tpu.memory_space<vmem_shared>>)
      %dma_wait3A_414 = arith.constant 1 : i32
      %dma_wait3A_415 = arith.constant 0 : i32
      %dma_wait3A_416 = arith.constant 0 : i32
      %dma_wait3A_417 = arith.constant 0 : i32
      %dma_wait3A_418 = tpu.memref_slice %arg10[%dma_wait3A_414, %dma_wait3A_416, %dma_wait3A_417] : memref<6x128x64xf32, #tpu.memory_space<vmem>> -> memref<1x128x64xf32, #tpu.memory_space<vmem>>
      %dma_wait3A_419 = tpu.memref_squeeze %dma_wait3A_418 : memref<1x128x64xf32, #tpu.memory_space<vmem>> -> memref<128x64xf32, #tpu.memory_space<vmem>>
      %dma_wait3A_420 = arith.constant 0 : i32
      %dma_wait3A_421 = tpu.memref_slice %arg9[%dma_wait3A_415, %dma_wait3A_420] : memref<79x128xi32, #tpu.memory_space<vmem>> -> memref<1x128xi32, #tpu.memory_space<vmem>>
      %dma_wait3A_422 = tpu.memref_squeeze %dma_wait3A_421 : memref<1x128xi32, #tpu.memory_space<vmem>> -> memref<128xi32, #tpu.memory_space<vmem>>
      %dma_wait3A_423 = arith.constant 0 : i32
      %dma_wait3A_424 = arith.constant 0 : i32
      %dma_wait3A_425 = tpu.memref_slice %arg7[%dma_wait3A_423, %dma_wait3A_424] : memref<10112x64xf32, #tpu.memory_space<vmem_shared>> -> memref<10112x64xf32, #tpu.memory_space<vmem_shared>>
      tpu.wait_indirect_dma semaphore(%arg13 : memref<!tpu.dma_semaphore, #tpu.memory_space<semaphore_mem>>) src(%dma_wait3A_419 : memref<128x64xf32, #tpu.memory_space<vmem>>) dst(%dma_wait3A_425 : memref<10112x64xf32, #tpu.memory_space<vmem_shared>>)
      %dma_wait3A_426 = arith.constant 2 : i32
      %dma_wait3A_427 = arith.constant 0 : i32
      %dma_wait3A_428 = arith.constant 0 : i32
      %dma_wait3A_429 = arith.constant 0 : i32
      %dma_wait3A_430 = tpu.memref_slice %arg10[%dma_wait3A_426, %dma_wait3A_428, %dma_wait3A_429] : memref<6x128x64xf32, #tpu.memory_space<vmem>> -> memref<1x128x64xf32, #tpu.memory_space<vmem>>
      %dma_wait3A_431 = tpu.memref_squeeze %dma_wait3A_430 : memref<1x128x64xf32, #tpu.memory_space<vmem>> -> memref<128x64xf32, #tpu.memory_space<vmem>>
      %dma_wait3A_432 = arith.constant 0 : i32
      %dma_wait3A_433 = tpu.memref_slice %arg9[%dma_wait3A_427, %dma_wait3A_432] : memref<79x128xi32, #tpu.memory_space<vmem>> -> memref<1x128xi32, #tpu.memory_space<vmem>>
      %dma_wait3A_434 = tpu.memref_squeeze %dma_wait3A_433 : memref<1x128xi32, #tpu.memory_space<vmem>> -> memref<128xi32, #tpu.memory_space<vmem>>
      %dma_wait3A_435 = arith.constant 0 : i32
      %dma_wait3A_436 = arith.constant 0 : i32
      %dma_wait3A_437 = tpu.memref_slice %arg7[%dma_wait3A_435, %dma_wait3A_436] : memref<10112x64xf32, #tpu.memory_space<vmem_shared>> -> memref<10112x64xf32, #tpu.memory_space<vmem_shared>>
      tpu.wait_indirect_dma semaphore(%arg13 : memref<!tpu.dma_semaphore, #tpu.memory_space<semaphore_mem>>) src(%dma_wait3A_431 : memref<128x64xf32, #tpu.memory_space<vmem>>) dst(%dma_wait3A_437 : memref<10112x64xf32, #tpu.memory_space<vmem_shared>>)
      %lt3A = arith.constant 12 : i32
      %lt3A_438 = arith.cmpi slt, %scan3A_243, %lt3A : i32
      %convert_element_type3A_439 = arith.extui %lt3A_438 : i1 to i32
      %cond3A_440 = arith.constant 0 : i32
      %cond3A_441 = arith.cmpi ne, %convert_element_type3A_439, %cond3A_440 : i32
      scf.if %cond3A_441 {
        %add3A_483 = arith.constant 6 : i32
        %add3A_484 = arith.addi %mul3A_245, %add3A_483 : i32
        %add3A_485 = arith.constant 0 : i32
        %add3A_486 = arith.addi %add3A_484, %add3A_485 : i32
        %dma_start3A_487 = arith.constant 0 : i32
        %dma_start3A_488 = arith.constant 0 : i32
        %dma_start3A_489 = arith.constant 0 : i32
        %dma_start3A_490 = tpu.memref_slice %arg10[%dma_start3A_487, %dma_start3A_488, %dma_start3A_489] : memref<6x128x64xf32, #tpu.memory_space<vmem>> -> memref<1x128x64xf32, #tpu.memory_space<vmem>>
        %dma_start3A_491 = tpu.memref_squeeze %dma_start3A_490 : memref<1x128x64xf32, #tpu.memory_space<vmem>> -> memref<128x64xf32, #tpu.memory_space<vmem>>
        %dma_start3A_492 = arith.constant 0 : i32
        %dma_start3A_493 = tpu.memref_slice %arg8[%add3A_486, %dma_start3A_492] : memref<79x128xi32, #tpu.memory_space<vmem>> -> memref<1x128xi32, #tpu.memory_space<vmem>>
        %dma_start3A_494 = tpu.memref_squeeze %dma_start3A_493 : memref<1x128xi32, #tpu.memory_space<vmem>> -> memref<128xi32, #tpu.memory_space<vmem>>
        %dma_start3A_495 = arith.constant 0 : i32
        %dma_start3A_496 = arith.constant 0 : i32
        %dma_start3A_497 = tpu.memref_slice %arg2[%dma_start3A_495, %dma_start3A_496] : memref<20000x64xf32, #tpu.memory_space<hbm>> -> memref<20000x64xf32, #tpu.memory_space<hbm>>
        tpu.enqueue_indirect_dma source(%dma_start3A_497 : memref<20000x64xf32, #tpu.memory_space<hbm>>) target(%dma_start3A_491 : memref<128x64xf32, #tpu.memory_space<vmem>>) offsets(%dma_start3A_494 : memref<128xi32, #tpu.memory_space<vmem>>) semaphore(%arg12 : memref<!tpu.dma_semaphore, #tpu.memory_space<semaphore_mem>>)
        %add3A_498 = arith.constant 1 : i32
        %add3A_499 = arith.addi %add3A_484, %add3A_498 : i32
        %dma_start3A_500 = arith.constant 1 : i32
        %dma_start3A_501 = arith.constant 0 : i32
        %dma_start3A_502 = arith.constant 0 : i32
        %dma_start3A_503 = tpu.memref_slice %arg10[%dma_start3A_500, %dma_start3A_501, %dma_start3A_502] : memref<6x128x64xf32, #tpu.memory_space<vmem>> -> memref<1x128x64xf32, #tpu.memory_space<vmem>>
        %dma_start3A_504 = tpu.memref_squeeze %dma_start3A_503 : memref<1x128x64xf32, #tpu.memory_space<vmem>> -> memref<128x64xf32, #tpu.memory_space<vmem>>
        %dma_start3A_505 = arith.constant 0 : i32
        %dma_start3A_506 = tpu.memref_slice %arg8[%add3A_499, %dma_start3A_505] : memref<79x128xi32, #tpu.memory_space<vmem>> -> memref<1x128xi32, #tpu.memory_space<vmem>>
        %dma_start3A_507 = tpu.memref_squeeze %dma_start3A_506 : memref<1x128xi32, #tpu.memory_space<vmem>> -> memref<128xi32, #tpu.memory_space<vmem>>
        %dma_start3A_508 = arith.constant 0 : i32
        %dma_start3A_509 = arith.constant 0 : i32
        %dma_start3A_510 = tpu.memref_slice %arg2[%dma_start3A_508, %dma_start3A_509] : memref<20000x64xf32, #tpu.memory_space<hbm>> -> memref<20000x64xf32, #tpu.memory_space<hbm>>
        tpu.enqueue_indirect_dma source(%dma_start3A_510 : memref<20000x64xf32, #tpu.memory_space<hbm>>) target(%dma_start3A_504 : memref<128x64xf32, #tpu.memory_space<vmem>>) offsets(%dma_start3A_507 : memref<128xi32, #tpu.memory_space<vmem>>) semaphore(%arg12 : memref<!tpu.dma_semaphore, #tpu.memory_space<semaphore_mem>>)
        %add3A_511 = arith.constant 2 : i32
        %add3A_512 = arith.addi %add3A_484, %add3A_511 : i32
        %dma_start3A_513 = arith.constant 2 : i32
        %dma_start3A_514 = arith.constant 0 : i32
        %dma_start3A_515 = arith.constant 0 : i32
        %dma_start3A_516 = tpu.memref_slice %arg10[%dma_start3A_513, %dma_start3A_514, %dma_start3A_515] : memref<6x128x64xf32, #tpu.memory_space<vmem>> -> memref<1x128x64xf32, #tpu.memory_space<vmem>>
        %dma_start3A_517 = tpu.memref_squeeze %dma_start3A_516 : memref<1x128x64xf32, #tpu.memory_space<vmem>> -> memref<128x64xf32, #tpu.memory_space<vmem>>
        %dma_start3A_518 = arith.constant 0 : i32
        %dma_start3A_519 = tpu.memref_slice %arg8[%add3A_512, %dma_start3A_518] : memref<79x128xi32, #tpu.memory_space<vmem>> -> memref<1x128xi32, #tpu.memory_space<vmem>>
        %dma_start3A_520 = tpu.memref_squeeze %dma_start3A_519 : memref<1x128xi32, #tpu.memory_space<vmem>> -> memref<128xi32, #tpu.memory_space<vmem>>
        %dma_start3A_521 = arith.constant 0 : i32
        %dma_start3A_522 = arith.constant 0 : i32
        %dma_start3A_523 = tpu.memref_slice %arg2[%dma_start3A_521, %dma_start3A_522] : memref<20000x64xf32, #tpu.memory_space<hbm>> -> memref<20000x64xf32, #tpu.memory_space<hbm>>
        tpu.enqueue_indirect_dma source(%dma_start3A_523 : memref<20000x64xf32, #tpu.memory_space<hbm>>) target(%dma_start3A_517 : memref<128x64xf32, #tpu.memory_space<vmem>>) offsets(%dma_start3A_520 : memref<128xi32, #tpu.memory_space<vmem>>) semaphore(%arg12 : memref<!tpu.dma_semaphore, #tpu.memory_space<semaphore_mem>>)
      } else {
      }
      %add3A_442 = arith.constant 3 : i32
      %add3A_443 = arith.addi %mul3A_245, %add3A_442 : i32
      %add3A_444 = arith.constant 0 : i32
      %add3A_445 = arith.addi %add3A_443, %add3A_444 : i32
      %dma_start3A_446 = arith.constant 3 : i32
      %dma_start3A_447 = arith.constant 0 : i32
      %dma_start3A_448 = arith.constant 0 : i32
      %dma_start3A_449 = tpu.memref_slice %arg10[%dma_start3A_446, %dma_start3A_447, %dma_start3A_448] : memref<6x128x64xf32, #tpu.memory_space<vmem>> -> memref<1x128x64xf32, #tpu.memory_space<vmem>>
      %dma_start3A_450 = tpu.memref_squeeze %dma_start3A_449 : memref<1x128x64xf32, #tpu.memory_space<vmem>> -> memref<128x64xf32, #tpu.memory_space<vmem>>
      %dma_start3A_451 = arith.constant 0 : i32
      %dma_start3A_452 = tpu.memref_slice %arg9[%add3A_445, %dma_start3A_451] : memref<79x128xi32, #tpu.memory_space<vmem>> -> memref<1x128xi32, #tpu.memory_space<vmem>>
      %dma_start3A_453 = tpu.memref_squeeze %dma_start3A_452 : memref<1x128xi32, #tpu.memory_space<vmem>> -> memref<128xi32, #tpu.memory_space<vmem>>
      %dma_start3A_454 = arith.constant 0 : i32
      %dma_start3A_455 = arith.constant 0 : i32
      %dma_start3A_456 = tpu.memref_slice %arg7[%dma_start3A_454, %dma_start3A_455] : memref<10112x64xf32, #tpu.memory_space<vmem_shared>> -> memref<10112x64xf32, #tpu.memory_space<vmem_shared>>
      tpu.enqueue_indirect_dma source(%dma_start3A_450 : memref<128x64xf32, #tpu.memory_space<vmem>>) target(%dma_start3A_456 : memref<10112x64xf32, #tpu.memory_space<vmem_shared>>) offsets(%dma_start3A_453 : memref<128xi32, #tpu.memory_space<vmem>>) semaphore(%arg13 : memref<!tpu.dma_semaphore, #tpu.memory_space<semaphore_mem>>) {add = true}
      %add3A_457 = arith.constant 1 : i32
      %add3A_458 = arith.addi %add3A_443, %add3A_457 : i32
      %dma_start3A_459 = arith.constant 4 : i32
      %dma_start3A_460 = arith.constant 0 : i32
      %dma_start3A_461 = arith.constant 0 : i32
      %dma_start3A_462 = tpu.memref_slice %arg10[%dma_start3A_459, %dma_start3A_460, %dma_start3A_461] : memref<6x128x64xf32, #tpu.memory_space<vmem>> -> memref<1x128x64xf32, #tpu.memory_space<vmem>>
      %dma_start3A_463 = tpu.memref_squeeze %dma_start3A_462 : memref<1x128x64xf32, #tpu.memory_space<vmem>> -> memref<128x64xf32, #tpu.memory_space<vmem>>
      %dma_start3A_464 = arith.constant 0 : i32
      %dma_start3A_465 = tpu.memref_slice %arg9[%add3A_458, %dma_start3A_464] : memref<79x128xi32, #tpu.memory_space<vmem>> -> memref<1x128xi32, #tpu.memory_space<vmem>>
      %dma_start3A_466 = tpu.memref_squeeze %dma_start3A_465 : memref<1x128xi32, #tpu.memory_space<vmem>> -> memref<128xi32, #tpu.memory_space<vmem>>
      %dma_start3A_467 = arith.constant 0 : i32
      %dma_start3A_468 = arith.constant 0 : i32
      %dma_start3A_469 = tpu.memref_slice %arg7[%dma_start3A_467, %dma_start3A_468] : memref<10112x64xf32, #tpu.memory_space<vmem_shared>> -> memref<10112x64xf32, #tpu.memory_space<vmem_shared>>
      tpu.enqueue_indirect_dma source(%dma_start3A_463 : memref<128x64xf32, #tpu.memory_space<vmem>>) target(%dma_start3A_469 : memref<10112x64xf32, #tpu.memory_space<vmem_shared>>) offsets(%dma_start3A_466 : memref<128xi32, #tpu.memory_space<vmem>>) semaphore(%arg13 : memref<!tpu.dma_semaphore, #tpu.memory_space<semaphore_mem>>) {add = true}
      %add3A_470 = arith.constant 2 : i32
      %add3A_471 = arith.addi %add3A_443, %add3A_470 : i32
      %dma_start3A_472 = arith.constant 5 : i32
      %dma_start3A_473 = arith.constant 0 : i32
      %dma_start3A_474 = arith.constant 0 : i32
      %dma_start3A_475 = tpu.memref_slice %arg10[%dma_start3A_472, %dma_start3A_473, %dma_start3A_474] : memref<6x128x64xf32, #tpu.memory_space<vmem>> -> memref<1x128x64xf32, #tpu.memory_space<vmem>>
      %dma_start3A_476 = tpu.memref_squeeze %dma_start3A_475 : memref<1x128x64xf32, #tpu.memory_space<vmem>> -> memref<128x64xf32, #tpu.memory_space<vmem>>
      %dma_start3A_477 = arith.constant 0 : i32
      %dma_start3A_478 = tpu.memref_slice %arg9[%add3A_471, %dma_start3A_477] : memref<79x128xi32, #tpu.memory_space<vmem>> -> memref<1x128xi32, #tpu.memory_space<vmem>>
      %dma_start3A_479 = tpu.memref_squeeze %dma_start3A_478 : memref<1x128xi32, #tpu.memory_space<vmem>> -> memref<128xi32, #tpu.memory_space<vmem>>
      %dma_start3A_480 = arith.constant 0 : i32
      %dma_start3A_481 = arith.constant 0 : i32
      %dma_start3A_482 = tpu.memref_slice %arg7[%dma_start3A_480, %dma_start3A_481] : memref<10112x64xf32, #tpu.memory_space<vmem_shared>> -> memref<10112x64xf32, #tpu.memory_space<vmem_shared>>
      tpu.enqueue_indirect_dma source(%dma_start3A_476 : memref<128x64xf32, #tpu.memory_space<vmem>>) target(%dma_start3A_482 : memref<10112x64xf32, #tpu.memory_space<vmem_shared>>) offsets(%dma_start3A_479 : memref<128xi32, #tpu.memory_space<vmem>>) semaphore(%arg13 : memref<!tpu.dma_semaphore, #tpu.memory_space<semaphore_mem>>) {add = true}
    }
    %scan3A_80 = arith.constant 13 : i32
    %dma_wait3A = arith.constant 3 : i32
    %dma_wait3A_81 = arith.constant 0 : i32
    %dma_wait3A_82 = arith.constant 0 : i32
    %dma_wait3A_83 = arith.constant 0 : i32
    %dma_wait3A_84 = tpu.memref_slice %arg10[%dma_wait3A, %dma_wait3A_82, %dma_wait3A_83] : memref<6x128x64xf32, #tpu.memory_space<vmem>> -> memref<1x128x64xf32, #tpu.memory_space<vmem>>
    %dma_wait3A_85 = tpu.memref_squeeze %dma_wait3A_84 : memref<1x128x64xf32, #tpu.memory_space<vmem>> -> memref<128x64xf32, #tpu.memory_space<vmem>>
    %dma_wait3A_86 = arith.constant 0 : i32
    %dma_wait3A_87 = tpu.memref_slice %arg9[%dma_wait3A_81, %dma_wait3A_86] : memref<79x128xi32, #tpu.memory_space<vmem>> -> memref<1x128xi32, #tpu.memory_space<vmem>>
    %dma_wait3A_88 = tpu.memref_squeeze %dma_wait3A_87 : memref<1x128xi32, #tpu.memory_space<vmem>> -> memref<128xi32, #tpu.memory_space<vmem>>
    %dma_wait3A_89 = arith.constant 0 : i32
    %dma_wait3A_90 = arith.constant 0 : i32
    %dma_wait3A_91 = tpu.memref_slice %arg7[%dma_wait3A_89, %dma_wait3A_90] : memref<10112x64xf32, #tpu.memory_space<vmem_shared>> -> memref<10112x64xf32, #tpu.memory_space<vmem_shared>>
    tpu.wait_indirect_dma semaphore(%arg13 : memref<!tpu.dma_semaphore, #tpu.memory_space<semaphore_mem>>) src(%dma_wait3A_85 : memref<128x64xf32, #tpu.memory_space<vmem>>) dst(%dma_wait3A_91 : memref<10112x64xf32, #tpu.memory_space<vmem_shared>>)
    %dma_wait3A_92 = arith.constant 4 : i32
    %dma_wait3A_93 = arith.constant 0 : i32
    %dma_wait3A_94 = arith.constant 0 : i32
    %dma_wait3A_95 = arith.constant 0 : i32
    %dma_wait3A_96 = tpu.memref_slice %arg10[%dma_wait3A_92, %dma_wait3A_94, %dma_wait3A_95] : memref<6x128x64xf32, #tpu.memory_space<vmem>> -> memref<1x128x64xf32, #tpu.memory_space<vmem>>
    %dma_wait3A_97 = tpu.memref_squeeze %dma_wait3A_96 : memref<1x128x64xf32, #tpu.memory_space<vmem>> -> memref<128x64xf32, #tpu.memory_space<vmem>>
    %dma_wait3A_98 = arith.constant 0 : i32
    %dma_wait3A_99 = tpu.memref_slice %arg9[%dma_wait3A_93, %dma_wait3A_98] : memref<79x128xi32, #tpu.memory_space<vmem>> -> memref<1x128xi32, #tpu.memory_space<vmem>>
    %dma_wait3A_100 = tpu.memref_squeeze %dma_wait3A_99 : memref<1x128xi32, #tpu.memory_space<vmem>> -> memref<128xi32, #tpu.memory_space<vmem>>
    %dma_wait3A_101 = arith.constant 0 : i32
    %dma_wait3A_102 = arith.constant 0 : i32
    %dma_wait3A_103 = tpu.memref_slice %arg7[%dma_wait3A_101, %dma_wait3A_102] : memref<10112x64xf32, #tpu.memory_space<vmem_shared>> -> memref<10112x64xf32, #tpu.memory_space<vmem_shared>>
    tpu.wait_indirect_dma semaphore(%arg13 : memref<!tpu.dma_semaphore, #tpu.memory_space<semaphore_mem>>) src(%dma_wait3A_97 : memref<128x64xf32, #tpu.memory_space<vmem>>) dst(%dma_wait3A_103 : memref<10112x64xf32, #tpu.memory_space<vmem_shared>>)
    %dma_wait3A_104 = arith.constant 5 : i32
    %dma_wait3A_105 = arith.constant 0 : i32
    %dma_wait3A_106 = arith.constant 0 : i32
    %dma_wait3A_107 = arith.constant 0 : i32
    %dma_wait3A_108 = tpu.memref_slice %arg10[%dma_wait3A_104, %dma_wait3A_106, %dma_wait3A_107] : memref<6x128x64xf32, #tpu.memory_space<vmem>> -> memref<1x128x64xf32, #tpu.memory_space<vmem>>
    %dma_wait3A_109 = tpu.memref_squeeze %dma_wait3A_108 : memref<1x128x64xf32, #tpu.memory_space<vmem>> -> memref<128x64xf32, #tpu.memory_space<vmem>>
    %dma_wait3A_110 = arith.constant 0 : i32
    %dma_wait3A_111 = tpu.memref_slice %arg9[%dma_wait3A_105, %dma_wait3A_110] : memref<79x128xi32, #tpu.memory_space<vmem>> -> memref<1x128xi32, #tpu.memory_space<vmem>>
    %dma_wait3A_112 = tpu.memref_squeeze %dma_wait3A_111 : memref<1x128xi32, #tpu.memory_space<vmem>> -> memref<128xi32, #tpu.memory_space<vmem>>
    %dma_wait3A_113 = arith.constant 0 : i32
    %dma_wait3A_114 = arith.constant 0 : i32
    %dma_wait3A_115 = tpu.memref_slice %arg7[%dma_wait3A_113, %dma_wait3A_114] : memref<10112x64xf32, #tpu.memory_space<vmem_shared>> -> memref<10112x64xf32, #tpu.memory_space<vmem_shared>>
    tpu.wait_indirect_dma semaphore(%arg13 : memref<!tpu.dma_semaphore, #tpu.memory_space<semaphore_mem>>) src(%dma_wait3A_109 : memref<128x64xf32, #tpu.memory_space<vmem>>) dst(%dma_wait3A_115 : memref<10112x64xf32, #tpu.memory_space<vmem_shared>>)
    %eq3A_116 = arith.constant 1 : i32
    %eq3A_117 = arith.cmpi eq, %arg0, %eq3A_116 : i32
    %ge3A_118 = arith.constant 12 : i32
    %ge3A_119 = arith.cmpi sge, %arg1, %ge3A_118 : i32
    %and3A_120 = arith.andi %eq3A_117, %ge3A_119 : i1
    %convert_element_type3A_121 = arith.extui %and3A_120 : i1 to i32
    %cond3A_122 = arith.constant 0 : i32
    %cond3A_123 = arith.cmpi ne, %convert_element_type3A_121, %cond3A_122 : i32
    scf.if %cond3A_123 {
      %run_scoped3A = arith.constant 78 : i32
      %run_scoped3A_243 = arith.constant 0 : i32
      "tpu.region"() ({
        %run_scoped3A_246 = tpu.sem_alloc : memref<!tpu.dma_semaphore, #tpu.memory_space<semaphore_mem>>
        %dma_start3A_247 = arith.constant 0 : i32
        %dma_start3A_248 = arith.constant 0 : i32
        %dma_start3A_249 = tpu.memref_slice %arg10[%run_scoped3A_243, %dma_start3A_247, %dma_start3A_248] : memref<6x128x64xf32, #tpu.memory_space<vmem>> -> memref<1x128x64xf32, #tpu.memory_space<vmem>>
        %dma_start3A_250 = tpu.memref_squeeze %dma_start3A_249 : memref<1x128x64xf32, #tpu.memory_space<vmem>> -> memref<128x64xf32, #tpu.memory_space<vmem>>
        %dma_start3A_251 = arith.constant 0 : i32
        %dma_start3A_252 = tpu.memref_slice %arg8[%run_scoped3A, %dma_start3A_251] : memref<79x128xi32, #tpu.memory_space<vmem>> -> memref<1x128xi32, #tpu.memory_space<vmem>>
        %dma_start3A_253 = tpu.memref_squeeze %dma_start3A_252 : memref<1x128xi32, #tpu.memory_space<vmem>> -> memref<128xi32, #tpu.memory_space<vmem>>
        %dma_start3A_254 = arith.constant 0 : i32
        %dma_start3A_255 = arith.constant 0 : i32
        %dma_start3A_256 = tpu.memref_slice %arg2[%dma_start3A_254, %dma_start3A_255] : memref<20000x64xf32, #tpu.memory_space<hbm>> -> memref<20000x64xf32, #tpu.memory_space<hbm>>
        tpu.enqueue_indirect_dma source(%dma_start3A_256 : memref<20000x64xf32, #tpu.memory_space<hbm>>) target(%dma_start3A_250 : memref<128x64xf32, #tpu.memory_space<vmem>>) offsets(%dma_start3A_253 : memref<128xi32, #tpu.memory_space<vmem>>) semaphore(%run_scoped3A_246 : memref<!tpu.dma_semaphore, #tpu.memory_space<semaphore_mem>>)
        %dma_wait3A_257 = arith.constant 0 : i32
        %dma_wait3A_258 = arith.constant 0 : i32
        %dma_wait3A_259 = tpu.memref_slice %arg10[%run_scoped3A_243, %dma_wait3A_257, %dma_wait3A_258] : memref<6x128x64xf32, #tpu.memory_space<vmem>> -> memref<1x128x64xf32, #tpu.memory_space<vmem>>
        %dma_wait3A_260 = tpu.memref_squeeze %dma_wait3A_259 : memref<1x128x64xf32, #tpu.memory_space<vmem>> -> memref<128x64xf32, #tpu.memory_space<vmem>>
        %dma_wait3A_261 = arith.constant 0 : i32
        %dma_wait3A_262 = tpu.memref_slice %arg8[%run_scoped3A, %dma_wait3A_261] : memref<79x128xi32, #tpu.memory_space<vmem>> -> memref<1x128xi32, #tpu.memory_space<vmem>>
        %dma_wait3A_263 = tpu.memref_squeeze %dma_wait3A_262 : memref<1x128xi32, #tpu.memory_space<vmem>> -> memref<128xi32, #tpu.memory_space<vmem>>
        %dma_wait3A_264 = arith.constant 0 : i32
        %dma_wait3A_265 = arith.constant 0 : i32
        %dma_wait3A_266 = tpu.memref_slice %arg2[%dma_wait3A_264, %dma_wait3A_265] : memref<20000x64xf32, #tpu.memory_space<hbm>> -> memref<20000x64xf32, #tpu.memory_space<hbm>>
        tpu.wait_indirect_dma semaphore(%run_scoped3A_246 : memref<!tpu.dma_semaphore, #tpu.memory_space<semaphore_mem>>) src(%dma_wait3A_266 : memref<20000x64xf32, #tpu.memory_space<hbm>>) dst(%dma_wait3A_260 : memref<128x64xf32, #tpu.memory_space<vmem>>)
        tpu.yield
      }) : () -> ()
      %run_scoped3A_244 = arith.constant 0 : i32
      %run_scoped3A_245 = arith.constant 78 : i32
      "tpu.region"() ({
        %run_scoped3A_246 = tpu.sem_alloc : memref<!tpu.dma_semaphore, #tpu.memory_space<semaphore_mem>>
        %dma_start3A_247 = arith.constant 0 : i32
        %dma_start3A_248 = arith.constant 0 : i32
        %dma_start3A_249 = tpu.memref_slice %arg10[%run_scoped3A_244, %dma_start3A_247, %dma_start3A_248] : memref<6x128x64xf32, #tpu.memory_space<vmem>> -> memref<1x128x64xf32, #tpu.memory_space<vmem>>
        %dma_start3A_250 = tpu.memref_squeeze %dma_start3A_249 : memref<1x128x64xf32, #tpu.memory_space<vmem>> -> memref<128x64xf32, #tpu.memory_space<vmem>>
        %dma_start3A_251 = arith.constant 0 : i32
        %dma_start3A_252 = tpu.memref_slice %arg9[%run_scoped3A_245, %dma_start3A_251] : memref<79x128xi32, #tpu.memory_space<vmem>> -> memref<1x128xi32, #tpu.memory_space<vmem>>
        %dma_start3A_253 = tpu.memref_squeeze %dma_start3A_252 : memref<1x128xi32, #tpu.memory_space<vmem>> -> memref<128xi32, #tpu.memory_space<vmem>>
        %dma_start3A_254 = arith.constant 0 : i32
        %dma_start3A_255 = arith.constant 0 : i32
        %dma_start3A_256 = tpu.memref_slice %arg7[%dma_start3A_254, %dma_start3A_255] : memref<10112x64xf32, #tpu.memory_space<vmem_shared>> -> memref<10112x64xf32, #tpu.memory_space<vmem_shared>>
        tpu.enqueue_indirect_dma source(%dma_start3A_250 : memref<128x64xf32, #tpu.memory_space<vmem>>) target(%dma_start3A_256 : memref<10112x64xf32, #tpu.memory_space<vmem_shared>>) offsets(%dma_start3A_253 : memref<128xi32, #tpu.memory_space<vmem>>) semaphore(%run_scoped3A_246 : memref<!tpu.dma_semaphore, #tpu.memory_space<semaphore_mem>>) {add = true}
        %dma_wait3A_257 = arith.constant 0 : i32
        %dma_wait3A_258 = arith.constant 0 : i32
        %dma_wait3A_259 = tpu.memref_slice %arg10[%run_scoped3A_244, %dma_wait3A_257, %dma_wait3A_258] : memref<6x128x64xf32, #tpu.memory_space<vmem>> -> memref<1x128x64xf32, #tpu.memory_space<vmem>>
        %dma_wait3A_260 = tpu.memref_squeeze %dma_wait3A_259 : memref<1x128x64xf32, #tpu.memory_space<vmem>> -> memref<128x64xf32, #tpu.memory_space<vmem>>
        %dma_wait3A_261 = arith.constant 0 : i32
        %dma_wait3A_262 = tpu.memref_slice %arg9[%run_scoped3A_245, %dma_wait3A_261] : memref<79x128xi32, #tpu.memory_space<vmem>> -> memref<1x128xi32, #tpu.memory_space<vmem>>
        %dma_wait3A_263 = tpu.memref_squeeze %dma_wait3A_262 : memref<1x128xi32, #tpu.memory_space<vmem>> -> memref<128xi32, #tpu.memory_space<vmem>>
        %dma_wait3A_264 = arith.constant 0 : i32
        %dma_wait3A_265 = arith.constant 0 : i32
        %dma_wait3A_266 = tpu.memref_slice %arg7[%dma_wait3A_264, %dma_wait3A_265] : memref<10112x64xf32, #tpu.memory_space<vmem_shared>> -> memref<10112x64xf32, #tpu.memory_space<vmem_shared>>
        tpu.wait_indirect_dma semaphore(%run_scoped3A_246 : memref<!tpu.dma_semaphore, #tpu.memory_space<semaphore_mem>>) src(%dma_wait3A_260 : memref<128x64xf32, #tpu.memory_space<vmem>>) dst(%dma_wait3A_266 : memref<10112x64xf32, #tpu.memory_space<vmem_shared>>)
        tpu.yield
      }) : () -> ()
    } else {
    }
    %barrier3A_124 = arith.constant 0 : index
    tpu.barrier barrier_id(%barrier3A_124)
    "tpu.region"() ({
      %run_scoped3A = tpu.sem_alloc : memref<!tpu.dma_semaphore, #tpu.memory_space<semaphore_mem>>
      %dma_start3A_243 = arith.constant 0 : i32
      %dma_start3A_244 = tpu.memref_slice %arg6[%arg0, %mul3A_0, %dma_start3A_243] : memref<2x10112x128xf32, #tpu.memory_space<hbm>> -> memref<1x632x64xf32, #tpu.memory_space<hbm>>
      %dma_start3A_245 = tpu.memref_squeeze %dma_start3A_244 : memref<1x632x64xf32, #tpu.memory_space<hbm>> -> memref<632x64xf32, #tpu.memory_space<hbm>>
      %dma_start3A_246 = arith.constant 0 : i32
      %dma_start3A_247 = tpu.memref_slice %arg7[%mul3A_0, %dma_start3A_246] : memref<10112x64xf32, #tpu.memory_space<vmem_shared>> -> memref<632x64xf32, #tpu.memory_space<vmem_shared>>
      tpu.enqueue_dma source(%dma_start3A_247 : memref<632x64xf32, #tpu.memory_space<vmem_shared>>) target(%dma_start3A_245 : memref<632x64xf32, #tpu.memory_space<hbm>>) target_semaphore(%run_scoped3A : memref<!tpu.dma_semaphore, #tpu.memory_space<semaphore_mem>>)
      %dma_wait3A_248 = arith.constant 0 : i32
      %dma_wait3A_249 = tpu.memref_slice %arg6[%arg0, %mul3A_0, %dma_wait3A_248] : memref<2x10112x128xf32, #tpu.memory_space<hbm>> -> memref<1x632x64xf32, #tpu.memory_space<hbm>>
      %dma_wait3A_250 = tpu.memref_squeeze %dma_wait3A_249 : memref<1x632x64xf32, #tpu.memory_space<hbm>> -> memref<632x64xf32, #tpu.memory_space<hbm>>
      %dma_wait3A_251 = arith.constant 0 : i32
      %dma_wait3A_252 = tpu.memref_slice %arg7[%mul3A_0, %dma_wait3A_251] : memref<10112x64xf32, #tpu.memory_space<vmem_shared>> -> memref<632x64xf32, #tpu.memory_space<vmem_shared>>
      tpu.wait_dma2 semaphore(%run_scoped3A : memref<!tpu.dma_semaphore, #tpu.memory_space<semaphore_mem>>) src(%dma_wait3A_252 : memref<632x64xf32, #tpu.memory_space<vmem_shared>>) dst(%dma_wait3A_250 : memref<632x64xf32, #tpu.memory_space<hbm>>)
      tpu.yield
    }) : () -> ()
    %barrier3A_125 = arith.constant 0 : index
    tpu.barrier barrier_id(%barrier3A_125)
    %eq3A_126 = arith.constant 0 : i32
    %eq3A_127 = arith.cmpi eq, %arg0, %eq3A_126 : i32
    %convert_element_type3A_128 = arith.extui %eq3A_127 : i1 to i32
    %cond3A_129 = arith.constant 0 : i32
    %cond3A_130 = arith.cmpi ne, %convert_element_type3A_128, %cond3A_129 : i32
    scf.if %cond3A_130 {
      %mul3A_243 = arith.constant 78 : i32
      %mul3A_244 = arith.muli %arg1, %mul3A_243 : i32
      %add3A_245 = arith.constant 2500 : i32
      %add3A_246 = arith.addi %add3A_245, %mul3A_244 : i32
      "tpu.region"() ({
        %run_scoped3A = tpu.sem_alloc : memref<!tpu.dma_semaphore, #tpu.memory_space<semaphore_mem>>
        %dma_start3A_247 = arith.constant 0 : i32
        %dma_start3A_248 = arith.constant 0 : i32
        %dma_start3A_249 = tpu.memref_slice %arg8[%dma_start3A_247, %dma_start3A_248] : memref<79x128xi32, #tpu.memory_space<vmem>> -> memref<78x128xi32, #tpu.memory_space<vmem>>
        %dma_start3A_250 = arith.constant 0 : i32
        %dma_start3A_251 = tpu.memref_slice %arg3[%add3A_246, %dma_start3A_250] : memref<5000x128xi32, #tpu.memory_space<hbm>> -> memref<78x128xi32, #tpu.memory_space<hbm>>
        %dma_start3A_252 = arith.constant 0 : i32
        %dma_start3A_253 = arith.constant 0 : i32
        %dma_start3A_254 = tpu.memref_slice %arg8[%dma_start3A_252, %dma_start3A_253] : memref<79x128xi32, #tpu.memory_space<vmem>> -> memref<78x128xi32, #tpu.memory_space<vmem>>
        %dma_start3A_255 = arith.constant 0 : i32
        %dma_start3A_256 = tpu.memref_slice %arg3[%add3A_246, %dma_start3A_255] : memref<5000x128xi32, #tpu.memory_space<hbm>> -> memref<78x128xi32, #tpu.memory_space<hbm>>
        tpu.enqueue_dma source(%dma_start3A_256 : memref<78x128xi32, #tpu.memory_space<hbm>>) target(%dma_start3A_254 : memref<78x128xi32, #tpu.memory_space<vmem>>) target_semaphore(%run_scoped3A : memref<!tpu.dma_semaphore, #tpu.memory_space<semaphore_mem>>)
        %dma_wait3A_257 = arith.constant 0 : i32
        %dma_wait3A_258 = arith.constant 0 : i32
        %dma_wait3A_259 = tpu.memref_slice %arg8[%dma_wait3A_257, %dma_wait3A_258] : memref<79x128xi32, #tpu.memory_space<vmem>> -> memref<78x128xi32, #tpu.memory_space<vmem>>
        %dma_wait3A_260 = arith.constant 0 : i32
        %dma_wait3A_261 = tpu.memref_slice %arg3[%add3A_246, %dma_wait3A_260] : memref<5000x128xi32, #tpu.memory_space<hbm>> -> memref<78x128xi32, #tpu.memory_space<hbm>>
        %dma_wait3A_262 = arith.constant 0 : i32
        %dma_wait3A_263 = arith.constant 0 : i32
        %dma_wait3A_264 = tpu.memref_slice %arg8[%dma_wait3A_262, %dma_wait3A_263] : memref<79x128xi32, #tpu.memory_space<vmem>> -> memref<78x128xi32, #tpu.memory_space<vmem>>
        %dma_wait3A_265 = arith.constant 0 : i32
        %dma_wait3A_266 = tpu.memref_slice %arg3[%add3A_246, %dma_wait3A_265] : memref<5000x128xi32, #tpu.memory_space<hbm>> -> memref<78x128xi32, #tpu.memory_space<hbm>>
        tpu.wait_dma2 semaphore(%run_scoped3A : memref<!tpu.dma_semaphore, #tpu.memory_space<semaphore_mem>>) src(%dma_wait3A_266 : memref<78x128xi32, #tpu.memory_space<hbm>>) dst(%dma_wait3A_264 : memref<78x128xi32, #tpu.memory_space<vmem>>)
        tpu.yield
      }) : () -> ()
    } else {
    }
    %eq3A_131 = arith.constant 1 : i32
    %eq3A_132 = arith.cmpi eq, %arg0, %eq3A_131 : i32
    %convert_element_type3A_133 = arith.extui %eq3A_132 : i1 to i32
    %cond3A_134 = arith.constant 0 : i32
    %cond3A_135 = arith.cmpi ne, %convert_element_type3A_133, %cond3A_134 : i32
    scf.if %cond3A_135 {
      %mul3A_243 = arith.constant 78 : i32
      %mul3A_244 = arith.muli %arg1, %mul3A_243 : i32
      %add3A_245 = arith.constant 3748 : i32
      %add3A_246 = arith.addi %add3A_245, %mul3A_244 : i32
      "tpu.region"() ({
        %run_scoped3A = tpu.sem_alloc : memref<!tpu.dma_semaphore, #tpu.memory_space<semaphore_mem>>
        %dma_start3A_247 = arith.constant 0 : i32
        %dma_start3A_248 = arith.constant 0 : i32
        %dma_start3A_249 = tpu.memref_slice %arg8[%dma_start3A_247, %dma_start3A_248] : memref<79x128xi32, #tpu.memory_space<vmem>> -> memref<78x128xi32, #tpu.memory_space<vmem>>
        %dma_start3A_250 = arith.constant 0 : i32
        %dma_start3A_251 = tpu.memref_slice %arg3[%add3A_246, %dma_start3A_250] : memref<5000x128xi32, #tpu.memory_space<hbm>> -> memref<78x128xi32, #tpu.memory_space<hbm>>
        %dma_start3A_252 = arith.constant 0 : i32
        %dma_start3A_253 = arith.constant 0 : i32
        %dma_start3A_254 = tpu.memref_slice %arg8[%dma_start3A_252, %dma_start3A_253] : memref<79x128xi32, #tpu.memory_space<vmem>> -> memref<78x128xi32, #tpu.memory_space<vmem>>
        %dma_start3A_255 = arith.constant 0 : i32
        %dma_start3A_256 = tpu.memref_slice %arg3[%add3A_246, %dma_start3A_255] : memref<5000x128xi32, #tpu.memory_space<hbm>> -> memref<78x128xi32, #tpu.memory_space<hbm>>
        tpu.enqueue_dma source(%dma_start3A_256 : memref<78x128xi32, #tpu.memory_space<hbm>>) target(%dma_start3A_254 : memref<78x128xi32, #tpu.memory_space<vmem>>) target_semaphore(%run_scoped3A : memref<!tpu.dma_semaphore, #tpu.memory_space<semaphore_mem>>)
        %dma_wait3A_257 = arith.constant 0 : i32
        %dma_wait3A_258 = arith.constant 0 : i32
        %dma_wait3A_259 = tpu.memref_slice %arg8[%dma_wait3A_257, %dma_wait3A_258] : memref<79x128xi32, #tpu.memory_space<vmem>> -> memref<78x128xi32, #tpu.memory_space<vmem>>
        %dma_wait3A_260 = arith.constant 0 : i32
        %dma_wait3A_261 = tpu.memref_slice %arg3[%add3A_246, %dma_wait3A_260] : memref<5000x128xi32, #tpu.memory_space<hbm>> -> memref<78x128xi32, #tpu.memory_space<hbm>>
        %dma_wait3A_262 = arith.constant 0 : i32
        %dma_wait3A_263 = arith.constant 0 : i32
        %dma_wait3A_264 = tpu.memref_slice %arg8[%dma_wait3A_262, %dma_wait3A_263] : memref<79x128xi32, #tpu.memory_space<vmem>> -> memref<78x128xi32, #tpu.memory_space<vmem>>
        %dma_wait3A_265 = arith.constant 0 : i32
        %dma_wait3A_266 = tpu.memref_slice %arg3[%add3A_246, %dma_wait3A_265] : memref<5000x128xi32, #tpu.memory_space<hbm>> -> memref<78x128xi32, #tpu.memory_space<hbm>>
        tpu.wait_dma2 semaphore(%run_scoped3A : memref<!tpu.dma_semaphore, #tpu.memory_space<semaphore_mem>>) src(%dma_wait3A_266 : memref<78x128xi32, #tpu.memory_space<hbm>>) dst(%dma_wait3A_264 : memref<78x128xi32, #tpu.memory_space<vmem>>)
        tpu.yield
      }) : () -> ()
    } else {
    }
    %eq3A_136 = arith.constant 1 : i32
    %eq3A_137 = arith.cmpi eq, %arg0, %eq3A_136 : i32
    %ge3A_138 = arith.constant 12 : i32
    %ge3A_139 = arith.cmpi sge, %arg1, %ge3A_138 : i32
    %and3A_140 = arith.andi %eq3A_137, %ge3A_139 : i1
    %convert_element_type3A_141 = arith.extui %and3A_140 : i1 to i32
    %cond3A_142 = arith.constant 0 : i32
    %cond3A_143 = arith.cmpi ne, %convert_element_type3A_141, %cond3A_142 : i32
    scf.if %cond3A_143 {
      %add3A_243 = arith.constant 4996 : i32
      %add3A_244 = arith.addi %add3A_243, %arg1 : i32
      %sub3A = arith.constant 12 : i32
      %sub3A_245 = arith.subi %add3A_244, %sub3A : i32
      "tpu.region"() ({
        %run_scoped3A = tpu.sem_alloc : memref<!tpu.dma_semaphore, #tpu.memory_space<semaphore_mem>>
        %dma_start3A_246 = arith.constant 78 : i32
        %dma_start3A_247 = arith.constant 0 : i32
        %dma_start3A_248 = tpu.memref_slice %arg8[%dma_start3A_246, %dma_start3A_247] : memref<79x128xi32, #tpu.memory_space<vmem>> -> memref<1x128xi32, #tpu.memory_space<vmem>>
        %dma_start3A_249 = arith.constant 0 : i32
        %dma_start3A_250 = tpu.memref_slice %arg3[%sub3A_245, %dma_start3A_249] : memref<5000x128xi32, #tpu.memory_space<hbm>> -> memref<1x128xi32, #tpu.memory_space<hbm>>
        %dma_start3A_251 = arith.constant 78 : i32
        %dma_start3A_252 = arith.constant 0 : i32
        %dma_start3A_253 = tpu.memref_slice %arg8[%dma_start3A_251, %dma_start3A_252] : memref<79x128xi32, #tpu.memory_space<vmem>> -> memref<1x128xi32, #tpu.memory_space<vmem>>
        %dma_start3A_254 = arith.constant 0 : i32
        %dma_start3A_255 = tpu.memref_slice %arg3[%sub3A_245, %dma_start3A_254] : memref<5000x128xi32, #tpu.memory_space<hbm>> -> memref<1x128xi32, #tpu.memory_space<hbm>>
        tpu.enqueue_dma source(%dma_start3A_255 : memref<1x128xi32, #tpu.memory_space<hbm>>) target(%dma_start3A_253 : memref<1x128xi32, #tpu.memory_space<vmem>>) target_semaphore(%run_scoped3A : memref<!tpu.dma_semaphore, #tpu.memory_space<semaphore_mem>>)
        %dma_wait3A_256 = arith.constant 78 : i32
        %dma_wait3A_257 = arith.constant 0 : i32
        %dma_wait3A_258 = tpu.memref_slice %arg8[%dma_wait3A_256, %dma_wait3A_257] : memref<79x128xi32, #tpu.memory_space<vmem>> -> memref<1x128xi32, #tpu.memory_space<vmem>>
        %dma_wait3A_259 = arith.constant 0 : i32
        %dma_wait3A_260 = tpu.memref_slice %arg3[%sub3A_245, %dma_wait3A_259] : memref<5000x128xi32, #tpu.memory_space<hbm>> -> memref<1x128xi32, #tpu.memory_space<hbm>>
        %dma_wait3A_261 = arith.constant 78 : i32
        %dma_wait3A_262 = arith.constant 0 : i32
        %dma_wait3A_263 = tpu.memref_slice %arg8[%dma_wait3A_261, %dma_wait3A_262] : memref<79x128xi32, #tpu.memory_space<vmem>> -> memref<1x128xi32, #tpu.memory_space<vmem>>
        %dma_wait3A_264 = arith.constant 0 : i32
        %dma_wait3A_265 = tpu.memref_slice %arg3[%sub3A_245, %dma_wait3A_264] : memref<5000x128xi32, #tpu.memory_space<hbm>> -> memref<1x128xi32, #tpu.memory_space<hbm>>
        tpu.wait_dma2 semaphore(%run_scoped3A : memref<!tpu.dma_semaphore, #tpu.memory_space<semaphore_mem>>) src(%dma_wait3A_265 : memref<1x128xi32, #tpu.memory_space<hbm>>) dst(%dma_wait3A_263 : memref<1x128xi32, #tpu.memory_space<vmem>>)
        tpu.yield
      }) : () -> ()
    } else {
    }
    %add3A_144 = arith.constant 0 : i32
    %add3A_145 = arith.addi %mul3A_0, %add3A_144 : i32
    "tpu.region"() ({
      %run_scoped3A = tpu.sem_alloc : memref<!tpu.dma_semaphore, #tpu.memory_space<semaphore_mem>>
      %dma_start3A_243 = arith.constant 0 : i32
      %dma_start3A_244 = tpu.memref_slice %arg7[%add3A_145, %dma_start3A_243] : memref<10112x64xf32, #tpu.memory_space<vmem_shared>> -> memref<128x64xf32, #tpu.memory_space<vmem_shared>>
      %dma_start3A_245 = arith.constant 0 : i32
      %dma_start3A_246 = tpu.memref_slice %arg7[%add3A_145, %dma_start3A_245] : memref<10112x64xf32, #tpu.memory_space<vmem_shared>> -> memref<128x64xf32, #tpu.memory_space<vmem_shared>>
      tpu.enqueue_dma source(%arg11 : memref<128x64xf32, #tpu.memory_space<vmem>>) target(%dma_start3A_246 : memref<128x64xf32, #tpu.memory_space<vmem_shared>>) target_semaphore(%run_scoped3A : memref<!tpu.dma_semaphore, #tpu.memory_space<semaphore_mem>>)
      %dma_wait3A_247 = arith.constant 0 : i32
      %dma_wait3A_248 = tpu.memref_slice %arg7[%add3A_145, %dma_wait3A_247] : memref<10112x64xf32, #tpu.memory_space<vmem_shared>> -> memref<128x64xf32, #tpu.memory_space<vmem_shared>>
      %dma_wait3A_249 = arith.constant 0 : i32
      %dma_wait3A_250 = tpu.memref_slice %arg7[%add3A_145, %dma_wait3A_249] : memref<10112x64xf32, #tpu.memory_space<vmem_shared>> -> memref<128x64xf32, #tpu.memory_space<vmem_shared>>
      tpu.wait_dma2 semaphore(%run_scoped3A : memref<!tpu.dma_semaphore, #tpu.memory_space<semaphore_mem>>) src(%arg11 : memref<128x64xf32, #tpu.memory_space<vmem>>) dst(%dma_wait3A_250 : memref<128x64xf32, #tpu.memory_space<vmem_shared>>)
      tpu.yield
    }) : () -> ()
    %add3A_146 = arith.constant 128 : i32
    %add3A_147 = arith.addi %mul3A_0, %add3A_146 : i32
    "tpu.region"() ({
      %run_scoped3A = tpu.sem_alloc : memref<!tpu.dma_semaphore, #tpu.memory_space<semaphore_mem>>
      %dma_start3A_243 = arith.constant 0 : i32
      %dma_start3A_244 = tpu.memref_slice %arg7[%add3A_147, %dma_start3A_243] : memref<10112x64xf32, #tpu.memory_space<vmem_shared>> -> memref<128x64xf32, #tpu.memory_space<vmem_shared>>
      %dma_start3A_245 = arith.constant 0 : i32
      %dma_start3A_246 = tpu.memref_slice %arg7[%add3A_147, %dma_start3A_245] : memref<10112x64xf32, #tpu.memory_space<vmem_shared>> -> memref<128x64xf32, #tpu.memory_space<vmem_shared>>
      tpu.enqueue_dma source(%arg11 : memref<128x64xf32, #tpu.memory_space<vmem>>) target(%dma_start3A_246 : memref<128x64xf32, #tpu.memory_space<vmem_shared>>) target_semaphore(%run_scoped3A : memref<!tpu.dma_semaphore, #tpu.memory_space<semaphore_mem>>)
      %dma_wait3A_247 = arith.constant 0 : i32
      %dma_wait3A_248 = tpu.memref_slice %arg7[%add3A_147, %dma_wait3A_247] : memref<10112x64xf32, #tpu.memory_space<vmem_shared>> -> memref<128x64xf32, #tpu.memory_space<vmem_shared>>
      %dma_wait3A_249 = arith.constant 0 : i32
      %dma_wait3A_250 = tpu.memref_slice %arg7[%add3A_147, %dma_wait3A_249] : memref<10112x64xf32, #tpu.memory_space<vmem_shared>> -> memref<128x64xf32, #tpu.memory_space<vmem_shared>>
      tpu.wait_dma2 semaphore(%run_scoped3A : memref<!tpu.dma_semaphore, #tpu.memory_space<semaphore_mem>>) src(%arg11 : memref<128x64xf32, #tpu.memory_space<vmem>>) dst(%dma_wait3A_250 : memref<128x64xf32, #tpu.memory_space<vmem_shared>>)
      tpu.yield
    }) : () -> ()
    %add3A_148 = arith.constant 256 : i32
    %add3A_149 = arith.addi %mul3A_0, %add3A_148 : i32
    "tpu.region"() ({
      %run_scoped3A = tpu.sem_alloc : memref<!tpu.dma_semaphore, #tpu.memory_space<semaphore_mem>>
      %dma_start3A_243 = arith.constant 0 : i32
      %dma_start3A_244 = tpu.memref_slice %arg7[%add3A_149, %dma_start3A_243] : memref<10112x64xf32, #tpu.memory_space<vmem_shared>> -> memref<128x64xf32, #tpu.memory_space<vmem_shared>>
      %dma_start3A_245 = arith.constant 0 : i32
      %dma_start3A_246 = tpu.memref_slice %arg7[%add3A_149, %dma_start3A_245] : memref<10112x64xf32, #tpu.memory_space<vmem_shared>> -> memref<128x64xf32, #tpu.memory_space<vmem_shared>>
      tpu.enqueue_dma source(%arg11 : memref<128x64xf32, #tpu.memory_space<vmem>>) target(%dma_start3A_246 : memref<128x64xf32, #tpu.memory_space<vmem_shared>>) target_semaphore(%run_scoped3A : memref<!tpu.dma_semaphore, #tpu.memory_space<semaphore_mem>>)
      %dma_wait3A_247 = arith.constant 0 : i32
      %dma_wait3A_248 = tpu.memref_slice %arg7[%add3A_149, %dma_wait3A_247] : memref<10112x64xf32, #tpu.memory_space<vmem_shared>> -> memref<128x64xf32, #tpu.memory_space<vmem_shared>>
      %dma_wait3A_249 = arith.constant 0 : i32
      %dma_wait3A_250 = tpu.memref_slice %arg7[%add3A_149, %dma_wait3A_249] : memref<10112x64xf32, #tpu.memory_space<vmem_shared>> -> memref<128x64xf32, #tpu.memory_space<vmem_shared>>
      tpu.wait_dma2 semaphore(%run_scoped3A : memref<!tpu.dma_semaphore, #tpu.memory_space<semaphore_mem>>) src(%arg11 : memref<128x64xf32, #tpu.memory_space<vmem>>) dst(%dma_wait3A_250 : memref<128x64xf32, #tpu.memory_space<vmem_shared>>)
      tpu.yield
    }) : () -> ()
    %add3A_150 = arith.constant 384 : i32
    %add3A_151 = arith.addi %mul3A_0, %add3A_150 : i32
    "tpu.region"() ({
      %run_scoped3A = tpu.sem_alloc : memref<!tpu.dma_semaphore, #tpu.memory_space<semaphore_mem>>
      %dma_start3A_243 = arith.constant 0 : i32
      %dma_start3A_244 = tpu.memref_slice %arg7[%add3A_151, %dma_start3A_243] : memref<10112x64xf32, #tpu.memory_space<vmem_shared>> -> memref<128x64xf32, #tpu.memory_space<vmem_shared>>
      %dma_start3A_245 = arith.constant 0 : i32
      %dma_start3A_246 = tpu.memref_slice %arg7[%add3A_151, %dma_start3A_245] : memref<10112x64xf32, #tpu.memory_space<vmem_shared>> -> memref<128x64xf32, #tpu.memory_space<vmem_shared>>
      tpu.enqueue_dma source(%arg11 : memref<128x64xf32, #tpu.memory_space<vmem>>) target(%dma_start3A_246 : memref<128x64xf32, #tpu.memory_space<vmem_shared>>) target_semaphore(%run_scoped3A : memref<!tpu.dma_semaphore, #tpu.memory_space<semaphore_mem>>)
      %dma_wait3A_247 = arith.constant 0 : i32
      %dma_wait3A_248 = tpu.memref_slice %arg7[%add3A_151, %dma_wait3A_247] : memref<10112x64xf32, #tpu.memory_space<vmem_shared>> -> memref<128x64xf32, #tpu.memory_space<vmem_shared>>
      %dma_wait3A_249 = arith.constant 0 : i32
      %dma_wait3A_250 = tpu.memref_slice %arg7[%add3A_151, %dma_wait3A_249] : memref<10112x64xf32, #tpu.memory_space<vmem_shared>> -> memref<128x64xf32, #tpu.memory_space<vmem_shared>>
      tpu.wait_dma2 semaphore(%run_scoped3A : memref<!tpu.dma_semaphore, #tpu.memory_space<semaphore_mem>>) src(%arg11 : memref<128x64xf32, #tpu.memory_space<vmem>>) dst(%dma_wait3A_250 : memref<128x64xf32, #tpu.memory_space<vmem_shared>>)
      tpu.yield
    }) : () -> ()
    %add3A_152 = arith.constant 512 : i32
    %add3A_153 = arith.addi %mul3A_0, %add3A_152 : i32
    "tpu.region"() ({
      %run_scoped3A = tpu.sem_alloc : memref<!tpu.dma_semaphore, #tpu.memory_space<semaphore_mem>>
      %dma_start3A_243 = arith.constant 0 : i32
      %dma_start3A_244 = arith.constant 0 : i32
      %dma_start3A_245 = tpu.memref_slice %arg11[%dma_start3A_243, %dma_start3A_244] : memref<128x64xf32, #tpu.memory_space<vmem>> -> memref<120x64xf32, #tpu.memory_space<vmem>>
      %dma_start3A_246 = arith.constant 0 : i32
      %dma_start3A_247 = tpu.memref_slice %arg7[%add3A_153, %dma_start3A_246] : memref<10112x64xf32, #tpu.memory_space<vmem_shared>> -> memref<120x64xf32, #tpu.memory_space<vmem_shared>>
      %dma_start3A_248 = arith.constant 0 : i32
      %dma_start3A_249 = tpu.memref_slice %arg7[%add3A_153, %dma_start3A_248] : memref<10112x64xf32, #tpu.memory_space<vmem_shared>> -> memref<120x64xf32, #tpu.memory_space<vmem_shared>>
      %dma_start3A_250 = arith.constant 0 : i32
      %dma_start3A_251 = arith.constant 0 : i32
      %dma_start3A_252 = tpu.memref_slice %arg11[%dma_start3A_250, %dma_start3A_251] : memref<128x64xf32, #tpu.memory_space<vmem>> -> memref<120x64xf32, #tpu.memory_space<vmem>>
      tpu.enqueue_dma source(%dma_start3A_252 : memref<120x64xf32, #tpu.memory_space<vmem>>) target(%dma_start3A_249 : memref<120x64xf32, #tpu.memory_space<vmem_shared>>) target_semaphore(%run_scoped3A : memref<!tpu.dma_semaphore, #tpu.memory_space<semaphore_mem>>)
      %dma_wait3A_253 = arith.constant 0 : i32
      %dma_wait3A_254 = arith.constant 0 : i32
      %dma_wait3A_255 = tpu.memref_slice %arg11[%dma_wait3A_253, %dma_wait3A_254] : memref<128x64xf32, #tpu.memory_space<vmem>> -> memref<120x64xf32, #tpu.memory_space<vmem>>
      %dma_wait3A_256 = arith.constant 0 : i32
      %dma_wait3A_257 = tpu.memref_slice %arg7[%add3A_153, %dma_wait3A_256] : memref<10112x64xf32, #tpu.memory_space<vmem_shared>> -> memref<120x64xf32, #tpu.memory_space<vmem_shared>>
      %dma_wait3A_258 = arith.constant 0 : i32
      %dma_wait3A_259 = tpu.memref_slice %arg7[%add3A_153, %dma_wait3A_258] : memref<10112x64xf32, #tpu.memory_space<vmem_shared>> -> memref<120x64xf32, #tpu.memory_space<vmem_shared>>
      %dma_wait3A_260 = arith.constant 0 : i32
      %dma_wait3A_261 = arith.constant 0 : i32
      %dma_wait3A_262 = tpu.memref_slice %arg11[%dma_wait3A_260, %dma_wait3A_261] : memref<128x64xf32, #tpu.memory_space<vmem>> -> memref<120x64xf32, #tpu.memory_space<vmem>>
      tpu.wait_dma2 semaphore(%run_scoped3A : memref<!tpu.dma_semaphore, #tpu.memory_space<semaphore_mem>>) src(%dma_wait3A_262 : memref<120x64xf32, #tpu.memory_space<vmem>>) dst(%dma_wait3A_259 : memref<120x64xf32, #tpu.memory_space<vmem_shared>>)
      tpu.yield
    }) : () -> ()
    %barrier3A_154 = arith.constant 0 : index
    tpu.barrier barrier_id(%barrier3A_154)
    %dma_start3A_155 = arith.constant 0 : i32
    %dma_start3A_156 = arith.constant 0 : i32
    %dma_start3A_157 = arith.constant 0 : i32
    %dma_start3A_158 = arith.constant 0 : i32
    %dma_start3A_159 = tpu.memref_slice %arg10[%dma_start3A_156, %dma_start3A_157, %dma_start3A_158] : memref<6x128x64xf32, #tpu.memory_space<vmem>> -> memref<1x128x64xf32, #tpu.memory_space<vmem>>
    %dma_start3A_160 = tpu.memref_squeeze %dma_start3A_159 : memref<1x128x64xf32, #tpu.memory_space<vmem>> -> memref<128x64xf32, #tpu.memory_space<vmem>>
    %dma_start3A_161 = arith.constant 0 : i32
    %dma_start3A_162 = tpu.memref_slice %arg8[%dma_start3A_155, %dma_start3A_161] : memref<79x128xi32, #tpu.memory_space<vmem>> -> memref<1x128xi32, #tpu.memory_space<vmem>>
    %dma_start3A_163 = tpu.memref_squeeze %dma_start3A_162 : memref<1x128xi32, #tpu.memory_space<vmem>> -> memref<128xi32, #tpu.memory_space<vmem>>
    %dma_start3A_164 = arith.constant 0 : i32
    %dma_start3A_165 = arith.constant 0 : i32
    %dma_start3A_166 = tpu.memref_slice %arg2[%dma_start3A_164, %dma_start3A_165] : memref<20000x64xf32, #tpu.memory_space<hbm>> -> memref<20000x64xf32, #tpu.memory_space<hbm>>
    tpu.enqueue_indirect_dma source(%dma_start3A_166 : memref<20000x64xf32, #tpu.memory_space<hbm>>) target(%dma_start3A_160 : memref<128x64xf32, #tpu.memory_space<vmem>>) offsets(%dma_start3A_163 : memref<128xi32, #tpu.memory_space<vmem>>) semaphore(%arg12 : memref<!tpu.dma_semaphore, #tpu.memory_space<semaphore_mem>>)
    %dma_start3A_167 = arith.constant 1 : i32
    %dma_start3A_168 = arith.constant 1 : i32
    %dma_start3A_169 = arith.constant 0 : i32
    %dma_start3A_170 = arith.constant 0 : i32
    %dma_start3A_171 = tpu.memref_slice %arg10[%dma_start3A_168, %dma_start3A_169, %dma_start3A_170] : memref<6x128x64xf32, #tpu.memory_space<vmem>> -> memref<1x128x64xf32, #tpu.memory_space<vmem>>
    %dma_start3A_172 = tpu.memref_squeeze %dma_start3A_171 : memref<1x128x64xf32, #tpu.memory_space<vmem>> -> memref<128x64xf32, #tpu.memory_space<vmem>>
    %dma_start3A_173 = arith.constant 0 : i32
    %dma_start3A_174 = tpu.memref_slice %arg8[%dma_start3A_167, %dma_start3A_173] : memref<79x128xi32, #tpu.memory_space<vmem>> -> memref<1x128xi32, #tpu.memory_space<vmem>>
    %dma_start3A_175 = tpu.memref_squeeze %dma_start3A_174 : memref<1x128xi32, #tpu.memory_space<vmem>> -> memref<128xi32, #tpu.memory_space<vmem>>
    %dma_start3A_176 = arith.constant 0 : i32
    %dma_start3A_177 = arith.constant 0 : i32
    %dma_start3A_178 = tpu.memref_slice %arg2[%dma_start3A_176, %dma_start3A_177] : memref<20000x64xf32, #tpu.memory_space<hbm>> -> memref<20000x64xf32, #tpu.memory_space<hbm>>
    tpu.enqueue_indirect_dma source(%dma_start3A_178 : memref<20000x64xf32, #tpu.memory_space<hbm>>) target(%dma_start3A_172 : memref<128x64xf32, #tpu.memory_space<vmem>>) offsets(%dma_start3A_175 : memref<128xi32, #tpu.memory_space<vmem>>) semaphore(%arg12 : memref<!tpu.dma_semaphore, #tpu.memory_space<semaphore_mem>>)
    %dma_start3A_179 = arith.constant 2 : i32
    %dma_start3A_180 = arith.constant 2 : i32
    %dma_start3A_181 = arith.constant 0 : i32
    %dma_start3A_182 = arith.constant 0 : i32
    %dma_start3A_183 = tpu.memref_slice %arg10[%dma_start3A_180, %dma_start3A_181, %dma_start3A_182] : memref<6x128x64xf32, #tpu.memory_space<vmem>> -> memref<1x128x64xf32, #tpu.memory_space<vmem>>
    %dma_start3A_184 = tpu.memref_squeeze %dma_start3A_183 : memref<1x128x64xf32, #tpu.memory_space<vmem>> -> memref<128x64xf32, #tpu.memory_space<vmem>>
    %dma_start3A_185 = arith.constant 0 : i32
    %dma_start3A_186 = tpu.memref_slice %arg8[%dma_start3A_179, %dma_start3A_185] : memref<79x128xi32, #tpu.memory_space<vmem>> -> memref<1x128xi32, #tpu.memory_space<vmem>>
    %dma_start3A_187 = tpu.memref_squeeze %dma_start3A_186 : memref<1x128xi32, #tpu.memory_space<vmem>> -> memref<128xi32, #tpu.memory_space<vmem>>
    %dma_start3A_188 = arith.constant 0 : i32
    %dma_start3A_189 = arith.constant 0 : i32
    %dma_start3A_190 = tpu.memref_slice %arg2[%dma_start3A_188, %dma_start3A_189] : memref<20000x64xf32, #tpu.memory_space<hbm>> -> memref<20000x64xf32, #tpu.memory_space<hbm>>
    tpu.enqueue_indirect_dma source(%dma_start3A_190 : memref<20000x64xf32, #tpu.memory_space<hbm>>) target(%dma_start3A_184 : memref<128x64xf32, #tpu.memory_space<vmem>>) offsets(%dma_start3A_187 : memref<128xi32, #tpu.memory_space<vmem>>) semaphore(%arg12 : memref<!tpu.dma_semaphore, #tpu.memory_space<semaphore_mem>>)
    %scan3A_191 = arith.constant 0 : i32
    %scan3A_192 = arith.constant 0 : i32
    %scan3A_193 = arith.constant 13 : i32
    %scan3A_194 = arith.addi %scan3A_192, %scan3A_193 : i32
    %scan3A_195 = arith.constant 1 : i32
    scf.for %scan3A_243 = %scan3A_192 to %scan3A_194 step %scan3A_195  : i32 {
      %mul3A_244 = arith.constant 6 : i32
      %mul3A_245 = arith.muli %mul3A_244, %scan3A_243 : i32
      %dma_wait3A_246 = arith.constant 0 : i32
      %dma_wait3A_247 = arith.constant 0 : i32
      %dma_wait3A_248 = arith.constant 0 : i32
      %dma_wait3A_249 = arith.constant 0 : i32
      %dma_wait3A_250 = tpu.memref_slice %arg10[%dma_wait3A_247, %dma_wait3A_248, %dma_wait3A_249] : memref<6x128x64xf32, #tpu.memory_space<vmem>> -> memref<1x128x64xf32, #tpu.memory_space<vmem>>
      %dma_wait3A_251 = tpu.memref_squeeze %dma_wait3A_250 : memref<1x128x64xf32, #tpu.memory_space<vmem>> -> memref<128x64xf32, #tpu.memory_space<vmem>>
      %dma_wait3A_252 = arith.constant 0 : i32
      %dma_wait3A_253 = tpu.memref_slice %arg8[%dma_wait3A_246, %dma_wait3A_252] : memref<79x128xi32, #tpu.memory_space<vmem>> -> memref<1x128xi32, #tpu.memory_space<vmem>>
      %dma_wait3A_254 = tpu.memref_squeeze %dma_wait3A_253 : memref<1x128xi32, #tpu.memory_space<vmem>> -> memref<128xi32, #tpu.memory_space<vmem>>
      %dma_wait3A_255 = arith.constant 0 : i32
      %dma_wait3A_256 = arith.constant 0 : i32
      %dma_wait3A_257 = tpu.memref_slice %arg2[%dma_wait3A_255, %dma_wait3A_256] : memref<20000x64xf32, #tpu.memory_space<hbm>> -> memref<20000x64xf32, #tpu.memory_space<hbm>>
      tpu.wait_indirect_dma semaphore(%arg12 : memref<!tpu.dma_semaphore, #tpu.memory_space<semaphore_mem>>) src(%dma_wait3A_257 : memref<20000x64xf32, #tpu.memory_space<hbm>>) dst(%dma_wait3A_251 : memref<128x64xf32, #tpu.memory_space<vmem>>)
      %dma_wait3A_258 = arith.constant 0 : i32
      %dma_wait3A_259 = arith.constant 1 : i32
      %dma_wait3A_260 = arith.constant 0 : i32
      %dma_wait3A_261 = arith.constant 0 : i32
      %dma_wait3A_262 = tpu.memref_slice %arg10[%dma_wait3A_259, %dma_wait3A_260, %dma_wait3A_261] : memref<6x128x64xf32, #tpu.memory_space<vmem>> -> memref<1x128x64xf32, #tpu.memory_space<vmem>>
      %dma_wait3A_263 = tpu.memref_squeeze %dma_wait3A_262 : memref<1x128x64xf32, #tpu.memory_space<vmem>> -> memref<128x64xf32, #tpu.memory_space<vmem>>
      %dma_wait3A_264 = arith.constant 0 : i32
      %dma_wait3A_265 = tpu.memref_slice %arg8[%dma_wait3A_258, %dma_wait3A_264] : memref<79x128xi32, #tpu.memory_space<vmem>> -> memref<1x128xi32, #tpu.memory_space<vmem>>
      %dma_wait3A_266 = tpu.memref_squeeze %dma_wait3A_265 : memref<1x128xi32, #tpu.memory_space<vmem>> -> memref<128xi32, #tpu.memory_space<vmem>>
      %dma_wait3A_267 = arith.constant 0 : i32
      %dma_wait3A_268 = arith.constant 0 : i32
      %dma_wait3A_269 = tpu.memref_slice %arg2[%dma_wait3A_267, %dma_wait3A_268] : memref<20000x64xf32, #tpu.memory_space<hbm>> -> memref<20000x64xf32, #tpu.memory_space<hbm>>
      tpu.wait_indirect_dma semaphore(%arg12 : memref<!tpu.dma_semaphore, #tpu.memory_space<semaphore_mem>>) src(%dma_wait3A_269 : memref<20000x64xf32, #tpu.memory_space<hbm>>) dst(%dma_wait3A_263 : memref<128x64xf32, #tpu.memory_space<vmem>>)
      %dma_wait3A_270 = arith.constant 0 : i32
      %dma_wait3A_271 = arith.constant 2 : i32
      %dma_wait3A_272 = arith.constant 0 : i32
      %dma_wait3A_273 = arith.constant 0 : i32
      %dma_wait3A_274 = tpu.memref_slice %arg10[%dma_wait3A_271, %dma_wait3A_272, %dma_wait3A_273] : memref<6x128x64xf32, #tpu.memory_space<vmem>> -> memref<1x128x64xf32, #tpu.memory_space<vmem>>
      %dma_wait3A_275 = tpu.memref_squeeze %dma_wait3A_274 : memref<1x128x64xf32, #tpu.memory_space<vmem>> -> memref<128x64xf32, #tpu.memory_space<vmem>>
      %dma_wait3A_276 = arith.constant 0 : i32
      %dma_wait3A_277 = tpu.memref_slice %arg8[%dma_wait3A_270, %dma_wait3A_276] : memref<79x128xi32, #tpu.memory_space<vmem>> -> memref<1x128xi32, #tpu.memory_space<vmem>>
      %dma_wait3A_278 = tpu.memref_squeeze %dma_wait3A_277 : memref<1x128xi32, #tpu.memory_space<vmem>> -> memref<128xi32, #tpu.memory_space<vmem>>
      %dma_wait3A_279 = arith.constant 0 : i32
      %dma_wait3A_280 = arith.constant 0 : i32
      %dma_wait3A_281 = tpu.memref_slice %arg2[%dma_wait3A_279, %dma_wait3A_280] : memref<20000x64xf32, #tpu.memory_space<hbm>> -> memref<20000x64xf32, #tpu.memory_space<hbm>>
      tpu.wait_indirect_dma semaphore(%arg12 : memref<!tpu.dma_semaphore, #tpu.memory_space<semaphore_mem>>) src(%dma_wait3A_281 : memref<20000x64xf32, #tpu.memory_space<hbm>>) dst(%dma_wait3A_275 : memref<128x64xf32, #tpu.memory_space<vmem>>)
      %gt3A = arith.constant 0 : i32
      %gt3A_282 = arith.cmpi sgt, %scan3A_243, %gt3A : i32
      %convert_element_type3A_283 = arith.extui %gt3A_282 : i1 to i32
      %cond3A_284 = arith.constant 0 : i32
      %cond3A_285 = arith.cmpi ne, %convert_element_type3A_283, %cond3A_284 : i32
      scf.if %cond3A_285 {
        %dma_wait3A_483 = arith.constant 3 : i32
        %dma_wait3A_484 = arith.constant 0 : i32
        %dma_wait3A_485 = arith.constant 0 : i32
        %dma_wait3A_486 = arith.constant 0 : i32
        %dma_wait3A_487 = tpu.memref_slice %arg10[%dma_wait3A_483, %dma_wait3A_485, %dma_wait3A_486] : memref<6x128x64xf32, #tpu.memory_space<vmem>> -> memref<1x128x64xf32, #tpu.memory_space<vmem>>
        %dma_wait3A_488 = tpu.memref_squeeze %dma_wait3A_487 : memref<1x128x64xf32, #tpu.memory_space<vmem>> -> memref<128x64xf32, #tpu.memory_space<vmem>>
        %dma_wait3A_489 = arith.constant 0 : i32
        %dma_wait3A_490 = tpu.memref_slice %arg9[%dma_wait3A_484, %dma_wait3A_489] : memref<79x128xi32, #tpu.memory_space<vmem>> -> memref<1x128xi32, #tpu.memory_space<vmem>>
        %dma_wait3A_491 = tpu.memref_squeeze %dma_wait3A_490 : memref<1x128xi32, #tpu.memory_space<vmem>> -> memref<128xi32, #tpu.memory_space<vmem>>
        %dma_wait3A_492 = arith.constant 0 : i32
        %dma_wait3A_493 = arith.constant 0 : i32
        %dma_wait3A_494 = tpu.memref_slice %arg7[%dma_wait3A_492, %dma_wait3A_493] : memref<10112x64xf32, #tpu.memory_space<vmem_shared>> -> memref<10112x64xf32, #tpu.memory_space<vmem_shared>>
        tpu.wait_indirect_dma semaphore(%arg13 : memref<!tpu.dma_semaphore, #tpu.memory_space<semaphore_mem>>) src(%dma_wait3A_488 : memref<128x64xf32, #tpu.memory_space<vmem>>) dst(%dma_wait3A_494 : memref<10112x64xf32, #tpu.memory_space<vmem_shared>>)
        %dma_wait3A_495 = arith.constant 4 : i32
        %dma_wait3A_496 = arith.constant 0 : i32
        %dma_wait3A_497 = arith.constant 0 : i32
        %dma_wait3A_498 = arith.constant 0 : i32
        %dma_wait3A_499 = tpu.memref_slice %arg10[%dma_wait3A_495, %dma_wait3A_497, %dma_wait3A_498] : memref<6x128x64xf32, #tpu.memory_space<vmem>> -> memref<1x128x64xf32, #tpu.memory_space<vmem>>
        %dma_wait3A_500 = tpu.memref_squeeze %dma_wait3A_499 : memref<1x128x64xf32, #tpu.memory_space<vmem>> -> memref<128x64xf32, #tpu.memory_space<vmem>>
        %dma_wait3A_501 = arith.constant 0 : i32
        %dma_wait3A_502 = tpu.memref_slice %arg9[%dma_wait3A_496, %dma_wait3A_501] : memref<79x128xi32, #tpu.memory_space<vmem>> -> memref<1x128xi32, #tpu.memory_space<vmem>>
        %dma_wait3A_503 = tpu.memref_squeeze %dma_wait3A_502 : memref<1x128xi32, #tpu.memory_space<vmem>> -> memref<128xi32, #tpu.memory_space<vmem>>
        %dma_wait3A_504 = arith.constant 0 : i32
        %dma_wait3A_505 = arith.constant 0 : i32
        %dma_wait3A_506 = tpu.memref_slice %arg7[%dma_wait3A_504, %dma_wait3A_505] : memref<10112x64xf32, #tpu.memory_space<vmem_shared>> -> memref<10112x64xf32, #tpu.memory_space<vmem_shared>>
        tpu.wait_indirect_dma semaphore(%arg13 : memref<!tpu.dma_semaphore, #tpu.memory_space<semaphore_mem>>) src(%dma_wait3A_500 : memref<128x64xf32, #tpu.memory_space<vmem>>) dst(%dma_wait3A_506 : memref<10112x64xf32, #tpu.memory_space<vmem_shared>>)
        %dma_wait3A_507 = arith.constant 5 : i32
        %dma_wait3A_508 = arith.constant 0 : i32
        %dma_wait3A_509 = arith.constant 0 : i32
        %dma_wait3A_510 = arith.constant 0 : i32
        %dma_wait3A_511 = tpu.memref_slice %arg10[%dma_wait3A_507, %dma_wait3A_509, %dma_wait3A_510] : memref<6x128x64xf32, #tpu.memory_space<vmem>> -> memref<1x128x64xf32, #tpu.memory_space<vmem>>
        %dma_wait3A_512 = tpu.memref_squeeze %dma_wait3A_511 : memref<1x128x64xf32, #tpu.memory_space<vmem>> -> memref<128x64xf32, #tpu.memory_space<vmem>>
        %dma_wait3A_513 = arith.constant 0 : i32
        %dma_wait3A_514 = tpu.memref_slice %arg9[%dma_wait3A_508, %dma_wait3A_513] : memref<79x128xi32, #tpu.memory_space<vmem>> -> memref<1x128xi32, #tpu.memory_space<vmem>>
        %dma_wait3A_515 = tpu.memref_squeeze %dma_wait3A_514 : memref<1x128xi32, #tpu.memory_space<vmem>> -> memref<128xi32, #tpu.memory_space<vmem>>
        %dma_wait3A_516 = arith.constant 0 : i32
        %dma_wait3A_517 = arith.constant 0 : i32
        %dma_wait3A_518 = tpu.memref_slice %arg7[%dma_wait3A_516, %dma_wait3A_517] : memref<10112x64xf32, #tpu.memory_space<vmem_shared>> -> memref<10112x64xf32, #tpu.memory_space<vmem_shared>>
        tpu.wait_indirect_dma semaphore(%arg13 : memref<!tpu.dma_semaphore, #tpu.memory_space<semaphore_mem>>) src(%dma_wait3A_512 : memref<128x64xf32, #tpu.memory_space<vmem>>) dst(%dma_wait3A_518 : memref<10112x64xf32, #tpu.memory_space<vmem_shared>>)
      } else {
      }
      %add3A_286 = arith.constant 3 : i32
      %add3A_287 = arith.addi %mul3A_245, %add3A_286 : i32
      %add3A_288 = arith.constant 0 : i32
      %add3A_289 = arith.addi %add3A_287, %add3A_288 : i32
      %dma_start3A_290 = arith.constant 3 : i32
      %dma_start3A_291 = arith.constant 0 : i32
      %dma_start3A_292 = arith.constant 0 : i32
      %dma_start3A_293 = tpu.memref_slice %arg10[%dma_start3A_290, %dma_start3A_291, %dma_start3A_292] : memref<6x128x64xf32, #tpu.memory_space<vmem>> -> memref<1x128x64xf32, #tpu.memory_space<vmem>>
      %dma_start3A_294 = tpu.memref_squeeze %dma_start3A_293 : memref<1x128x64xf32, #tpu.memory_space<vmem>> -> memref<128x64xf32, #tpu.memory_space<vmem>>
      %dma_start3A_295 = arith.constant 0 : i32
      %dma_start3A_296 = tpu.memref_slice %arg8[%add3A_289, %dma_start3A_295] : memref<79x128xi32, #tpu.memory_space<vmem>> -> memref<1x128xi32, #tpu.memory_space<vmem>>
      %dma_start3A_297 = tpu.memref_squeeze %dma_start3A_296 : memref<1x128xi32, #tpu.memory_space<vmem>> -> memref<128xi32, #tpu.memory_space<vmem>>
      %dma_start3A_298 = arith.constant 0 : i32
      %dma_start3A_299 = arith.constant 0 : i32
      %dma_start3A_300 = tpu.memref_slice %arg2[%dma_start3A_298, %dma_start3A_299] : memref<20000x64xf32, #tpu.memory_space<hbm>> -> memref<20000x64xf32, #tpu.memory_space<hbm>>
      tpu.enqueue_indirect_dma source(%dma_start3A_300 : memref<20000x64xf32, #tpu.memory_space<hbm>>) target(%dma_start3A_294 : memref<128x64xf32, #tpu.memory_space<vmem>>) offsets(%dma_start3A_297 : memref<128xi32, #tpu.memory_space<vmem>>) semaphore(%arg12 : memref<!tpu.dma_semaphore, #tpu.memory_space<semaphore_mem>>)
      %add3A_301 = arith.constant 1 : i32
      %add3A_302 = arith.addi %add3A_287, %add3A_301 : i32
      %dma_start3A_303 = arith.constant 4 : i32
      %dma_start3A_304 = arith.constant 0 : i32
      %dma_start3A_305 = arith.constant 0 : i32
      %dma_start3A_306 = tpu.memref_slice %arg10[%dma_start3A_303, %dma_start3A_304, %dma_start3A_305] : memref<6x128x64xf32, #tpu.memory_space<vmem>> -> memref<1x128x64xf32, #tpu.memory_space<vmem>>
      %dma_start3A_307 = tpu.memref_squeeze %dma_start3A_306 : memref<1x128x64xf32, #tpu.memory_space<vmem>> -> memref<128x64xf32, #tpu.memory_space<vmem>>
      %dma_start3A_308 = arith.constant 0 : i32
      %dma_start3A_309 = tpu.memref_slice %arg8[%add3A_302, %dma_start3A_308] : memref<79x128xi32, #tpu.memory_space<vmem>> -> memref<1x128xi32, #tpu.memory_space<vmem>>
      %dma_start3A_310 = tpu.memref_squeeze %dma_start3A_309 : memref<1x128xi32, #tpu.memory_space<vmem>> -> memref<128xi32, #tpu.memory_space<vmem>>
      %dma_start3A_311 = arith.constant 0 : i32
      %dma_start3A_312 = arith.constant 0 : i32
      %dma_start3A_313 = tpu.memref_slice %arg2[%dma_start3A_311, %dma_start3A_312] : memref<20000x64xf32, #tpu.memory_space<hbm>> -> memref<20000x64xf32, #tpu.memory_space<hbm>>
      tpu.enqueue_indirect_dma source(%dma_start3A_313 : memref<20000x64xf32, #tpu.memory_space<hbm>>) target(%dma_start3A_307 : memref<128x64xf32, #tpu.memory_space<vmem>>) offsets(%dma_start3A_310 : memref<128xi32, #tpu.memory_space<vmem>>) semaphore(%arg12 : memref<!tpu.dma_semaphore, #tpu.memory_space<semaphore_mem>>)
      %add3A_314 = arith.constant 2 : i32
      %add3A_315 = arith.addi %add3A_287, %add3A_314 : i32
      %dma_start3A_316 = arith.constant 5 : i32
      %dma_start3A_317 = arith.constant 0 : i32
      %dma_start3A_318 = arith.constant 0 : i32
      %dma_start3A_319 = tpu.memref_slice %arg10[%dma_start3A_316, %dma_start3A_317, %dma_start3A_318] : memref<6x128x64xf32, #tpu.memory_space<vmem>> -> memref<1x128x64xf32, #tpu.memory_space<vmem>>
      %dma_start3A_320 = tpu.memref_squeeze %dma_start3A_319 : memref<1x128x64xf32, #tpu.memory_space<vmem>> -> memref<128x64xf32, #tpu.memory_space<vmem>>
      %dma_start3A_321 = arith.constant 0 : i32
      %dma_start3A_322 = tpu.memref_slice %arg8[%add3A_315, %dma_start3A_321] : memref<79x128xi32, #tpu.memory_space<vmem>> -> memref<1x128xi32, #tpu.memory_space<vmem>>
      %dma_start3A_323 = tpu.memref_squeeze %dma_start3A_322 : memref<1x128xi32, #tpu.memory_space<vmem>> -> memref<128xi32, #tpu.memory_space<vmem>>
      %dma_start3A_324 = arith.constant 0 : i32
      %dma_start3A_325 = arith.constant 0 : i32
      %dma_start3A_326 = tpu.memref_slice %arg2[%dma_start3A_324, %dma_start3A_325] : memref<20000x64xf32, #tpu.memory_space<hbm>> -> memref<20000x64xf32, #tpu.memory_space<hbm>>
      tpu.enqueue_indirect_dma source(%dma_start3A_326 : memref<20000x64xf32, #tpu.memory_space<hbm>>) target(%dma_start3A_320 : memref<128x64xf32, #tpu.memory_space<vmem>>) offsets(%dma_start3A_323 : memref<128xi32, #tpu.memory_space<vmem>>) semaphore(%arg12 : memref<!tpu.dma_semaphore, #tpu.memory_space<semaphore_mem>>)
      %add3A_327 = arith.constant 0 : i32
      %add3A_328 = arith.addi %mul3A_245, %add3A_327 : i32
      %dma_start3A_329 = arith.constant 0 : i32
      %dma_start3A_330 = arith.constant 0 : i32
      %dma_start3A_331 = arith.constant 0 : i32
      %dma_start3A_332 = tpu.memref_slice %arg10[%dma_start3A_329, %dma_start3A_330, %dma_start3A_331] : memref<6x128x64xf32, #tpu.memory_space<vmem>> -> memref<1x128x64xf32, #tpu.memory_space<vmem>>
      %dma_start3A_333 = tpu.memref_squeeze %dma_start3A_332 : memref<1x128x64xf32, #tpu.memory_space<vmem>> -> memref<128x64xf32, #tpu.memory_space<vmem>>
      %dma_start3A_334 = arith.constant 0 : i32
      %dma_start3A_335 = tpu.memref_slice %arg9[%add3A_328, %dma_start3A_334] : memref<79x128xi32, #tpu.memory_space<vmem>> -> memref<1x128xi32, #tpu.memory_space<vmem>>
      %dma_start3A_336 = tpu.memref_squeeze %dma_start3A_335 : memref<1x128xi32, #tpu.memory_space<vmem>> -> memref<128xi32, #tpu.memory_space<vmem>>
      %dma_start3A_337 = arith.constant 0 : i32
      %dma_start3A_338 = arith.constant 0 : i32
      %dma_start3A_339 = tpu.memref_slice %arg7[%dma_start3A_337, %dma_start3A_338] : memref<10112x64xf32, #tpu.memory_space<vmem_shared>> -> memref<10112x64xf32, #tpu.memory_space<vmem_shared>>
      tpu.enqueue_indirect_dma source(%dma_start3A_333 : memref<128x64xf32, #tpu.memory_space<vmem>>) target(%dma_start3A_339 : memref<10112x64xf32, #tpu.memory_space<vmem_shared>>) offsets(%dma_start3A_336 : memref<128xi32, #tpu.memory_space<vmem>>) semaphore(%arg13 : memref<!tpu.dma_semaphore, #tpu.memory_space<semaphore_mem>>) {add = true}
      %add3A_340 = arith.constant 1 : i32
      %add3A_341 = arith.addi %mul3A_245, %add3A_340 : i32
      %dma_start3A_342 = arith.constant 1 : i32
      %dma_start3A_343 = arith.constant 0 : i32
      %dma_start3A_344 = arith.constant 0 : i32
      %dma_start3A_345 = tpu.memref_slice %arg10[%dma_start3A_342, %dma_start3A_343, %dma_start3A_344] : memref<6x128x64xf32, #tpu.memory_space<vmem>> -> memref<1x128x64xf32, #tpu.memory_space<vmem>>
      %dma_start3A_346 = tpu.memref_squeeze %dma_start3A_345 : memref<1x128x64xf32, #tpu.memory_space<vmem>> -> memref<128x64xf32, #tpu.memory_space<vmem>>
      %dma_start3A_347 = arith.constant 0 : i32
      %dma_start3A_348 = tpu.memref_slice %arg9[%add3A_341, %dma_start3A_347] : memref<79x128xi32, #tpu.memory_space<vmem>> -> memref<1x128xi32, #tpu.memory_space<vmem>>
      %dma_start3A_349 = tpu.memref_squeeze %dma_start3A_348 : memref<1x128xi32, #tpu.memory_space<vmem>> -> memref<128xi32, #tpu.memory_space<vmem>>
      %dma_start3A_350 = arith.constant 0 : i32
      %dma_start3A_351 = arith.constant 0 : i32
      %dma_start3A_352 = tpu.memref_slice %arg7[%dma_start3A_350, %dma_start3A_351] : memref<10112x64xf32, #tpu.memory_space<vmem_shared>> -> memref<10112x64xf32, #tpu.memory_space<vmem_shared>>
      tpu.enqueue_indirect_dma source(%dma_start3A_346 : memref<128x64xf32, #tpu.memory_space<vmem>>) target(%dma_start3A_352 : memref<10112x64xf32, #tpu.memory_space<vmem_shared>>) offsets(%dma_start3A_349 : memref<128xi32, #tpu.memory_space<vmem>>) semaphore(%arg13 : memref<!tpu.dma_semaphore, #tpu.memory_space<semaphore_mem>>) {add = true}
      %add3A_353 = arith.constant 2 : i32
      %add3A_354 = arith.addi %mul3A_245, %add3A_353 : i32
      %dma_start3A_355 = arith.constant 2 : i32
      %dma_start3A_356 = arith.constant 0 : i32
      %dma_start3A_357 = arith.constant 0 : i32
      %dma_start3A_358 = tpu.memref_slice %arg10[%dma_start3A_355, %dma_start3A_356, %dma_start3A_357] : memref<6x128x64xf32, #tpu.memory_space<vmem>> -> memref<1x128x64xf32, #tpu.memory_space<vmem>>
      %dma_start3A_359 = tpu.memref_squeeze %dma_start3A_358 : memref<1x128x64xf32, #tpu.memory_space<vmem>> -> memref<128x64xf32, #tpu.memory_space<vmem>>
      %dma_start3A_360 = arith.constant 0 : i32
      %dma_start3A_361 = tpu.memref_slice %arg9[%add3A_354, %dma_start3A_360] : memref<79x128xi32, #tpu.memory_space<vmem>> -> memref<1x128xi32, #tpu.memory_space<vmem>>
      %dma_start3A_362 = tpu.memref_squeeze %dma_start3A_361 : memref<1x128xi32, #tpu.memory_space<vmem>> -> memref<128xi32, #tpu.memory_space<vmem>>
      %dma_start3A_363 = arith.constant 0 : i32
      %dma_start3A_364 = arith.constant 0 : i32
      %dma_start3A_365 = tpu.memref_slice %arg7[%dma_start3A_363, %dma_start3A_364] : memref<10112x64xf32, #tpu.memory_space<vmem_shared>> -> memref<10112x64xf32, #tpu.memory_space<vmem_shared>>
      tpu.enqueue_indirect_dma source(%dma_start3A_359 : memref<128x64xf32, #tpu.memory_space<vmem>>) target(%dma_start3A_365 : memref<10112x64xf32, #tpu.memory_space<vmem_shared>>) offsets(%dma_start3A_362 : memref<128xi32, #tpu.memory_space<vmem>>) semaphore(%arg13 : memref<!tpu.dma_semaphore, #tpu.memory_space<semaphore_mem>>) {add = true}
      %dma_wait3A_366 = arith.constant 0 : i32
      %dma_wait3A_367 = arith.constant 3 : i32
      %dma_wait3A_368 = arith.constant 0 : i32
      %dma_wait3A_369 = arith.constant 0 : i32
      %dma_wait3A_370 = tpu.memref_slice %arg10[%dma_wait3A_367, %dma_wait3A_368, %dma_wait3A_369] : memref<6x128x64xf32, #tpu.memory_space<vmem>> -> memref<1x128x64xf32, #tpu.memory_space<vmem>>
      %dma_wait3A_371 = tpu.memref_squeeze %dma_wait3A_370 : memref<1x128x64xf32, #tpu.memory_space<vmem>> -> memref<128x64xf32, #tpu.memory_space<vmem>>
      %dma_wait3A_372 = arith.constant 0 : i32
      %dma_wait3A_373 = tpu.memref_slice %arg8[%dma_wait3A_366, %dma_wait3A_372] : memref<79x128xi32, #tpu.memory_space<vmem>> -> memref<1x128xi32, #tpu.memory_space<vmem>>
      %dma_wait3A_374 = tpu.memref_squeeze %dma_wait3A_373 : memref<1x128xi32, #tpu.memory_space<vmem>> -> memref<128xi32, #tpu.memory_space<vmem>>
      %dma_wait3A_375 = arith.constant 0 : i32
      %dma_wait3A_376 = arith.constant 0 : i32
      %dma_wait3A_377 = tpu.memref_slice %arg2[%dma_wait3A_375, %dma_wait3A_376] : memref<20000x64xf32, #tpu.memory_space<hbm>> -> memref<20000x64xf32, #tpu.memory_space<hbm>>
      tpu.wait_indirect_dma semaphore(%arg12 : memref<!tpu.dma_semaphore, #tpu.memory_space<semaphore_mem>>) src(%dma_wait3A_377 : memref<20000x64xf32, #tpu.memory_space<hbm>>) dst(%dma_wait3A_371 : memref<128x64xf32, #tpu.memory_space<vmem>>)
      %dma_wait3A_378 = arith.constant 0 : i32
      %dma_wait3A_379 = arith.constant 4 : i32
      %dma_wait3A_380 = arith.constant 0 : i32
      %dma_wait3A_381 = arith.constant 0 : i32
      %dma_wait3A_382 = tpu.memref_slice %arg10[%dma_wait3A_379, %dma_wait3A_380, %dma_wait3A_381] : memref<6x128x64xf32, #tpu.memory_space<vmem>> -> memref<1x128x64xf32, #tpu.memory_space<vmem>>
      %dma_wait3A_383 = tpu.memref_squeeze %dma_wait3A_382 : memref<1x128x64xf32, #tpu.memory_space<vmem>> -> memref<128x64xf32, #tpu.memory_space<vmem>>
      %dma_wait3A_384 = arith.constant 0 : i32
      %dma_wait3A_385 = tpu.memref_slice %arg8[%dma_wait3A_378, %dma_wait3A_384] : memref<79x128xi32, #tpu.memory_space<vmem>> -> memref<1x128xi32, #tpu.memory_space<vmem>>
      %dma_wait3A_386 = tpu.memref_squeeze %dma_wait3A_385 : memref<1x128xi32, #tpu.memory_space<vmem>> -> memref<128xi32, #tpu.memory_space<vmem>>
      %dma_wait3A_387 = arith.constant 0 : i32
      %dma_wait3A_388 = arith.constant 0 : i32
      %dma_wait3A_389 = tpu.memref_slice %arg2[%dma_wait3A_387, %dma_wait3A_388] : memref<20000x64xf32, #tpu.memory_space<hbm>> -> memref<20000x64xf32, #tpu.memory_space<hbm>>
      tpu.wait_indirect_dma semaphore(%arg12 : memref<!tpu.dma_semaphore, #tpu.memory_space<semaphore_mem>>) src(%dma_wait3A_389 : memref<20000x64xf32, #tpu.memory_space<hbm>>) dst(%dma_wait3A_383 : memref<128x64xf32, #tpu.memory_space<vmem>>)
      %dma_wait3A_390 = arith.constant 0 : i32
      %dma_wait3A_391 = arith.constant 5 : i32
      %dma_wait3A_392 = arith.constant 0 : i32
      %dma_wait3A_393 = arith.constant 0 : i32
      %dma_wait3A_394 = tpu.memref_slice %arg10[%dma_wait3A_391, %dma_wait3A_392, %dma_wait3A_393] : memref<6x128x64xf32, #tpu.memory_space<vmem>> -> memref<1x128x64xf32, #tpu.memory_space<vmem>>
      %dma_wait3A_395 = tpu.memref_squeeze %dma_wait3A_394 : memref<1x128x64xf32, #tpu.memory_space<vmem>> -> memref<128x64xf32, #tpu.memory_space<vmem>>
      %dma_wait3A_396 = arith.constant 0 : i32
      %dma_wait3A_397 = tpu.memref_slice %arg8[%dma_wait3A_390, %dma_wait3A_396] : memref<79x128xi32, #tpu.memory_space<vmem>> -> memref<1x128xi32, #tpu.memory_space<vmem>>
      %dma_wait3A_398 = tpu.memref_squeeze %dma_wait3A_397 : memref<1x128xi32, #tpu.memory_space<vmem>> -> memref<128xi32, #tpu.memory_space<vmem>>
      %dma_wait3A_399 = arith.constant 0 : i32
      %dma_wait3A_400 = arith.constant 0 : i32
      %dma_wait3A_401 = tpu.memref_slice %arg2[%dma_wait3A_399, %dma_wait3A_400] : memref<20000x64xf32, #tpu.memory_space<hbm>> -> memref<20000x64xf32, #tpu.memory_space<hbm>>
      tpu.wait_indirect_dma semaphore(%arg12 : memref<!tpu.dma_semaphore, #tpu.memory_space<semaphore_mem>>) src(%dma_wait3A_401 : memref<20000x64xf32, #tpu.memory_space<hbm>>) dst(%dma_wait3A_395 : memref<128x64xf32, #tpu.memory_space<vmem>>)
      %dma_wait3A_402 = arith.constant 0 : i32
      %dma_wait3A_403 = arith.constant 0 : i32
      %dma_wait3A_404 = arith.constant 0 : i32
      %dma_wait3A_405 = arith.constant 0 : i32
      %dma_wait3A_406 = tpu.memref_slice %arg10[%dma_wait3A_402, %dma_wait3A_404, %dma_wait3A_405] : memref<6x128x64xf32, #tpu.memory_space<vmem>> -> memref<1x128x64xf32, #tpu.memory_space<vmem>>
      %dma_wait3A_407 = tpu.memref_squeeze %dma_wait3A_406 : memref<1x128x64xf32, #tpu.memory_space<vmem>> -> memref<128x64xf32, #tpu.memory_space<vmem>>
      %dma_wait3A_408 = arith.constant 0 : i32
      %dma_wait3A_409 = tpu.memref_slice %arg9[%dma_wait3A_403, %dma_wait3A_408] : memref<79x128xi32, #tpu.memory_space<vmem>> -> memref<1x128xi32, #tpu.memory_space<vmem>>
      %dma_wait3A_410 = tpu.memref_squeeze %dma_wait3A_409 : memref<1x128xi32, #tpu.memory_space<vmem>> -> memref<128xi32, #tpu.memory_space<vmem>>
      %dma_wait3A_411 = arith.constant 0 : i32
      %dma_wait3A_412 = arith.constant 0 : i32
      %dma_wait3A_413 = tpu.memref_slice %arg7[%dma_wait3A_411, %dma_wait3A_412] : memref<10112x64xf32, #tpu.memory_space<vmem_shared>> -> memref<10112x64xf32, #tpu.memory_space<vmem_shared>>
      tpu.wait_indirect_dma semaphore(%arg13 : memref<!tpu.dma_semaphore, #tpu.memory_space<semaphore_mem>>) src(%dma_wait3A_407 : memref<128x64xf32, #tpu.memory_space<vmem>>) dst(%dma_wait3A_413 : memref<10112x64xf32, #tpu.memory_space<vmem_shared>>)
      %dma_wait3A_414 = arith.constant 1 : i32
      %dma_wait3A_415 = arith.constant 0 : i32
      %dma_wait3A_416 = arith.constant 0 : i32
      %dma_wait3A_417 = arith.constant 0 : i32
      %dma_wait3A_418 = tpu.memref_slice %arg10[%dma_wait3A_414, %dma_wait3A_416, %dma_wait3A_417] : memref<6x128x64xf32, #tpu.memory_space<vmem>> -> memref<1x128x64xf32, #tpu.memory_space<vmem>>
      %dma_wait3A_419 = tpu.memref_squeeze %dma_wait3A_418 : memref<1x128x64xf32, #tpu.memory_space<vmem>> -> memref<128x64xf32, #tpu.memory_space<vmem>>
      %dma_wait3A_420 = arith.constant 0 : i32
      %dma_wait3A_421 = tpu.memref_slice %arg9[%dma_wait3A_415, %dma_wait3A_420] : memref<79x128xi32, #tpu.memory_space<vmem>> -> memref<1x128xi32, #tpu.memory_space<vmem>>
      %dma_wait3A_422 = tpu.memref_squeeze %dma_wait3A_421 : memref<1x128xi32, #tpu.memory_space<vmem>> -> memref<128xi32, #tpu.memory_space<vmem>>
      %dma_wait3A_423 = arith.constant 0 : i32
      %dma_wait3A_424 = arith.constant 0 : i32
      %dma_wait3A_425 = tpu.memref_slice %arg7[%dma_wait3A_423, %dma_wait3A_424] : memref<10112x64xf32, #tpu.memory_space<vmem_shared>> -> memref<10112x64xf32, #tpu.memory_space<vmem_shared>>
      tpu.wait_indirect_dma semaphore(%arg13 : memref<!tpu.dma_semaphore, #tpu.memory_space<semaphore_mem>>) src(%dma_wait3A_419 : memref<128x64xf32, #tpu.memory_space<vmem>>) dst(%dma_wait3A_425 : memref<10112x64xf32, #tpu.memory_space<vmem_shared>>)
      %dma_wait3A_426 = arith.constant 2 : i32
      %dma_wait3A_427 = arith.constant 0 : i32
      %dma_wait3A_428 = arith.constant 0 : i32
      %dma_wait3A_429 = arith.constant 0 : i32
      %dma_wait3A_430 = tpu.memref_slice %arg10[%dma_wait3A_426, %dma_wait3A_428, %dma_wait3A_429] : memref<6x128x64xf32, #tpu.memory_space<vmem>> -> memref<1x128x64xf32, #tpu.memory_space<vmem>>
      %dma_wait3A_431 = tpu.memref_squeeze %dma_wait3A_430 : memref<1x128x64xf32, #tpu.memory_space<vmem>> -> memref<128x64xf32, #tpu.memory_space<vmem>>
      %dma_wait3A_432 = arith.constant 0 : i32
      %dma_wait3A_433 = tpu.memref_slice %arg9[%dma_wait3A_427, %dma_wait3A_432] : memref<79x128xi32, #tpu.memory_space<vmem>> -> memref<1x128xi32, #tpu.memory_space<vmem>>
      %dma_wait3A_434 = tpu.memref_squeeze %dma_wait3A_433 : memref<1x128xi32, #tpu.memory_space<vmem>> -> memref<128xi32, #tpu.memory_space<vmem>>
      %dma_wait3A_435 = arith.constant 0 : i32
      %dma_wait3A_436 = arith.constant 0 : i32
      %dma_wait3A_437 = tpu.memref_slice %arg7[%dma_wait3A_435, %dma_wait3A_436] : memref<10112x64xf32, #tpu.memory_space<vmem_shared>> -> memref<10112x64xf32, #tpu.memory_space<vmem_shared>>
      tpu.wait_indirect_dma semaphore(%arg13 : memref<!tpu.dma_semaphore, #tpu.memory_space<semaphore_mem>>) src(%dma_wait3A_431 : memref<128x64xf32, #tpu.memory_space<vmem>>) dst(%dma_wait3A_437 : memref<10112x64xf32, #tpu.memory_space<vmem_shared>>)
      %lt3A = arith.constant 12 : i32
      %lt3A_438 = arith.cmpi slt, %scan3A_243, %lt3A : i32
      %convert_element_type3A_439 = arith.extui %lt3A_438 : i1 to i32
      %cond3A_440 = arith.constant 0 : i32
      %cond3A_441 = arith.cmpi ne, %convert_element_type3A_439, %cond3A_440 : i32
      scf.if %cond3A_441 {
        %add3A_483 = arith.constant 6 : i32
        %add3A_484 = arith.addi %mul3A_245, %add3A_483 : i32
        %add3A_485 = arith.constant 0 : i32
        %add3A_486 = arith.addi %add3A_484, %add3A_485 : i32
        %dma_start3A_487 = arith.constant 0 : i32
        %dma_start3A_488 = arith.constant 0 : i32
        %dma_start3A_489 = arith.constant 0 : i32
        %dma_start3A_490 = tpu.memref_slice %arg10[%dma_start3A_487, %dma_start3A_488, %dma_start3A_489] : memref<6x128x64xf32, #tpu.memory_space<vmem>> -> memref<1x128x64xf32, #tpu.memory_space<vmem>>
        %dma_start3A_491 = tpu.memref_squeeze %dma_start3A_490 : memref<1x128x64xf32, #tpu.memory_space<vmem>> -> memref<128x64xf32, #tpu.memory_space<vmem>>
        %dma_start3A_492 = arith.constant 0 : i32
        %dma_start3A_493 = tpu.memref_slice %arg8[%add3A_486, %dma_start3A_492] : memref<79x128xi32, #tpu.memory_space<vmem>> -> memref<1x128xi32, #tpu.memory_space<vmem>>
        %dma_start3A_494 = tpu.memref_squeeze %dma_start3A_493 : memref<1x128xi32, #tpu.memory_space<vmem>> -> memref<128xi32, #tpu.memory_space<vmem>>
        %dma_start3A_495 = arith.constant 0 : i32
        %dma_start3A_496 = arith.constant 0 : i32
        %dma_start3A_497 = tpu.memref_slice %arg2[%dma_start3A_495, %dma_start3A_496] : memref<20000x64xf32, #tpu.memory_space<hbm>> -> memref<20000x64xf32, #tpu.memory_space<hbm>>
        tpu.enqueue_indirect_dma source(%dma_start3A_497 : memref<20000x64xf32, #tpu.memory_space<hbm>>) target(%dma_start3A_491 : memref<128x64xf32, #tpu.memory_space<vmem>>) offsets(%dma_start3A_494 : memref<128xi32, #tpu.memory_space<vmem>>) semaphore(%arg12 : memref<!tpu.dma_semaphore, #tpu.memory_space<semaphore_mem>>)
        %add3A_498 = arith.constant 1 : i32
        %add3A_499 = arith.addi %add3A_484, %add3A_498 : i32
        %dma_start3A_500 = arith.constant 1 : i32
        %dma_start3A_501 = arith.constant 0 : i32
        %dma_start3A_502 = arith.constant 0 : i32
        %dma_start3A_503 = tpu.memref_slice %arg10[%dma_start3A_500, %dma_start3A_501, %dma_start3A_502] : memref<6x128x64xf32, #tpu.memory_space<vmem>> -> memref<1x128x64xf32, #tpu.memory_space<vmem>>
        %dma_start3A_504 = tpu.memref_squeeze %dma_start3A_503 : memref<1x128x64xf32, #tpu.memory_space<vmem>> -> memref<128x64xf32, #tpu.memory_space<vmem>>
        %dma_start3A_505 = arith.constant 0 : i32
        %dma_start3A_506 = tpu.memref_slice %arg8[%add3A_499, %dma_start3A_505] : memref<79x128xi32, #tpu.memory_space<vmem>> -> memref<1x128xi32, #tpu.memory_space<vmem>>
        %dma_start3A_507 = tpu.memref_squeeze %dma_start3A_506 : memref<1x128xi32, #tpu.memory_space<vmem>> -> memref<128xi32, #tpu.memory_space<vmem>>
        %dma_start3A_508 = arith.constant 0 : i32
        %dma_start3A_509 = arith.constant 0 : i32
        %dma_start3A_510 = tpu.memref_slice %arg2[%dma_start3A_508, %dma_start3A_509] : memref<20000x64xf32, #tpu.memory_space<hbm>> -> memref<20000x64xf32, #tpu.memory_space<hbm>>
        tpu.enqueue_indirect_dma source(%dma_start3A_510 : memref<20000x64xf32, #tpu.memory_space<hbm>>) target(%dma_start3A_504 : memref<128x64xf32, #tpu.memory_space<vmem>>) offsets(%dma_start3A_507 : memref<128xi32, #tpu.memory_space<vmem>>) semaphore(%arg12 : memref<!tpu.dma_semaphore, #tpu.memory_space<semaphore_mem>>)
        %add3A_511 = arith.constant 2 : i32
        %add3A_512 = arith.addi %add3A_484, %add3A_511 : i32
        %dma_start3A_513 = arith.constant 2 : i32
        %dma_start3A_514 = arith.constant 0 : i32
        %dma_start3A_515 = arith.constant 0 : i32
        %dma_start3A_516 = tpu.memref_slice %arg10[%dma_start3A_513, %dma_start3A_514, %dma_start3A_515] : memref<6x128x64xf32, #tpu.memory_space<vmem>> -> memref<1x128x64xf32, #tpu.memory_space<vmem>>
        %dma_start3A_517 = tpu.memref_squeeze %dma_start3A_516 : memref<1x128x64xf32, #tpu.memory_space<vmem>> -> memref<128x64xf32, #tpu.memory_space<vmem>>
        %dma_start3A_518 = arith.constant 0 : i32
        %dma_start3A_519 = tpu.memref_slice %arg8[%add3A_512, %dma_start3A_518] : memref<79x128xi32, #tpu.memory_space<vmem>> -> memref<1x128xi32, #tpu.memory_space<vmem>>
        %dma_start3A_520 = tpu.memref_squeeze %dma_start3A_519 : memref<1x128xi32, #tpu.memory_space<vmem>> -> memref<128xi32, #tpu.memory_space<vmem>>
        %dma_start3A_521 = arith.constant 0 : i32
        %dma_start3A_522 = arith.constant 0 : i32
        %dma_start3A_523 = tpu.memref_slice %arg2[%dma_start3A_521, %dma_start3A_522] : memref<20000x64xf32, #tpu.memory_space<hbm>> -> memref<20000x64xf32, #tpu.memory_space<hbm>>
        tpu.enqueue_indirect_dma source(%dma_start3A_523 : memref<20000x64xf32, #tpu.memory_space<hbm>>) target(%dma_start3A_517 : memref<128x64xf32, #tpu.memory_space<vmem>>) offsets(%dma_start3A_520 : memref<128xi32, #tpu.memory_space<vmem>>) semaphore(%arg12 : memref<!tpu.dma_semaphore, #tpu.memory_space<semaphore_mem>>)
      } else {
      }
      %add3A_442 = arith.constant 3 : i32
      %add3A_443 = arith.addi %mul3A_245, %add3A_442 : i32
      %add3A_444 = arith.constant 0 : i32
      %add3A_445 = arith.addi %add3A_443, %add3A_444 : i32
      %dma_start3A_446 = arith.constant 3 : i32
      %dma_start3A_447 = arith.constant 0 : i32
      %dma_start3A_448 = arith.constant 0 : i32
      %dma_start3A_449 = tpu.memref_slice %arg10[%dma_start3A_446, %dma_start3A_447, %dma_start3A_448] : memref<6x128x64xf32, #tpu.memory_space<vmem>> -> memref<1x128x64xf32, #tpu.memory_space<vmem>>
      %dma_start3A_450 = tpu.memref_squeeze %dma_start3A_449 : memref<1x128x64xf32, #tpu.memory_space<vmem>> -> memref<128x64xf32, #tpu.memory_space<vmem>>
      %dma_start3A_451 = arith.constant 0 : i32
      %dma_start3A_452 = tpu.memref_slice %arg9[%add3A_445, %dma_start3A_451] : memref<79x128xi32, #tpu.memory_space<vmem>> -> memref<1x128xi32, #tpu.memory_space<vmem>>
      %dma_start3A_453 = tpu.memref_squeeze %dma_start3A_452 : memref<1x128xi32, #tpu.memory_space<vmem>> -> memref<128xi32, #tpu.memory_space<vmem>>
      %dma_start3A_454 = arith.constant 0 : i32
      %dma_start3A_455 = arith.constant 0 : i32
      %dma_start3A_456 = tpu.memref_slice %arg7[%dma_start3A_454, %dma_start3A_455] : memref<10112x64xf32, #tpu.memory_space<vmem_shared>> -> memref<10112x64xf32, #tpu.memory_space<vmem_shared>>
      tpu.enqueue_indirect_dma source(%dma_start3A_450 : memref<128x64xf32, #tpu.memory_space<vmem>>) target(%dma_start3A_456 : memref<10112x64xf32, #tpu.memory_space<vmem_shared>>) offsets(%dma_start3A_453 : memref<128xi32, #tpu.memory_space<vmem>>) semaphore(%arg13 : memref<!tpu.dma_semaphore, #tpu.memory_space<semaphore_mem>>) {add = true}
      %add3A_457 = arith.constant 1 : i32
      %add3A_458 = arith.addi %add3A_443, %add3A_457 : i32
      %dma_start3A_459 = arith.constant 4 : i32
      %dma_start3A_460 = arith.constant 0 : i32
      %dma_start3A_461 = arith.constant 0 : i32
      %dma_start3A_462 = tpu.memref_slice %arg10[%dma_start3A_459, %dma_start3A_460, %dma_start3A_461] : memref<6x128x64xf32, #tpu.memory_space<vmem>> -> memref<1x128x64xf32, #tpu.memory_space<vmem>>
      %dma_start3A_463 = tpu.memref_squeeze %dma_start3A_462 : memref<1x128x64xf32, #tpu.memory_space<vmem>> -> memref<128x64xf32, #tpu.memory_space<vmem>>
      %dma_start3A_464 = arith.constant 0 : i32
      %dma_start3A_465 = tpu.memref_slice %arg9[%add3A_458, %dma_start3A_464] : memref<79x128xi32, #tpu.memory_space<vmem>> -> memref<1x128xi32, #tpu.memory_space<vmem>>
      %dma_start3A_466 = tpu.memref_squeeze %dma_start3A_465 : memref<1x128xi32, #tpu.memory_space<vmem>> -> memref<128xi32, #tpu.memory_space<vmem>>
      %dma_start3A_467 = arith.constant 0 : i32
      %dma_start3A_468 = arith.constant 0 : i32
      %dma_start3A_469 = tpu.memref_slice %arg7[%dma_start3A_467, %dma_start3A_468] : memref<10112x64xf32, #tpu.memory_space<vmem_shared>> -> memref<10112x64xf32, #tpu.memory_space<vmem_shared>>
      tpu.enqueue_indirect_dma source(%dma_start3A_463 : memref<128x64xf32, #tpu.memory_space<vmem>>) target(%dma_start3A_469 : memref<10112x64xf32, #tpu.memory_space<vmem_shared>>) offsets(%dma_start3A_466 : memref<128xi32, #tpu.memory_space<vmem>>) semaphore(%arg13 : memref<!tpu.dma_semaphore, #tpu.memory_space<semaphore_mem>>) {add = true}
      %add3A_470 = arith.constant 2 : i32
      %add3A_471 = arith.addi %add3A_443, %add3A_470 : i32
      %dma_start3A_472 = arith.constant 5 : i32
      %dma_start3A_473 = arith.constant 0 : i32
      %dma_start3A_474 = arith.constant 0 : i32
      %dma_start3A_475 = tpu.memref_slice %arg10[%dma_start3A_472, %dma_start3A_473, %dma_start3A_474] : memref<6x128x64xf32, #tpu.memory_space<vmem>> -> memref<1x128x64xf32, #tpu.memory_space<vmem>>
      %dma_start3A_476 = tpu.memref_squeeze %dma_start3A_475 : memref<1x128x64xf32, #tpu.memory_space<vmem>> -> memref<128x64xf32, #tpu.memory_space<vmem>>
      %dma_start3A_477 = arith.constant 0 : i32
      %dma_start3A_478 = tpu.memref_slice %arg9[%add3A_471, %dma_start3A_477] : memref<79x128xi32, #tpu.memory_space<vmem>> -> memref<1x128xi32, #tpu.memory_space<vmem>>
      %dma_start3A_479 = tpu.memref_squeeze %dma_start3A_478 : memref<1x128xi32, #tpu.memory_space<vmem>> -> memref<128xi32, #tpu.memory_space<vmem>>
      %dma_start3A_480 = arith.constant 0 : i32
      %dma_start3A_481 = arith.constant 0 : i32
      %dma_start3A_482 = tpu.memref_slice %arg7[%dma_start3A_480, %dma_start3A_481] : memref<10112x64xf32, #tpu.memory_space<vmem_shared>> -> memref<10112x64xf32, #tpu.memory_space<vmem_shared>>
      tpu.enqueue_indirect_dma source(%dma_start3A_476 : memref<128x64xf32, #tpu.memory_space<vmem>>) target(%dma_start3A_482 : memref<10112x64xf32, #tpu.memory_space<vmem_shared>>) offsets(%dma_start3A_479 : memref<128xi32, #tpu.memory_space<vmem>>) semaphore(%arg13 : memref<!tpu.dma_semaphore, #tpu.memory_space<semaphore_mem>>) {add = true}
    }
    %scan3A_196 = arith.constant 13 : i32
    %dma_wait3A_197 = arith.constant 3 : i32
    %dma_wait3A_198 = arith.constant 0 : i32
    %dma_wait3A_199 = arith.constant 0 : i32
    %dma_wait3A_200 = arith.constant 0 : i32
    %dma_wait3A_201 = tpu.memref_slice %arg10[%dma_wait3A_197, %dma_wait3A_199, %dma_wait3A_200] : memref<6x128x64xf32, #tpu.memory_space<vmem>> -> memref<1x128x64xf32, #tpu.memory_space<vmem>>
    %dma_wait3A_202 = tpu.memref_squeeze %dma_wait3A_201 : memref<1x128x64xf32, #tpu.memory_space<vmem>> -> memref<128x64xf32, #tpu.memory_space<vmem>>
    %dma_wait3A_203 = arith.constant 0 : i32
    %dma_wait3A_204 = tpu.memref_slice %arg9[%dma_wait3A_198, %dma_wait3A_203] : memref<79x128xi32, #tpu.memory_space<vmem>> -> memref<1x128xi32, #tpu.memory_space<vmem>>
    %dma_wait3A_205 = tpu.memref_squeeze %dma_wait3A_204 : memref<1x128xi32, #tpu.memory_space<vmem>> -> memref<128xi32, #tpu.memory_space<vmem>>
    %dma_wait3A_206 = arith.constant 0 : i32
    %dma_wait3A_207 = arith.constant 0 : i32
    %dma_wait3A_208 = tpu.memref_slice %arg7[%dma_wait3A_206, %dma_wait3A_207] : memref<10112x64xf32, #tpu.memory_space<vmem_shared>> -> memref<10112x64xf32, #tpu.memory_space<vmem_shared>>
    tpu.wait_indirect_dma semaphore(%arg13 : memref<!tpu.dma_semaphore, #tpu.memory_space<semaphore_mem>>) src(%dma_wait3A_202 : memref<128x64xf32, #tpu.memory_space<vmem>>) dst(%dma_wait3A_208 : memref<10112x64xf32, #tpu.memory_space<vmem_shared>>)
    %dma_wait3A_209 = arith.constant 4 : i32
    %dma_wait3A_210 = arith.constant 0 : i32
    %dma_wait3A_211 = arith.constant 0 : i32
    %dma_wait3A_212 = arith.constant 0 : i32
    %dma_wait3A_213 = tpu.memref_slice %arg10[%dma_wait3A_209, %dma_wait3A_211, %dma_wait3A_212] : memref<6x128x64xf32, #tpu.memory_space<vmem>> -> memref<1x128x64xf32, #tpu.memory_space<vmem>>
    %dma_wait3A_214 = tpu.memref_squeeze %dma_wait3A_213 : memref<1x128x64xf32, #tpu.memory_space<vmem>> -> memref<128x64xf32, #tpu.memory_space<vmem>>
    %dma_wait3A_215 = arith.constant 0 : i32
    %dma_wait3A_216 = tpu.memref_slice %arg9[%dma_wait3A_210, %dma_wait3A_215] : memref<79x128xi32, #tpu.memory_space<vmem>> -> memref<1x128xi32, #tpu.memory_space<vmem>>
    %dma_wait3A_217 = tpu.memref_squeeze %dma_wait3A_216 : memref<1x128xi32, #tpu.memory_space<vmem>> -> memref<128xi32, #tpu.memory_space<vmem>>
    %dma_wait3A_218 = arith.constant 0 : i32
    %dma_wait3A_219 = arith.constant 0 : i32
    %dma_wait3A_220 = tpu.memref_slice %arg7[%dma_wait3A_218, %dma_wait3A_219] : memref<10112x64xf32, #tpu.memory_space<vmem_shared>> -> memref<10112x64xf32, #tpu.memory_space<vmem_shared>>
    tpu.wait_indirect_dma semaphore(%arg13 : memref<!tpu.dma_semaphore, #tpu.memory_space<semaphore_mem>>) src(%dma_wait3A_214 : memref<128x64xf32, #tpu.memory_space<vmem>>) dst(%dma_wait3A_220 : memref<10112x64xf32, #tpu.memory_space<vmem_shared>>)
    %dma_wait3A_221 = arith.constant 5 : i32
    %dma_wait3A_222 = arith.constant 0 : i32
    %dma_wait3A_223 = arith.constant 0 : i32
    %dma_wait3A_224 = arith.constant 0 : i32
    %dma_wait3A_225 = tpu.memref_slice %arg10[%dma_wait3A_221, %dma_wait3A_223, %dma_wait3A_224] : memref<6x128x64xf32, #tpu.memory_space<vmem>> -> memref<1x128x64xf32, #tpu.memory_space<vmem>>
    %dma_wait3A_226 = tpu.memref_squeeze %dma_wait3A_225 : memref<1x128x64xf32, #tpu.memory_space<vmem>> -> memref<128x64xf32, #tpu.memory_space<vmem>>
    %dma_wait3A_227 = arith.constant 0 : i32
    %dma_wait3A_228 = tpu.memref_slice %arg9[%dma_wait3A_222, %dma_wait3A_227] : memref<79x128xi32, #tpu.memory_space<vmem>> -> memref<1x128xi32, #tpu.memory_space<vmem>>
    %dma_wait3A_229 = tpu.memref_squeeze %dma_wait3A_228 : memref<1x128xi32, #tpu.memory_space<vmem>> -> memref<128xi32, #tpu.memory_space<vmem>>
    %dma_wait3A_230 = arith.constant 0 : i32
    %dma_wait3A_231 = arith.constant 0 : i32
    %dma_wait3A_232 = tpu.memref_slice %arg7[%dma_wait3A_230, %dma_wait3A_231] : memref<10112x64xf32, #tpu.memory_space<vmem_shared>> -> memref<10112x64xf32, #tpu.memory_space<vmem_shared>>
    tpu.wait_indirect_dma semaphore(%arg13 : memref<!tpu.dma_semaphore, #tpu.memory_space<semaphore_mem>>) src(%dma_wait3A_226 : memref<128x64xf32, #tpu.memory_space<vmem>>) dst(%dma_wait3A_232 : memref<10112x64xf32, #tpu.memory_space<vmem_shared>>)
    %eq3A_233 = arith.constant 1 : i32
    %eq3A_234 = arith.cmpi eq, %arg0, %eq3A_233 : i32
    %ge3A_235 = arith.constant 12 : i32
    %ge3A_236 = arith.cmpi sge, %arg1, %ge3A_235 : i32
    %and3A_237 = arith.andi %eq3A_234, %ge3A_236 : i1
    %convert_element_type3A_238 = arith.extui %and3A_237 : i1 to i32
    %cond3A_239 = arith.constant 0 : i32
    %cond3A_240 = arith.cmpi ne, %convert_element_type3A_238, %cond3A_239 : i32
    scf.if %cond3A_240 {
      %run_scoped3A = arith.constant 78 : i32
      %run_scoped3A_243 = arith.constant 0 : i32
      "tpu.region"() ({
        %run_scoped3A_246 = tpu.sem_alloc : memref<!tpu.dma_semaphore, #tpu.memory_space<semaphore_mem>>
        %dma_start3A_247 = arith.constant 0 : i32
        %dma_start3A_248 = arith.constant 0 : i32
        %dma_start3A_249 = tpu.memref_slice %arg10[%run_scoped3A_243, %dma_start3A_247, %dma_start3A_248] : memref<6x128x64xf32, #tpu.memory_space<vmem>> -> memref<1x128x64xf32, #tpu.memory_space<vmem>>
        %dma_start3A_250 = tpu.memref_squeeze %dma_start3A_249 : memref<1x128x64xf32, #tpu.memory_space<vmem>> -> memref<128x64xf32, #tpu.memory_space<vmem>>
        %dma_start3A_251 = arith.constant 0 : i32
        %dma_start3A_252 = tpu.memref_slice %arg8[%run_scoped3A, %dma_start3A_251] : memref<79x128xi32, #tpu.memory_space<vmem>> -> memref<1x128xi32, #tpu.memory_space<vmem>>
        %dma_start3A_253 = tpu.memref_squeeze %dma_start3A_252 : memref<1x128xi32, #tpu.memory_space<vmem>> -> memref<128xi32, #tpu.memory_space<vmem>>
        %dma_start3A_254 = arith.constant 0 : i32
        %dma_start3A_255 = arith.constant 0 : i32
        %dma_start3A_256 = tpu.memref_slice %arg2[%dma_start3A_254, %dma_start3A_255] : memref<20000x64xf32, #tpu.memory_space<hbm>> -> memref<20000x64xf32, #tpu.memory_space<hbm>>
        tpu.enqueue_indirect_dma source(%dma_start3A_256 : memref<20000x64xf32, #tpu.memory_space<hbm>>) target(%dma_start3A_250 : memref<128x64xf32, #tpu.memory_space<vmem>>) offsets(%dma_start3A_253 : memref<128xi32, #tpu.memory_space<vmem>>) semaphore(%run_scoped3A_246 : memref<!tpu.dma_semaphore, #tpu.memory_space<semaphore_mem>>)
        %dma_wait3A_257 = arith.constant 0 : i32
        %dma_wait3A_258 = arith.constant 0 : i32
        %dma_wait3A_259 = tpu.memref_slice %arg10[%run_scoped3A_243, %dma_wait3A_257, %dma_wait3A_258] : memref<6x128x64xf32, #tpu.memory_space<vmem>> -> memref<1x128x64xf32, #tpu.memory_space<vmem>>
        %dma_wait3A_260 = tpu.memref_squeeze %dma_wait3A_259 : memref<1x128x64xf32, #tpu.memory_space<vmem>> -> memref<128x64xf32, #tpu.memory_space<vmem>>
        %dma_wait3A_261 = arith.constant 0 : i32
        %dma_wait3A_262 = tpu.memref_slice %arg8[%run_scoped3A, %dma_wait3A_261] : memref<79x128xi32, #tpu.memory_space<vmem>> -> memref<1x128xi32, #tpu.memory_space<vmem>>
        %dma_wait3A_263 = tpu.memref_squeeze %dma_wait3A_262 : memref<1x128xi32, #tpu.memory_space<vmem>> -> memref<128xi32, #tpu.memory_space<vmem>>
        %dma_wait3A_264 = arith.constant 0 : i32
        %dma_wait3A_265 = arith.constant 0 : i32
        %dma_wait3A_266 = tpu.memref_slice %arg2[%dma_wait3A_264, %dma_wait3A_265] : memref<20000x64xf32, #tpu.memory_space<hbm>> -> memref<20000x64xf32, #tpu.memory_space<hbm>>
        tpu.wait_indirect_dma semaphore(%run_scoped3A_246 : memref<!tpu.dma_semaphore, #tpu.memory_space<semaphore_mem>>) src(%dma_wait3A_266 : memref<20000x64xf32, #tpu.memory_space<hbm>>) dst(%dma_wait3A_260 : memref<128x64xf32, #tpu.memory_space<vmem>>)
        tpu.yield
      }) : () -> ()
      %run_scoped3A_244 = arith.constant 0 : i32
      %run_scoped3A_245 = arith.constant 78 : i32
      "tpu.region"() ({
        %run_scoped3A_246 = tpu.sem_alloc : memref<!tpu.dma_semaphore, #tpu.memory_space<semaphore_mem>>
        %dma_start3A_247 = arith.constant 0 : i32
        %dma_start3A_248 = arith.constant 0 : i32
        %dma_start3A_249 = tpu.memref_slice %arg10[%run_scoped3A_244, %dma_start3A_247, %dma_start3A_248] : memref<6x128x64xf32, #tpu.memory_space<vmem>> -> memref<1x128x64xf32, #tpu.memory_space<vmem>>
        %dma_start3A_250 = tpu.memref_squeeze %dma_start3A_249 : memref<1x128x64xf32, #tpu.memory_space<vmem>> -> memref<128x64xf32, #tpu.memory_space<vmem>>
        %dma_start3A_251 = arith.constant 0 : i32
        %dma_start3A_252 = tpu.memref_slice %arg9[%run_scoped3A_245, %dma_start3A_251] : memref<79x128xi32, #tpu.memory_space<vmem>> -> memref<1x128xi32, #tpu.memory_space<vmem>>
        %dma_start3A_253 = tpu.memref_squeeze %dma_start3A_252 : memref<1x128xi32, #tpu.memory_space<vmem>> -> memref<128xi32, #tpu.memory_space<vmem>>
        %dma_start3A_254 = arith.constant 0 : i32
        %dma_start3A_255 = arith.constant 0 : i32
        %dma_start3A_256 = tpu.memref_slice %arg7[%dma_start3A_254, %dma_start3A_255] : memref<10112x64xf32, #tpu.memory_space<vmem_shared>> -> memref<10112x64xf32, #tpu.memory_space<vmem_shared>>
        tpu.enqueue_indirect_dma source(%dma_start3A_250 : memref<128x64xf32, #tpu.memory_space<vmem>>) target(%dma_start3A_256 : memref<10112x64xf32, #tpu.memory_space<vmem_shared>>) offsets(%dma_start3A_253 : memref<128xi32, #tpu.memory_space<vmem>>) semaphore(%run_scoped3A_246 : memref<!tpu.dma_semaphore, #tpu.memory_space<semaphore_mem>>) {add = true}
        %dma_wait3A_257 = arith.constant 0 : i32
        %dma_wait3A_258 = arith.constant 0 : i32
        %dma_wait3A_259 = tpu.memref_slice %arg10[%run_scoped3A_244, %dma_wait3A_257, %dma_wait3A_258] : memref<6x128x64xf32, #tpu.memory_space<vmem>> -> memref<1x128x64xf32, #tpu.memory_space<vmem>>
        %dma_wait3A_260 = tpu.memref_squeeze %dma_wait3A_259 : memref<1x128x64xf32, #tpu.memory_space<vmem>> -> memref<128x64xf32, #tpu.memory_space<vmem>>
        %dma_wait3A_261 = arith.constant 0 : i32
        %dma_wait3A_262 = tpu.memref_slice %arg9[%run_scoped3A_245, %dma_wait3A_261] : memref<79x128xi32, #tpu.memory_space<vmem>> -> memref<1x128xi32, #tpu.memory_space<vmem>>
        %dma_wait3A_263 = tpu.memref_squeeze %dma_wait3A_262 : memref<1x128xi32, #tpu.memory_space<vmem>> -> memref<128xi32, #tpu.memory_space<vmem>>
        %dma_wait3A_264 = arith.constant 0 : i32
        %dma_wait3A_265 = arith.constant 0 : i32
        %dma_wait3A_266 = tpu.memref_slice %arg7[%dma_wait3A_264, %dma_wait3A_265] : memref<10112x64xf32, #tpu.memory_space<vmem_shared>> -> memref<10112x64xf32, #tpu.memory_space<vmem_shared>>
        tpu.wait_indirect_dma semaphore(%run_scoped3A_246 : memref<!tpu.dma_semaphore, #tpu.memory_space<semaphore_mem>>) src(%dma_wait3A_260 : memref<128x64xf32, #tpu.memory_space<vmem>>) dst(%dma_wait3A_266 : memref<10112x64xf32, #tpu.memory_space<vmem_shared>>)
        tpu.yield
      }) : () -> ()
    } else {
    }
    %barrier3A_241 = arith.constant 0 : index
    tpu.barrier barrier_id(%barrier3A_241)
    "tpu.region"() ({
      %run_scoped3A = tpu.sem_alloc : memref<!tpu.dma_semaphore, #tpu.memory_space<semaphore_mem>>
      %dma_start3A_243 = arith.constant 64 : i32
      %dma_start3A_244 = tpu.memref_slice %arg6[%arg0, %mul3A_0, %dma_start3A_243] : memref<2x10112x128xf32, #tpu.memory_space<hbm>> -> memref<1x632x64xf32, #tpu.memory_space<hbm>>
      %dma_start3A_245 = tpu.memref_squeeze %dma_start3A_244 : memref<1x632x64xf32, #tpu.memory_space<hbm>> -> memref<632x64xf32, #tpu.memory_space<hbm>>
      %dma_start3A_246 = arith.constant 0 : i32
      %dma_start3A_247 = tpu.memref_slice %arg7[%mul3A_0, %dma_start3A_246] : memref<10112x64xf32, #tpu.memory_space<vmem_shared>> -> memref<632x64xf32, #tpu.memory_space<vmem_shared>>
      tpu.enqueue_dma source(%dma_start3A_247 : memref<632x64xf32, #tpu.memory_space<vmem_shared>>) target(%dma_start3A_245 : memref<632x64xf32, #tpu.memory_space<hbm>>) target_semaphore(%run_scoped3A : memref<!tpu.dma_semaphore, #tpu.memory_space<semaphore_mem>>)
      %dma_wait3A_248 = arith.constant 64 : i32
      %dma_wait3A_249 = tpu.memref_slice %arg6[%arg0, %mul3A_0, %dma_wait3A_248] : memref<2x10112x128xf32, #tpu.memory_space<hbm>> -> memref<1x632x64xf32, #tpu.memory_space<hbm>>
      %dma_wait3A_250 = tpu.memref_squeeze %dma_wait3A_249 : memref<1x632x64xf32, #tpu.memory_space<hbm>> -> memref<632x64xf32, #tpu.memory_space<hbm>>
      %dma_wait3A_251 = arith.constant 0 : i32
      %dma_wait3A_252 = tpu.memref_slice %arg7[%mul3A_0, %dma_wait3A_251] : memref<10112x64xf32, #tpu.memory_space<vmem_shared>> -> memref<632x64xf32, #tpu.memory_space<vmem_shared>>
      tpu.wait_dma2 semaphore(%run_scoped3A : memref<!tpu.dma_semaphore, #tpu.memory_space<semaphore_mem>>) src(%dma_wait3A_252 : memref<632x64xf32, #tpu.memory_space<vmem_shared>>) dst(%dma_wait3A_250 : memref<632x64xf32, #tpu.memory_space<hbm>>)
      tpu.yield
    }) : () -> ()
    %barrier3A_242 = arith.constant 0 : index
    tpu.barrier barrier_id(%barrier3A_242)
    return
  }
}

#map = affine_map<(d0, d1) -> (0, 0)>
#map1 = affine_map<(d0, d1) -> (0, 0, 0)>
module attributes {stable_mosaic.version = 14 : i64} {
  func.func @_sc_count_body(%arg0: i32, %arg1: i32, %arg2: memref<2500x128xi32, #tpu.memory_space<hbm>>, %arg3: memref<16x128xi32, #tpu.memory_space<hbm>>, %arg4: memref<16x128xi32, #tpu.memory_space<hbm>>, %arg5: memref<16x128xi32, #tpu.memory_space<hbm>>, %arg6: memref<8192x8xf32, #tpu.memory_space<hbm>>, %arg7: memref<4096x8xf32, #tpu.memory_space<hbm>>, %arg8: memref<128x8xf32, #tpu.memory_space<hbm>>, %arg9: memref<2x10112x8xf32, #tpu.memory_space<hbm>>, %arg10: memref<4x65536x8xf32, #tpu.memory_space<hbm>>, %arg11: memref<256x8xf32, #tpu.memory_space<hbm>>, %arg12: memref<10112x8xf32, #tpu.memory_space<vmem_shared>>, %arg13: memref<65536x8xf32, #tpu.memory_space<vmem_shared>>, %arg14: memref<256x8xf32, #tpu.memory_space<vmem_shared>>, %arg15: memref<79x128xi32, #tpu.memory_space<vmem>>, %arg16: memref<128x8xf32, #tpu.memory_space<vmem>>, %arg17: memref<128x8xf32, #tpu.memory_space<vmem>>, %arg18: memref<4096x8xf32, #tpu.memory_space<vmem>>, %arg19: memref<2x128xi32, #tpu.memory_space<vmem>>, %arg20: memref<1x128xi32, #tpu.memory_space<vmem>>, %arg21: memref<1x128xi32, #tpu.memory_space<vmem>>, %arg22: memref<1x128xi32, #tpu.memory_space<vmem>>, %arg23: memref<!tpu.dma_semaphore, #tpu.memory_space<semaphore_mem>>) attributes {dimension_semantics = [#tpu.dimension_semantics<core_parallel>, #tpu.dimension_semantics<subcore_parallel>], iteration_bounds = array<i64: 2, 16>, scalar_prefetch = 0 : i64, scratch_operands = 12 : i64, tpu.core_type = #tpu.core_type<sc_vector_subcore>, window_params = [{transform_indices = #map}, {transform_indices = #map}, {transform_indices = #map}, {transform_indices = #map}, {transform_indices = #map}, {transform_indices = #map}, {transform_indices = #map}, {transform_indices = #map1}, {transform_indices = #map1}, {transform_indices = #map}]} {
    %mul3A = arith.constant 16 : i32
    %mul3A_0 = arith.muli %arg0, %mul3A : i32
    %add3A = arith.addi %mul3A_0, %arg1 : i32
    "tpu.region"() ({
      %run_scoped3A_480 = tpu.sem_alloc : memref<!tpu.dma_semaphore, #tpu.memory_space<semaphore_mem>>
      tpu.enqueue_dma source(%arg7 : memref<4096x8xf32, #tpu.memory_space<hbm>>) target(%arg18 : memref<4096x8xf32, #tpu.memory_space<vmem>>) target_semaphore(%run_scoped3A_480 : memref<!tpu.dma_semaphore, #tpu.memory_space<semaphore_mem>>)
      tpu.wait_dma2 semaphore(%run_scoped3A_480 : memref<!tpu.dma_semaphore, #tpu.memory_space<semaphore_mem>>) src(%arg7 : memref<4096x8xf32, #tpu.memory_space<hbm>>) dst(%arg18 : memref<4096x8xf32, #tpu.memory_space<vmem>>)
      tpu.yield
    }) : () -> ()
    "tpu.region"() ({
      %run_scoped3A_480 = tpu.sem_alloc : memref<!tpu.dma_semaphore, #tpu.memory_space<semaphore_mem>>
      tpu.enqueue_dma source(%arg8 : memref<128x8xf32, #tpu.memory_space<hbm>>) target(%arg17 : memref<128x8xf32, #tpu.memory_space<vmem>>) target_semaphore(%run_scoped3A_480 : memref<!tpu.dma_semaphore, #tpu.memory_space<semaphore_mem>>)
      tpu.wait_dma2 semaphore(%run_scoped3A_480 : memref<!tpu.dma_semaphore, #tpu.memory_space<semaphore_mem>>) src(%arg8 : memref<128x8xf32, #tpu.memory_space<hbm>>) dst(%arg17 : memref<128x8xf32, #tpu.memory_space<vmem>>)
      tpu.yield
    }) : () -> ()
    %mul3A_1 = arith.constant 632 : i32
    %mul3A_2 = arith.muli %arg1, %mul3A_1 : i32
    "tpu.region"() ({
      %run_scoped3A_480 = tpu.sem_alloc : memref<!tpu.dma_semaphore, #tpu.memory_space<semaphore_mem>>
      %dma_start3A = arith.constant 0 : i32
      %dma_start3A_481 = arith.constant 0 : i32
      %dma_start3A_482 = tpu.memref_slice %arg18[%dma_start3A, %dma_start3A_481] : memref<4096x8xf32, #tpu.memory_space<vmem>> -> memref<632x8xf32, #tpu.memory_space<vmem>>
      %dma_start3A_483 = arith.constant 0 : i32
      %dma_start3A_484 = tpu.memref_slice %arg12[%mul3A_2, %dma_start3A_483] : memref<10112x8xf32, #tpu.memory_space<vmem_shared>> -> memref<632x8xf32, #tpu.memory_space<vmem_shared>>
      %dma_start3A_485 = arith.constant 0 : i32
      %dma_start3A_486 = tpu.memref_slice %arg12[%mul3A_2, %dma_start3A_485] : memref<10112x8xf32, #tpu.memory_space<vmem_shared>> -> memref<632x8xf32, #tpu.memory_space<vmem_shared>>
      %dma_start3A_487 = arith.constant 0 : i32
      %dma_start3A_488 = arith.constant 0 : i32
      %dma_start3A_489 = tpu.memref_slice %arg18[%dma_start3A_487, %dma_start3A_488] : memref<4096x8xf32, #tpu.memory_space<vmem>> -> memref<632x8xf32, #tpu.memory_space<vmem>>
      tpu.enqueue_dma source(%dma_start3A_489 : memref<632x8xf32, #tpu.memory_space<vmem>>) target(%dma_start3A_486 : memref<632x8xf32, #tpu.memory_space<vmem_shared>>) target_semaphore(%run_scoped3A_480 : memref<!tpu.dma_semaphore, #tpu.memory_space<semaphore_mem>>)
      %dma_wait3A = arith.constant 0 : i32
      %dma_wait3A_490 = arith.constant 0 : i32
      %dma_wait3A_491 = tpu.memref_slice %arg18[%dma_wait3A, %dma_wait3A_490] : memref<4096x8xf32, #tpu.memory_space<vmem>> -> memref<632x8xf32, #tpu.memory_space<vmem>>
      %dma_wait3A_492 = arith.constant 0 : i32
      %dma_wait3A_493 = tpu.memref_slice %arg12[%mul3A_2, %dma_wait3A_492] : memref<10112x8xf32, #tpu.memory_space<vmem_shared>> -> memref<632x8xf32, #tpu.memory_space<vmem_shared>>
      %dma_wait3A_494 = arith.constant 0 : i32
      %dma_wait3A_495 = tpu.memref_slice %arg12[%mul3A_2, %dma_wait3A_494] : memref<10112x8xf32, #tpu.memory_space<vmem_shared>> -> memref<632x8xf32, #tpu.memory_space<vmem_shared>>
      %dma_wait3A_496 = arith.constant 0 : i32
      %dma_wait3A_497 = arith.constant 0 : i32
      %dma_wait3A_498 = tpu.memref_slice %arg18[%dma_wait3A_496, %dma_wait3A_497] : memref<4096x8xf32, #tpu.memory_space<vmem>> -> memref<632x8xf32, #tpu.memory_space<vmem>>
      tpu.wait_dma2 semaphore(%run_scoped3A_480 : memref<!tpu.dma_semaphore, #tpu.memory_space<semaphore_mem>>) src(%dma_wait3A_498 : memref<632x8xf32, #tpu.memory_space<vmem>>) dst(%dma_wait3A_495 : memref<632x8xf32, #tpu.memory_space<vmem_shared>>)
      tpu.yield
    }) : () -> ()
    %eq3A = arith.constant 0 : i32
    %eq3A_3 = arith.cmpi eq, %arg0, %eq3A : i32
    %eq3A_4 = arith.constant 0 : i32
    %eq3A_5 = arith.cmpi eq, %arg1, %eq3A_4 : i32
    %and3A = arith.andi %eq3A_3, %eq3A_5 : i1
    %convert_element_type3A = arith.extui %and3A : i1 to i32
    %cond3A = arith.constant 0 : i32
    %cond3A_6 = arith.cmpi ne, %convert_element_type3A, %cond3A : i32
    scf.if %cond3A_6 {
      "tpu.region"() ({
        %run_scoped3A_480 = tpu.sem_alloc : memref<!tpu.dma_semaphore, #tpu.memory_space<semaphore_mem>>
        %dma_start3A = arith.constant 0 : i32
        %dma_start3A_481 = arith.constant 0 : i32
        %dma_start3A_482 = tpu.memref_slice %arg18[%dma_start3A, %dma_start3A_481] : memref<4096x8xf32, #tpu.memory_space<vmem>> -> memref<256x8xf32, #tpu.memory_space<vmem>>
        %dma_start3A_483 = arith.constant 0 : i32
        %dma_start3A_484 = arith.constant 0 : i32
        %dma_start3A_485 = tpu.memref_slice %arg18[%dma_start3A_483, %dma_start3A_484] : memref<4096x8xf32, #tpu.memory_space<vmem>> -> memref<256x8xf32, #tpu.memory_space<vmem>>
        tpu.enqueue_dma source(%dma_start3A_485 : memref<256x8xf32, #tpu.memory_space<vmem>>) target(%arg14 : memref<256x8xf32, #tpu.memory_space<vmem_shared>>) target_semaphore(%run_scoped3A_480 : memref<!tpu.dma_semaphore, #tpu.memory_space<semaphore_mem>>)
        %dma_wait3A = arith.constant 0 : i32
        %dma_wait3A_486 = arith.constant 0 : i32
        %dma_wait3A_487 = tpu.memref_slice %arg18[%dma_wait3A, %dma_wait3A_486] : memref<4096x8xf32, #tpu.memory_space<vmem>> -> memref<256x8xf32, #tpu.memory_space<vmem>>
        %dma_wait3A_488 = arith.constant 0 : i32
        %dma_wait3A_489 = arith.constant 0 : i32
        %dma_wait3A_490 = tpu.memref_slice %arg18[%dma_wait3A_488, %dma_wait3A_489] : memref<4096x8xf32, #tpu.memory_space<vmem>> -> memref<256x8xf32, #tpu.memory_space<vmem>>
        tpu.wait_dma2 semaphore(%run_scoped3A_480 : memref<!tpu.dma_semaphore, #tpu.memory_space<semaphore_mem>>) src(%dma_wait3A_490 : memref<256x8xf32, #tpu.memory_space<vmem>>) dst(%arg14 : memref<256x8xf32, #tpu.memory_space<vmem_shared>>)
        tpu.yield
      }) : () -> ()
    } else {
    }
    %eq3A_7 = arith.constant 0 : i32
    %eq3A_8 = arith.cmpi eq, %arg0, %eq3A_7 : i32
    %convert_element_type3A_9 = arith.extui %eq3A_8 : i1 to i32
    %cond3A_10 = arith.constant 0 : i32
    %cond3A_11 = arith.cmpi ne, %convert_element_type3A_9, %cond3A_10 : i32
    scf.if %cond3A_11 {
      %mul3A_480 = arith.constant 78 : i32
      %mul3A_481 = arith.muli %arg1, %mul3A_480 : i32
      "tpu.region"() ({
        %run_scoped3A_482 = tpu.sem_alloc : memref<!tpu.dma_semaphore, #tpu.memory_space<semaphore_mem>>
        %dma_start3A = arith.constant 0 : i32
        %dma_start3A_483 = arith.constant 0 : i32
        %dma_start3A_484 = tpu.memref_slice %arg15[%dma_start3A, %dma_start3A_483] : memref<79x128xi32, #tpu.memory_space<vmem>> -> memref<78x128xi32, #tpu.memory_space<vmem>>
        %dma_start3A_485 = arith.constant 0 : i32
        %dma_start3A_486 = tpu.memref_slice %arg2[%mul3A_481, %dma_start3A_485] : memref<2500x128xi32, #tpu.memory_space<hbm>> -> memref<78x128xi32, #tpu.memory_space<hbm>>
        %dma_start3A_487 = arith.constant 0 : i32
        %dma_start3A_488 = arith.constant 0 : i32
        %dma_start3A_489 = tpu.memref_slice %arg15[%dma_start3A_487, %dma_start3A_488] : memref<79x128xi32, #tpu.memory_space<vmem>> -> memref<78x128xi32, #tpu.memory_space<vmem>>
        %dma_start3A_490 = arith.constant 0 : i32
        %dma_start3A_491 = tpu.memref_slice %arg2[%mul3A_481, %dma_start3A_490] : memref<2500x128xi32, #tpu.memory_space<hbm>> -> memref<78x128xi32, #tpu.memory_space<hbm>>
        tpu.enqueue_dma source(%dma_start3A_491 : memref<78x128xi32, #tpu.memory_space<hbm>>) target(%dma_start3A_489 : memref<78x128xi32, #tpu.memory_space<vmem>>) target_semaphore(%run_scoped3A_482 : memref<!tpu.dma_semaphore, #tpu.memory_space<semaphore_mem>>)
        %dma_wait3A = arith.constant 0 : i32
        %dma_wait3A_492 = arith.constant 0 : i32
        %dma_wait3A_493 = tpu.memref_slice %arg15[%dma_wait3A, %dma_wait3A_492] : memref<79x128xi32, #tpu.memory_space<vmem>> -> memref<78x128xi32, #tpu.memory_space<vmem>>
        %dma_wait3A_494 = arith.constant 0 : i32
        %dma_wait3A_495 = tpu.memref_slice %arg2[%mul3A_481, %dma_wait3A_494] : memref<2500x128xi32, #tpu.memory_space<hbm>> -> memref<78x128xi32, #tpu.memory_space<hbm>>
        %dma_wait3A_496 = arith.constant 0 : i32
        %dma_wait3A_497 = arith.constant 0 : i32
        %dma_wait3A_498 = tpu.memref_slice %arg15[%dma_wait3A_496, %dma_wait3A_497] : memref<79x128xi32, #tpu.memory_space<vmem>> -> memref<78x128xi32, #tpu.memory_space<vmem>>
        %dma_wait3A_499 = arith.constant 0 : i32
        %dma_wait3A_500 = tpu.memref_slice %arg2[%mul3A_481, %dma_wait3A_499] : memref<2500x128xi32, #tpu.memory_space<hbm>> -> memref<78x128xi32, #tpu.memory_space<hbm>>
        tpu.wait_dma2 semaphore(%run_scoped3A_482 : memref<!tpu.dma_semaphore, #tpu.memory_space<semaphore_mem>>) src(%dma_wait3A_500 : memref<78x128xi32, #tpu.memory_space<hbm>>) dst(%dma_wait3A_498 : memref<78x128xi32, #tpu.memory_space<vmem>>)
        tpu.yield
      }) : () -> ()
    } else {
    }
    %eq3A_12 = arith.constant 1 : i32
    %eq3A_13 = arith.cmpi eq, %arg0, %eq3A_12 : i32
    %convert_element_type3A_14 = arith.extui %eq3A_13 : i1 to i32
    %cond3A_15 = arith.constant 0 : i32
    %cond3A_16 = arith.cmpi ne, %convert_element_type3A_14, %cond3A_15 : i32
    scf.if %cond3A_16 {
      %mul3A_480 = arith.constant 78 : i32
      %mul3A_481 = arith.muli %arg1, %mul3A_480 : i32
      %add3A_482 = arith.constant 1248 : i32
      %add3A_483 = arith.addi %add3A_482, %mul3A_481 : i32
      "tpu.region"() ({
        %run_scoped3A_484 = tpu.sem_alloc : memref<!tpu.dma_semaphore, #tpu.memory_space<semaphore_mem>>
        %dma_start3A = arith.constant 0 : i32
        %dma_start3A_485 = arith.constant 0 : i32
        %dma_start3A_486 = tpu.memref_slice %arg15[%dma_start3A, %dma_start3A_485] : memref<79x128xi32, #tpu.memory_space<vmem>> -> memref<78x128xi32, #tpu.memory_space<vmem>>
        %dma_start3A_487 = arith.constant 0 : i32
        %dma_start3A_488 = tpu.memref_slice %arg2[%add3A_483, %dma_start3A_487] : memref<2500x128xi32, #tpu.memory_space<hbm>> -> memref<78x128xi32, #tpu.memory_space<hbm>>
        %dma_start3A_489 = arith.constant 0 : i32
        %dma_start3A_490 = arith.constant 0 : i32
        %dma_start3A_491 = tpu.memref_slice %arg15[%dma_start3A_489, %dma_start3A_490] : memref<79x128xi32, #tpu.memory_space<vmem>> -> memref<78x128xi32, #tpu.memory_space<vmem>>
        %dma_start3A_492 = arith.constant 0 : i32
        %dma_start3A_493 = tpu.memref_slice %arg2[%add3A_483, %dma_start3A_492] : memref<2500x128xi32, #tpu.memory_space<hbm>> -> memref<78x128xi32, #tpu.memory_space<hbm>>
        tpu.enqueue_dma source(%dma_start3A_493 : memref<78x128xi32, #tpu.memory_space<hbm>>) target(%dma_start3A_491 : memref<78x128xi32, #tpu.memory_space<vmem>>) target_semaphore(%run_scoped3A_484 : memref<!tpu.dma_semaphore, #tpu.memory_space<semaphore_mem>>)
        %dma_wait3A = arith.constant 0 : i32
        %dma_wait3A_494 = arith.constant 0 : i32
        %dma_wait3A_495 = tpu.memref_slice %arg15[%dma_wait3A, %dma_wait3A_494] : memref<79x128xi32, #tpu.memory_space<vmem>> -> memref<78x128xi32, #tpu.memory_space<vmem>>
        %dma_wait3A_496 = arith.constant 0 : i32
        %dma_wait3A_497 = tpu.memref_slice %arg2[%add3A_483, %dma_wait3A_496] : memref<2500x128xi32, #tpu.memory_space<hbm>> -> memref<78x128xi32, #tpu.memory_space<hbm>>
        %dma_wait3A_498 = arith.constant 0 : i32
        %dma_wait3A_499 = arith.constant 0 : i32
        %dma_wait3A_500 = tpu.memref_slice %arg15[%dma_wait3A_498, %dma_wait3A_499] : memref<79x128xi32, #tpu.memory_space<vmem>> -> memref<78x128xi32, #tpu.memory_space<vmem>>
        %dma_wait3A_501 = arith.constant 0 : i32
        %dma_wait3A_502 = tpu.memref_slice %arg2[%add3A_483, %dma_wait3A_501] : memref<2500x128xi32, #tpu.memory_space<hbm>> -> memref<78x128xi32, #tpu.memory_space<hbm>>
        tpu.wait_dma2 semaphore(%run_scoped3A_484 : memref<!tpu.dma_semaphore, #tpu.memory_space<semaphore_mem>>) src(%dma_wait3A_502 : memref<78x128xi32, #tpu.memory_space<hbm>>) dst(%dma_wait3A_500 : memref<78x128xi32, #tpu.memory_space<vmem>>)
        tpu.yield
      }) : () -> ()
    } else {
    }
    %eq3A_17 = arith.constant 1 : i32
    %eq3A_18 = arith.cmpi eq, %arg0, %eq3A_17 : i32
    %ge3A = arith.constant 12 : i32
    %ge3A_19 = arith.cmpi sge, %arg1, %ge3A : i32
    %and3A_20 = arith.andi %eq3A_18, %ge3A_19 : i1
    %convert_element_type3A_21 = arith.extui %and3A_20 : i1 to i32
    %cond3A_22 = arith.constant 0 : i32
    %cond3A_23 = arith.cmpi ne, %convert_element_type3A_21, %cond3A_22 : i32
    scf.if %cond3A_23 {
      %add3A_480 = arith.constant 2496 : i32
      %add3A_481 = arith.addi %add3A_480, %arg1 : i32
      %sub3A = arith.constant 12 : i32
      %sub3A_482 = arith.subi %add3A_481, %sub3A : i32
      "tpu.region"() ({
        %run_scoped3A_483 = tpu.sem_alloc : memref<!tpu.dma_semaphore, #tpu.memory_space<semaphore_mem>>
        %dma_start3A = arith.constant 78 : i32
        %dma_start3A_484 = arith.constant 0 : i32
        %dma_start3A_485 = tpu.memref_slice %arg15[%dma_start3A, %dma_start3A_484] : memref<79x128xi32, #tpu.memory_space<vmem>> -> memref<1x128xi32, #tpu.memory_space<vmem>>
        %dma_start3A_486 = arith.constant 0 : i32
        %dma_start3A_487 = tpu.memref_slice %arg2[%sub3A_482, %dma_start3A_486] : memref<2500x128xi32, #tpu.memory_space<hbm>> -> memref<1x128xi32, #tpu.memory_space<hbm>>
        %dma_start3A_488 = arith.constant 78 : i32
        %dma_start3A_489 = arith.constant 0 : i32
        %dma_start3A_490 = tpu.memref_slice %arg15[%dma_start3A_488, %dma_start3A_489] : memref<79x128xi32, #tpu.memory_space<vmem>> -> memref<1x128xi32, #tpu.memory_space<vmem>>
        %dma_start3A_491 = arith.constant 0 : i32
        %dma_start3A_492 = tpu.memref_slice %arg2[%sub3A_482, %dma_start3A_491] : memref<2500x128xi32, #tpu.memory_space<hbm>> -> memref<1x128xi32, #tpu.memory_space<hbm>>
        tpu.enqueue_dma source(%dma_start3A_492 : memref<1x128xi32, #tpu.memory_space<hbm>>) target(%dma_start3A_490 : memref<1x128xi32, #tpu.memory_space<vmem>>) target_semaphore(%run_scoped3A_483 : memref<!tpu.dma_semaphore, #tpu.memory_space<semaphore_mem>>)
        %dma_wait3A = arith.constant 78 : i32
        %dma_wait3A_493 = arith.constant 0 : i32
        %dma_wait3A_494 = tpu.memref_slice %arg15[%dma_wait3A, %dma_wait3A_493] : memref<79x128xi32, #tpu.memory_space<vmem>> -> memref<1x128xi32, #tpu.memory_space<vmem>>
        %dma_wait3A_495 = arith.constant 0 : i32
        %dma_wait3A_496 = tpu.memref_slice %arg2[%sub3A_482, %dma_wait3A_495] : memref<2500x128xi32, #tpu.memory_space<hbm>> -> memref<1x128xi32, #tpu.memory_space<hbm>>
        %dma_wait3A_497 = arith.constant 78 : i32
        %dma_wait3A_498 = arith.constant 0 : i32
        %dma_wait3A_499 = tpu.memref_slice %arg15[%dma_wait3A_497, %dma_wait3A_498] : memref<79x128xi32, #tpu.memory_space<vmem>> -> memref<1x128xi32, #tpu.memory_space<vmem>>
        %dma_wait3A_500 = arith.constant 0 : i32
        %dma_wait3A_501 = tpu.memref_slice %arg2[%sub3A_482, %dma_wait3A_500] : memref<2500x128xi32, #tpu.memory_space<hbm>> -> memref<1x128xi32, #tpu.memory_space<hbm>>
        tpu.wait_dma2 semaphore(%run_scoped3A_483 : memref<!tpu.dma_semaphore, #tpu.memory_space<semaphore_mem>>) src(%dma_wait3A_501 : memref<1x128xi32, #tpu.memory_space<hbm>>) dst(%dma_wait3A_499 : memref<1x128xi32, #tpu.memory_space<vmem>>)
        tpu.yield
      }) : () -> ()
    } else {
    }
    %run_scoped3A = arith.constant 0 : i32
    "tpu.region"() ({
      %run_scoped3A_480 = tpu.sem_alloc : memref<!tpu.dma_semaphore, #tpu.memory_space<semaphore_mem>>
      %dma_start3A = arith.constant 0 : i32
      %dma_start3A_481 = tpu.memref_slice %arg19[%run_scoped3A, %dma_start3A] : memref<2x128xi32, #tpu.memory_space<vmem>> -> memref<1x128xi32, #tpu.memory_space<vmem>>
      %dma_start3A_482 = tpu.memref_squeeze %dma_start3A_481 : memref<1x128xi32, #tpu.memory_space<vmem>> -> memref<128xi32, #tpu.memory_space<vmem>>
      %dma_start3A_483 = arith.constant 0 : i32
      %dma_start3A_484 = tpu.memref_slice %arg3[%arg1, %dma_start3A_483] : memref<16x128xi32, #tpu.memory_space<hbm>> -> memref<1x128xi32, #tpu.memory_space<hbm>>
      %dma_start3A_485 = tpu.memref_squeeze %dma_start3A_484 : memref<1x128xi32, #tpu.memory_space<hbm>> -> memref<128xi32, #tpu.memory_space<hbm>>
      %dma_start3A_486 = arith.constant 0 : i32
      %dma_start3A_487 = tpu.memref_slice %arg19[%run_scoped3A, %dma_start3A_486] : memref<2x128xi32, #tpu.memory_space<vmem>> -> memref<1x128xi32, #tpu.memory_space<vmem>>
      %dma_start3A_488 = tpu.memref_squeeze %dma_start3A_487 : memref<1x128xi32, #tpu.memory_space<vmem>> -> memref<128xi32, #tpu.memory_space<vmem>>
      %dma_start3A_489 = arith.constant 0 : i32
      %dma_start3A_490 = tpu.memref_slice %arg3[%arg1, %dma_start3A_489] : memref<16x128xi32, #tpu.memory_space<hbm>> -> memref<1x128xi32, #tpu.memory_space<hbm>>
      %dma_start3A_491 = tpu.memref_squeeze %dma_start3A_490 : memref<1x128xi32, #tpu.memory_space<hbm>> -> memref<128xi32, #tpu.memory_space<hbm>>
      tpu.enqueue_dma source(%dma_start3A_491 : memref<128xi32, #tpu.memory_space<hbm>>) target(%dma_start3A_488 : memref<128xi32, #tpu.memory_space<vmem>>) target_semaphore(%run_scoped3A_480 : memref<!tpu.dma_semaphore, #tpu.memory_space<semaphore_mem>>)
      %dma_wait3A = arith.constant 0 : i32
      %dma_wait3A_492 = tpu.memref_slice %arg19[%run_scoped3A, %dma_wait3A] : memref<2x128xi32, #tpu.memory_space<vmem>> -> memref<1x128xi32, #tpu.memory_space<vmem>>
      %dma_wait3A_493 = tpu.memref_squeeze %dma_wait3A_492 : memref<1x128xi32, #tpu.memory_space<vmem>> -> memref<128xi32, #tpu.memory_space<vmem>>
      %dma_wait3A_494 = arith.constant 0 : i32
      %dma_wait3A_495 = tpu.memref_slice %arg3[%arg1, %dma_wait3A_494] : memref<16x128xi32, #tpu.memory_space<hbm>> -> memref<1x128xi32, #tpu.memory_space<hbm>>
      %dma_wait3A_496 = tpu.memref_squeeze %dma_wait3A_495 : memref<1x128xi32, #tpu.memory_space<hbm>> -> memref<128xi32, #tpu.memory_space<hbm>>
      %dma_wait3A_497 = arith.constant 0 : i32
      %dma_wait3A_498 = tpu.memref_slice %arg19[%run_scoped3A, %dma_wait3A_497] : memref<2x128xi32, #tpu.memory_space<vmem>> -> memref<1x128xi32, #tpu.memory_space<vmem>>
      %dma_wait3A_499 = tpu.memref_squeeze %dma_wait3A_498 : memref<1x128xi32, #tpu.memory_space<vmem>> -> memref<128xi32, #tpu.memory_space<vmem>>
      %dma_wait3A_500 = arith.constant 0 : i32
      %dma_wait3A_501 = tpu.memref_slice %arg3[%arg1, %dma_wait3A_500] : memref<16x128xi32, #tpu.memory_space<hbm>> -> memref<1x128xi32, #tpu.memory_space<hbm>>
      %dma_wait3A_502 = tpu.memref_squeeze %dma_wait3A_501 : memref<1x128xi32, #tpu.memory_space<hbm>> -> memref<128xi32, #tpu.memory_space<hbm>>
      tpu.wait_dma2 semaphore(%run_scoped3A_480 : memref<!tpu.dma_semaphore, #tpu.memory_space<semaphore_mem>>) src(%dma_wait3A_502 : memref<128xi32, #tpu.memory_space<hbm>>) dst(%dma_wait3A_499 : memref<128xi32, #tpu.memory_space<vmem>>)
      tpu.yield
    }) : () -> ()
    %run_scoped3A_24 = arith.constant 0 : i32
    "tpu.region"() ({
      %run_scoped3A_480 = tpu.sem_alloc : memref<!tpu.dma_semaphore, #tpu.memory_space<semaphore_mem>>
      %dma_start3A = arith.constant 0 : i32
      %dma_start3A_481 = tpu.memref_slice %arg20[%run_scoped3A_24, %dma_start3A] : memref<1x128xi32, #tpu.memory_space<vmem>> -> memref<1x128xi32, #tpu.memory_space<vmem>>
      %dma_start3A_482 = tpu.memref_squeeze %dma_start3A_481 : memref<1x128xi32, #tpu.memory_space<vmem>> -> memref<128xi32, #tpu.memory_space<vmem>>
      %dma_start3A_483 = arith.constant 0 : i32
      %dma_start3A_484 = tpu.memref_slice %arg4[%arg1, %dma_start3A_483] : memref<16x128xi32, #tpu.memory_space<hbm>> -> memref<1x128xi32, #tpu.memory_space<hbm>>
      %dma_start3A_485 = tpu.memref_squeeze %dma_start3A_484 : memref<1x128xi32, #tpu.memory_space<hbm>> -> memref<128xi32, #tpu.memory_space<hbm>>
      %dma_start3A_486 = arith.constant 0 : i32
      %dma_start3A_487 = tpu.memref_slice %arg20[%run_scoped3A_24, %dma_start3A_486] : memref<1x128xi32, #tpu.memory_space<vmem>> -> memref<1x128xi32, #tpu.memory_space<vmem>>
      %dma_start3A_488 = tpu.memref_squeeze %dma_start3A_487 : memref<1x128xi32, #tpu.memory_space<vmem>> -> memref<128xi32, #tpu.memory_space<vmem>>
      %dma_start3A_489 = arith.constant 0 : i32
      %dma_start3A_490 = tpu.memref_slice %arg4[%arg1, %dma_start3A_489] : memref<16x128xi32, #tpu.memory_space<hbm>> -> memref<1x128xi32, #tpu.memory_space<hbm>>
      %dma_start3A_491 = tpu.memref_squeeze %dma_start3A_490 : memref<1x128xi32, #tpu.memory_space<hbm>> -> memref<128xi32, #tpu.memory_space<hbm>>
      tpu.enqueue_dma source(%dma_start3A_491 : memref<128xi32, #tpu.memory_space<hbm>>) target(%dma_start3A_488 : memref<128xi32, #tpu.memory_space<vmem>>) target_semaphore(%run_scoped3A_480 : memref<!tpu.dma_semaphore, #tpu.memory_space<semaphore_mem>>)
      %dma_wait3A = arith.constant 0 : i32
      %dma_wait3A_492 = tpu.memref_slice %arg20[%run_scoped3A_24, %dma_wait3A] : memref<1x128xi32, #tpu.memory_space<vmem>> -> memref<1x128xi32, #tpu.memory_space<vmem>>
      %dma_wait3A_493 = tpu.memref_squeeze %dma_wait3A_492 : memref<1x128xi32, #tpu.memory_space<vmem>> -> memref<128xi32, #tpu.memory_space<vmem>>
      %dma_wait3A_494 = arith.constant 0 : i32
      %dma_wait3A_495 = tpu.memref_slice %arg4[%arg1, %dma_wait3A_494] : memref<16x128xi32, #tpu.memory_space<hbm>> -> memref<1x128xi32, #tpu.memory_space<hbm>>
      %dma_wait3A_496 = tpu.memref_squeeze %dma_wait3A_495 : memref<1x128xi32, #tpu.memory_space<hbm>> -> memref<128xi32, #tpu.memory_space<hbm>>
      %dma_wait3A_497 = arith.constant 0 : i32
      %dma_wait3A_498 = tpu.memref_slice %arg20[%run_scoped3A_24, %dma_wait3A_497] : memref<1x128xi32, #tpu.memory_space<vmem>> -> memref<1x128xi32, #tpu.memory_space<vmem>>
      %dma_wait3A_499 = tpu.memref_squeeze %dma_wait3A_498 : memref<1x128xi32, #tpu.memory_space<vmem>> -> memref<128xi32, #tpu.memory_space<vmem>>
      %dma_wait3A_500 = arith.constant 0 : i32
      %dma_wait3A_501 = tpu.memref_slice %arg4[%arg1, %dma_wait3A_500] : memref<16x128xi32, #tpu.memory_space<hbm>> -> memref<1x128xi32, #tpu.memory_space<hbm>>
      %dma_wait3A_502 = tpu.memref_squeeze %dma_wait3A_501 : memref<1x128xi32, #tpu.memory_space<hbm>> -> memref<128xi32, #tpu.memory_space<hbm>>
      tpu.wait_dma2 semaphore(%run_scoped3A_480 : memref<!tpu.dma_semaphore, #tpu.memory_space<semaphore_mem>>) src(%dma_wait3A_502 : memref<128xi32, #tpu.memory_space<hbm>>) dst(%dma_wait3A_499 : memref<128xi32, #tpu.memory_space<vmem>>)
      tpu.yield
    }) : () -> ()
    %run_scoped3A_25 = arith.constant 0 : i32
    "tpu.region"() ({
      %run_scoped3A_480 = tpu.sem_alloc : memref<!tpu.dma_semaphore, #tpu.memory_space<semaphore_mem>>
      %dma_start3A = arith.constant 0 : i32
      %dma_start3A_481 = tpu.memref_slice %arg21[%run_scoped3A_25, %dma_start3A] : memref<1x128xi32, #tpu.memory_space<vmem>> -> memref<1x128xi32, #tpu.memory_space<vmem>>
      %dma_start3A_482 = tpu.memref_squeeze %dma_start3A_481 : memref<1x128xi32, #tpu.memory_space<vmem>> -> memref<128xi32, #tpu.memory_space<vmem>>
      %dma_start3A_483 = arith.constant 0 : i32
      %dma_start3A_484 = tpu.memref_slice %arg5[%arg1, %dma_start3A_483] : memref<16x128xi32, #tpu.memory_space<hbm>> -> memref<1x128xi32, #tpu.memory_space<hbm>>
      %dma_start3A_485 = tpu.memref_squeeze %dma_start3A_484 : memref<1x128xi32, #tpu.memory_space<hbm>> -> memref<128xi32, #tpu.memory_space<hbm>>
      %dma_start3A_486 = arith.constant 0 : i32
      %dma_start3A_487 = tpu.memref_slice %arg21[%run_scoped3A_25, %dma_start3A_486] : memref<1x128xi32, #tpu.memory_space<vmem>> -> memref<1x128xi32, #tpu.memory_space<vmem>>
      %dma_start3A_488 = tpu.memref_squeeze %dma_start3A_487 : memref<1x128xi32, #tpu.memory_space<vmem>> -> memref<128xi32, #tpu.memory_space<vmem>>
      %dma_start3A_489 = arith.constant 0 : i32
      %dma_start3A_490 = tpu.memref_slice %arg5[%arg1, %dma_start3A_489] : memref<16x128xi32, #tpu.memory_space<hbm>> -> memref<1x128xi32, #tpu.memory_space<hbm>>
      %dma_start3A_491 = tpu.memref_squeeze %dma_start3A_490 : memref<1x128xi32, #tpu.memory_space<hbm>> -> memref<128xi32, #tpu.memory_space<hbm>>
      tpu.enqueue_dma source(%dma_start3A_491 : memref<128xi32, #tpu.memory_space<hbm>>) target(%dma_start3A_488 : memref<128xi32, #tpu.memory_space<vmem>>) target_semaphore(%run_scoped3A_480 : memref<!tpu.dma_semaphore, #tpu.memory_space<semaphore_mem>>)
      %dma_wait3A = arith.constant 0 : i32
      %dma_wait3A_492 = tpu.memref_slice %arg21[%run_scoped3A_25, %dma_wait3A] : memref<1x128xi32, #tpu.memory_space<vmem>> -> memref<1x128xi32, #tpu.memory_space<vmem>>
      %dma_wait3A_493 = tpu.memref_squeeze %dma_wait3A_492 : memref<1x128xi32, #tpu.memory_space<vmem>> -> memref<128xi32, #tpu.memory_space<vmem>>
      %dma_wait3A_494 = arith.constant 0 : i32
      %dma_wait3A_495 = tpu.memref_slice %arg5[%arg1, %dma_wait3A_494] : memref<16x128xi32, #tpu.memory_space<hbm>> -> memref<1x128xi32, #tpu.memory_space<hbm>>
      %dma_wait3A_496 = tpu.memref_squeeze %dma_wait3A_495 : memref<1x128xi32, #tpu.memory_space<hbm>> -> memref<128xi32, #tpu.memory_space<hbm>>
      %dma_wait3A_497 = arith.constant 0 : i32
      %dma_wait3A_498 = tpu.memref_slice %arg21[%run_scoped3A_25, %dma_wait3A_497] : memref<1x128xi32, #tpu.memory_space<vmem>> -> memref<1x128xi32, #tpu.memory_space<vmem>>
      %dma_wait3A_499 = tpu.memref_squeeze %dma_wait3A_498 : memref<1x128xi32, #tpu.memory_space<vmem>> -> memref<128xi32, #tpu.memory_space<vmem>>
      %dma_wait3A_500 = arith.constant 0 : i32
      %dma_wait3A_501 = tpu.memref_slice %arg5[%arg1, %dma_wait3A_500] : memref<16x128xi32, #tpu.memory_space<hbm>> -> memref<1x128xi32, #tpu.memory_space<hbm>>
      %dma_wait3A_502 = tpu.memref_squeeze %dma_wait3A_501 : memref<1x128xi32, #tpu.memory_space<hbm>> -> memref<128xi32, #tpu.memory_space<hbm>>
      tpu.wait_dma2 semaphore(%run_scoped3A_480 : memref<!tpu.dma_semaphore, #tpu.memory_space<semaphore_mem>>) src(%dma_wait3A_502 : memref<128xi32, #tpu.memory_space<hbm>>) dst(%dma_wait3A_499 : memref<128xi32, #tpu.memory_space<vmem>>)
      tpu.yield
    }) : () -> ()
    %get3A = arith.constant 0 : i32
    %get3A_26 = arith.index_cast %get3A : i32 to index
    %get3A_27 = arith.constant 0 : index
    %get3A_28 = tpu.vector_load %arg20[%get3A_26, %get3A_27] {strides = array<i32>} : memref<1x128xi32, #tpu.memory_space<vmem>>, vector<1x16xi32>,
    %get3A_29 = vector.shape_cast %get3A_28 : vector<1x16xi32> to vector<16xi32>
    %mul3A_30 = arith.constant 256 : i32
    %mul3A_31 = vector.broadcast %mul3A_30 : i32 to vector<16xi32>
    %mul3A_32 = arith.muli %get3A_29, %mul3A_31 : vector<16xi32>
    %get3A_33 = arith.constant 0 : i32
    %get3A_34 = arith.index_cast %get3A_33 : i32 to index
    %get3A_35 = arith.constant 0 : index
    %get3A_36 = tpu.vector_load %arg21[%get3A_34, %get3A_35] {strides = array<i32>} : memref<1x128xi32, #tpu.memory_space<vmem>>, vector<1x16xi32>,
    %get3A_37 = vector.shape_cast %get3A_36 : vector<1x16xi32> to vector<16xi32>
    %add3A_38 = arith.addi %mul3A_32, %get3A_37 : vector<16xi32>
    %swap3A = arith.constant 0 : i32
    %swap3A_39 = arith.index_cast %swap3A : i32 to index
    %swap3A_40 = arith.constant 0 : index
    %swap3A_41 = tpu.vector_load %arg22[%swap3A_39, %swap3A_40] {strides = array<i32>} : memref<1x128xi32, #tpu.memory_space<vmem>>, vector<1x16xi32>,
    %swap3A_42 = vector.shape_cast %swap3A_41 : vector<1x16xi32> to vector<16xi32>
    %swap3A_43 = vector.shape_cast %add3A_38 : vector<16xi32> to vector<1x16xi32>
    tpu.vector_store %arg22[%swap3A_39, %swap3A_40], %swap3A_43 {strides = array<i32>} : memref<1x128xi32, #tpu.memory_space<vmem>>, vector<1x16xi32>,
    %get3A_44 = arith.constant 0 : i32
    %get3A_45 = arith.index_cast %get3A_44 : i32 to index
    %get3A_46 = arith.constant 16 : index
    %get3A_47 = tpu.vector_load %arg20[%get3A_45, %get3A_46] {strides = array<i32>} : memref<1x128xi32, #tpu.memory_space<vmem>>, vector<1x16xi32>,
    %get3A_48 = vector.shape_cast %get3A_47 : vector<1x16xi32> to vector<16xi32>
    %mul3A_49 = arith.constant 256 : i32
    %mul3A_50 = vector.broadcast %mul3A_49 : i32 to vector<16xi32>
    %mul3A_51 = arith.muli %get3A_48, %mul3A_50 : vector<16xi32>
    %get3A_52 = arith.constant 0 : i32
    %get3A_53 = arith.index_cast %get3A_52 : i32 to index
    %get3A_54 = arith.constant 16 : index
    %get3A_55 = tpu.vector_load %arg21[%get3A_53, %get3A_54] {strides = array<i32>} : memref<1x128xi32, #tpu.memory_space<vmem>>, vector<1x16xi32>,
    %get3A_56 = vector.shape_cast %get3A_55 : vector<1x16xi32> to vector<16xi32>
    %add3A_57 = arith.addi %mul3A_51, %get3A_56 : vector<16xi32>
    %swap3A_58 = arith.constant 0 : i32
    %swap3A_59 = arith.index_cast %swap3A_58 : i32 to index
    %swap3A_60 = arith.constant 16 : index
    %swap3A_61 = tpu.vector_load %arg22[%swap3A_59, %swap3A_60] {strides = array<i32>} : memref<1x128xi32, #tpu.memory_space<vmem>>, vector<1x16xi32>,
    %swap3A_62 = vector.shape_cast %swap3A_61 : vector<1x16xi32> to vector<16xi32>
    %swap3A_63 = vector.shape_cast %add3A_57 : vector<16xi32> to vector<1x16xi32>
    tpu.vector_store %arg22[%swap3A_59, %swap3A_60], %swap3A_63 {strides = array<i32>} : memref<1x128xi32, #tpu.memory_space<vmem>>, vector<1x16xi32>,
    %get3A_64 = arith.constant 0 : i32
    %get3A_65 = arith.index_cast %get3A_64 : i32 to index
    %get3A_66 = arith.constant 32 : index
    %get3A_67 = tpu.vector_load %arg20[%get3A_65, %get3A_66] {strides = array<i32>} : memref<1x128xi32, #tpu.memory_space<vmem>>, vector<1x16xi32>,
    %get3A_68 = vector.shape_cast %get3A_67 : vector<1x16xi32> to vector<16xi32>
    %mul3A_69 = arith.constant 256 : i32
    %mul3A_70 = vector.broadcast %mul3A_69 : i32 to vector<16xi32>
    %mul3A_71 = arith.muli %get3A_68, %mul3A_70 : vector<16xi32>
    %get3A_72 = arith.constant 0 : i32
    %get3A_73 = arith.index_cast %get3A_72 : i32 to index
    %get3A_74 = arith.constant 32 : index
    %get3A_75 = tpu.vector_load %arg21[%get3A_73, %get3A_74] {strides = array<i32>} : memref<1x128xi32, #tpu.memory_space<vmem>>, vector<1x16xi32>,
    %get3A_76 = vector.shape_cast %get3A_75 : vector<1x16xi32> to vector<16xi32>
    %add3A_77 = arith.addi %mul3A_71, %get3A_76 : vector<16xi32>
    %swap3A_78 = arith.constant 0 : i32
    %swap3A_79 = arith.index_cast %swap3A_78 : i32 to index
    %swap3A_80 = arith.constant 32 : index
    %swap3A_81 = tpu.vector_load %arg22[%swap3A_79, %swap3A_80] {strides = array<i32>} : memref<1x128xi32, #tpu.memory_space<vmem>>, vector<1x16xi32>,
    %swap3A_82 = vector.shape_cast %swap3A_81 : vector<1x16xi32> to vector<16xi32>
    %swap3A_83 = vector.shape_cast %add3A_77 : vector<16xi32> to vector<1x16xi32>
    tpu.vector_store %arg22[%swap3A_79, %swap3A_80], %swap3A_83 {strides = array<i32>} : memref<1x128xi32, #tpu.memory_space<vmem>>, vector<1x16xi32>,
    %get3A_84 = arith.constant 0 : i32
    %get3A_85 = arith.index_cast %get3A_84 : i32 to index
    %get3A_86 = arith.constant 48 : index
    %get3A_87 = tpu.vector_load %arg20[%get3A_85, %get3A_86] {strides = array<i32>} : memref<1x128xi32, #tpu.memory_space<vmem>>, vector<1x16xi32>,
    %get3A_88 = vector.shape_cast %get3A_87 : vector<1x16xi32> to vector<16xi32>
    %mul3A_89 = arith.constant 256 : i32
    %mul3A_90 = vector.broadcast %mul3A_89 : i32 to vector<16xi32>
    %mul3A_91 = arith.muli %get3A_88, %mul3A_90 : vector<16xi32>
    %get3A_92 = arith.constant 0 : i32
    %get3A_93 = arith.index_cast %get3A_92 : i32 to index
    %get3A_94 = arith.constant 48 : index
    %get3A_95 = tpu.vector_load %arg21[%get3A_93, %get3A_94] {strides = array<i32>} : memref<1x128xi32, #tpu.memory_space<vmem>>, vector<1x16xi32>,
    %get3A_96 = vector.shape_cast %get3A_95 : vector<1x16xi32> to vector<16xi32>
    %add3A_97 = arith.addi %mul3A_91, %get3A_96 : vector<16xi32>
    %swap3A_98 = arith.constant 0 : i32
    %swap3A_99 = arith.index_cast %swap3A_98 : i32 to index
    %swap3A_100 = arith.constant 48 : index
    %swap3A_101 = tpu.vector_load %arg22[%swap3A_99, %swap3A_100] {strides = array<i32>} : memref<1x128xi32, #tpu.memory_space<vmem>>, vector<1x16xi32>,
    %swap3A_102 = vector.shape_cast %swap3A_101 : vector<1x16xi32> to vector<16xi32>
    %swap3A_103 = vector.shape_cast %add3A_97 : vector<16xi32> to vector<1x16xi32>
    tpu.vector_store %arg22[%swap3A_99, %swap3A_100], %swap3A_103 {strides = array<i32>} : memref<1x128xi32, #tpu.memory_space<vmem>>, vector<1x16xi32>,
    %get3A_104 = arith.constant 0 : i32
    %get3A_105 = arith.index_cast %get3A_104 : i32 to index
    %get3A_106 = arith.constant 64 : index
    %get3A_107 = tpu.vector_load %arg20[%get3A_105, %get3A_106] {strides = array<i32>} : memref<1x128xi32, #tpu.memory_space<vmem>>, vector<1x16xi32>,
    %get3A_108 = vector.shape_cast %get3A_107 : vector<1x16xi32> to vector<16xi32>
    %mul3A_109 = arith.constant 256 : i32
    %mul3A_110 = vector.broadcast %mul3A_109 : i32 to vector<16xi32>
    %mul3A_111 = arith.muli %get3A_108, %mul3A_110 : vector<16xi32>
    %get3A_112 = arith.constant 0 : i32
    %get3A_113 = arith.index_cast %get3A_112 : i32 to index
    %get3A_114 = arith.constant 64 : index
    %get3A_115 = tpu.vector_load %arg21[%get3A_113, %get3A_114] {strides = array<i32>} : memref<1x128xi32, #tpu.memory_space<vmem>>, vector<1x16xi32>,
    %get3A_116 = vector.shape_cast %get3A_115 : vector<1x16xi32> to vector<16xi32>
    %add3A_117 = arith.addi %mul3A_111, %get3A_116 : vector<16xi32>
    %swap3A_118 = arith.constant 0 : i32
    %swap3A_119 = arith.index_cast %swap3A_118 : i32 to index
    %swap3A_120 = arith.constant 64 : index
    %swap3A_121 = tpu.vector_load %arg22[%swap3A_119, %swap3A_120] {strides = array<i32>} : memref<1x128xi32, #tpu.memory_space<vmem>>, vector<1x16xi32>,
    %swap3A_122 = vector.shape_cast %swap3A_121 : vector<1x16xi32> to vector<16xi32>
    %swap3A_123 = vector.shape_cast %add3A_117 : vector<16xi32> to vector<1x16xi32>
    tpu.vector_store %arg22[%swap3A_119, %swap3A_120], %swap3A_123 {strides = array<i32>} : memref<1x128xi32, #tpu.memory_space<vmem>>, vector<1x16xi32>,
    %get3A_124 = arith.constant 0 : i32
    %get3A_125 = arith.index_cast %get3A_124 : i32 to index
    %get3A_126 = arith.constant 80 : index
    %get3A_127 = tpu.vector_load %arg20[%get3A_125, %get3A_126] {strides = array<i32>} : memref<1x128xi32, #tpu.memory_space<vmem>>, vector<1x16xi32>,
    %get3A_128 = vector.shape_cast %get3A_127 : vector<1x16xi32> to vector<16xi32>
    %mul3A_129 = arith.constant 256 : i32
    %mul3A_130 = vector.broadcast %mul3A_129 : i32 to vector<16xi32>
    %mul3A_131 = arith.muli %get3A_128, %mul3A_130 : vector<16xi32>
    %get3A_132 = arith.constant 0 : i32
    %get3A_133 = arith.index_cast %get3A_132 : i32 to index
    %get3A_134 = arith.constant 80 : index
    %get3A_135 = tpu.vector_load %arg21[%get3A_133, %get3A_134] {strides = array<i32>} : memref<1x128xi32, #tpu.memory_space<vmem>>, vector<1x16xi32>,
    %get3A_136 = vector.shape_cast %get3A_135 : vector<1x16xi32> to vector<16xi32>
    %add3A_137 = arith.addi %mul3A_131, %get3A_136 : vector<16xi32>
    %swap3A_138 = arith.constant 0 : i32
    %swap3A_139 = arith.index_cast %swap3A_138 : i32 to index
    %swap3A_140 = arith.constant 80 : index
    %swap3A_141 = tpu.vector_load %arg22[%swap3A_139, %swap3A_140] {strides = array<i32>} : memref<1x128xi32, #tpu.memory_space<vmem>>, vector<1x16xi32>,
    %swap3A_142 = vector.shape_cast %swap3A_141 : vector<1x16xi32> to vector<16xi32>
    %swap3A_143 = vector.shape_cast %add3A_137 : vector<16xi32> to vector<1x16xi32>
    tpu.vector_store %arg22[%swap3A_139, %swap3A_140], %swap3A_143 {strides = array<i32>} : memref<1x128xi32, #tpu.memory_space<vmem>>, vector<1x16xi32>,
    %get3A_144 = arith.constant 0 : i32
    %get3A_145 = arith.index_cast %get3A_144 : i32 to index
    %get3A_146 = arith.constant 96 : index
    %get3A_147 = tpu.vector_load %arg20[%get3A_145, %get3A_146] {strides = array<i32>} : memref<1x128xi32, #tpu.memory_space<vmem>>, vector<1x16xi32>,
    %get3A_148 = vector.shape_cast %get3A_147 : vector<1x16xi32> to vector<16xi32>
    %mul3A_149 = arith.constant 256 : i32
    %mul3A_150 = vector.broadcast %mul3A_149 : i32 to vector<16xi32>
    %mul3A_151 = arith.muli %get3A_148, %mul3A_150 : vector<16xi32>
    %get3A_152 = arith.constant 0 : i32
    %get3A_153 = arith.index_cast %get3A_152 : i32 to index
    %get3A_154 = arith.constant 96 : index
    %get3A_155 = tpu.vector_load %arg21[%get3A_153, %get3A_154] {strides = array<i32>} : memref<1x128xi32, #tpu.memory_space<vmem>>, vector<1x16xi32>,
    %get3A_156 = vector.shape_cast %get3A_155 : vector<1x16xi32> to vector<16xi32>
    %add3A_157 = arith.addi %mul3A_151, %get3A_156 : vector<16xi32>
    %swap3A_158 = arith.constant 0 : i32
    %swap3A_159 = arith.index_cast %swap3A_158 : i32 to index
    %swap3A_160 = arith.constant 96 : index
    %swap3A_161 = tpu.vector_load %arg22[%swap3A_159, %swap3A_160] {strides = array<i32>} : memref<1x128xi32, #tpu.memory_space<vmem>>, vector<1x16xi32>,
    %swap3A_162 = vector.shape_cast %swap3A_161 : vector<1x16xi32> to vector<16xi32>
    %swap3A_163 = vector.shape_cast %add3A_157 : vector<16xi32> to vector<1x16xi32>
    tpu.vector_store %arg22[%swap3A_159, %swap3A_160], %swap3A_163 {strides = array<i32>} : memref<1x128xi32, #tpu.memory_space<vmem>>, vector<1x16xi32>,
    %get3A_164 = arith.constant 0 : i32
    %get3A_165 = arith.index_cast %get3A_164 : i32 to index
    %get3A_166 = arith.constant 112 : index
    %get3A_167 = tpu.vector_load %arg20[%get3A_165, %get3A_166] {strides = array<i32>} : memref<1x128xi32, #tpu.memory_space<vmem>>, vector<1x16xi32>,
    %get3A_168 = vector.shape_cast %get3A_167 : vector<1x16xi32> to vector<16xi32>
    %mul3A_169 = arith.constant 256 : i32
    %mul3A_170 = vector.broadcast %mul3A_169 : i32 to vector<16xi32>
    %mul3A_171 = arith.muli %get3A_168, %mul3A_170 : vector<16xi32>
    %get3A_172 = arith.constant 0 : i32
    %get3A_173 = arith.index_cast %get3A_172 : i32 to index
    %get3A_174 = arith.constant 112 : index
    %get3A_175 = tpu.vector_load %arg21[%get3A_173, %get3A_174] {strides = array<i32>} : memref<1x128xi32, #tpu.memory_space<vmem>>, vector<1x16xi32>,
    %get3A_176 = vector.shape_cast %get3A_175 : vector<1x16xi32> to vector<16xi32>
    %add3A_177 = arith.addi %mul3A_171, %get3A_176 : vector<16xi32>
    %swap3A_178 = arith.constant 0 : i32
    %swap3A_179 = arith.index_cast %swap3A_178 : i32 to index
    %swap3A_180 = arith.constant 112 : index
    %swap3A_181 = tpu.vector_load %arg22[%swap3A_179, %swap3A_180] {strides = array<i32>} : memref<1x128xi32, #tpu.memory_space<vmem>>, vector<1x16xi32>,
    %swap3A_182 = vector.shape_cast %swap3A_181 : vector<1x16xi32> to vector<16xi32>
    %swap3A_183 = vector.shape_cast %add3A_177 : vector<16xi32> to vector<1x16xi32>
    tpu.vector_store %arg22[%swap3A_179, %swap3A_180], %swap3A_183 {strides = array<i32>} : memref<1x128xi32, #tpu.memory_space<vmem>>, vector<1x16xi32>,
    %barrier3A = arith.constant 0 : index
    tpu.barrier barrier_id(%barrier3A)
    %scan3A = arith.constant 0 : i32
    %scan3A_184 = arith.constant 0 : i32
    %scan3A_185 = arith.constant 13 : i32
    %scan3A_186 = arith.addi %scan3A_184, %scan3A_185 : i32
    %scan3A_187 = arith.constant 1 : i32
    scf.for %scan3A_480 = %scan3A_184 to %scan3A_186 step %scan3A_187  : i32 {
      %mul3A_481 = arith.constant 6 : i32
      %mul3A_482 = arith.muli %scan3A_480, %mul3A_481 : i32
      %add3A_483 = arith.constant 0 : i32
      %add3A_484 = arith.addi %mul3A_482, %add3A_483 : i32
      %dma_start3A = arith.constant 0 : i32
      %dma_start3A_485 = tpu.memref_slice %arg15[%add3A_484, %dma_start3A] : memref<79x128xi32, #tpu.memory_space<vmem>> -> memref<1x128xi32, #tpu.memory_space<vmem>>
      %dma_start3A_486 = tpu.memref_squeeze %dma_start3A_485 : memref<1x128xi32, #tpu.memory_space<vmem>> -> memref<128xi32, #tpu.memory_space<vmem>>
      %dma_start3A_487 = arith.constant 0 : i32
      %dma_start3A_488 = arith.constant 0 : i32
      %dma_start3A_489 = tpu.memref_slice %arg12[%dma_start3A_487, %dma_start3A_488] : memref<10112x8xf32, #tpu.memory_space<vmem_shared>> -> memref<10112x8xf32, #tpu.memory_space<vmem_shared>>
      tpu.enqueue_indirect_dma source(%arg17 : memref<128x8xf32, #tpu.memory_space<vmem>>) target(%dma_start3A_489 : memref<10112x8xf32, #tpu.memory_space<vmem_shared>>) offsets(%dma_start3A_486 : memref<128xi32, #tpu.memory_space<vmem>>) semaphore(%arg23 : memref<!tpu.dma_semaphore, #tpu.memory_space<semaphore_mem>>) {add = true}
      %mul3A_490 = arith.constant 6 : i32
      %mul3A_491 = arith.muli %scan3A_480, %mul3A_490 : i32
      %add3A_492 = arith.constant 1 : i32
      %add3A_493 = arith.addi %mul3A_491, %add3A_492 : i32
      %dma_start3A_494 = arith.constant 0 : i32
      %dma_start3A_495 = tpu.memref_slice %arg15[%add3A_493, %dma_start3A_494] : memref<79x128xi32, #tpu.memory_space<vmem>> -> memref<1x128xi32, #tpu.memory_space<vmem>>
      %dma_start3A_496 = tpu.memref_squeeze %dma_start3A_495 : memref<1x128xi32, #tpu.memory_space<vmem>> -> memref<128xi32, #tpu.memory_space<vmem>>
      %dma_start3A_497 = arith.constant 0 : i32
      %dma_start3A_498 = arith.constant 0 : i32
      %dma_start3A_499 = tpu.memref_slice %arg12[%dma_start3A_497, %dma_start3A_498] : memref<10112x8xf32, #tpu.memory_space<vmem_shared>> -> memref<10112x8xf32, #tpu.memory_space<vmem_shared>>
      tpu.enqueue_indirect_dma source(%arg17 : memref<128x8xf32, #tpu.memory_space<vmem>>) target(%dma_start3A_499 : memref<10112x8xf32, #tpu.memory_space<vmem_shared>>) offsets(%dma_start3A_496 : memref<128xi32, #tpu.memory_space<vmem>>) semaphore(%arg23 : memref<!tpu.dma_semaphore, #tpu.memory_space<semaphore_mem>>) {add = true}
      %mul3A_500 = arith.constant 6 : i32
      %mul3A_501 = arith.muli %scan3A_480, %mul3A_500 : i32
      %add3A_502 = arith.constant 2 : i32
      %add3A_503 = arith.addi %mul3A_501, %add3A_502 : i32
      %dma_start3A_504 = arith.constant 0 : i32
      %dma_start3A_505 = tpu.memref_slice %arg15[%add3A_503, %dma_start3A_504] : memref<79x128xi32, #tpu.memory_space<vmem>> -> memref<1x128xi32, #tpu.memory_space<vmem>>
      %dma_start3A_506 = tpu.memref_squeeze %dma_start3A_505 : memref<1x128xi32, #tpu.memory_space<vmem>> -> memref<128xi32, #tpu.memory_space<vmem>>
      %dma_start3A_507 = arith.constant 0 : i32
      %dma_start3A_508 = arith.constant 0 : i32
      %dma_start3A_509 = tpu.memref_slice %arg12[%dma_start3A_507, %dma_start3A_508] : memref<10112x8xf32, #tpu.memory_space<vmem_shared>> -> memref<10112x8xf32, #tpu.memory_space<vmem_shared>>
      tpu.enqueue_indirect_dma source(%arg17 : memref<128x8xf32, #tpu.memory_space<vmem>>) target(%dma_start3A_509 : memref<10112x8xf32, #tpu.memory_space<vmem_shared>>) offsets(%dma_start3A_506 : memref<128xi32, #tpu.memory_space<vmem>>) semaphore(%arg23 : memref<!tpu.dma_semaphore, #tpu.memory_space<semaphore_mem>>) {add = true}
      %mul3A_510 = arith.constant 6 : i32
      %mul3A_511 = arith.muli %scan3A_480, %mul3A_510 : i32
      %add3A_512 = arith.constant 3 : i32
      %add3A_513 = arith.addi %mul3A_511, %add3A_512 : i32
      %dma_start3A_514 = arith.constant 0 : i32
      %dma_start3A_515 = tpu.memref_slice %arg15[%add3A_513, %dma_start3A_514] : memref<79x128xi32, #tpu.memory_space<vmem>> -> memref<1x128xi32, #tpu.memory_space<vmem>>
      %dma_start3A_516 = tpu.memref_squeeze %dma_start3A_515 : memref<1x128xi32, #tpu.memory_space<vmem>> -> memref<128xi32, #tpu.memory_space<vmem>>
      %dma_start3A_517 = arith.constant 0 : i32
      %dma_start3A_518 = arith.constant 0 : i32
      %dma_start3A_519 = tpu.memref_slice %arg12[%dma_start3A_517, %dma_start3A_518] : memref<10112x8xf32, #tpu.memory_space<vmem_shared>> -> memref<10112x8xf32, #tpu.memory_space<vmem_shared>>
      tpu.enqueue_indirect_dma source(%arg17 : memref<128x8xf32, #tpu.memory_space<vmem>>) target(%dma_start3A_519 : memref<10112x8xf32, #tpu.memory_space<vmem_shared>>) offsets(%dma_start3A_516 : memref<128xi32, #tpu.memory_space<vmem>>) semaphore(%arg23 : memref<!tpu.dma_semaphore, #tpu.memory_space<semaphore_mem>>) {add = true}
      %mul3A_520 = arith.constant 6 : i32
      %mul3A_521 = arith.muli %scan3A_480, %mul3A_520 : i32
      %add3A_522 = arith.constant 4 : i32
      %add3A_523 = arith.addi %mul3A_521, %add3A_522 : i32
      %dma_start3A_524 = arith.constant 0 : i32
      %dma_start3A_525 = tpu.memref_slice %arg15[%add3A_523, %dma_start3A_524] : memref<79x128xi32, #tpu.memory_space<vmem>> -> memref<1x128xi32, #tpu.memory_space<vmem>>
      %dma_start3A_526 = tpu.memref_squeeze %dma_start3A_525 : memref<1x128xi32, #tpu.memory_space<vmem>> -> memref<128xi32, #tpu.memory_space<vmem>>
      %dma_start3A_527 = arith.constant 0 : i32
      %dma_start3A_528 = arith.constant 0 : i32
      %dma_start3A_529 = tpu.memref_slice %arg12[%dma_start3A_527, %dma_start3A_528] : memref<10112x8xf32, #tpu.memory_space<vmem_shared>> -> memref<10112x8xf32, #tpu.memory_space<vmem_shared>>
      tpu.enqueue_indirect_dma source(%arg17 : memref<128x8xf32, #tpu.memory_space<vmem>>) target(%dma_start3A_529 : memref<10112x8xf32, #tpu.memory_space<vmem_shared>>) offsets(%dma_start3A_526 : memref<128xi32, #tpu.memory_space<vmem>>) semaphore(%arg23 : memref<!tpu.dma_semaphore, #tpu.memory_space<semaphore_mem>>) {add = true}
      %mul3A_530 = arith.constant 6 : i32
      %mul3A_531 = arith.muli %scan3A_480, %mul3A_530 : i32
      %add3A_532 = arith.constant 5 : i32
      %add3A_533 = arith.addi %mul3A_531, %add3A_532 : i32
      %dma_start3A_534 = arith.constant 0 : i32
      %dma_start3A_535 = tpu.memref_slice %arg15[%add3A_533, %dma_start3A_534] : memref<79x128xi32, #tpu.memory_space<vmem>> -> memref<1x128xi32, #tpu.memory_space<vmem>>
      %dma_start3A_536 = tpu.memref_squeeze %dma_start3A_535 : memref<1x128xi32, #tpu.memory_space<vmem>> -> memref<128xi32, #tpu.memory_space<vmem>>
      %dma_start3A_537 = arith.constant 0 : i32
      %dma_start3A_538 = arith.constant 0 : i32
      %dma_start3A_539 = tpu.memref_slice %arg12[%dma_start3A_537, %dma_start3A_538] : memref<10112x8xf32, #tpu.memory_space<vmem_shared>> -> memref<10112x8xf32, #tpu.memory_space<vmem_shared>>
      tpu.enqueue_indirect_dma source(%arg17 : memref<128x8xf32, #tpu.memory_space<vmem>>) target(%dma_start3A_539 : memref<10112x8xf32, #tpu.memory_space<vmem_shared>>) offsets(%dma_start3A_536 : memref<128xi32, #tpu.memory_space<vmem>>) semaphore(%arg23 : memref<!tpu.dma_semaphore, #tpu.memory_space<semaphore_mem>>) {add = true}
      %mul3A_540 = arith.constant 6 : i32
      %mul3A_541 = arith.muli %scan3A_480, %mul3A_540 : i32
      %add3A_542 = arith.constant 0 : i32
      %add3A_543 = arith.addi %mul3A_541, %add3A_542 : i32
      %dma_wait3A = arith.constant 0 : i32
      %dma_wait3A_544 = tpu.memref_slice %arg15[%add3A_543, %dma_wait3A] : memref<79x128xi32, #tpu.memory_space<vmem>> -> memref<1x128xi32, #tpu.memory_space<vmem>>
      %dma_wait3A_545 = tpu.memref_squeeze %dma_wait3A_544 : memref<1x128xi32, #tpu.memory_space<vmem>> -> memref<128xi32, #tpu.memory_space<vmem>>
      %dma_wait3A_546 = arith.constant 0 : i32
      %dma_wait3A_547 = arith.constant 0 : i32
      %dma_wait3A_548 = tpu.memref_slice %arg12[%dma_wait3A_546, %dma_wait3A_547] : memref<10112x8xf32, #tpu.memory_space<vmem_shared>> -> memref<10112x8xf32, #tpu.memory_space<vmem_shared>>
      tpu.wait_indirect_dma semaphore(%arg23 : memref<!tpu.dma_semaphore, #tpu.memory_space<semaphore_mem>>) src(%arg17 : memref<128x8xf32, #tpu.memory_space<vmem>>) dst(%dma_wait3A_548 : memref<10112x8xf32, #tpu.memory_space<vmem_shared>>)
      %mul3A_549 = arith.constant 6 : i32
      %mul3A_550 = arith.muli %scan3A_480, %mul3A_549 : i32
      %add3A_551 = arith.constant 1 : i32
      %add3A_552 = arith.addi %mul3A_550, %add3A_551 : i32
      %dma_wait3A_553 = arith.constant 0 : i32
      %dma_wait3A_554 = tpu.memref_slice %arg15[%add3A_552, %dma_wait3A_553] : memref<79x128xi32, #tpu.memory_space<vmem>> -> memref<1x128xi32, #tpu.memory_space<vmem>>
      %dma_wait3A_555 = tpu.memref_squeeze %dma_wait3A_554 : memref<1x128xi32, #tpu.memory_space<vmem>> -> memref<128xi32, #tpu.memory_space<vmem>>
      %dma_wait3A_556 = arith.constant 0 : i32
      %dma_wait3A_557 = arith.constant 0 : i32
      %dma_wait3A_558 = tpu.memref_slice %arg12[%dma_wait3A_556, %dma_wait3A_557] : memref<10112x8xf32, #tpu.memory_space<vmem_shared>> -> memref<10112x8xf32, #tpu.memory_space<vmem_shared>>
      tpu.wait_indirect_dma semaphore(%arg23 : memref<!tpu.dma_semaphore, #tpu.memory_space<semaphore_mem>>) src(%arg17 : memref<128x8xf32, #tpu.memory_space<vmem>>) dst(%dma_wait3A_558 : memref<10112x8xf32, #tpu.memory_space<vmem_shared>>)
      %mul3A_559 = arith.constant 6 : i32
      %mul3A_560 = arith.muli %scan3A_480, %mul3A_559 : i32
      %add3A_561 = arith.constant 2 : i32
      %add3A_562 = arith.addi %mul3A_560, %add3A_561 : i32
      %dma_wait3A_563 = arith.constant 0 : i32
      %dma_wait3A_564 = tpu.memref_slice %arg15[%add3A_562, %dma_wait3A_563] : memref<79x128xi32, #tpu.memory_space<vmem>> -> memref<1x128xi32, #tpu.memory_space<vmem>>
      %dma_wait3A_565 = tpu.memref_squeeze %dma_wait3A_564 : memref<1x128xi32, #tpu.memory_space<vmem>> -> memref<128xi32, #tpu.memory_space<vmem>>
      %dma_wait3A_566 = arith.constant 0 : i32
      %dma_wait3A_567 = arith.constant 0 : i32
      %dma_wait3A_568 = tpu.memref_slice %arg12[%dma_wait3A_566, %dma_wait3A_567] : memref<10112x8xf32, #tpu.memory_space<vmem_shared>> -> memref<10112x8xf32, #tpu.memory_space<vmem_shared>>
      tpu.wait_indirect_dma semaphore(%arg23 : memref<!tpu.dma_semaphore, #tpu.memory_space<semaphore_mem>>) src(%arg17 : memref<128x8xf32, #tpu.memory_space<vmem>>) dst(%dma_wait3A_568 : memref<10112x8xf32, #tpu.memory_space<vmem_shared>>)
      %mul3A_569 = arith.constant 6 : i32
      %mul3A_570 = arith.muli %scan3A_480, %mul3A_569 : i32
      %add3A_571 = arith.constant 3 : i32
      %add3A_572 = arith.addi %mul3A_570, %add3A_571 : i32
      %dma_wait3A_573 = arith.constant 0 : i32
      %dma_wait3A_574 = tpu.memref_slice %arg15[%add3A_572, %dma_wait3A_573] : memref<79x128xi32, #tpu.memory_space<vmem>> -> memref<1x128xi32, #tpu.memory_space<vmem>>
      %dma_wait3A_575 = tpu.memref_squeeze %dma_wait3A_574 : memref<1x128xi32, #tpu.memory_space<vmem>> -> memref<128xi32, #tpu.memory_space<vmem>>
      %dma_wait3A_576 = arith.constant 0 : i32
      %dma_wait3A_577 = arith.constant 0 : i32
      %dma_wait3A_578 = tpu.memref_slice %arg12[%dma_wait3A_576, %dma_wait3A_577] : memref<10112x8xf32, #tpu.memory_space<vmem_shared>> -> memref<10112x8xf32, #tpu.memory_space<vmem_shared>>
      tpu.wait_indirect_dma semaphore(%arg23 : memref<!tpu.dma_semaphore, #tpu.memory_space<semaphore_mem>>) src(%arg17 : memref<128x8xf32, #tpu.memory_space<vmem>>) dst(%dma_wait3A_578 : memref<10112x8xf32, #tpu.memory_space<vmem_shared>>)
      %mul3A_579 = arith.constant 6 : i32
      %mul3A_580 = arith.muli %scan3A_480, %mul3A_579 : i32
      %add3A_581 = arith.constant 4 : i32
      %add3A_582 = arith.addi %mul3A_580, %add3A_581 : i32
      %dma_wait3A_583 = arith.constant 0 : i32
      %dma_wait3A_584 = tpu.memref_slice %arg15[%add3A_582, %dma_wait3A_583] : memref<79x128xi32, #tpu.memory_space<vmem>> -> memref<1x128xi32, #tpu.memory_space<vmem>>
      %dma_wait3A_585 = tpu.memref_squeeze %dma_wait3A_584 : memref<1x128xi32, #tpu.memory_space<vmem>> -> memref<128xi32, #tpu.memory_space<vmem>>
      %dma_wait3A_586 = arith.constant 0 : i32
      %dma_wait3A_587 = arith.constant 0 : i32
      %dma_wait3A_588 = tpu.memref_slice %arg12[%dma_wait3A_586, %dma_wait3A_587] : memref<10112x8xf32, #tpu.memory_space<vmem_shared>> -> memref<10112x8xf32, #tpu.memory_space<vmem_shared>>
      tpu.wait_indirect_dma semaphore(%arg23 : memref<!tpu.dma_semaphore, #tpu.memory_space<semaphore_mem>>) src(%arg17 : memref<128x8xf32, #tpu.memory_space<vmem>>) dst(%dma_wait3A_588 : memref<10112x8xf32, #tpu.memory_space<vmem_shared>>)
      %mul3A_589 = arith.constant 6 : i32
      %mul3A_590 = arith.muli %scan3A_480, %mul3A_589 : i32
      %add3A_591 = arith.constant 5 : i32
      %add3A_592 = arith.addi %mul3A_590, %add3A_591 : i32
      %dma_wait3A_593 = arith.constant 0 : i32
      %dma_wait3A_594 = tpu.memref_slice %arg15[%add3A_592, %dma_wait3A_593] : memref<79x128xi32, #tpu.memory_space<vmem>> -> memref<1x128xi32, #tpu.memory_space<vmem>>
      %dma_wait3A_595 = tpu.memref_squeeze %dma_wait3A_594 : memref<1x128xi32, #tpu.memory_space<vmem>> -> memref<128xi32, #tpu.memory_space<vmem>>
      %dma_wait3A_596 = arith.constant 0 : i32
      %dma_wait3A_597 = arith.constant 0 : i32
      %dma_wait3A_598 = tpu.memref_slice %arg12[%dma_wait3A_596, %dma_wait3A_597] : memref<10112x8xf32, #tpu.memory_space<vmem_shared>> -> memref<10112x8xf32, #tpu.memory_space<vmem_shared>>
      tpu.wait_indirect_dma semaphore(%arg23 : memref<!tpu.dma_semaphore, #tpu.memory_space<semaphore_mem>>) src(%arg17 : memref<128x8xf32, #tpu.memory_space<vmem>>) dst(%dma_wait3A_598 : memref<10112x8xf32, #tpu.memory_space<vmem_shared>>)
    }
    %scan3A_188 = arith.constant 13 : i32
    %eq3A_189 = arith.constant 1 : i32
    %eq3A_190 = arith.cmpi eq, %arg0, %eq3A_189 : i32
    %ge3A_191 = arith.constant 12 : i32
    %ge3A_192 = arith.cmpi sge, %arg1, %ge3A_191 : i32
    %and3A_193 = arith.andi %eq3A_190, %ge3A_192 : i1
    %convert_element_type3A_194 = arith.extui %and3A_193 : i1 to i32
    %cond3A_195 = arith.constant 0 : i32
    %cond3A_196 = arith.cmpi ne, %convert_element_type3A_194, %cond3A_195 : i32
    scf.if %cond3A_196 {
      %run_scoped3A_480 = arith.constant 78 : i32
      "tpu.region"() ({
        %run_scoped3A_481 = tpu.sem_alloc : memref<!tpu.dma_semaphore, #tpu.memory_space<semaphore_mem>>
        %dma_start3A = arith.constant 0 : i32
        %dma_start3A_482 = tpu.memref_slice %arg15[%run_scoped3A_480, %dma_start3A] : memref<79x128xi32, #tpu.memory_space<vmem>> -> memref<1x128xi32, #tpu.memory_space<vmem>>
        %dma_start3A_483 = tpu.memref_squeeze %dma_start3A_482 : memref<1x128xi32, #tpu.memory_space<vmem>> -> memref<128xi32, #tpu.memory_space<vmem>>
        %dma_start3A_484 = arith.constant 0 : i32
        %dma_start3A_485 = arith.constant 0 : i32
        %dma_start3A_486 = tpu.memref_slice %arg12[%dma_start3A_484, %dma_start3A_485] : memref<10112x8xf32, #tpu.memory_space<vmem_shared>> -> memref<10112x8xf32, #tpu.memory_space<vmem_shared>>
        tpu.enqueue_indirect_dma source(%arg17 : memref<128x8xf32, #tpu.memory_space<vmem>>) target(%dma_start3A_486 : memref<10112x8xf32, #tpu.memory_space<vmem_shared>>) offsets(%dma_start3A_483 : memref<128xi32, #tpu.memory_space<vmem>>) semaphore(%run_scoped3A_481 : memref<!tpu.dma_semaphore, #tpu.memory_space<semaphore_mem>>) {add = true}
        %dma_wait3A = arith.constant 0 : i32
        %dma_wait3A_487 = tpu.memref_slice %arg15[%run_scoped3A_480, %dma_wait3A] : memref<79x128xi32, #tpu.memory_space<vmem>> -> memref<1x128xi32, #tpu.memory_space<vmem>>
        %dma_wait3A_488 = tpu.memref_squeeze %dma_wait3A_487 : memref<1x128xi32, #tpu.memory_space<vmem>> -> memref<128xi32, #tpu.memory_space<vmem>>
        %dma_wait3A_489 = arith.constant 0 : i32
        %dma_wait3A_490 = arith.constant 0 : i32
        %dma_wait3A_491 = tpu.memref_slice %arg12[%dma_wait3A_489, %dma_wait3A_490] : memref<10112x8xf32, #tpu.memory_space<vmem_shared>> -> memref<10112x8xf32, #tpu.memory_space<vmem_shared>>
        tpu.wait_indirect_dma semaphore(%run_scoped3A_481 : memref<!tpu.dma_semaphore, #tpu.memory_space<semaphore_mem>>) src(%arg17 : memref<128x8xf32, #tpu.memory_space<vmem>>) dst(%dma_wait3A_491 : memref<10112x8xf32, #tpu.memory_space<vmem_shared>>)
        tpu.yield
      }) : () -> ()
    } else {
    }
    %eq3A_197 = arith.constant 0 : i32
    %eq3A_198 = arith.cmpi eq, %arg0, %eq3A_197 : i32
    %convert_element_type3A_199 = arith.extui %eq3A_198 : i1 to i32
    %cond3A_200 = arith.constant 0 : i32
    %cond3A_201 = arith.cmpi ne, %convert_element_type3A_199, %cond3A_200 : i32
    scf.if %cond3A_201 {
      %run_scoped3A_480 = arith.constant 0 : i32
      "tpu.region"() ({
        %run_scoped3A_481 = tpu.sem_alloc : memref<!tpu.dma_semaphore, #tpu.memory_space<semaphore_mem>>
        %dma_start3A = arith.constant 0 : i32
        %dma_start3A_482 = tpu.memref_slice %arg20[%run_scoped3A_480, %dma_start3A] : memref<1x128xi32, #tpu.memory_space<vmem>> -> memref<1x128xi32, #tpu.memory_space<vmem>>
        %dma_start3A_483 = tpu.memref_squeeze %dma_start3A_482 : memref<1x128xi32, #tpu.memory_space<vmem>> -> memref<128xi32, #tpu.memory_space<vmem>>
        %dma_start3A_484 = arith.constant 0 : i32
        %dma_start3A_485 = arith.constant 0 : i32
        %dma_start3A_486 = tpu.memref_slice %arg14[%dma_start3A_484, %dma_start3A_485] : memref<256x8xf32, #tpu.memory_space<vmem_shared>> -> memref<256x8xf32, #tpu.memory_space<vmem_shared>>
        tpu.enqueue_indirect_dma source(%arg17 : memref<128x8xf32, #tpu.memory_space<vmem>>) target(%dma_start3A_486 : memref<256x8xf32, #tpu.memory_space<vmem_shared>>) offsets(%dma_start3A_483 : memref<128xi32, #tpu.memory_space<vmem>>) semaphore(%run_scoped3A_481 : memref<!tpu.dma_semaphore, #tpu.memory_space<semaphore_mem>>) {add = true}
        %dma_wait3A = arith.constant 0 : i32
        %dma_wait3A_487 = tpu.memref_slice %arg20[%run_scoped3A_480, %dma_wait3A] : memref<1x128xi32, #tpu.memory_space<vmem>> -> memref<1x128xi32, #tpu.memory_space<vmem>>
        %dma_wait3A_488 = tpu.memref_squeeze %dma_wait3A_487 : memref<1x128xi32, #tpu.memory_space<vmem>> -> memref<128xi32, #tpu.memory_space<vmem>>
        %dma_wait3A_489 = arith.constant 0 : i32
        %dma_wait3A_490 = arith.constant 0 : i32
        %dma_wait3A_491 = tpu.memref_slice %arg14[%dma_wait3A_489, %dma_wait3A_490] : memref<256x8xf32, #tpu.memory_space<vmem_shared>> -> memref<256x8xf32, #tpu.memory_space<vmem_shared>>
        tpu.wait_indirect_dma semaphore(%run_scoped3A_481 : memref<!tpu.dma_semaphore, #tpu.memory_space<semaphore_mem>>) src(%arg17 : memref<128x8xf32, #tpu.memory_space<vmem>>) dst(%dma_wait3A_491 : memref<256x8xf32, #tpu.memory_space<vmem_shared>>)
        tpu.yield
      }) : () -> ()
    } else {
    }
    %mul3A_202 = arith.constant 2 : i32
    %mul3A_203 = arith.muli %arg0, %mul3A_202 : i32
    %add3A_204 = arith.constant 0 : i32
    %add3A_205 = arith.addi %mul3A_203, %add3A_204 : i32
    %get3A_206 = arith.constant 0 : i32
    %get3A_207 = arith.index_cast %get3A_206 : i32 to index
    %get3A_208 = arith.constant 0 : index
    %get3A_209 = tpu.vector_load %arg19[%get3A_207, %get3A_208] {strides = array<i32>} : memref<2x128xi32, #tpu.memory_space<vmem>>, vector<1x16xi32>,
    %get3A_210 = vector.shape_cast %get3A_209 : vector<1x16xi32> to vector<16xi32>
    %mul3A_211 = arith.constant 2048 : i32
    %mul3A_212 = arith.muli %add3A_205, %mul3A_211 : i32
    %add3A_213 = vector.broadcast %mul3A_212 : i32 to vector<16xi32>
    %add3A_214 = arith.addi %get3A_210, %add3A_213 : vector<16xi32>
    %swap3A_215 = arith.constant 1 : i32
    %swap3A_216 = arith.index_cast %swap3A_215 : i32 to index
    %swap3A_217 = arith.constant 0 : index
    %swap3A_218 = tpu.vector_load %arg19[%swap3A_216, %swap3A_217] {strides = array<i32>} : memref<2x128xi32, #tpu.memory_space<vmem>>, vector<1x16xi32>,
    %swap3A_219 = vector.shape_cast %swap3A_218 : vector<1x16xi32> to vector<16xi32>
    %swap3A_220 = vector.shape_cast %add3A_214 : vector<16xi32> to vector<1x16xi32>
    tpu.vector_store %arg19[%swap3A_216, %swap3A_217], %swap3A_220 {strides = array<i32>} : memref<2x128xi32, #tpu.memory_space<vmem>>, vector<1x16xi32>,
    %get3A_221 = arith.constant 0 : i32
    %get3A_222 = arith.index_cast %get3A_221 : i32 to index
    %get3A_223 = arith.constant 16 : index
    %get3A_224 = tpu.vector_load %arg19[%get3A_222, %get3A_223] {strides = array<i32>} : memref<2x128xi32, #tpu.memory_space<vmem>>, vector<1x16xi32>,
    %get3A_225 = vector.shape_cast %get3A_224 : vector<1x16xi32> to vector<16xi32>
    %mul3A_226 = arith.constant 2048 : i32
    %mul3A_227 = arith.muli %add3A_205, %mul3A_226 : i32
    %add3A_228 = vector.broadcast %mul3A_227 : i32 to vector<16xi32>
    %add3A_229 = arith.addi %get3A_225, %add3A_228 : vector<16xi32>
    %swap3A_230 = arith.constant 1 : i32
    %swap3A_231 = arith.index_cast %swap3A_230 : i32 to index
    %swap3A_232 = arith.constant 16 : index
    %swap3A_233 = tpu.vector_load %arg19[%swap3A_231, %swap3A_232] {strides = array<i32>} : memref<2x128xi32, #tpu.memory_space<vmem>>, vector<1x16xi32>,
    %swap3A_234 = vector.shape_cast %swap3A_233 : vector<1x16xi32> to vector<16xi32>
    %swap3A_235 = vector.shape_cast %add3A_229 : vector<16xi32> to vector<1x16xi32>
    tpu.vector_store %arg19[%swap3A_231, %swap3A_232], %swap3A_235 {strides = array<i32>} : memref<2x128xi32, #tpu.memory_space<vmem>>, vector<1x16xi32>,
    %get3A_236 = arith.constant 0 : i32
    %get3A_237 = arith.index_cast %get3A_236 : i32 to index
    %get3A_238 = arith.constant 32 : index
    %get3A_239 = tpu.vector_load %arg19[%get3A_237, %get3A_238] {strides = array<i32>} : memref<2x128xi32, #tpu.memory_space<vmem>>, vector<1x16xi32>,
    %get3A_240 = vector.shape_cast %get3A_239 : vector<1x16xi32> to vector<16xi32>
    %mul3A_241 = arith.constant 2048 : i32
    %mul3A_242 = arith.muli %add3A_205, %mul3A_241 : i32
    %add3A_243 = vector.broadcast %mul3A_242 : i32 to vector<16xi32>
    %add3A_244 = arith.addi %get3A_240, %add3A_243 : vector<16xi32>
    %swap3A_245 = arith.constant 1 : i32
    %swap3A_246 = arith.index_cast %swap3A_245 : i32 to index
    %swap3A_247 = arith.constant 32 : index
    %swap3A_248 = tpu.vector_load %arg19[%swap3A_246, %swap3A_247] {strides = array<i32>} : memref<2x128xi32, #tpu.memory_space<vmem>>, vector<1x16xi32>,
    %swap3A_249 = vector.shape_cast %swap3A_248 : vector<1x16xi32> to vector<16xi32>
    %swap3A_250 = vector.shape_cast %add3A_244 : vector<16xi32> to vector<1x16xi32>
    tpu.vector_store %arg19[%swap3A_246, %swap3A_247], %swap3A_250 {strides = array<i32>} : memref<2x128xi32, #tpu.memory_space<vmem>>, vector<1x16xi32>,
    %get3A_251 = arith.constant 0 : i32
    %get3A_252 = arith.index_cast %get3A_251 : i32 to index
    %get3A_253 = arith.constant 48 : index
    %get3A_254 = tpu.vector_load %arg19[%get3A_252, %get3A_253] {strides = array<i32>} : memref<2x128xi32, #tpu.memory_space<vmem>>, vector<1x16xi32>,
    %get3A_255 = vector.shape_cast %get3A_254 : vector<1x16xi32> to vector<16xi32>
    %mul3A_256 = arith.constant 2048 : i32
    %mul3A_257 = arith.muli %add3A_205, %mul3A_256 : i32
    %add3A_258 = vector.broadcast %mul3A_257 : i32 to vector<16xi32>
    %add3A_259 = arith.addi %get3A_255, %add3A_258 : vector<16xi32>
    %swap3A_260 = arith.constant 1 : i32
    %swap3A_261 = arith.index_cast %swap3A_260 : i32 to index
    %swap3A_262 = arith.constant 48 : index
    %swap3A_263 = tpu.vector_load %arg19[%swap3A_261, %swap3A_262] {strides = array<i32>} : memref<2x128xi32, #tpu.memory_space<vmem>>, vector<1x16xi32>,
    %swap3A_264 = vector.shape_cast %swap3A_263 : vector<1x16xi32> to vector<16xi32>
    %swap3A_265 = vector.shape_cast %add3A_259 : vector<16xi32> to vector<1x16xi32>
    tpu.vector_store %arg19[%swap3A_261, %swap3A_262], %swap3A_265 {strides = array<i32>} : memref<2x128xi32, #tpu.memory_space<vmem>>, vector<1x16xi32>,
    %get3A_266 = arith.constant 0 : i32
    %get3A_267 = arith.index_cast %get3A_266 : i32 to index
    %get3A_268 = arith.constant 64 : index
    %get3A_269 = tpu.vector_load %arg19[%get3A_267, %get3A_268] {strides = array<i32>} : memref<2x128xi32, #tpu.memory_space<vmem>>, vector<1x16xi32>,
    %get3A_270 = vector.shape_cast %get3A_269 : vector<1x16xi32> to vector<16xi32>
    %mul3A_271 = arith.constant 2048 : i32
    %mul3A_272 = arith.muli %add3A_205, %mul3A_271 : i32
    %add3A_273 = vector.broadcast %mul3A_272 : i32 to vector<16xi32>
    %add3A_274 = arith.addi %get3A_270, %add3A_273 : vector<16xi32>
    %swap3A_275 = arith.constant 1 : i32
    %swap3A_276 = arith.index_cast %swap3A_275 : i32 to index
    %swap3A_277 = arith.constant 64 : index
    %swap3A_278 = tpu.vector_load %arg19[%swap3A_276, %swap3A_277] {strides = array<i32>} : memref<2x128xi32, #tpu.memory_space<vmem>>, vector<1x16xi32>,
    %swap3A_279 = vector.shape_cast %swap3A_278 : vector<1x16xi32> to vector<16xi32>
    %swap3A_280 = vector.shape_cast %add3A_274 : vector<16xi32> to vector<1x16xi32>
    tpu.vector_store %arg19[%swap3A_276, %swap3A_277], %swap3A_280 {strides = array<i32>} : memref<2x128xi32, #tpu.memory_space<vmem>>, vector<1x16xi32>,
    %get3A_281 = arith.constant 0 : i32
    %get3A_282 = arith.index_cast %get3A_281 : i32 to index
    %get3A_283 = arith.constant 80 : index
    %get3A_284 = tpu.vector_load %arg19[%get3A_282, %get3A_283] {strides = array<i32>} : memref<2x128xi32, #tpu.memory_space<vmem>>, vector<1x16xi32>,
    %get3A_285 = vector.shape_cast %get3A_284 : vector<1x16xi32> to vector<16xi32>
    %mul3A_286 = arith.constant 2048 : i32
    %mul3A_287 = arith.muli %add3A_205, %mul3A_286 : i32
    %add3A_288 = vector.broadcast %mul3A_287 : i32 to vector<16xi32>
    %add3A_289 = arith.addi %get3A_285, %add3A_288 : vector<16xi32>
    %swap3A_290 = arith.constant 1 : i32
    %swap3A_291 = arith.index_cast %swap3A_290 : i32 to index
    %swap3A_292 = arith.constant 80 : index
    %swap3A_293 = tpu.vector_load %arg19[%swap3A_291, %swap3A_292] {strides = array<i32>} : memref<2x128xi32, #tpu.memory_space<vmem>>, vector<1x16xi32>,
    %swap3A_294 = vector.shape_cast %swap3A_293 : vector<1x16xi32> to vector<16xi32>
    %swap3A_295 = vector.shape_cast %add3A_289 : vector<16xi32> to vector<1x16xi32>
    tpu.vector_store %arg19[%swap3A_291, %swap3A_292], %swap3A_295 {strides = array<i32>} : memref<2x128xi32, #tpu.memory_space<vmem>>, vector<1x16xi32>,
    %get3A_296 = arith.constant 0 : i32
    %get3A_297 = arith.index_cast %get3A_296 : i32 to index
    %get3A_298 = arith.constant 96 : index
    %get3A_299 = tpu.vector_load %arg19[%get3A_297, %get3A_298] {strides = array<i32>} : memref<2x128xi32, #tpu.memory_space<vmem>>, vector<1x16xi32>,
    %get3A_300 = vector.shape_cast %get3A_299 : vector<1x16xi32> to vector<16xi32>
    %mul3A_301 = arith.constant 2048 : i32
    %mul3A_302 = arith.muli %add3A_205, %mul3A_301 : i32
    %add3A_303 = vector.broadcast %mul3A_302 : i32 to vector<16xi32>
    %add3A_304 = arith.addi %get3A_300, %add3A_303 : vector<16xi32>
    %swap3A_305 = arith.constant 1 : i32
    %swap3A_306 = arith.index_cast %swap3A_305 : i32 to index
    %swap3A_307 = arith.constant 96 : index
    %swap3A_308 = tpu.vector_load %arg19[%swap3A_306, %swap3A_307] {strides = array<i32>} : memref<2x128xi32, #tpu.memory_space<vmem>>, vector<1x16xi32>,
    %swap3A_309 = vector.shape_cast %swap3A_308 : vector<1x16xi32> to vector<16xi32>
    %swap3A_310 = vector.shape_cast %add3A_304 : vector<16xi32> to vector<1x16xi32>
    tpu.vector_store %arg19[%swap3A_306, %swap3A_307], %swap3A_310 {strides = array<i32>} : memref<2x128xi32, #tpu.memory_space<vmem>>, vector<1x16xi32>,
    %get3A_311 = arith.constant 0 : i32
    %get3A_312 = arith.index_cast %get3A_311 : i32 to index
    %get3A_313 = arith.constant 112 : index
    %get3A_314 = tpu.vector_load %arg19[%get3A_312, %get3A_313] {strides = array<i32>} : memref<2x128xi32, #tpu.memory_space<vmem>>, vector<1x16xi32>,
    %get3A_315 = vector.shape_cast %get3A_314 : vector<1x16xi32> to vector<16xi32>
    %mul3A_316 = arith.constant 2048 : i32
    %mul3A_317 = arith.muli %add3A_205, %mul3A_316 : i32
    %add3A_318 = vector.broadcast %mul3A_317 : i32 to vector<16xi32>
    %add3A_319 = arith.addi %get3A_315, %add3A_318 : vector<16xi32>
    %swap3A_320 = arith.constant 1 : i32
    %swap3A_321 = arith.index_cast %swap3A_320 : i32 to index
    %swap3A_322 = arith.constant 112 : index
    %swap3A_323 = tpu.vector_load %arg19[%swap3A_321, %swap3A_322] {strides = array<i32>} : memref<2x128xi32, #tpu.memory_space<vmem>>, vector<1x16xi32>,
    %swap3A_324 = vector.shape_cast %swap3A_323 : vector<1x16xi32> to vector<16xi32>
    %swap3A_325 = vector.shape_cast %add3A_319 : vector<16xi32> to vector<1x16xi32>
    tpu.vector_store %arg19[%swap3A_321, %swap3A_322], %swap3A_325 {strides = array<i32>} : memref<2x128xi32, #tpu.memory_space<vmem>>, vector<1x16xi32>,
    %mul3A_326 = arith.constant 4096 : i32
    %mul3A_327 = arith.muli %arg1, %mul3A_326 : i32
    "tpu.region"() ({
      %run_scoped3A_480 = tpu.sem_alloc : memref<!tpu.dma_semaphore, #tpu.memory_space<semaphore_mem>>
      %dma_start3A = arith.constant 0 : i32
      %dma_start3A_481 = tpu.memref_slice %arg13[%mul3A_327, %dma_start3A] : memref<65536x8xf32, #tpu.memory_space<vmem_shared>> -> memref<4096x8xf32, #tpu.memory_space<vmem_shared>>
      %dma_start3A_482 = arith.constant 0 : i32
      %dma_start3A_483 = tpu.memref_slice %arg13[%mul3A_327, %dma_start3A_482] : memref<65536x8xf32, #tpu.memory_space<vmem_shared>> -> memref<4096x8xf32, #tpu.memory_space<vmem_shared>>
      tpu.enqueue_dma source(%arg18 : memref<4096x8xf32, #tpu.memory_space<vmem>>) target(%dma_start3A_483 : memref<4096x8xf32, #tpu.memory_space<vmem_shared>>) target_semaphore(%run_scoped3A_480 : memref<!tpu.dma_semaphore, #tpu.memory_space<semaphore_mem>>)
      %dma_wait3A = arith.constant 0 : i32
      %dma_wait3A_484 = tpu.memref_slice %arg13[%mul3A_327, %dma_wait3A] : memref<65536x8xf32, #tpu.memory_space<vmem_shared>> -> memref<4096x8xf32, #tpu.memory_space<vmem_shared>>
      %dma_wait3A_485 = arith.constant 0 : i32
      %dma_wait3A_486 = tpu.memref_slice %arg13[%mul3A_327, %dma_wait3A_485] : memref<65536x8xf32, #tpu.memory_space<vmem_shared>> -> memref<4096x8xf32, #tpu.memory_space<vmem_shared>>
      tpu.wait_dma2 semaphore(%run_scoped3A_480 : memref<!tpu.dma_semaphore, #tpu.memory_space<semaphore_mem>>) src(%arg18 : memref<4096x8xf32, #tpu.memory_space<vmem>>) dst(%dma_wait3A_486 : memref<4096x8xf32, #tpu.memory_space<vmem_shared>>)
      tpu.yield
    }) : () -> ()
    %barrier3A_328 = arith.constant 0 : index
    tpu.barrier barrier_id(%barrier3A_328)
    %run_scoped3A_329 = arith.constant 1 : i32
    "tpu.region"() ({
      %run_scoped3A_480 = tpu.sem_alloc : memref<!tpu.dma_semaphore, #tpu.memory_space<semaphore_mem>>
      %dma_start3A = arith.constant 0 : i32
      %dma_start3A_481 = tpu.memref_slice %arg19[%run_scoped3A_329, %dma_start3A] : memref<2x128xi32, #tpu.memory_space<vmem>> -> memref<1x128xi32, #tpu.memory_space<vmem>>
      %dma_start3A_482 = tpu.memref_squeeze %dma_start3A_481 : memref<1x128xi32, #tpu.memory_space<vmem>> -> memref<128xi32, #tpu.memory_space<vmem>>
      %dma_start3A_483 = arith.constant 0 : i32
      %dma_start3A_484 = arith.constant 0 : i32
      %dma_start3A_485 = tpu.memref_slice %arg6[%dma_start3A_483, %dma_start3A_484] : memref<8192x8xf32, #tpu.memory_space<hbm>> -> memref<8192x8xf32, #tpu.memory_space<hbm>>
      tpu.enqueue_indirect_dma source(%dma_start3A_485 : memref<8192x8xf32, #tpu.memory_space<hbm>>) target(%arg16 : memref<128x8xf32, #tpu.memory_space<vmem>>) offsets(%dma_start3A_482 : memref<128xi32, #tpu.memory_space<vmem>>) semaphore(%run_scoped3A_480 : memref<!tpu.dma_semaphore, #tpu.memory_space<semaphore_mem>>)
      %dma_wait3A = arith.constant 0 : i32
      %dma_wait3A_486 = tpu.memref_slice %arg19[%run_scoped3A_329, %dma_wait3A] : memref<2x128xi32, #tpu.memory_space<vmem>> -> memref<1x128xi32, #tpu.memory_space<vmem>>
      %dma_wait3A_487 = tpu.memref_squeeze %dma_wait3A_486 : memref<1x128xi32, #tpu.memory_space<vmem>> -> memref<128xi32, #tpu.memory_space<vmem>>
      %dma_wait3A_488 = arith.constant 0 : i32
      %dma_wait3A_489 = arith.constant 0 : i32
      %dma_wait3A_490 = tpu.memref_slice %arg6[%dma_wait3A_488, %dma_wait3A_489] : memref<8192x8xf32, #tpu.memory_space<hbm>> -> memref<8192x8xf32, #tpu.memory_space<hbm>>
      tpu.wait_indirect_dma semaphore(%run_scoped3A_480 : memref<!tpu.dma_semaphore, #tpu.memory_space<semaphore_mem>>) src(%dma_wait3A_490 : memref<8192x8xf32, #tpu.memory_space<hbm>>) dst(%arg16 : memref<128x8xf32, #tpu.memory_space<vmem>>)
      tpu.yield
    }) : () -> ()
    %run_scoped3A_330 = arith.constant 0 : i32
    "tpu.region"() ({
      %run_scoped3A_480 = tpu.sem_alloc : memref<!tpu.dma_semaphore, #tpu.memory_space<semaphore_mem>>
      %dma_start3A = arith.constant 0 : i32
      %dma_start3A_481 = tpu.memref_slice %arg22[%run_scoped3A_330, %dma_start3A] : memref<1x128xi32, #tpu.memory_space<vmem>> -> memref<1x128xi32, #tpu.memory_space<vmem>>
      %dma_start3A_482 = tpu.memref_squeeze %dma_start3A_481 : memref<1x128xi32, #tpu.memory_space<vmem>> -> memref<128xi32, #tpu.memory_space<vmem>>
      %dma_start3A_483 = arith.constant 0 : i32
      %dma_start3A_484 = arith.constant 0 : i32
      %dma_start3A_485 = tpu.memref_slice %arg13[%dma_start3A_483, %dma_start3A_484] : memref<65536x8xf32, #tpu.memory_space<vmem_shared>> -> memref<65536x8xf32, #tpu.memory_space<vmem_shared>>
      tpu.enqueue_indirect_dma source(%arg16 : memref<128x8xf32, #tpu.memory_space<vmem>>) target(%dma_start3A_485 : memref<65536x8xf32, #tpu.memory_space<vmem_shared>>) offsets(%dma_start3A_482 : memref<128xi32, #tpu.memory_space<vmem>>) semaphore(%run_scoped3A_480 : memref<!tpu.dma_semaphore, #tpu.memory_space<semaphore_mem>>) {add = true}
      %dma_wait3A = arith.constant 0 : i32
      %dma_wait3A_486 = tpu.memref_slice %arg22[%run_scoped3A_330, %dma_wait3A] : memref<1x128xi32, #tpu.memory_space<vmem>> -> memref<1x128xi32, #tpu.memory_space<vmem>>
      %dma_wait3A_487 = tpu.memref_squeeze %dma_wait3A_486 : memref<1x128xi32, #tpu.memory_space<vmem>> -> memref<128xi32, #tpu.memory_space<vmem>>
      %dma_wait3A_488 = arith.constant 0 : i32
      %dma_wait3A_489 = arith.constant 0 : i32
      %dma_wait3A_490 = tpu.memref_slice %arg13[%dma_wait3A_488, %dma_wait3A_489] : memref<65536x8xf32, #tpu.memory_space<vmem_shared>> -> memref<65536x8xf32, #tpu.memory_space<vmem_shared>>
      tpu.wait_indirect_dma semaphore(%run_scoped3A_480 : memref<!tpu.dma_semaphore, #tpu.memory_space<semaphore_mem>>) src(%arg16 : memref<128x8xf32, #tpu.memory_space<vmem>>) dst(%dma_wait3A_490 : memref<65536x8xf32, #tpu.memory_space<vmem_shared>>)
      tpu.yield
    }) : () -> ()
    %barrier3A_331 = arith.constant 0 : index
    tpu.barrier barrier_id(%barrier3A_331)
    %mul3A_332 = arith.constant 4096 : i32
    %mul3A_333 = arith.muli %arg1, %mul3A_332 : i32
    %mul3A_334 = arith.constant 4096 : i32
    %mul3A_335 = arith.muli %arg1, %mul3A_334 : i32
    "tpu.region"() ({
      %run_scoped3A_480 = tpu.sem_alloc : memref<!tpu.dma_semaphore, #tpu.memory_space<semaphore_mem>>
      %dma_start3A = arith.constant 0 : i32
      %dma_start3A_481 = tpu.memref_slice %arg10[%add3A_205, %mul3A_335, %dma_start3A] : memref<4x65536x8xf32, #tpu.memory_space<hbm>> -> memref<1x4096x8xf32, #tpu.memory_space<hbm>>
      %dma_start3A_482 = tpu.memref_squeeze %dma_start3A_481 : memref<1x4096x8xf32, #tpu.memory_space<hbm>> -> memref<4096x8xf32, #tpu.memory_space<hbm>>
      %dma_start3A_483 = arith.constant 0 : i32
      %dma_start3A_484 = tpu.memref_slice %arg13[%mul3A_333, %dma_start3A_483] : memref<65536x8xf32, #tpu.memory_space<vmem_shared>> -> memref<4096x8xf32, #tpu.memory_space<vmem_shared>>
      tpu.enqueue_dma source(%dma_start3A_484 : memref<4096x8xf32, #tpu.memory_space<vmem_shared>>) target(%dma_start3A_482 : memref<4096x8xf32, #tpu.memory_space<hbm>>) target_semaphore(%run_scoped3A_480 : memref<!tpu.dma_semaphore, #tpu.memory_space<semaphore_mem>>)
      %dma_wait3A = arith.constant 0 : i32
      %dma_wait3A_485 = tpu.memref_slice %arg10[%add3A_205, %mul3A_335, %dma_wait3A] : memref<4x65536x8xf32, #tpu.memory_space<hbm>> -> memref<1x4096x8xf32, #tpu.memory_space<hbm>>
      %dma_wait3A_486 = tpu.memref_squeeze %dma_wait3A_485 : memref<1x4096x8xf32, #tpu.memory_space<hbm>> -> memref<4096x8xf32, #tpu.memory_space<hbm>>
      %dma_wait3A_487 = arith.constant 0 : i32
      %dma_wait3A_488 = tpu.memref_slice %arg13[%mul3A_333, %dma_wait3A_487] : memref<65536x8xf32, #tpu.memory_space<vmem_shared>> -> memref<4096x8xf32, #tpu.memory_space<vmem_shared>>
      tpu.wait_dma2 semaphore(%run_scoped3A_480 : memref<!tpu.dma_semaphore, #tpu.memory_space<semaphore_mem>>) src(%dma_wait3A_488 : memref<4096x8xf32, #tpu.memory_space<vmem_shared>>) dst(%dma_wait3A_486 : memref<4096x8xf32, #tpu.memory_space<hbm>>)
      tpu.yield
    }) : () -> ()
    %mul3A_336 = arith.constant 2 : i32
    %mul3A_337 = arith.muli %arg0, %mul3A_336 : i32
    %add3A_338 = arith.constant 1 : i32
    %add3A_339 = arith.addi %mul3A_337, %add3A_338 : i32
    %get3A_340 = arith.constant 0 : i32
    %get3A_341 = arith.index_cast %get3A_340 : i32 to index
    %get3A_342 = arith.constant 0 : index
    %get3A_343 = tpu.vector_load %arg19[%get3A_341, %get3A_342] {strides = array<i32>} : memref<2x128xi32, #tpu.memory_space<vmem>>, vector<1x16xi32>,
    %get3A_344 = vector.shape_cast %get3A_343 : vector<1x16xi32> to vector<16xi32>
    %mul3A_345 = arith.constant 2048 : i32
    %mul3A_346 = arith.muli %add3A_339, %mul3A_345 : i32
    %add3A_347 = vector.broadcast %mul3A_346 : i32 to vector<16xi32>
    %add3A_348 = arith.addi %get3A_344, %add3A_347 : vector<16xi32>
    %swap3A_349 = arith.constant 1 : i32
    %swap3A_350 = arith.index_cast %swap3A_349 : i32 to index
    %swap3A_351 = arith.constant 0 : index
    %swap3A_352 = tpu.vector_load %arg19[%swap3A_350, %swap3A_351] {strides = array<i32>} : memref<2x128xi32, #tpu.memory_space<vmem>>, vector<1x16xi32>,
    %swap3A_353 = vector.shape_cast %swap3A_352 : vector<1x16xi32> to vector<16xi32>
    %swap3A_354 = vector.shape_cast %add3A_348 : vector<16xi32> to vector<1x16xi32>
    tpu.vector_store %arg19[%swap3A_350, %swap3A_351], %swap3A_354 {strides = array<i32>} : memref<2x128xi32, #tpu.memory_space<vmem>>, vector<1x16xi32>,
    %get3A_355 = arith.constant 0 : i32
    %get3A_356 = arith.index_cast %get3A_355 : i32 to index
    %get3A_357 = arith.constant 16 : index
    %get3A_358 = tpu.vector_load %arg19[%get3A_356, %get3A_357] {strides = array<i32>} : memref<2x128xi32, #tpu.memory_space<vmem>>, vector<1x16xi32>,
    %get3A_359 = vector.shape_cast %get3A_358 : vector<1x16xi32> to vector<16xi32>
    %mul3A_360 = arith.constant 2048 : i32
    %mul3A_361 = arith.muli %add3A_339, %mul3A_360 : i32
    %add3A_362 = vector.broadcast %mul3A_361 : i32 to vector<16xi32>
    %add3A_363 = arith.addi %get3A_359, %add3A_362 : vector<16xi32>
    %swap3A_364 = arith.constant 1 : i32
    %swap3A_365 = arith.index_cast %swap3A_364 : i32 to index
    %swap3A_366 = arith.constant 16 : index
    %swap3A_367 = tpu.vector_load %arg19[%swap3A_365, %swap3A_366] {strides = array<i32>} : memref<2x128xi32, #tpu.memory_space<vmem>>, vector<1x16xi32>,
    %swap3A_368 = vector.shape_cast %swap3A_367 : vector<1x16xi32> to vector<16xi32>
    %swap3A_369 = vector.shape_cast %add3A_363 : vector<16xi32> to vector<1x16xi32>
    tpu.vector_store %arg19[%swap3A_365, %swap3A_366], %swap3A_369 {strides = array<i32>} : memref<2x128xi32, #tpu.memory_space<vmem>>, vector<1x16xi32>,
    %get3A_370 = arith.constant 0 : i32
    %get3A_371 = arith.index_cast %get3A_370 : i32 to index
    %get3A_372 = arith.constant 32 : index
    %get3A_373 = tpu.vector_load %arg19[%get3A_371, %get3A_372] {strides = array<i32>} : memref<2x128xi32, #tpu.memory_space<vmem>>, vector<1x16xi32>,
    %get3A_374 = vector.shape_cast %get3A_373 : vector<1x16xi32> to vector<16xi32>
    %mul3A_375 = arith.constant 2048 : i32
    %mul3A_376 = arith.muli %add3A_339, %mul3A_375 : i32
    %add3A_377 = vector.broadcast %mul3A_376 : i32 to vector<16xi32>
    %add3A_378 = arith.addi %get3A_374, %add3A_377 : vector<16xi32>
    %swap3A_379 = arith.constant 1 : i32
    %swap3A_380 = arith.index_cast %swap3A_379 : i32 to index
    %swap3A_381 = arith.constant 32 : index
    %swap3A_382 = tpu.vector_load %arg19[%swap3A_380, %swap3A_381] {strides = array<i32>} : memref<2x128xi32, #tpu.memory_space<vmem>>, vector<1x16xi32>,
    %swap3A_383 = vector.shape_cast %swap3A_382 : vector<1x16xi32> to vector<16xi32>
    %swap3A_384 = vector.shape_cast %add3A_378 : vector<16xi32> to vector<1x16xi32>
    tpu.vector_store %arg19[%swap3A_380, %swap3A_381], %swap3A_384 {strides = array<i32>} : memref<2x128xi32, #tpu.memory_space<vmem>>, vector<1x16xi32>,
    %get3A_385 = arith.constant 0 : i32
    %get3A_386 = arith.index_cast %get3A_385 : i32 to index
    %get3A_387 = arith.constant 48 : index
    %get3A_388 = tpu.vector_load %arg19[%get3A_386, %get3A_387] {strides = array<i32>} : memref<2x128xi32, #tpu.memory_space<vmem>>, vector<1x16xi32>,
    %get3A_389 = vector.shape_cast %get3A_388 : vector<1x16xi32> to vector<16xi32>
    %mul3A_390 = arith.constant 2048 : i32
    %mul3A_391 = arith.muli %add3A_339, %mul3A_390 : i32
    %add3A_392 = vector.broadcast %mul3A_391 : i32 to vector<16xi32>
    %add3A_393 = arith.addi %get3A_389, %add3A_392 : vector<16xi32>
    %swap3A_394 = arith.constant 1 : i32
    %swap3A_395 = arith.index_cast %swap3A_394 : i32 to index
    %swap3A_396 = arith.constant 48 : index
    %swap3A_397 = tpu.vector_load %arg19[%swap3A_395, %swap3A_396] {strides = array<i32>} : memref<2x128xi32, #tpu.memory_space<vmem>>, vector<1x16xi32>,
    %swap3A_398 = vector.shape_cast %swap3A_397 : vector<1x16xi32> to vector<16xi32>
    %swap3A_399 = vector.shape_cast %add3A_393 : vector<16xi32> to vector<1x16xi32>
    tpu.vector_store %arg19[%swap3A_395, %swap3A_396], %swap3A_399 {strides = array<i32>} : memref<2x128xi32, #tpu.memory_space<vmem>>, vector<1x16xi32>,
    %get3A_400 = arith.constant 0 : i32
    %get3A_401 = arith.index_cast %get3A_400 : i32 to index
    %get3A_402 = arith.constant 64 : index
    %get3A_403 = tpu.vector_load %arg19[%get3A_401, %get3A_402] {strides = array<i32>} : memref<2x128xi32, #tpu.memory_space<vmem>>, vector<1x16xi32>,
    %get3A_404 = vector.shape_cast %get3A_403 : vector<1x16xi32> to vector<16xi32>
    %mul3A_405 = arith.constant 2048 : i32
    %mul3A_406 = arith.muli %add3A_339, %mul3A_405 : i32
    %add3A_407 = vector.broadcast %mul3A_406 : i32 to vector<16xi32>
    %add3A_408 = arith.addi %get3A_404, %add3A_407 : vector<16xi32>
    %swap3A_409 = arith.constant 1 : i32
    %swap3A_410 = arith.index_cast %swap3A_409 : i32 to index
    %swap3A_411 = arith.constant 64 : index
    %swap3A_412 = tpu.vector_load %arg19[%swap3A_410, %swap3A_411] {strides = array<i32>} : memref<2x128xi32, #tpu.memory_space<vmem>>, vector<1x16xi32>,
    %swap3A_413 = vector.shape_cast %swap3A_412 : vector<1x16xi32> to vector<16xi32>
    %swap3A_414 = vector.shape_cast %add3A_408 : vector<16xi32> to vector<1x16xi32>
    tpu.vector_store %arg19[%swap3A_410, %swap3A_411], %swap3A_414 {strides = array<i32>} : memref<2x128xi32, #tpu.memory_space<vmem>>, vector<1x16xi32>,
    %get3A_415 = arith.constant 0 : i32
    %get3A_416 = arith.index_cast %get3A_415 : i32 to index
    %get3A_417 = arith.constant 80 : index
    %get3A_418 = tpu.vector_load %arg19[%get3A_416, %get3A_417] {strides = array<i32>} : memref<2x128xi32, #tpu.memory_space<vmem>>, vector<1x16xi32>,
    %get3A_419 = vector.shape_cast %get3A_418 : vector<1x16xi32> to vector<16xi32>
    %mul3A_420 = arith.constant 2048 : i32
    %mul3A_421 = arith.muli %add3A_339, %mul3A_420 : i32
    %add3A_422 = vector.broadcast %mul3A_421 : i32 to vector<16xi32>
    %add3A_423 = arith.addi %get3A_419, %add3A_422 : vector<16xi32>
    %swap3A_424 = arith.constant 1 : i32
    %swap3A_425 = arith.index_cast %swap3A_424 : i32 to index
    %swap3A_426 = arith.constant 80 : index
    %swap3A_427 = tpu.vector_load %arg19[%swap3A_425, %swap3A_426] {strides = array<i32>} : memref<2x128xi32, #tpu.memory_space<vmem>>, vector<1x16xi32>,
    %swap3A_428 = vector.shape_cast %swap3A_427 : vector<1x16xi32> to vector<16xi32>
    %swap3A_429 = vector.shape_cast %add3A_423 : vector<16xi32> to vector<1x16xi32>
    tpu.vector_store %arg19[%swap3A_425, %swap3A_426], %swap3A_429 {strides = array<i32>} : memref<2x128xi32, #tpu.memory_space<vmem>>, vector<1x16xi32>,
    %get3A_430 = arith.constant 0 : i32
    %get3A_431 = arith.index_cast %get3A_430 : i32 to index
    %get3A_432 = arith.constant 96 : index
    %get3A_433 = tpu.vector_load %arg19[%get3A_431, %get3A_432] {strides = array<i32>} : memref<2x128xi32, #tpu.memory_space<vmem>>, vector<1x16xi32>,
    %get3A_434 = vector.shape_cast %get3A_433 : vector<1x16xi32> to vector<16xi32>
    %mul3A_435 = arith.constant 2048 : i32
    %mul3A_436 = arith.muli %add3A_339, %mul3A_435 : i32
    %add3A_437 = vector.broadcast %mul3A_436 : i32 to vector<16xi32>
    %add3A_438 = arith.addi %get3A_434, %add3A_437 : vector<16xi32>
    %swap3A_439 = arith.constant 1 : i32
    %swap3A_440 = arith.index_cast %swap3A_439 : i32 to index
    %swap3A_441 = arith.constant 96 : index
    %swap3A_442 = tpu.vector_load %arg19[%swap3A_440, %swap3A_441] {strides = array<i32>} : memref<2x128xi32, #tpu.memory_space<vmem>>, vector<1x16xi32>,
    %swap3A_443 = vector.shape_cast %swap3A_442 : vector<1x16xi32> to vector<16xi32>
    %swap3A_444 = vector.shape_cast %add3A_438 : vector<16xi32> to vector<1x16xi32>
    tpu.vector_store %arg19[%swap3A_440, %swap3A_441], %swap3A_444 {strides = array<i32>} : memref<2x128xi32, #tpu.memory_space<vmem>>, vector<1x16xi32>,
    %get3A_445 = arith.constant 0 : i32
    %get3A_446 = arith.index_cast %get3A_445 : i32 to index
    %get3A_447 = arith.constant 112 : index
    %get3A_448 = tpu.vector_load %arg19[%get3A_446, %get3A_447] {strides = array<i32>} : memref<2x128xi32, #tpu.memory_space<vmem>>, vector<1x16xi32>,
    %get3A_449 = vector.shape_cast %get3A_448 : vector<1x16xi32> to vector<16xi32>
    %mul3A_450 = arith.constant 2048 : i32
    %mul3A_451 = arith.muli %add3A_339, %mul3A_450 : i32
    %add3A_452 = vector.broadcast %mul3A_451 : i32 to vector<16xi32>
    %add3A_453 = arith.addi %get3A_449, %add3A_452 : vector<16xi32>
    %swap3A_454 = arith.constant 1 : i32
    %swap3A_455 = arith.index_cast %swap3A_454 : i32 to index
    %swap3A_456 = arith.constant 112 : index
    %swap3A_457 = tpu.vector_load %arg19[%swap3A_455, %swap3A_456] {strides = array<i32>} : memref<2x128xi32, #tpu.memory_space<vmem>>, vector<1x16xi32>,
    %swap3A_458 = vector.shape_cast %swap3A_457 : vector<1x16xi32> to vector<16xi32>
    %swap3A_459 = vector.shape_cast %add3A_453 : vector<16xi32> to vector<1x16xi32>
    tpu.vector_store %arg19[%swap3A_455, %swap3A_456], %swap3A_459 {strides = array<i32>} : memref<2x128xi32, #tpu.memory_space<vmem>>, vector<1x16xi32>,
    %mul3A_460 = arith.constant 4096 : i32
    %mul3A_461 = arith.muli %arg1, %mul3A_460 : i32
    "tpu.region"() ({
      %run_scoped3A_480 = tpu.sem_alloc : memref<!tpu.dma_semaphore, #tpu.memory_space<semaphore_mem>>
      %dma_start3A = arith.constant 0 : i32
      %dma_start3A_481 = tpu.memref_slice %arg13[%mul3A_461, %dma_start3A] : memref<65536x8xf32, #tpu.memory_space<vmem_shared>> -> memref<4096x8xf32, #tpu.memory_space<vmem_shared>>
      %dma_start3A_482 = arith.constant 0 : i32
      %dma_start3A_483 = tpu.memref_slice %arg13[%mul3A_461, %dma_start3A_482] : memref<65536x8xf32, #tpu.memory_space<vmem_shared>> -> memref<4096x8xf32, #tpu.memory_space<vmem_shared>>
      tpu.enqueue_dma source(%arg18 : memref<4096x8xf32, #tpu.memory_space<vmem>>) target(%dma_start3A_483 : memref<4096x8xf32, #tpu.memory_space<vmem_shared>>) target_semaphore(%run_scoped3A_480 : memref<!tpu.dma_semaphore, #tpu.memory_space<semaphore_mem>>)
      %dma_wait3A = arith.constant 0 : i32
      %dma_wait3A_484 = tpu.memref_slice %arg13[%mul3A_461, %dma_wait3A] : memref<65536x8xf32, #tpu.memory_space<vmem_shared>> -> memref<4096x8xf32, #tpu.memory_space<vmem_shared>>
      %dma_wait3A_485 = arith.constant 0 : i32
      %dma_wait3A_486 = tpu.memref_slice %arg13[%mul3A_461, %dma_wait3A_485] : memref<65536x8xf32, #tpu.memory_space<vmem_shared>> -> memref<4096x8xf32, #tpu.memory_space<vmem_shared>>
      tpu.wait_dma2 semaphore(%run_scoped3A_480 : memref<!tpu.dma_semaphore, #tpu.memory_space<semaphore_mem>>) src(%arg18 : memref<4096x8xf32, #tpu.memory_space<vmem>>) dst(%dma_wait3A_486 : memref<4096x8xf32, #tpu.memory_space<vmem_shared>>)
      tpu.yield
    }) : () -> ()
    %barrier3A_462 = arith.constant 0 : index
    tpu.barrier barrier_id(%barrier3A_462)
    %run_scoped3A_463 = arith.constant 1 : i32
    "tpu.region"() ({
      %run_scoped3A_480 = tpu.sem_alloc : memref<!tpu.dma_semaphore, #tpu.memory_space<semaphore_mem>>
      %dma_start3A = arith.constant 0 : i32
      %dma_start3A_481 = tpu.memref_slice %arg19[%run_scoped3A_463, %dma_start3A] : memref<2x128xi32, #tpu.memory_space<vmem>> -> memref<1x128xi32, #tpu.memory_space<vmem>>
      %dma_start3A_482 = tpu.memref_squeeze %dma_start3A_481 : memref<1x128xi32, #tpu.memory_space<vmem>> -> memref<128xi32, #tpu.memory_space<vmem>>
      %dma_start3A_483 = arith.constant 0 : i32
      %dma_start3A_484 = arith.constant 0 : i32
      %dma_start3A_485 = tpu.memref_slice %arg6[%dma_start3A_483, %dma_start3A_484] : memref<8192x8xf32, #tpu.memory_space<hbm>> -> memref<8192x8xf32, #tpu.memory_space<hbm>>
      tpu.enqueue_indirect_dma source(%dma_start3A_485 : memref<8192x8xf32, #tpu.memory_space<hbm>>) target(%arg16 : memref<128x8xf32, #tpu.memory_space<vmem>>) offsets(%dma_start3A_482 : memref<128xi32, #tpu.memory_space<vmem>>) semaphore(%run_scoped3A_480 : memref<!tpu.dma_semaphore, #tpu.memory_space<semaphore_mem>>)
      %dma_wait3A = arith.constant 0 : i32
      %dma_wait3A_486 = tpu.memref_slice %arg19[%run_scoped3A_463, %dma_wait3A] : memref<2x128xi32, #tpu.memory_space<vmem>> -> memref<1x128xi32, #tpu.memory_space<vmem>>
      %dma_wait3A_487 = tpu.memref_squeeze %dma_wait3A_486 : memref<1x128xi32, #tpu.memory_space<vmem>> -> memref<128xi32, #tpu.memory_space<vmem>>
      %dma_wait3A_488 = arith.constant 0 : i32
      %dma_wait3A_489 = arith.constant 0 : i32
      %dma_wait3A_490 = tpu.memref_slice %arg6[%dma_wait3A_488, %dma_wait3A_489] : memref<8192x8xf32, #tpu.memory_space<hbm>> -> memref<8192x8xf32, #tpu.memory_space<hbm>>
      tpu.wait_indirect_dma semaphore(%run_scoped3A_480 : memref<!tpu.dma_semaphore, #tpu.memory_space<semaphore_mem>>) src(%dma_wait3A_490 : memref<8192x8xf32, #tpu.memory_space<hbm>>) dst(%arg16 : memref<128x8xf32, #tpu.memory_space<vmem>>)
      tpu.yield
    }) : () -> ()
    %run_scoped3A_464 = arith.constant 0 : i32
    "tpu.region"() ({
      %run_scoped3A_480 = tpu.sem_alloc : memref<!tpu.dma_semaphore, #tpu.memory_space<semaphore_mem>>
      %dma_start3A = arith.constant 0 : i32
      %dma_start3A_481 = tpu.memref_slice %arg22[%run_scoped3A_464, %dma_start3A] : memref<1x128xi32, #tpu.memory_space<vmem>> -> memref<1x128xi32, #tpu.memory_space<vmem>>
      %dma_start3A_482 = tpu.memref_squeeze %dma_start3A_481 : memref<1x128xi32, #tpu.memory_space<vmem>> -> memref<128xi32, #tpu.memory_space<vmem>>
      %dma_start3A_483 = arith.constant 0 : i32
      %dma_start3A_484 = arith.constant 0 : i32
      %dma_start3A_485 = tpu.memref_slice %arg13[%dma_start3A_483, %dma_start3A_484] : memref<65536x8xf32, #tpu.memory_space<vmem_shared>> -> memref<65536x8xf32, #tpu.memory_space<vmem_shared>>
      tpu.enqueue_indirect_dma source(%arg16 : memref<128x8xf32, #tpu.memory_space<vmem>>) target(%dma_start3A_485 : memref<65536x8xf32, #tpu.memory_space<vmem_shared>>) offsets(%dma_start3A_482 : memref<128xi32, #tpu.memory_space<vmem>>) semaphore(%run_scoped3A_480 : memref<!tpu.dma_semaphore, #tpu.memory_space<semaphore_mem>>) {add = true}
      %dma_wait3A = arith.constant 0 : i32
      %dma_wait3A_486 = tpu.memref_slice %arg22[%run_scoped3A_464, %dma_wait3A] : memref<1x128xi32, #tpu.memory_space<vmem>> -> memref<1x128xi32, #tpu.memory_space<vmem>>
      %dma_wait3A_487 = tpu.memref_squeeze %dma_wait3A_486 : memref<1x128xi32, #tpu.memory_space<vmem>> -> memref<128xi32, #tpu.memory_space<vmem>>
      %dma_wait3A_488 = arith.constant 0 : i32
      %dma_wait3A_489 = arith.constant 0 : i32
      %dma_wait3A_490 = tpu.memref_slice %arg13[%dma_wait3A_488, %dma_wait3A_489] : memref<65536x8xf32, #tpu.memory_space<vmem_shared>> -> memref<65536x8xf32, #tpu.memory_space<vmem_shared>>
      tpu.wait_indirect_dma semaphore(%run_scoped3A_480 : memref<!tpu.dma_semaphore, #tpu.memory_space<semaphore_mem>>) src(%arg16 : memref<128x8xf32, #tpu.memory_space<vmem>>) dst(%dma_wait3A_490 : memref<65536x8xf32, #tpu.memory_space<vmem_shared>>)
      tpu.yield
    }) : () -> ()
    %barrier3A_465 = arith.constant 0 : index
    tpu.barrier barrier_id(%barrier3A_465)
    %mul3A_466 = arith.constant 4096 : i32
    %mul3A_467 = arith.muli %arg1, %mul3A_466 : i32
    %mul3A_468 = arith.constant 4096 : i32
    %mul3A_469 = arith.muli %arg1, %mul3A_468 : i32
    "tpu.region"() ({
      %run_scoped3A_480 = tpu.sem_alloc : memref<!tpu.dma_semaphore, #tpu.memory_space<semaphore_mem>>
      %dma_start3A = arith.constant 0 : i32
      %dma_start3A_481 = tpu.memref_slice %arg10[%add3A_339, %mul3A_469, %dma_start3A] : memref<4x65536x8xf32, #tpu.memory_space<hbm>> -> memref<1x4096x8xf32, #tpu.memory_space<hbm>>
      %dma_start3A_482 = tpu.memref_squeeze %dma_start3A_481 : memref<1x4096x8xf32, #tpu.memory_space<hbm>> -> memref<4096x8xf32, #tpu.memory_space<hbm>>
      %dma_start3A_483 = arith.constant 0 : i32
      %dma_start3A_484 = tpu.memref_slice %arg13[%mul3A_467, %dma_start3A_483] : memref<65536x8xf32, #tpu.memory_space<vmem_shared>> -> memref<4096x8xf32, #tpu.memory_space<vmem_shared>>
      tpu.enqueue_dma source(%dma_start3A_484 : memref<4096x8xf32, #tpu.memory_space<vmem_shared>>) target(%dma_start3A_482 : memref<4096x8xf32, #tpu.memory_space<hbm>>) target_semaphore(%run_scoped3A_480 : memref<!tpu.dma_semaphore, #tpu.memory_space<semaphore_mem>>)
      %dma_wait3A = arith.constant 0 : i32
      %dma_wait3A_485 = tpu.memref_slice %arg10[%add3A_339, %mul3A_469, %dma_wait3A] : memref<4x65536x8xf32, #tpu.memory_space<hbm>> -> memref<1x4096x8xf32, #tpu.memory_space<hbm>>
      %dma_wait3A_486 = tpu.memref_squeeze %dma_wait3A_485 : memref<1x4096x8xf32, #tpu.memory_space<hbm>> -> memref<4096x8xf32, #tpu.memory_space<hbm>>
      %dma_wait3A_487 = arith.constant 0 : i32
      %dma_wait3A_488 = tpu.memref_slice %arg13[%mul3A_467, %dma_wait3A_487] : memref<65536x8xf32, #tpu.memory_space<vmem_shared>> -> memref<4096x8xf32, #tpu.memory_space<vmem_shared>>
      tpu.wait_dma2 semaphore(%run_scoped3A_480 : memref<!tpu.dma_semaphore, #tpu.memory_space<semaphore_mem>>) src(%dma_wait3A_488 : memref<4096x8xf32, #tpu.memory_space<vmem_shared>>) dst(%dma_wait3A_486 : memref<4096x8xf32, #tpu.memory_space<hbm>>)
      tpu.yield
    }) : () -> ()
    %barrier3A_470 = arith.constant 0 : index
    tpu.barrier barrier_id(%barrier3A_470)
    %mul3A_471 = arith.constant 632 : i32
    %mul3A_472 = arith.muli %arg1, %mul3A_471 : i32
    %mul3A_473 = arith.constant 632 : i32
    %mul3A_474 = arith.muli %arg1, %mul3A_473 : i32
    "tpu.region"() ({
      %run_scoped3A_480 = tpu.sem_alloc : memref<!tpu.dma_semaphore, #tpu.memory_space<semaphore_mem>>
      %dma_start3A = arith.constant 0 : i32
      %dma_start3A_481 = tpu.memref_slice %arg9[%arg0, %mul3A_474, %dma_start3A] : memref<2x10112x8xf32, #tpu.memory_space<hbm>> -> memref<1x632x8xf32, #tpu.memory_space<hbm>>
      %dma_start3A_482 = tpu.memref_squeeze %dma_start3A_481 : memref<1x632x8xf32, #tpu.memory_space<hbm>> -> memref<632x8xf32, #tpu.memory_space<hbm>>
      %dma_start3A_483 = arith.constant 0 : i32
      %dma_start3A_484 = tpu.memref_slice %arg12[%mul3A_472, %dma_start3A_483] : memref<10112x8xf32, #tpu.memory_space<vmem_shared>> -> memref<632x8xf32, #tpu.memory_space<vmem_shared>>
      tpu.enqueue_dma source(%dma_start3A_484 : memref<632x8xf32, #tpu.memory_space<vmem_shared>>) target(%dma_start3A_482 : memref<632x8xf32, #tpu.memory_space<hbm>>) target_semaphore(%run_scoped3A_480 : memref<!tpu.dma_semaphore, #tpu.memory_space<semaphore_mem>>)
      %dma_wait3A = arith.constant 0 : i32
      %dma_wait3A_485 = tpu.memref_slice %arg9[%arg0, %mul3A_474, %dma_wait3A] : memref<2x10112x8xf32, #tpu.memory_space<hbm>> -> memref<1x632x8xf32, #tpu.memory_space<hbm>>
      %dma_wait3A_486 = tpu.memref_squeeze %dma_wait3A_485 : memref<1x632x8xf32, #tpu.memory_space<hbm>> -> memref<632x8xf32, #tpu.memory_space<hbm>>
      %dma_wait3A_487 = arith.constant 0 : i32
      %dma_wait3A_488 = tpu.memref_slice %arg12[%mul3A_472, %dma_wait3A_487] : memref<10112x8xf32, #tpu.memory_space<vmem_shared>> -> memref<632x8xf32, #tpu.memory_space<vmem_shared>>
      tpu.wait_dma2 semaphore(%run_scoped3A_480 : memref<!tpu.dma_semaphore, #tpu.memory_space<semaphore_mem>>) src(%dma_wait3A_488 : memref<632x8xf32, #tpu.memory_space<vmem_shared>>) dst(%dma_wait3A_486 : memref<632x8xf32, #tpu.memory_space<hbm>>)
      tpu.yield
    }) : () -> ()
    %eq3A_475 = arith.constant 0 : i32
    %eq3A_476 = arith.cmpi eq, %arg0, %eq3A_475 : i32
    %convert_element_type3A_477 = arith.extui %eq3A_476 : i1 to i32
    %cond3A_478 = arith.constant 0 : i32
    %cond3A_479 = arith.cmpi ne, %convert_element_type3A_477, %cond3A_478 : i32
    scf.if %cond3A_479 {
      %mul3A_480 = arith.constant 16 : i32
      %mul3A_481 = arith.muli %arg1, %mul3A_480 : i32
      %mul3A_482 = arith.constant 16 : i32
      %mul3A_483 = arith.muli %arg1, %mul3A_482 : i32
      "tpu.region"() ({
        %run_scoped3A_484 = tpu.sem_alloc : memref<!tpu.dma_semaphore, #tpu.memory_space<semaphore_mem>>
        %dma_start3A = arith.constant 0 : i32
        %dma_start3A_485 = tpu.memref_slice %arg11[%mul3A_483, %dma_start3A] : memref<256x8xf32, #tpu.memory_space<hbm>> -> memref<16x8xf32, #tpu.memory_space<hbm>>
        %dma_start3A_486 = arith.constant 0 : i32
        %dma_start3A_487 = tpu.memref_slice %arg14[%mul3A_481, %dma_start3A_486] : memref<256x8xf32, #tpu.memory_space<vmem_shared>> -> memref<16x8xf32, #tpu.memory_space<vmem_shared>>
        tpu.enqueue_dma source(%dma_start3A_487 : memref<16x8xf32, #tpu.memory_space<vmem_shared>>) target(%dma_start3A_485 : memref<16x8xf32, #tpu.memory_space<hbm>>) target_semaphore(%run_scoped3A_484 : memref<!tpu.dma_semaphore, #tpu.memory_space<semaphore_mem>>)
        %dma_wait3A = arith.constant 0 : i32
        %dma_wait3A_488 = tpu.memref_slice %arg11[%mul3A_483, %dma_wait3A] : memref<256x8xf32, #tpu.memory_space<hbm>> -> memref<16x8xf32, #tpu.memory_space<hbm>>
        %dma_wait3A_489 = arith.constant 0 : i32
        %dma_wait3A_490 = tpu.memref_slice %arg14[%mul3A_481, %dma_wait3A_489] : memref<256x8xf32, #tpu.memory_space<vmem_shared>> -> memref<16x8xf32, #tpu.memory_space<vmem_shared>>
        tpu.wait_dma2 semaphore(%run_scoped3A_484 : memref<!tpu.dma_semaphore, #tpu.memory_space<semaphore_mem>>) src(%dma_wait3A_490 : memref<16x8xf32, #tpu.memory_space<vmem_shared>>) dst(%dma_wait3A_488 : memref<16x8xf32, #tpu.memory_space<hbm>>)
        tpu.yield
      }) : () -> ()
    } else {
    }
    return
  }
}

module attributes {stable_mosaic.version = 14 : i64} {
  func.func @_tc_prep_body(%arg0: i32, %arg1: memref<2x1000x8xf32, #tpu.memory_space<vmem>>, %arg2: memref<1000x128xf32, #tpu.memory_space<vmem>>, %arg3: memref<1000x128xf32, #tpu.memory_space<vmem>>, %arg4: memref<1000x1xf32, #tpu.memory_space<vmem>>) attributes {dimension_semantics = [#tpu.dimension_semantics<arbitrary>], iteration_bounds = array<i64: 10>, scalar_prefetch = 0 : i64, scratch_operands = 0 : i64, tpu.core_type = #tpu.core_type<tc>, window_params = [{transform_indices = @transform_0, window_bounds = array<i64: 2, 1000, 8>}, {transform_indices = @transform_1, window_bounds = array<i64: 1000, 128>}, {transform_indices = @transform_2, window_bounds = array<i64: 1000, 128>}, {transform_indices = @transform_3, window_bounds = array<i64: 1000, 1>}]} {
    %get3A = arith.constant 0 : index
    %get3A_0 = arith.constant 0 : index
    %get3A_1 = arith.constant 0 : index
    %get3A_2 = vector.load %arg1[%get3A, %get3A_0, %get3A_1] : memref<2x1000x8xf32, #tpu.memory_space<vmem>>, vector<2x1000x8xf32>
    %slice3A = vector.extract_strided_slice %get3A_2 {offsets = [0, 0, 0], sizes = [1, 1000, 1], strides = [1, 1, 1]} : vector<2x1000x8xf32> to vector<1x1000x1xf32>
    %squeeze3A = vector.shape_cast %slice3A : vector<1x1000x1xf32> to vector<1000x1xf32>
    %slice3A_3 = vector.extract_strided_slice %get3A_2 {offsets = [1, 0, 0], sizes = [1, 1000, 1], strides = [1, 1, 1]} : vector<2x1000x8xf32> to vector<1x1000x1xf32>
    %squeeze3A_4 = vector.shape_cast %slice3A_3 : vector<1x1000x1xf32> to vector<1000x1xf32>
    %add3A = arith.addf %squeeze3A, %squeeze3A_4 : vector<1000x1xf32>
    %gt3A = arith.constant 0.000000e+00 : f32
    %gt3A_5 = vector.broadcast %gt3A : f32 to vector<1000x1xf32>
    %gt3A_6 = arith.cmpf ogt, %add3A, %gt3A_5 : vector<1000x1xf32>
    %max3A = arith.constant 1.000000e+00 : f32
    %max3A_7 = vector.broadcast %max3A : f32 to vector<1000x1xf32>
    %max3A_8 = arith.maximumf %add3A, %max3A_7 : vector<1000x1xf32>
    %rsqrt3A = math.rsqrt %max3A_8 : vector<1000x1xf32>
    %jit3A = arith.constant 0.000000e+00 : f32
    %broadcast_in_dim3A = vector.broadcast %jit3A : f32 to vector<1000x1xf32>
    %select_n3A = arith.select %gt3A_6, %rsqrt3A, %broadcast_in_dim3A : vector<1000x1xi1>, vector<1000x1xf32>
    %get3A_9 = arith.constant 0 : index
    %get3A_10 = arith.constant 0 : index
    %get3A_11 = vector.load %arg2[%get3A_9, %get3A_10] : memref<1000x128xf32, #tpu.memory_space<vmem>>, vector<1000x128xf32>
    %mul3A = vector.broadcast %select_n3A : vector<1000x1xf32> to vector<1000x128xf32>
    %mul3A_12 = arith.mulf %get3A_11, %mul3A : vector<1000x128xf32>
    %swap3A = arith.constant 0 : index
    %swap3A_13 = arith.constant 0 : index
    %swap3A_14 = vector.load %arg3[%swap3A, %swap3A_13] : memref<1000x128xf32, #tpu.memory_space<vmem>>, vector<1000x128xf32>
    tpu.vector_store %arg3[%swap3A, %swap3A_13], %mul3A_12 {strides = array<i32>} : memref<1000x128xf32, #tpu.memory_space<vmem>>, vector<1000x128xf32>,
    %swap3A_15 = arith.constant 0 : index
    %swap3A_16 = arith.constant 0 : index
    %swap3A_17 = vector.load %arg4[%swap3A_15, %swap3A_16] : memref<1000x1xf32, #tpu.memory_space<vmem>>, vector<1000x1xf32>
    tpu.vector_store %arg4[%swap3A_15, %swap3A_16], %select_n3A {strides = array<i32>} : memref<1000x1xf32, #tpu.memory_space<vmem>>, vector<1000x1xf32>,
    return
  }
  func.func @transform_0(%arg0: i32) -> (i32, i32, i32) {
    %c0_i32 = arith.constant 0 : i32
    %c0_i32_0 = arith.constant 0 : i32
    %c0_i32_1 = arith.constant 0 : i32
    return %c0_i32, %arg0, %c0_i32_0 : i32, i32, i32
  }
  func.func @transform_1(%arg0: i32) -> (i32, i32) {
    %c0_i32 = arith.constant 0 : i32
    %c0_i32_0 = arith.constant 0 : i32
    return %arg0, %c0_i32 : i32, i32
  }
  func.func @transform_2(%arg0: i32) -> (i32, i32) {
    %c0_i32 = arith.constant 0 : i32
    %c0_i32_0 = arith.constant 0 : i32
    return %arg0, %c0_i32 : i32, i32
  }
  func.func @transform_3(%arg0: i32) -> (i32, i32) {
    %c0_i32 = arith.constant 0 : i32
    %c0_i32_0 = arith.constant 0 : i32
    return %arg0, %c0_i32 : i32, i32
  }
}

module attributes {stable_mosaic.version = 14 : i64} {
  func.func @_tc_xb_body(%arg0: i32, %arg1: memref<256x256xf32, #tpu.memory_space<vmem>>, %arg2: memref<8x256x256xf32, #tpu.memory_space<vmem>>, %arg3: memref<1x256x8x256xf32, #tpu.memory_space<vmem>>) attributes {dimension_semantics = [#tpu.dimension_semantics<arbitrary>], iteration_bounds = array<i64: 4>, scalar_prefetch = 0 : i64, scratch_operands = 0 : i64, tpu.core_type = #tpu.core_type<tc>, window_params = [{pipeline_mode = #tpu.pipeline_mode<synchronous>, transform_indices = @transform_0, window_bounds = array<i64: 256, 256>}, {transform_indices = @transform_1, window_bounds = array<i64: 8, 256, 256>}, {transform_indices = @transform_2, window_bounds = array<i64: 1, 256, 8, 256>}]} {
    %get3A = arith.constant 0 : index
    %get3A_0 = arith.constant 0 : index
    %get3A_1 = vector.load %arg1[%get3A, %get3A_0] : memref<256x256xf32, #tpu.memory_space<vmem>>, vector<256x256xf32>
    %get3A_2 = arith.constant 0 : index
    %get3A_3 = arith.constant 0 : index
    %get3A_4 = arith.constant 0 : index
    %get3A_5 = vector.load %arg2[%get3A_2, %get3A_3, %get3A_4] : memref<8x256x256xf32, #tpu.memory_space<vmem>>, vector<1x256x256xf32>
    %get3A_6 = vector.shape_cast %get3A_5 : vector<1x256x256xf32> to vector<256x256xf32>
    %dot_general3A = arith.constant dense<0.000000e+00> : vector<256x256xf32>
    %dot_general3A_7 = tpu.matmul %get3A_1, %get3A_6, %dot_general3A {dimension_numbers = #tpu.dot_dimension_numbers<[1], [0], [0], [1], [0, 0, 1, 1], [], []>, precision = #tpu.contract_precision<fp32>, transpose_lhs_hint = false} : vector<256x256xf32>, vector<256x256xf32>, vector<256x256xf32> -> vector<256x256xf32>
    %mul3A = arith.constant 8 : i32
    %mul3A_8 = arith.muli %arg0, %mul3A : i32
    %add3A = arith.constant 0 : i32
    %add3A_9 = arith.addi %mul3A_8, %add3A : i32
    %lt3A = arith.constant 30 : i32
    %lt3A_10 = arith.cmpi slt, %add3A_9, %lt3A : i32
    %jit3A = arith.constant 0.000000e+00 : f32
    %broadcast_in_dim3A = vector.broadcast %jit3A : f32 to vector<256x256xf32>
    %select_n3A = arith.select %lt3A_10, %dot_general3A_7, %broadcast_in_dim3A : vector<256x256xf32>
    %broadcast_in_dim3A_11 = vector.shape_cast %select_n3A : vector<256x256xf32> to vector<256x1x256xf32>
    %get3A_12 = arith.constant 1 : index
    %get3A_13 = arith.constant 0 : index
    %get3A_14 = arith.constant 0 : index
    %get3A_15 = vector.load %arg2[%get3A_12, %get3A_13, %get3A_14] : memref<8x256x256xf32, #tpu.memory_space<vmem>>, vector<1x256x256xf32>
    %get3A_16 = vector.shape_cast %get3A_15 : vector<1x256x256xf32> to vector<256x256xf32>
    %dot_general3A_17 = arith.constant dense<0.000000e+00> : vector<256x256xf32>
    %dot_general3A_18 = tpu.matmul %get3A_1, %get3A_16, %dot_general3A_17 {dimension_numbers = #tpu.dot_dimension_numbers<[1], [0], [0], [1], [0, 0, 1, 1], [], []>, precision = #tpu.contract_precision<fp32>, transpose_lhs_hint = false} : vector<256x256xf32>, vector<256x256xf32>, vector<256x256xf32> -> vector<256x256xf32>
    %mul3A_19 = arith.constant 8 : i32
    %mul3A_20 = arith.muli %arg0, %mul3A_19 : i32
    %add3A_21 = arith.constant 1 : i32
    %add3A_22 = arith.addi %mul3A_20, %add3A_21 : i32
    %lt3A_23 = arith.constant 30 : i32
    %lt3A_24 = arith.cmpi slt, %add3A_22, %lt3A_23 : i32
    %jit3A_25 = arith.constant 0.000000e+00 : f32
    %broadcast_in_dim3A_26 = vector.broadcast %jit3A_25 : f32 to vector<256x256xf32>
    %select_n3A_27 = arith.select %lt3A_24, %dot_general3A_18, %broadcast_in_dim3A_26 : vector<256x256xf32>
    %broadcast_in_dim3A_28 = vector.shape_cast %select_n3A_27 : vector<256x256xf32> to vector<256x1x256xf32>
    %get3A_29 = arith.constant 2 : index
    %get3A_30 = arith.constant 0 : index
    %get3A_31 = arith.constant 0 : index
    %get3A_32 = vector.load %arg2[%get3A_29, %get3A_30, %get3A_31] : memref<8x256x256xf32, #tpu.memory_space<vmem>>, vector<1x256x256xf32>
    %get3A_33 = vector.shape_cast %get3A_32 : vector<1x256x256xf32> to vector<256x256xf32>
    %dot_general3A_34 = arith.constant dense<0.000000e+00> : vector<256x256xf32>
    %dot_general3A_35 = tpu.matmul %get3A_1, %get3A_33, %dot_general3A_34 {dimension_numbers = #tpu.dot_dimension_numbers<[1], [0], [0], [1], [0, 0, 1, 1], [], []>, precision = #tpu.contract_precision<fp32>, transpose_lhs_hint = false} : vector<256x256xf32>, vector<256x256xf32>, vector<256x256xf32> -> vector<256x256xf32>
    %mul3A_36 = arith.constant 8 : i32
    %mul3A_37 = arith.muli %arg0, %mul3A_36 : i32
    %add3A_38 = arith.constant 2 : i32
    %add3A_39 = arith.addi %mul3A_37, %add3A_38 : i32
    %lt3A_40 = arith.constant 30 : i32
    %lt3A_41 = arith.cmpi slt, %add3A_39, %lt3A_40 : i32
    %jit3A_42 = arith.constant 0.000000e+00 : f32
    %broadcast_in_dim3A_43 = vector.broadcast %jit3A_42 : f32 to vector<256x256xf32>
    %select_n3A_44 = arith.select %lt3A_41, %dot_general3A_35, %broadcast_in_dim3A_43 : vector<256x256xf32>
    %broadcast_in_dim3A_45 = vector.shape_cast %select_n3A_44 : vector<256x256xf32> to vector<256x1x256xf32>
    %get3A_46 = arith.constant 3 : index
    %get3A_47 = arith.constant 0 : index
    %get3A_48 = arith.constant 0 : index
    %get3A_49 = vector.load %arg2[%get3A_46, %get3A_47, %get3A_48] : memref<8x256x256xf32, #tpu.memory_space<vmem>>, vector<1x256x256xf32>
    %get3A_50 = vector.shape_cast %get3A_49 : vector<1x256x256xf32> to vector<256x256xf32>
    %dot_general3A_51 = arith.constant dense<0.000000e+00> : vector<256x256xf32>
    %dot_general3A_52 = tpu.matmul %get3A_1, %get3A_50, %dot_general3A_51 {dimension_numbers = #tpu.dot_dimension_numbers<[1], [0], [0], [1], [0, 0, 1, 1], [], []>, precision = #tpu.contract_precision<fp32>, transpose_lhs_hint = false} : vector<256x256xf32>, vector<256x256xf32>, vector<256x256xf32> -> vector<256x256xf32>
    %mul3A_53 = arith.constant 8 : i32
    %mul3A_54 = arith.muli %arg0, %mul3A_53 : i32
    %add3A_55 = arith.constant 3 : i32
    %add3A_56 = arith.addi %mul3A_54, %add3A_55 : i32
    %lt3A_57 = arith.constant 30 : i32
    %lt3A_58 = arith.cmpi slt, %add3A_56, %lt3A_57 : i32
    %jit3A_59 = arith.constant 0.000000e+00 : f32
    %broadcast_in_dim3A_60 = vector.broadcast %jit3A_59 : f32 to vector<256x256xf32>
    %select_n3A_61 = arith.select %lt3A_58, %dot_general3A_52, %broadcast_in_dim3A_60 : vector<256x256xf32>
    %broadcast_in_dim3A_62 = vector.shape_cast %select_n3A_61 : vector<256x256xf32> to vector<256x1x256xf32>
    %get3A_63 = arith.constant 4 : index
    %get3A_64 = arith.constant 0 : index
    %get3A_65 = arith.constant 0 : index
    %get3A_66 = vector.load %arg2[%get3A_63, %get3A_64, %get3A_65] : memref<8x256x256xf32, #tpu.memory_space<vmem>>, vector<1x256x256xf32>
    %get3A_67 = vector.shape_cast %get3A_66 : vector<1x256x256xf32> to vector<256x256xf32>
    %dot_general3A_68 = arith.constant dense<0.000000e+00> : vector<256x256xf32>
    %dot_general3A_69 = tpu.matmul %get3A_1, %get3A_67, %dot_general3A_68 {dimension_numbers = #tpu.dot_dimension_numbers<[1], [0], [0], [1], [0, 0, 1, 1], [], []>, precision = #tpu.contract_precision<fp32>, transpose_lhs_hint = false} : vector<256x256xf32>, vector<256x256xf32>, vector<256x256xf32> -> vector<256x256xf32>
    %mul3A_70 = arith.constant 8 : i32
    %mul3A_71 = arith.muli %arg0, %mul3A_70 : i32
    %add3A_72 = arith.constant 4 : i32
    %add3A_73 = arith.addi %mul3A_71, %add3A_72 : i32
    %lt3A_74 = arith.constant 30 : i32
    %lt3A_75 = arith.cmpi slt, %add3A_73, %lt3A_74 : i32
    %jit3A_76 = arith.constant 0.000000e+00 : f32
    %broadcast_in_dim3A_77 = vector.broadcast %jit3A_76 : f32 to vector<256x256xf32>
    %select_n3A_78 = arith.select %lt3A_75, %dot_general3A_69, %broadcast_in_dim3A_77 : vector<256x256xf32>
    %broadcast_in_dim3A_79 = vector.shape_cast %select_n3A_78 : vector<256x256xf32> to vector<256x1x256xf32>
    %get3A_80 = arith.constant 5 : index
    %get3A_81 = arith.constant 0 : index
    %get3A_82 = arith.constant 0 : index
    %get3A_83 = vector.load %arg2[%get3A_80, %get3A_81, %get3A_82] : memref<8x256x256xf32, #tpu.memory_space<vmem>>, vector<1x256x256xf32>
    %get3A_84 = vector.shape_cast %get3A_83 : vector<1x256x256xf32> to vector<256x256xf32>
    %dot_general3A_85 = arith.constant dense<0.000000e+00> : vector<256x256xf32>
    %dot_general3A_86 = tpu.matmul %get3A_1, %get3A_84, %dot_general3A_85 {dimension_numbers = #tpu.dot_dimension_numbers<[1], [0], [0], [1], [0, 0, 1, 1], [], []>, precision = #tpu.contract_precision<fp32>, transpose_lhs_hint = false} : vector<256x256xf32>, vector<256x256xf32>, vector<256x256xf32> -> vector<256x256xf32>
    %mul3A_87 = arith.constant 8 : i32
    %mul3A_88 = arith.muli %arg0, %mul3A_87 : i32
    %add3A_89 = arith.constant 5 : i32
    %add3A_90 = arith.addi %mul3A_88, %add3A_89 : i32
    %lt3A_91 = arith.constant 30 : i32
    %lt3A_92 = arith.cmpi slt, %add3A_90, %lt3A_91 : i32
    %jit3A_93 = arith.constant 0.000000e+00 : f32
    %broadcast_in_dim3A_94 = vector.broadcast %jit3A_93 : f32 to vector<256x256xf32>
    %select_n3A_95 = arith.select %lt3A_92, %dot_general3A_86, %broadcast_in_dim3A_94 : vector<256x256xf32>
    %broadcast_in_dim3A_96 = vector.shape_cast %select_n3A_95 : vector<256x256xf32> to vector<256x1x256xf32>
    %get3A_97 = arith.constant 6 : index
    %get3A_98 = arith.constant 0 : index
    %get3A_99 = arith.constant 0 : index
    %get3A_100 = vector.load %arg2[%get3A_97, %get3A_98, %get3A_99] : memref<8x256x256xf32, #tpu.memory_space<vmem>>, vector<1x256x256xf32>
    %get3A_101 = vector.shape_cast %get3A_100 : vector<1x256x256xf32> to vector<256x256xf32>
    %dot_general3A_102 = arith.constant dense<0.000000e+00> : vector<256x256xf32>
    %dot_general3A_103 = tpu.matmul %get3A_1, %get3A_101, %dot_general3A_102 {dimension_numbers = #tpu.dot_dimension_numbers<[1], [0], [0], [1], [0, 0, 1, 1], [], []>, precision = #tpu.contract_precision<fp32>, transpose_lhs_hint = false} : vector<256x256xf32>, vector<256x256xf32>, vector<256x256xf32> -> vector<256x256xf32>
    %mul3A_104 = arith.constant 8 : i32
    %mul3A_105 = arith.muli %arg0, %mul3A_104 : i32
    %add3A_106 = arith.constant 6 : i32
    %add3A_107 = arith.addi %mul3A_105, %add3A_106 : i32
    %lt3A_108 = arith.constant 30 : i32
    %lt3A_109 = arith.cmpi slt, %add3A_107, %lt3A_108 : i32
    %jit3A_110 = arith.constant 0.000000e+00 : f32
    %broadcast_in_dim3A_111 = vector.broadcast %jit3A_110 : f32 to vector<256x256xf32>
    %select_n3A_112 = arith.select %lt3A_109, %dot_general3A_103, %broadcast_in_dim3A_111 : vector<256x256xf32>
    %broadcast_in_dim3A_113 = vector.shape_cast %select_n3A_112 : vector<256x256xf32> to vector<256x1x256xf32>
    %get3A_114 = arith.constant 7 : index
    %get3A_115 = arith.constant 0 : index
    %get3A_116 = arith.constant 0 : index
    %get3A_117 = vector.load %arg2[%get3A_114, %get3A_115, %get3A_116] : memref<8x256x256xf32, #tpu.memory_space<vmem>>, vector<1x256x256xf32>
    %get3A_118 = vector.shape_cast %get3A_117 : vector<1x256x256xf32> to vector<256x256xf32>
    %dot_general3A_119 = arith.constant dense<0.000000e+00> : vector<256x256xf32>
    %dot_general3A_120 = tpu.matmul %get3A_1, %get3A_118, %dot_general3A_119 {dimension_numbers = #tpu.dot_dimension_numbers<[1], [0], [0], [1], [0, 0, 1, 1], [], []>, precision = #tpu.contract_precision<fp32>, transpose_lhs_hint = false} : vector<256x256xf32>, vector<256x256xf32>, vector<256x256xf32> -> vector<256x256xf32>
    %mul3A_121 = arith.constant 8 : i32
    %mul3A_122 = arith.muli %arg0, %mul3A_121 : i32
    %add3A_123 = arith.constant 7 : i32
    %add3A_124 = arith.addi %mul3A_122, %add3A_123 : i32
    %lt3A_125 = arith.constant 30 : i32
    %lt3A_126 = arith.cmpi slt, %add3A_124, %lt3A_125 : i32
    %jit3A_127 = arith.constant 0.000000e+00 : f32
    %broadcast_in_dim3A_128 = vector.broadcast %jit3A_127 : f32 to vector<256x256xf32>
    %select_n3A_129 = arith.select %lt3A_126, %dot_general3A_120, %broadcast_in_dim3A_128 : vector<256x256xf32>
    %broadcast_in_dim3A_130 = vector.shape_cast %select_n3A_129 : vector<256x256xf32> to vector<256x1x256xf32>
    %concatenate3A = tpu.concatenate %broadcast_in_dim3A_11, %broadcast_in_dim3A_28, %broadcast_in_dim3A_45, %broadcast_in_dim3A_62, %broadcast_in_dim3A_79, %broadcast_in_dim3A_96, %broadcast_in_dim3A_113, %broadcast_in_dim3A_130 in 1 : vector<256x1x256xf32>, vector<256x1x256xf32>, vector<256x1x256xf32>, vector<256x1x256xf32>, vector<256x1x256xf32>, vector<256x1x256xf32>, vector<256x1x256xf32>, vector<256x1x256xf32> -> vector<256x8x256xf32>
    %broadcast_in_dim3A_131 = vector.shape_cast %concatenate3A : vector<256x8x256xf32> to vector<1x256x8x256xf32>
    %swap3A = arith.constant 0 : index
    %swap3A_132 = arith.constant 0 : index
    %swap3A_133 = arith.constant 0 : index
    %swap3A_134 = arith.constant 0 : index
    %swap3A_135 = vector.load %arg3[%swap3A, %swap3A_132, %swap3A_133, %swap3A_134] : memref<1x256x8x256xf32, #tpu.memory_space<vmem>>, vector<1x256x8x256xf32>
    tpu.vector_store %arg3[%swap3A, %swap3A_132, %swap3A_133, %swap3A_134], %broadcast_in_dim3A_131 {strides = array<i32>} : memref<1x256x8x256xf32, #tpu.memory_space<vmem>>, vector<1x256x8x256xf32>,
    return
  }
  func.func @transform_0(%arg0: i32) -> (i32, i32) {
    %c0_i32 = arith.constant 0 : i32
    %c0_i32_0 = arith.constant 0 : i32
    %c0_i32_1 = arith.constant 0 : i32
    return %c0_i32, %c0_i32_0 : i32, i32
  }
  func.func @transform_1(%arg0: i32) -> (i32, i32, i32) {
    %c0_i32 = arith.constant 0 : i32
    %c0_i32_0 = arith.constant 0 : i32
    %c0_i32_1 = arith.constant 0 : i32
    return %arg0, %c0_i32, %c0_i32_0 : i32, i32, i32
  }
  func.func @transform_2(%arg0: i32) -> (i32, i32, i32, i32) {
    %c0_i32 = arith.constant 0 : i32
    %c0_i32_0 = arith.constant 0 : i32
    %c0_i32_1 = arith.constant 0 : i32
    %c0_i32_2 = arith.constant 0 : i32
    return %arg0, %c0_i32, %c0_i32_0, %c0_i32_1 : i32, i32, i32, i32
  }
}

module attributes {stable_mosaic.version = 14 : i64} {
  func.func @_tc_out2_body(%arg0: i32, %arg1: memref<1x256x2048xf32, #tpu.memory_space<vmem>>, %arg2: memref<1x2048x256xf32, #tpu.memory_space<vmem>>, %arg3: memref<256x256xf32, #tpu.memory_space<vmem>>, %arg4: memref<256x256xf32, #tpu.memory_space<vmem>>, %arg5: memref<256x8xf32, #tpu.memory_space<vmem>>, %arg6: memref<1x256xf32, #tpu.memory_space<vmem>>, %arg7: memref<256x256xf32, #tpu.memory_space<vmem>>, %arg8: memref<256x256xf32, #tpu.memory_space<vmem>>) attributes {dimension_semantics = [#tpu.dimension_semantics<arbitrary>], iteration_bounds = array<i64: 4>, scalar_prefetch = 0 : i64, scratch_operands = 1 : i64, tpu.core_type = #tpu.core_type<tc>, window_params = [{transform_indices = @transform_0, window_bounds = array<i64: 1, 256, 2048>}, {transform_indices = @transform_1, window_bounds = array<i64: 1, 2048, 256>}, {pipeline_mode = #tpu.pipeline_mode<synchronous>, transform_indices = @transform_2, window_bounds = array<i64: 256, 256>}, {pipeline_mode = #tpu.pipeline_mode<synchronous>, transform_indices = @transform_3, window_bounds = array<i64: 256, 256>}, {pipeline_mode = #tpu.pipeline_mode<synchronous>, transform_indices = @transform_4, window_bounds = array<i64: 256, 8>}, {pipeline_mode = #tpu.pipeline_mode<synchronous>, transform_indices = @transform_5, window_bounds = array<i64: 1, 256>}, {pipeline_mode = #tpu.pipeline_mode<synchronous>, transform_indices = @transform_6, window_bounds = array<i64: 256, 256>}]} {
    %get3A = arith.constant 0 : index
    %get3A_0 = arith.constant 0 : index
    %get3A_1 = arith.constant 0 : index
    %get3A_2 = vector.load %arg1[%get3A, %get3A_0, %get3A_1] : memref<1x256x2048xf32, #tpu.memory_space<vmem>>, vector<1x256x2048xf32>
    %get3A_3 = vector.shape_cast %get3A_2 : vector<1x256x2048xf32> to vector<256x2048xf32>
    %get3A_4 = arith.constant 0 : index
    %get3A_5 = arith.constant 0 : index
    %get3A_6 = arith.constant 0 : index
    %get3A_7 = vector.load %arg2[%get3A_4, %get3A_5, %get3A_6] : memref<1x2048x256xf32, #tpu.memory_space<vmem>>, vector<1x2048x256xf32>
    %get3A_8 = vector.shape_cast %get3A_7 : vector<1x2048x256xf32> to vector<2048x256xf32>
    %dot_general3A = arith.constant dense<0.000000e+00> : vector<256x256xf32>
    %dot_general3A_9 = tpu.matmul %get3A_3, %get3A_8, %dot_general3A {dimension_numbers = #tpu.dot_dimension_numbers<[1], [0], [0], [1], [0, 0, 1, 1], [], []>, precision = #tpu.contract_precision<fp32>, transpose_lhs_hint = false} : vector<256x2048xf32>, vector<2048x256xf32>, vector<256x256xf32> -> vector<256x256xf32>
    %eq3A = arith.constant 0 : i32
    %eq3A_10 = arith.cmpi eq, %arg0, %eq3A : i32
    %convert_element_type3A = arith.extui %eq3A_10 : i1 to i32
    %cond3A = arith.constant 0 : i32
    %cond3A_11 = arith.cmpi ne, %convert_element_type3A, %cond3A : i32
    scf.if %cond3A_11 {
      %swap3A = arith.constant 0 : index
      %swap3A_21 = arith.constant 0 : index
      %swap3A_22 = vector.load %arg8[%swap3A, %swap3A_21] : memref<256x256xf32, #tpu.memory_space<vmem>>, vector<256x256xf32>
      tpu.vector_store %arg8[%swap3A, %swap3A_21], %dot_general3A_9 {strides = array<i32>} : memref<256x256xf32, #tpu.memory_space<vmem>>, vector<256x256xf32>,
    } else {
    }
    %gt3A = arith.constant 0 : i32
    %gt3A_12 = arith.cmpi sgt, %arg0, %gt3A : i32
    %convert_element_type3A_13 = arith.extui %gt3A_12 : i1 to i32
    %cond3A_14 = arith.constant 0 : i32
    %cond3A_15 = arith.cmpi ne, %convert_element_type3A_13, %cond3A_14 : i32
    scf.if %cond3A_15 {
      %get3A_21 = arith.constant 0 : index
      %get3A_22 = arith.constant 0 : index
      %get3A_23 = vector.load %arg8[%get3A_21, %get3A_22] : memref<256x256xf32, #tpu.memory_space<vmem>>, vector<256x256xf32>
      %add3A = arith.addf %get3A_23, %dot_general3A_9 : vector<256x256xf32>
      %swap3A = arith.constant 0 : index
      %swap3A_24 = arith.constant 0 : index
      %swap3A_25 = vector.load %arg8[%swap3A, %swap3A_24] : memref<256x256xf32, #tpu.memory_space<vmem>>, vector<256x256xf32>
      tpu.vector_store %arg8[%swap3A, %swap3A_24], %add3A {strides = array<i32>} : memref<256x256xf32, #tpu.memory_space<vmem>>, vector<256x256xf32>,
    } else {
    }
    %eq3A_16 = arith.constant 3 : i32
    %eq3A_17 = arith.cmpi eq, %arg0, %eq3A_16 : i32
    %convert_element_type3A_18 = arith.extui %eq3A_17 : i1 to i32
    %cond3A_19 = arith.constant 0 : i32
    %cond3A_20 = arith.cmpi ne, %convert_element_type3A_18, %cond3A_19 : i32
    scf.if %cond3A_20 {
      %get3A_21 = arith.constant 0 : index
      %get3A_22 = arith.constant 0 : index
      %get3A_23 = vector.load %arg8[%get3A_21, %get3A_22] : memref<256x256xf32, #tpu.memory_space<vmem>>, vector<256x256xf32>
      %get3A_24 = arith.constant 0 : index
      %get3A_25 = arith.constant 0 : index
      %get3A_26 = vector.load %arg5[%get3A_24, %get3A_25] : memref<256x8xf32, #tpu.memory_space<vmem>>, vector<256x8xf32>
      %slice3A = vector.extract_strided_slice %get3A_26 {offsets = [0, 0], sizes = [256, 1], strides = [1, 1]} : vector<256x8xf32> to vector<256x1xf32>
      %max3A = arith.constant 1.000000e+00 : f32
      %max3A_27 = vector.broadcast %max3A : f32 to vector<256x1xf32>
      %max3A_28 = arith.maximumf %slice3A, %max3A_27 : vector<256x1xf32>
      %div3A = vector.broadcast %max3A_28 : vector<256x1xf32> to vector<256x256xf32>
      %div3A_29 = arith.divf %get3A_23, %div3A : vector<256x256xf32>
      %get3A_30 = arith.constant 0 : index
      %get3A_31 = arith.constant 0 : index
      %get3A_32 = vector.load %arg3[%get3A_30, %get3A_31] : memref<256x256xf32, #tpu.memory_space<vmem>>, vector<256x256xf32>
      %get3A_33 = arith.constant 0 : index
      %get3A_34 = arith.constant 0 : index
      %get3A_35 = vector.load %arg4[%get3A_33, %get3A_34] : memref<256x256xf32, #tpu.memory_space<vmem>>, vector<256x256xf32>
      %dot_general3A_36 = arith.constant dense<0.000000e+00> : vector<256x256xf32>
      %dot_general3A_37 = tpu.matmul %get3A_32, %get3A_35, %dot_general3A_36 {dimension_numbers = #tpu.dot_dimension_numbers<[1], [0], [0], [1], [0, 0, 1, 1], [], []>, precision = #tpu.contract_precision<fp32>, transpose_lhs_hint = false} : vector<256x256xf32>, vector<256x256xf32>, vector<256x256xf32> -> vector<256x256xf32>
      %add3A = arith.addf %div3A_29, %dot_general3A_37 : vector<256x256xf32>
      %get3A_38 = arith.constant 0 : index
      %get3A_39 = arith.constant 0 : index
      %get3A_40 = vector.load %arg6[%get3A_38, %get3A_39] : memref<1x256xf32, #tpu.memory_space<vmem>>, vector<1x256xf32>
      %add3A_41 = vector.broadcast %get3A_40 : vector<1x256xf32> to vector<256x256xf32>
      %add3A_42 = arith.addf %add3A, %add3A_41 : vector<256x256xf32>
      %max3A_43 = arith.constant 0.000000e+00 : f32
      %max3A_44 = vector.broadcast %max3A_43 : f32 to vector<256x256xf32>
      %max3A_45 = arith.maximumf %add3A_42, %max3A_44 : vector<256x256xf32>
      %reduce_max3A = arith.constant dense<0xFF800000> : vector<256xf32>
      %reduce_max3A_46 = vector.multi_reduction <maximumf>, %max3A_45, %reduce_max3A [1] : vector<256x256xf32> to vector<256xf32>
      %broadcast_in_dim3A = vector.shape_cast %reduce_max3A_46 : vector<256xf32> to vector<256x1xf32>
      %sub3A = vector.broadcast %broadcast_in_dim3A : vector<256x1xf32> to vector<256x256xf32>
      %sub3A_47 = arith.subf %max3A_45, %sub3A : vector<256x256xf32>
      %exp3A = math.exp %sub3A_47 : vector<256x256xf32>
      %reduce_sum3A = arith.constant dense<0.000000e+00> : vector<256xf32>
      %reduce_sum3A_48 = vector.multi_reduction <add>, %exp3A, %reduce_sum3A [1] : vector<256x256xf32> to vector<256xf32>
      %broadcast_in_dim3A_49 = vector.shape_cast %reduce_sum3A_48 : vector<256xf32> to vector<256x1xf32>
      %log3A = math.log %broadcast_in_dim3A_49 : vector<256x1xf32>
      %sub3A_50 = vector.broadcast %log3A : vector<256x1xf32> to vector<256x256xf32>
      %sub3A_51 = arith.subf %sub3A_47, %sub3A_50 : vector<256x256xf32>
      %swap3A = arith.constant 0 : index
      %swap3A_52 = arith.constant 0 : index
      %swap3A_53 = vector.load %arg7[%swap3A, %swap3A_52] : memref<256x256xf32, #tpu.memory_space<vmem>>, vector<256x256xf32>
      tpu.vector_store %arg7[%swap3A, %swap3A_52], %sub3A_51 {strides = array<i32>} : memref<256x256xf32, #tpu.memory_space<vmem>>, vector<256x256xf32>,
    } else {
    }
    return
  }
  func.func @transform_0(%arg0: i32) -> (i32, i32, i32) {
    %c0_i32 = arith.constant 0 : i32
    %c0_i32_0 = arith.constant 0 : i32
    %c0_i32_1 = arith.constant 0 : i32
    return %arg0, %c0_i32, %c0_i32_0 : i32, i32, i32
  }
  func.func @transform_1(%arg0: i32) -> (i32, i32, i32) {
    %c0_i32 = arith.constant 0 : i32
    %c0_i32_0 = arith.constant 0 : i32
    %c0_i32_1 = arith.constant 0 : i32
    return %arg0, %c0_i32, %c0_i32_0 : i32, i32, i32
  }
  func.func @transform_2(%arg0: i32) -> (i32, i32) {
    %c0_i32 = arith.constant 0 : i32
    %c0_i32_0 = arith.constant 0 : i32
    %c0_i32_1 = arith.constant 0 : i32
    return %c0_i32, %c0_i32_0 : i32, i32
  }
  func.func @transform_3(%arg0: i32) -> (i32, i32) {
    %c0_i32 = arith.constant 0 : i32
    %c0_i32_0 = arith.constant 0 : i32
    %c0_i32_1 = arith.constant 0 : i32
    return %c0_i32, %c0_i32_0 : i32, i32
  }
  func.func @transform_4(%arg0: i32) -> (i32, i32) {
    %c0_i32 = arith.constant 0 : i32
    %c0_i32_0 = arith.constant 0 : i32
    %c0_i32_1 = arith.constant 0 : i32
    return %c0_i32, %c0_i32_0 : i32, i32
  }
  func.func @transform_5(%arg0: i32) -> (i32, i32) {
    %c0_i32 = arith.constant 0 : i32
    %c0_i32_0 = arith.constant 0 : i32
    %c0_i32_1 = arith.constant 0 : i32
    return %c0_i32, %c0_i32_0 : i32, i32
  }
  func.func @transform_6(%arg0: i32) -> (i32, i32) {
    %c0_i32 = arith.constant 0 : i32
    %c0_i32_0 = arith.constant 0 : i32
    %c0_i32_1 = arith.constant 0 : i32
    return %c0_i32, %c0_i32_0 : i32, i32
  }
}

module attributes {stable_mosaic.version = 14 : i64} {
  func.func @_tc_out1_body(%arg0: i32, %arg1: memref<2x1000x128xf32, #tpu.memory_space<vmem>>, %arg2: memref<1000x1xf32, #tpu.memory_space<vmem>>, %arg3: memref<128x128xf32, #tpu.memory_space<vmem>>, %arg4: memref<1x128xf32, #tpu.memory_space<vmem>>, %arg5: memref<1000x128xf32, #tpu.memory_space<vmem>>) attributes {dimension_semantics = [#tpu.dimension_semantics<arbitrary>], iteration_bounds = array<i64: 10>, scalar_prefetch = 0 : i64, scratch_operands = 0 : i64, tpu.core_type = #tpu.core_type<tc>, window_params = [{transform_indices = @transform_0, window_bounds = array<i64: 2, 1000, 128>}, {transform_indices = @transform_1, window_bounds = array<i64: 1000, 1>}, {pipeline_mode = #tpu.pipeline_mode<synchronous>, transform_indices = @transform_2, window_bounds = array<i64: 128, 128>}, {pipeline_mode = #tpu.pipeline_mode<synchronous>, transform_indices = @transform_3, window_bounds = array<i64: 1, 128>}, {transform_indices = @transform_4, window_bounds = array<i64: 1000, 128>}]} {
    %get3A = arith.constant 0 : index
    %get3A_0 = arith.constant 0 : index
    %get3A_1 = arith.constant 0 : index
    %get3A_2 = vector.load %arg1[%get3A, %get3A_0, %get3A_1] : memref<2x1000x128xf32, #tpu.memory_space<vmem>>, vector<1x1000x128xf32>
    %get3A_3 = vector.shape_cast %get3A_2 : vector<1x1000x128xf32> to vector<1000x128xf32>
    %get3A_4 = arith.constant 1 : index
    %get3A_5 = arith.constant 0 : index
    %get3A_6 = arith.constant 0 : index
    %get3A_7 = vector.load %arg1[%get3A_4, %get3A_5, %get3A_6] : memref<2x1000x128xf32, #tpu.memory_space<vmem>>, vector<1x1000x128xf32>
    %get3A_8 = vector.shape_cast %get3A_7 : vector<1x1000x128xf32> to vector<1000x128xf32>
    %add3A = arith.addf %get3A_3, %get3A_8 : vector<1000x128xf32>
    %get3A_9 = arith.constant 0 : index
    %get3A_10 = arith.constant 0 : index
    %get3A_11 = vector.load %arg2[%get3A_9, %get3A_10] : memref<1000x1xf32, #tpu.memory_space<vmem>>, vector<1000x1xf32>
    %mul3A = vector.broadcast %get3A_11 : vector<1000x1xf32> to vector<1000x128xf32>
    %mul3A_12 = arith.mulf %add3A, %mul3A : vector<1000x128xf32>
    %get3A_13 = arith.constant 0 : index
    %get3A_14 = arith.constant 0 : index
    %get3A_15 = vector.load %arg3[%get3A_13, %get3A_14] : memref<128x128xf32, #tpu.memory_space<vmem>>, vector<128x128xf32>
    %dot_general3A = arith.constant dense<0.000000e+00> : vector<1000x128xf32>
    %dot_general3A_16 = tpu.matmul %mul3A_12, %get3A_15, %dot_general3A {dimension_numbers = #tpu.dot_dimension_numbers<[1], [0], [0], [1], [0, 0, 1, 1], [], []>, precision = #tpu.contract_precision<fp32>, transpose_lhs_hint = false} : vector<1000x128xf32>, vector<128x128xf32>, vector<1000x128xf32> -> vector<1000x128xf32>
    %get3A_17 = arith.constant 0 : index
    %get3A_18 = arith.constant 0 : index
    %get3A_19 = vector.load %arg4[%get3A_17, %get3A_18] : memref<1x128xf32, #tpu.memory_space<vmem>>, vector<1x128xf32>
    %add3A_20 = vector.broadcast %get3A_19 : vector<1x128xf32> to vector<1000x128xf32>
    %add3A_21 = arith.addf %dot_general3A_16, %add3A_20 : vector<1000x128xf32>
    %max3A = arith.constant 0.000000e+00 : f32
    %max3A_22 = vector.broadcast %max3A : f32 to vector<1000x128xf32>
    %max3A_23 = arith.maximumf %add3A_21, %max3A_22 : vector<1000x128xf32>
    %reduce_max3A = arith.constant dense<0xFF800000> : vector<1000xf32>
    %reduce_max3A_24 = vector.multi_reduction <maximumf>, %max3A_23, %reduce_max3A [1] : vector<1000x128xf32> to vector<1000xf32>
    %broadcast_in_dim3A = vector.shape_cast %reduce_max3A_24 : vector<1000xf32> to vector<1000x1xf32>
    %sub3A = vector.broadcast %broadcast_in_dim3A : vector<1000x1xf32> to vector<1000x128xf32>
    %sub3A_25 = arith.subf %max3A_23, %sub3A : vector<1000x128xf32>
    %exp3A = math.exp %sub3A_25 : vector<1000x128xf32>
    %reduce_sum3A = arith.constant dense<0.000000e+00> : vector<1000xf32>
    %reduce_sum3A_26 = vector.multi_reduction <add>, %exp3A, %reduce_sum3A [1] : vector<1000x128xf32> to vector<1000xf32>
    %broadcast_in_dim3A_27 = vector.shape_cast %reduce_sum3A_26 : vector<1000xf32> to vector<1000x1xf32>
    %log3A = math.log %broadcast_in_dim3A_27 : vector<1000x1xf32>
    %sub3A_28 = vector.broadcast %log3A : vector<1000x1xf32> to vector<1000x128xf32>
    %sub3A_29 = arith.subf %sub3A_25, %sub3A_28 : vector<1000x128xf32>
    %swap3A = arith.constant 0 : index
    %swap3A_30 = arith.constant 0 : index
    %swap3A_31 = vector.load %arg5[%swap3A, %swap3A_30] : memref<1000x128xf32, #tpu.memory_space<vmem>>, vector<1000x128xf32>
    tpu.vector_store %arg5[%swap3A, %swap3A_30], %sub3A_29 {strides = array<i32>} : memref<1000x128xf32, #tpu.memory_space<vmem>>, vector<1000x128xf32>,
    return
  }
  func.func @transform_0(%arg0: i32) -> (i32, i32, i32) {
    %c0_i32 = arith.constant 0 : i32
    %c0_i32_0 = arith.constant 0 : i32
    %c0_i32_1 = arith.constant 0 : i32
    return %c0_i32, %arg0, %c0_i32_0 : i32, i32, i32
  }
  func.func @transform_1(%arg0: i32) -> (i32, i32) {
    %c0_i32 = arith.constant 0 : i32
    %c0_i32_0 = arith.constant 0 : i32
    return %arg0, %c0_i32 : i32, i32
  }
  func.func @transform_2(%arg0: i32) -> (i32, i32) {
    %c0_i32 = arith.constant 0 : i32
    %c0_i32_0 = arith.constant 0 : i32
    %c0_i32_1 = arith.constant 0 : i32
    return %c0_i32, %c0_i32_0 : i32, i32
  }
  func.func @transform_3(%arg0: i32) -> (i32, i32) {
    %c0_i32 = arith.constant 0 : i32
    %c0_i32_0 = arith.constant 0 : i32
    %c0_i32_1 = arith.constant 0 : i32
    return %c0_i32, %c0_i32_0 : i32, i32
  }
  func.func @transform_4(%arg0: i32) -> (i32, i32) {
    %c0_i32 = arith.constant 0 : i32
    %c0_i32_0 = arith.constant 0 : i32
    return %arg0, %c0_i32 : i32, i32
  }
}

</mosaic_0001>

<sc_bundles>
// kernel: kernel.11.cloned.1.call-start
scs
__scs_entry_jumppad:
0x0: {  	(pc) =	sbr.rel $0x88, $3  }
0x1: {  	(tag) =	ssettag $0x0;
	lr =	simm.s32 $0x1  }
0x2: {  	[smem:$0x3F96] =	sst lr;
	_ =	strace $0xD0000000  }
0x3: {  	_ = 	snop  }
0x4: {  	_ = 	snop  }
0x5: {  	_ = 	snop  }
0x6: {  	_ = 	snop  }
0x7: {  	_ = 	snop  }
__scs_overlays_trampoline_lowered:
0x8: {  	[smem:$0x3FA5] =	sst s0  }
0x9: {  	[smem:$0x3FA6] =	sst s1  }
0xa: {  	[smem:$0x3FA7] =	sst s2  }
0xb: {  	[smem:$0x3FA8] =	sst s3  }
0xc: {  	[smem:$0x3FA9] =	sst s4  }
0xd: {  	[smem:$0x3FAA] =	sst s5  }
0xe: {  	[smem:$0x3FAB] =	sst s6  }
0xf: {  	[smem:$0x3FAC] =	sst s7  }
0x10: {  	[smem:$0x3FAD] =	sst s8  }
0x11: {  	[smem:$0x3FAE] =	sst s9;
	s0 =	simm.s32 @!p0 $0x0  }
0x12: {  	s1 =	sld [smem:$0x3F94];
	s0 =	simm.s32 @p0 $0x1  }
0x13: {  	[smem:$0x3FAF] =	sst s0;
	s0 =	simm.s32 @!p1 $0x0  }
0x14: {  	s2 =	sld [smem:$0x3F93];
	s0 =	simm.s32 @p1 $0x1  }
0x15: {  	[smem:$0x3FB0] =	sst s0;
	s0 =	simm.s32 @!p2 $0x0  }
0x16: {  	s3 =	sld [smem:$0x3FDB];
	s0 =	simm.s32 @p2 $0x1  }
0x17: {  	s4 =	simm.s32 $0x1BF5;
	[smem:$0x3FB2] =	sst s0  }
0x18: {  	s0 =	sld [smem:$0x3F95];
	_ =	swait.ge [sflag:s4], $0x0  }
0x19: {  	s7 =	sld [smem:$0x3F96]  }
0x1a: {  	s8 =	sadd.s32 $0xFFFFE003, lr  }
0x1b: {  	s9 =	sadd.s32 $0xFFFFFEF7, lr;
	s5 =	simm.s32 $0xFFFFFFFF;
	p2 =	slt.u32 s8, $0xFFFFF086  }
0x1c: {  	p1 =	slt.u32 s9, $0xF7A;
	s5 =	simm.s32 @!p2 $0x0  }
0x1d: {  	s5 =	simm.s32 @p1 $0x1;
	p0 =	seq.s32 s7, s2  }
0x1e: {  	s7 =	smul.u32 @!p0 $0xF7A, s2;
	p2 =	seq.s32 @!p0 s5, $0x0  }
0x1f: {  	s9 =	smul.u32 $0xF7A, s1;
	s8 =	simm.s32 @!p0 $0x1BF5;
	p2 =	por !p2, p0  }
0x20: {  	[sflag:s8] =	ssyncset.s32 @!p0 $0xFFFFF086;
	s6 =	sadd.s32 @!p0 s3, s7;
	s7 =	simm.s32 @!p0 $0x108  }
0x21: {  	s3 =	sadd.s32 s3, s9;
	s6 =	sadd.s32 @!p0 $0x88, s6;
	s7 =	simm.s32 @p2 $0x1082  }
0x22: {  	[simem:s7], [sflag:s8] =	dma.local @!p0 [hbm:s6], $0xF7A  }
0x23: {  	s9 =	sor.u32 $0xD0000000, s2;
	s6 =	simm.s32 $0x108;
	_ =	swait.ge @!p0 [sflag:s8], $0x0  }
0x24: {  	s3 =	sadd.s32 $0x88, s3;
	s6 =	simm.s32 @!p1 $0x1082;
	[sflag:s4] =	ssyncset.s32 $0xFFFFF086  }
0x25: {  	[simem:s6], [sflag:s4] =	dma.local [hbm:s3], $0xF7A  }
0x26: {  	[smem:$0x3F96] =	sst s1;
	(tag) =	ssettag s2;
	_ =	strace s9  }
0x27: {  	s1 =	sld [smem:$0x3FA6]  }
0x28: {  	s2 =	sld [smem:$0x3FA7]  }
0x29: {  	s4 =	sld [smem:$0x3FA9]  }
0x2a: {  	p0 =	seq.s32 s5, $0x0;
	s5 =	sld [smem:$0x3FAA]  }
0x2b: {  	s6 =	sld [smem:$0x3FAB]  }
0x2c: {  	s7 =	sld [smem:$0x3FAC]  }
0x2d: {  	s3 =	simm.s32 $0x108;
	s8 =	sld [smem:$0x3FAD]  }
0x2e: {  	s3 =	simm.s32 @!p0 $0x1082;
	s9 =	sld [smem:$0x3FAE]  }
0x2f: {  	lr =	sadd.s32 s0, s3;
	s0 =	sld [smem:$0x3FA5]  }
0x30: {  	s3 =	sld [smem:$0x3FA8]  }
0x31: {  	[smem:$0x3FB1] =	sst s10  }
0x32: {  	s10 =	sld [smem:$0x3FAF];
	_ =	sdelay $0x3  }
0x33: {  	p0 =	seq.s32 s10, $0x1;
	s10 =	sld [smem:$0x3FB1];
	_ =	sdelay $0x3  }
0x34: {  	[smem:$0x3FB1] =	sst s10  }
0x35: {  	s10 =	sld [smem:$0x3FB0];
	_ =	sdelay $0x3  }
0x36: {  	p1 =	seq.s32 s10, $0x1;
	s10 =	sld [smem:$0x3FB1];
	_ =	sdelay $0x3  }
0x37: {  	[smem:$0x3FB1] =	sst s10  }
0x38: {  	s10 =	sld [smem:$0x3FB2]  }
0x39: {  	_ = 	snop;
	(pc) =	sbr.ind lr, $3  }
0x3a: {  	_ = 	snop  }
0x3b: {  	_ = 	snop  }
0x3c: {  	p2 =	seq.s32 s10, $0x1;
	s10 =	sld [smem:$0x3FB1]  }
0x3d: {  	_ =	shalt  }
0x3e: {  	_ =	shalt  }
0x3f: {  	_ =	shalt  }
0x40: {  	_ =	shalt  }
0x41: {  	_ =	shalt  }
0x42: {  	_ =	shalt  }
0x43: {  	_ =	shalt  }
0x44: {  	_ =	shalt  }
0x45: {  	_ =	shalt  }
0x46: {  	_ =	shalt  }
0x47: {  	_ =	shalt  }
0x48: {  	_ =	shalt  }
0x49: {  	_ =	shalt  }
0x4a: {  	_ =	shalt  }
0x4b: {  	_ =	shalt  }
0x4c: {  	_ =	shalt  }
0x4d: {  	_ =	shalt  }
0x4e: {  	_ =	shalt  }
0x4f: {  	_ =	shalt  }
0x50: {  	_ =	shalt  }
0x51: {  	_ =	shalt  }
0x52: {  	_ =	shalt  }
0x53: {  	_ =	shalt  }
0x54: {  	_ =	shalt  }
0x55: {  	_ =	shalt  }
0x56: {  	_ =	shalt  }
0x57: {  	_ =	shalt  }
0x58: {  	_ =	shalt  }
0x59: {  	_ =	shalt  }
0x5a: {  	_ =	shalt  }
0x5b: {  	_ =	shalt  }
0x5c: {  	_ =	shalt  }
0x5d: {  	_ =	shalt  }
0x5e: {  	_ =	shalt  }
0x5f: {  	_ =	shalt  }
0x60: {  	_ =	shalt  }
0x61: {  	_ =	shalt  }
0x62: {  	_ =	shalt  }
0x63: {  	_ =	shalt  }
0x64: {  	_ =	shalt  }
0x65: {  	_ =	shalt  }
0x66: {  	_ =	shalt  }
0x67: {  	_ =	shalt  }
0x68: {  	_ =	shalt  }
0x69: {  	_ =	shalt  }
0x6a: {  	_ =	shalt  }
0x6b: {  	_ =	shalt  }
0x6c: {  	_ =	shalt  }
0x6d: {  	_ =	shalt  }
0x6e: {  	_ =	shalt  }
0x6f: {  	_ =	shalt  }
0x70: {  	_ =	shalt  }
0x71: {  	_ =	shalt  }
0x72: {  	_ =	shalt  }
0x73: {  	_ =	shalt  }
0x74: {  	_ =	shalt  }
0x75: {  	_ =	shalt  }
0x76: {  	_ =	shalt  }
0x77: {  	_ =	shalt  }
0x78: {  	_ =	shalt  }
0x79: {  	_ =	shalt  }
0x7a: {  	_ =	shalt  }
0x7b: {  	_ =	shalt  }
0x7c: {  	_ =	shalt  }
0x7d: {  	_ =	shalt  }
0x7e: {  	_ =	shalt  }
0x7f: {  	_ =	shalt  }
0x80: {  	_ =	shalt  }
0x81: {  	_ =	shalt  }
0x82: {  	_ =	shalt  }
0x83: {  	_ =	shalt  }
0x84: {  	_ =	shalt  }
0x85: {  	_ =	shalt  }
0x86: {  	_ =	shalt  }
0x87: {  	_ =	shalt  }
.Lfunc_end0:
.L_simem_size_0:
called_computation.1_lowered:
.L_overlay_start_0:
0x88: {  	s2 =	sld [smem:$0x3FD9]  }
0x89: {  	s3 =	sld [smem:$0x3FFE];
	_ =	sdelay $0x1  }
0x8a: {  	s1 =	srdreg.scid  }
0x8b: {  	s0 =	sand.u32 $0x1, s1  }
0x8c: {  	s14 =	sshll.u32 s0, $0xA;
	s2 =	sadd.s32 s3, s2  }
0x8d: {  	s2 =	sadd.s32 s2, s14  }
0x8e: {  	[smem:$0x3FBD] =	sst s2  }
0x8f: {  	_ = 	snop  }
0x90: {  	s2 =	sld [smem:$0x3FD0];
	_ =	sdelay $0x2  }
0x91: {  	s15 =	simm.s32 $0xA;
	s4 =	simm.s32 $0x10  }
0x92: {  	[smem:s4], [sflag:s15] =	dma.local [hbm:s2], $0x1  }
0x93: {  	_ =	swait.eq [sflag:s15], $0x1  }
0x94: {  	[sflag:s15] =	ssyncset.done $0x0  }
0x95: {  	[sflag:s15] =	ssyncadd.s32 $0xFFFFFFFF  }
0x96: {  	s16 =	sld [smem:$0x10];
	(tm) =	ssettm $0x1  }
0x97: {  	s17 =	sld [smem:$0x3FFB];
	_ =	sdelay $0x3  }
0x98: {  	_ =	strace s17  }
0x99: {  	s3 =	sld [smem:$0x3FFC];
	_ =	sdelay $0x3  }
0x9a: {  	_ =	strace s3  }
0x9b: {  	s3 =	sld [smem:$0x3FFD];
	_ =	sdelay $0x3  }
0x9c: {  	_ =	strace s3  }
0x9d: {  	_ =	strace $0x8FFFFFFF  }
0x9e: {  	s18 =	sld [smem:$0x3FDB];
	_ =	sdelay $0x1  }
0x9f: {  	s19 =	simm.s32 $_scs_section_size  }
0xa0: {  	s5 =	simm.s32 $_size__tile_overlayer_lowered;
	s6 =	simm.s32 $_tile_overlayer_lowered  }
0xa1: {  	s22 =	simm.s32 $0x1BFF;
	s21 =	sshll.u32 s6, $0x1;
	s3 =	sadd.s32 s19, s18  }
0xa2: {  	s7 =	simm.s32 $0x0;
	s20 =	sshll.u32 s5, $0x1;
	s5 =	sadd.s32 s21, s3  }
0xa3: {  	[timem:s7], [sflag:s22] =	dma.local [hbm:s5], s20  }
0xa4: {  	_ =	swait.ge [sflag:s22], s20  }
0xa5: {  	s4 =	ssub.s32 $0x0, s20;
	[sflag:s22] =	ssyncset.done $0x0  }
0xa6: {  	[sflag:s22] =	ssyncadd.s32 s4;
	_ =	sdelay $0x1  }
0xa7: {  	s23 =	simm.s32 $0x1B8B  }
0xa8: {  	_ =	swait.ge [sflag:s23], $0x1  }
0xa9: {  	[sflag:s23] =	ssyncset.done $0x0  }
0xaa: {  	s25 =	simm.s32 $0x1B8E;
	s24 =	sld [smem:$0x3FFE];
	[sflag:s23] =	ssyncadd.s32 $0xFFFFFFFF  }
0xab: {  	s26 =	simm.s32 $execute0_lowered;
	[smem:$0x3FD2] =	sst s25  }
0xac: {  	s5 =	sshll.u32 s26, $0x1;
	_ =	strace $0x80000049;
	[dreg:$0x1] =	wrdreg $0xFFFFFFFF  }
0xad: {  	s28 =	simm.s32 $_size_execute0_lowered;
	s3 =	sadd.s32 s3, s5;
	[dreg:$0x0] =	wrdreg $0x0  }
0xae: {  	s5 =	sshll.u32 s28, $0x1;
	[dreg:$0x2] =	wrdreg s3  }
0xaf: {  	[dreg:$0x3] =	wrdreg s5  }
0xb0: {  	[dreg:$0x4] =	wrdreg $0xC0  }
0xb1: {  	_ =	task [dreg:s7], $0x5FFFF  }
0xb2: {  	[dreg:$0x1] =	wrdreg $0xFFFFFFFF  }
0xb3: {  	[dreg:$0x0] =	wrdreg $0x60  }
0xb4: {  	[dreg:$0x2] =	wrdreg s16  }
0xb5: {  	[dreg:$0x3] =	wrdreg s24  }
0xb6: {  	[dreg:$0x4] =	wrdreg $0x0  }
0xb7: {  	[dreg:$0x5] =	wrdreg $0x9  }
0xb8: {  	_ =	task.clear_ibuf [dreg:s7], $0x6FFFF;
	_ =	strace $0x90000049  }
0xb9: {  	s29 =	simm.s32 $0x9;
	_ =	strace $0x8000004B  }
0xba: {  	_ =	swait.ge [sflag:s29], $0x1  }
0xbb: {  	[sflag:s29] =	ssyncadd.s32 $0xFFFFFFFF  }
0xbc: {  	_ =	strace $0x9000004B  }
0xbd: {  	_ =	sfence  }
0xbe: {  	s30 =	sld [smem:$0x0];
	_ =	sdelay $0x2  }
0xbf: {  	s31 =	sshll.u32 s1, $0xD;
	s1 =	sshrl.u32 s1, $0x2  }
0xc0: {  	s3 =	sand.u32 $0x4000, s31;
	s1 =	sadd.s32 s1, s30  }
0xc1: {  	s0 =	sor.u32 s3, s0;
	s1 =	sshll.u32 s1, $0x11  }
0xc2: {  	s0 =	sor.u32 s1, s0  }
0xc3: {  	s0 =	sadd.s32 $0x8F2B, s0  }
0xc4: {  	[sflag:s0] =	ssyncadd.remote.s32 $0x1  }
0xc5: {  	_ =	sfence.sel $0xFFFF  }
0xc6: {  	[dreg:$0x0] =	wrdreg $0xFFFFFFFF;
	(pc) =	sbr.abs _section_cstart, $3  }
0xc7: {  	[dreg:$0x1] =	wrdreg $0xFFFFFFFF  }
0xc8: {  	_ =	task.clear_ibuf [dreg:s7], $0x2FFFF;
	_ =	strace $0x9FFFFFFF  }
0xc9: {  	(tm) =	ssettm $0x7FFFFFFF  }
tec
execute0_lowered:
.L_overlay_start_1:
0x0: {  	(tag) =	ssettag $0x1  }
0x1: {  	s1 =	rddreg [dreg:$0x0]  }
0x2: {  	s0 =	rddreg [dreg:$0x1]  }
0x3: {  	s2 =	rddreg [dreg:$0x2]  }
0x4: {  	s3 =	srdreg.scid;
	s17 =	stileid.u32  }
0x5: {  	s5 =	simm.s32 $0x0;
	p2 =	por $0x0, $0x0;
	s25 =	smul.u32 $0x13C00, s17  }
0x6: {  	s28 =	simm.s32 $0xED00;
	s30 =	simm.s32 $0x10D00;
	s8 =	smul.u32 $0x4E0, s17  }
0x7: {  	s3 =	sand.u32 $0x1, s3;
	[smem:$0x7FF] =	sst s5;
	s10 =	smul.u32 $0x2700, s17  }
0x8: {  	s6 =	sadd.s32 $0x4E200, s0;
	s7 =	sadd.s32 $0x3200, s0;
	s12 =	smul.u32 $0x27800, s17  }
0x9: {  	s11 =	sadd.s32 $0x2C00, s0;
	s18 =	sshll.u32 s17, $0x4;
	s4 =	smul.u32 $0x13C000, s3  }
0xa: {  	_ =	strace $0x8000004A;
	s26 =	ssub.s32 $0x2, s3;
	[dreg:$0x4] =	wrdreg s11  }
0xb: {  	s19 =	sadd.s32 s18, s7;
	p0 =	seq.s32 s3, $0x1;
	s22 =	sadd.s32 s18, s6  }
0xc: {  	p1 =	sne.s32 s3, $0x0;
	s18 =	simm.s32 $0x2;
	s11 =	simm.s32 $0xEC00  }
0xd: {  	s9 =	sshrl.u32 s26, $0x1;
	s29 =	sadd.s32 s7, s8;
	s31 =	sshrl.u32 s10, $0x3  }
0xe: {  	s20 =	sadd.s32 $0x9B40, s19;
	s21 =	sadd.s32 s6, s8;
	s23 =	sshrl.u32 s12, $0x2  }
0xf: {  	p4 =	slt.u32 @p0 s17, $0xC;
	s8 =	simm.s32 $0xEB00;
	[dreg:$0x5] =	wrdreg s29  }
0x10: {  	s17 =	simm.s32 $0x10;
	s19 =	simm.s32 $0x0;
	[dreg:$0x7] =	wrdreg s20  }
0x11: {  	s4 =	sadd.s32 s25, s4;
	s10 =	sadd.s32 $0x4E00, s31;
	[dreg:$0x8] =	wrdreg s21  }
0x12: {  	s25 =	sadd.s32 $0x9B40, s22;
	s12 =	sadd.s32 s23, s2;
	s5 =	sadd.s32 s6, s31  }
0x13: {  	s29 =	sadd.s32 $0x13780, s22;
	s23 =	simm.s32 $0x1AD00;
	p3 =	por p4, !p0  }
0x14: {  	p4 =	por !p4, !p0;
	s4 =	sshrl.u32 s4, $0x3;
	s7 =	sadd.s32 s7, s10  }
0x15: {  	s24 =	sadd.s32 s6, s10;
	[dreg:$0xa] =	wrdreg s25;
	s13 =	sadd.s32 $0x2000, s12  }
0x16: {  	s14 =	sadd.s32 $0x4000, s12;
	s15 =	sadd.s32 $0x6000, s12;
	[dreg:$0xe] =	wrdreg s29  }
0x17: {  	s16 =	sadd.s32 $0x8000, s12;
	s6 =	sadd.s32 $0x9C40, s5;
	[dreg:$0x6] =	wrdreg s7  }
0x18: {  	s5 =	sadd.s32 $0xEA40, s5;
	s25 =	simm.s32 $0x80;
	[dreg:$0x9] =	wrdreg s24  }
0x19: {  	s10 =	simm.s32 $0xEB80;
	s0 =	sadd.s32 s4, s0;
	[dreg:$0xc] =	wrdreg s6  }
0x1a: {  	s4 =	ssub.s32 s26, s9;
	[dreg:$0xd] =	wrdreg s5;
	s24 =	simm.s32 $0x3  }
0x1b: {  	s5 =	simm.s32 $0x14D00;
	s7 =	simm.s32 $0x16D00;
	s26 =	sadd.s32 $0x61C00, s0  }
0x1c: {  	s9 =	simm.s32 $0x18D00;
	s0 =	sadd.s32 $0x61C08, s0;
	[dreg:$0xb] =	wrdreg s26  }
0x1d: {  	s31 =	smax.u32 s4, $0x1;
	s4 =	simm.s32 $0x1;
	[dreg:$0xf] =	wrdreg s0  }
0x1e: {  	[dreg:$0x10] =	wrdreg s31;
	s0 =	simm.s32 $0x12D00;
	s26 =	simm.s32 $0x8  }
.LBB2_1:
0x1f: {  	s3 =	simm.s32 $0x0;
	s20 =	rddreg [dreg:$0x4]  }
0x20: {  	[tilespmem:s23], [sflag:$0x3] =	stream.linear.gather [hbm4b:s20+s3], $0x2000, $0x38;
	[tilespmem:$0x1CD00] =	vst v63  }
0x21: {  	_ =	swait.ge [sflag:s24], $0x2000  }
0x22: {  	s21 =	simm.s32 @!p1 $0xC580;
	[sflag:s24] =	ssyncset.done $0x0  }
0x23: {  	s20 =	simm.s32 @!p1 $0x0;
	s3 =	rddreg [dreg:$0x5];
	[sflag:s24] =	ssyncadd.s32 $0xFFFFE000  }
0x24: {  	[tilespmem:s21], [sflag:$0x3] =	stream.linear.gather @!p1 [hbm4b:s3+s20], $0x2700, $0x38;
	[tilespmem:$0x1CD00] =	vst v63  }
0x25: {  	s21 =	simm.s32 @!p1 $0x3  }
0x26: {  	_ =	swait.ge @!p1 [sflag:s21], $0x2700  }
0x27: {  	s22 =	simm.s32 @p0 $0x0;
	[sflag:s21] =	ssyncset.done @!p1 $0x0  }
0x28: {  	s29 =	simm.s32 @p0 $0xC580;
	s3 =	rddreg [dreg:$0x6];
	[sflag:s21] =	ssyncadd.s32 @!p1 $0xFFFFD900  }
0x29: {  	[tilespmem:s29], [sflag:$0x3] =	stream.linear.gather @p0 [hbm4b:s3+s22], $0x2700, $0x38;
	[tilespmem:$0x1CD00] =	vst v63  }
0x2a: {  	s29 =	simm.s32 @p0 $0x3  }
0x2b: {  	_ =	swait.ge @p0 [sflag:s29], $0x2700  }
0x2c: {  	s31 =	simm.s32 @!p3 $0x0;
	[sflag:s29] =	ssyncset.done @p0 $0x0  }
0x2d: {  	s3 =	simm.s32 @!p3 $0xEC80;
	s6 =	rddreg [dreg:$0x7];
	[sflag:s29] =	ssyncadd.s32 @p0 $0xFFFFD900  }
0x2e: {  	[tilespmem:s3], [sflag:$0x3] =	stream.linear.gather @!p3 [hbm4b:s6+s31], $0x80, $0x38;
	[tilespmem:$0x1CD00] =	vst v63  }
0x2f: {  	s3 =	simm.s32 @!p3 $0x3  }
0x30: {  	_ =	swait.ge @!p3 [sflag:s3], $0x80  }
0x31: {  	[sflag:s3] =	ssyncset.done @!p3 $0x0  }
0x32: {  	s6 =	rddreg [dreg:$0x8];
	[sflag:s3] =	ssyncadd.s32 @!p3 $0xFFFFFF80;
	s3 =	simm.s32 @!p1 $0x9E00  }
0x33: {  	[tilespmem:s3], [sflag:$0x3] =	stream.linear.gather @!p1 [hbm4b:s6+s20], $0x2700, $0x38;
	[tilespmem:$0x1CD00] =	vst v63  }
0x34: {  	p6 =	por @p0 $0x0, $0x0;
	p5 =	por @!p3 $0x1, $0x1;
	_ =	swait.ge @!p1 [sflag:s21], $0x2700  }
0x35: {  	p5 =	por @!p4 p6, p6;
	[sflag:s21] =	ssyncset.done @!p1 $0x0  }
0x36: {  	s3 =	simm.s32 @p0 $0x9E00;
	s6 =	rddreg [dreg:$0x9];
	[sflag:s21] =	ssyncadd.s32 @!p1 $0xFFFFD900  }
0x37: {  	[tilespmem:s3], [sflag:$0x3] =	stream.linear.gather @p0 [hbm4b:s6+s22], $0x2700, $0x38;
	[tilespmem:$0x1CD00] =	vst v63  }
0x38: {  	p5 =	por @!p0 p2, p2;
	_ =	swait.ge @p0 [sflag:s29], $0x2700  }
0x39: {  	s20 =	simm.s32 @p5 $0xC500;
	[sflag:s29] =	ssyncset.done @p0 $0x0  }
0x3a: {  	s3 =	simm.s32 @p5 $0x0;
	s6 =	rddreg [dreg:$0xa];
	[sflag:s29] =	ssyncadd.s32 @p0 $0xFFFFD900  }
0x3b: {  	[tilespmem:s20], [sflag:$0x3] =	stream.linear.gather @p5 [hbm4b:s6+s3], $0x80, $0x38;
	[tilespmem:$0x1CD00] =	vst v63  }
0x3c: {  	s3 =	simm.s32 @p5 $0x3  }
0x3d: {  	_ =	swait.ge @p5 [sflag:s3], $0x80  }
0x3e: {  	[sflag:s3] =	ssyncset.done @p5 $0x0  }
0x3f: {  	[sflag:s3] =	ssyncadd.s32 @p5 $0xFFFFFF80  }
0x40: {  	[spmem:s12] =	stream.linear.scatter [tilespmem:s23], [sflag:$0x3], $0x2000, $0x38;
	[tilespmem:$0x1CD00] =	vst v63  }
0x41: {  	_ =	swait.ge [sflag:s24], $0x2000  }
0x42: {  	[sflag:s24] =	ssyncset.done $0x0  }
0x43: {  	[sflag:s24] =	ssyncadd.s32 $0xFFFFE000  }
0x44: {  	[spmem:s13] =	stream.linear.scatter [tilespmem:s23], [sflag:$0x3], $0x2000, $0x38;
	[tilespmem:$0x1CD00] =	vst v63  }
0x45: {  	_ =	swait.ge [sflag:s24], $0x2000  }
0x46: {  	[sflag:s24] =	ssyncset.done $0x0  }
0x47: {  	[sflag:s24] =	ssyncadd.s32 $0xFFFFE000  }
0x48: {  	[spmem:s14] =	stream.linear.scatter [tilespmem:s23], [sflag:$0x3], $0x2000, $0x38;
	[tilespmem:$0x1CD00] =	vst v63  }
0x49: {  	_ =	swait.ge [sflag:s24], $0x2000  }
0x4a: {  	[sflag:s24] =	ssyncset.done $0x0  }
0x4b: {  	[sflag:s24] =	ssyncadd.s32 $0xFFFFE000  }
0x4c: {  	[spmem:s15] =	stream.linear.scatter [tilespmem:s23], [sflag:$0x3], $0x2000, $0x38;
	[tilespmem:$0x1CD00] =	vst v63  }
0x4d: {  	_ =	swait.ge [sflag:s24], $0x2000  }
0x4e: {  	[sflag:s24] =	ssyncset.done $0x0  }
0x4f: {  	[sflag:s24] =	ssyncadd.s32 $0xFFFFE000  }
0x50: {  	[spmem:s16] =	stream.linear.scatter [tilespmem:s23], [sflag:$0x3], $0x1E00, $0x38;
	[tilespmem:$0x1CD00] =	vst v63  }
0x51: {  	_ =	swait.ge [sflag:s24], $0x1E00  }
0x52: {  	[sflag:s24] =	ssyncset.done $0x0  }
0x53: {  	[sflag:s24] =	ssyncadd.s32 $0xFFFFE200  }
0x54: {  	s29 =	simm.s32 $0x9E00;
	[bflag:$0x0] =	sbarrier.arrive $0xFFFF  }
0x55: {  	[tilespmem:s28], [sflag:$0x1] =	stream.indirect.gather [hbm4b:s1+s25], $0x40, s29, s25, $0xb8;
	[tilespmem:$0x1CD00] =	vst v63  }
0x56: {  	s31 =	simm.s32 $0x9E80  }
0x57: {  	[tilespmem:s30], [sflag:$0x1] =	stream.indirect.gather [hbm4b:s1+s25], $0x40, s31, s25, $0xb8;
	[tilespmem:$0x1CD00] =	vst v63  }
0x58: {  	s6 =	simm.s32 $0x9F00  }
0x59: {  	[tilespmem:s0], [sflag:$0x1] =	stream.indirect.gather [hbm4b:s1+s25], $0x40, s6, s25, $0xb8;
	[tilespmem:$0x1CD00] =	vst v63  }
0x5a: {  	_ =	swait.ge [sflag:s4], $0x2000  }
0x5b: {  	[sflag:s4] =	ssyncset.done $0x0  }
0x5c: {  	[sflag:s4] =	ssyncadd.s32 $0xFFFFE000  }
0x5d: {  	_ =	swait.ge [sflag:s4], $0x2000  }
0x5e: {  	[sflag:s4] =	ssyncset.done $0x0  }
0x5f: {  	[sflag:s4] =	ssyncadd.s32 $0xFFFFE000  }
0x60: {  	_ =	swait.ge [sflag:s4], $0x2000  }
0x61: {  	[sflag:s4] =	ssyncset.done $0x0  }
0x62: {  	s20 =	simm.s32 $0x9F80;
	[sflag:s4] =	ssyncadd.s32 $0xFFFFE000  }
0x63: {  	[tilespmem:s5], [sflag:$0x1] =	stream.indirect.gather [hbm4b:s1+s25], $0x40, s20, s25, $0xb8;
	[tilespmem:$0x1CD00] =	vst v63  }
0x64: {  	s21 =	simm.s32 $0xA000  }
0x65: {  	[tilespmem:s7], [sflag:$0x1] =	stream.indirect.gather [hbm4b:s1+s25], $0x40, s21, s25, $0xb8;
	[tilespmem:$0x1CD00] =	vst v63  }
0x66: {  	s22 =	simm.s32 $0xA080  }
0x67: {  	[tilespmem:s9], [sflag:$0x1] =	stream.indirect.gather [hbm4b:s1+s25], $0x40, s22, s25, $0xb8;
	[tilespmem:$0x1CD00] =	vst v63  }
0x68: {  	s29 =	simm.s32 $0xC580  }
0x69: {  	[spmem:s2] =	stream.indirect.scatter.add.f32 [tilespmem:s28], [sflag:$0x2], $0x40, s29, s25, $0xb8;
	[tilespmem:$0x1CD00] =	vst v63  }
0x6a: {  	s31 =	simm.s32 $0xC600  }
0x6b: {  	[spmem:s2] =	stream.indirect.scatter.add.f32 [tilespmem:s30], [sflag:$0x2], $0x40, s31, s25, $0xb8;
	[tilespmem:$0x1CD00] =	vst v63  }
0x6c: {  	s6 =	simm.s32 $0xC680  }
0x6d: {  	[spmem:s2] =	stream.indirect.scatter.add.f32 [tilespmem:s0], [sflag:$0x2], $0x40, s6, s25, $0xb8;
	[tilespmem:$0x1CD00] =	vst v63  }
0x6e: {  	_ =	swait.ge [sflag:s4], $0x2000  }
0x6f: {  	[sflag:s4] =	ssyncset.done $0x0  }
0x70: {  	[sflag:s4] =	ssyncadd.s32 $0xFFFFE000  }
0x71: {  	_ =	swait.ge [sflag:s4], $0x2000  }
0x72: {  	[sflag:s4] =	ssyncset.done $0x0  }
0x73: {  	[sflag:s4] =	ssyncadd.s32 $0xFFFFE000  }
0x74: {  	_ =	swait.ge [sflag:s4], $0x2000  }
0x75: {  	[sflag:s4] =	ssyncset.done $0x0  }
0x76: {  	[sflag:s4] =	ssyncadd.s32 $0xFFFFE000  }
0x77: {  	_ =	swait.ge [sflag:s18], $0x2000  }
0x78: {  	[sflag:s18] =	ssyncset.done $0x0  }
0x79: {  	[sflag:s18] =	ssyncadd.s32 $0xFFFFE000  }
0x7a: {  	_ =	swait.ge [sflag:s18], $0x2000  }
0x7b: {  	[sflag:s18] =	ssyncset.done $0x0  }
0x7c: {  	[sflag:s18] =	ssyncadd.s32 $0xFFFFE000  }
0x7d: {  	_ =	swait.ge [sflag:s18], $0x2000  }
0x7e: {  	[sflag:s18] =	ssyncset.done $0x0  }
0x7f: {  	s20 =	simm.s32 $0xA100;
	[sflag:s18] =	ssyncadd.s32 $0xFFFFE000  }
0x80: {  	[tilespmem:s28], [sflag:$0x1] =	stream.indirect.gather [hbm4b:s1+s25], $0x40, s20, s25, $0xb8;
	[tilespmem:$0x1CD00] =	vst v63  }
0x81: {  	s21 =	simm.s32 $0xA180  }
0x82: {  	[tilespmem:s30], [sflag:$0x1] =	stream.indirect.gather [hbm4b:s1+s25], $0x40, s21, s25, $0xb8;
	[tilespmem:$0x1CD00] =	vst v63  }
0x83: {  	s22 =	simm.s32 $0xA200  }
0x84: {  	[tilespmem:s0], [sflag:$0x1] =	stream.indirect.gather [hbm4b:s1+s25], $0x40, s22, s25, $0xb8;
	[tilespmem:$0x1CD00] =	vst v63  }
0x85: {  	s29 =	simm.s32 $0xC700  }
0x86: {  	[spmem:s2] =	stream.indirect.scatter.add.f32 [tilespmem:s5], [sflag:$0x2], $0x40, s29, s25, $0xb8;
	[tilespmem:$0x1CD00] =	vst v63  }
0x87: {  	s31 =	simm.s32 $0xC780  }
0x88: {  	[spmem:s2] =	stream.indirect.scatter.add.f32 [tilespmem:s7], [sflag:$0x2], $0x40, s31, s25, $0xb8;
	[tilespmem:$0x1CD00] =	vst v63  }
0x89: {  	s6 =	simm.s32 $0xC800  }
0x8a: {  	[spmem:s2] =	stream.indirect.scatter.add.f32 [tilespmem:s9], [sflag:$0x2], $0x40, s6, s25, $0xb8;
	[tilespmem:$0x1CD00] =	vst v63  }
0x8b: {  	_ =	swait.ge [sflag:s4], $0x2000  }
0x8c: {  	[sflag:s4] =	ssyncset.done $0x0  }
0x8d: {  	[sflag:s4] =	ssyncadd.s32 $0xFFFFE000  }
0x8e: {  	_ =	swait.ge [sflag:s4], $0x2000  }
0x8f: {  	[sflag:s4] =	ssyncset.done $0x0  }
0x90: {  	[sflag:s4] =	ssyncadd.s32 $0xFFFFE000  }
0x91: {  	_ =	swait.ge [sflag:s4], $0x2000  }
0x92: {  	[sflag:s4] =	ssyncset.done $0x0  }
0x93: {  	[sflag:s4] =	ssyncadd.s32 $0xFFFFE000  }
0x94: {  	_ =	swait.ge [sflag:s18], $0x2000  }
0x95: {  	[sflag:s18] =	ssyncset.done $0x0  }
0x96: {  	[sflag:s18] =	ssyncadd.s32 $0xFFFFE000  }
0x97: {  	_ =	swait.ge [sflag:s18], $0x2000  }
0x98: {  	[sflag:s18] =	ssyncset.done $0x0  }
0x99: {  	[sflag:s18] =	ssyncadd.s32 $0xFFFFE000  }
0x9a: {  	_ =	swait.ge [sflag:s18], $0x2000  }
0x9b: {  	[sflag:s18] =	ssyncset.done $0x0  }
0x9c: {  	s20 =	simm.s32 $0xA280;
	[sflag:s18] =	ssyncadd.s32 $0xFFFFE000  }
0x9d: {  	[tilespmem:s5], [sflag:$0x1] =	stream.indirect.gather [hbm4b:s1+s25], $0x40, s20, s25, $0xb8;
	[tilespmem:$0x1CD00] =	vst v63  }
0x9e: {  	s21 =	simm.s32 $0xA300  }
0x9f: {  	[tilespmem:s7], [sflag:$0x1] =	stream.indirect.gather [hbm4b:s1+s25], $0x40, s21, s25, $0xb8;
	[tilespmem:$0x1CD00] =	vst v63  }
0xa0: {  	s22 =	simm.s32 $0xA380  }
0xa1: {  	[tilespmem:s9], [sflag:$0x1] =	stream.indirect.gather [hbm4b:s1+s25], $0x40, s22, s25, $0xb8;
	[tilespmem:$0x1CD00] =	vst v63  }
0xa2: {  	s29 =	simm.s32 $0xC880  }
0xa3: {  	[spmem:s2] =	stream.indirect.scatter.add.f32 [tilespmem:s28], [sflag:$0x2], $0x40, s29, s25, $0xb8;
	[tilespmem:$0x1CD00] =	vst v63  }
0xa4: {  	s31 =	simm.s32 $0xC900  }
0xa5: {  	[spmem:s2] =	stream.indirect.scatter.add.f32 [tilespmem:s30], [sflag:$0x2], $0x40, s31, s25, $0xb8;
	[tilespmem:$0x1CD00] =	vst v63  }
0xa6: {  	s6 =	simm.s32 $0xC980  }
0xa7: {  	[spmem:s2] =	stream.indirect.scatter.add.f32 [tilespmem:s0], [sflag:$0x2], $0x40, s6, s25, $0xb8;
	[tilespmem:$0x1CD00] =	vst v63  }
0xa8: {  	_ =	swait.ge [sflag:s4], $0x2000  }
0xa9: {  	[sflag:s4] =	ssyncset.done $0x0  }
0xaa: {  	[sflag:s4] =	ssyncadd.s32 $0xFFFFE000  }
0xab: {  	_ =	swait.ge [sflag:s4], $0x2000  }
0xac: {  	[sflag:s4] =	ssyncset.done $0x0  }
0xad: {  	[sflag:s4] =	ssyncadd.s32 $0xFFFFE000  }
0xae: {  	_ =	swait.ge [sflag:s4], $0x2000  }
0xaf: {  	[sflag:s4] =	ssyncset.done $0x0  }
0xb0: {  	[sflag:s4] =	ssyncadd.s32 $0xFFFFE000  }
0xb1: {  	_ =	swait.ge [sflag:s18], $0x2000  }
0xb2: {  	[sflag:s18] =	ssyncset.done $0x0  }
0xb3: {  	[sflag:s18] =	ssyncadd.s32 $0xFFFFE000  }
0xb4: {  	_ =	swait.ge [sflag:s18], $0x2000  }
0xb5: {  	[sflag:s18] =	ssyncset.done $0x0  }
0xb6: {  	[sflag:s18] =	ssyncadd.s32 $0xFFFFE000  }
0xb7: {  	_ =	swait.ge [sflag:s18], $0x2000  }
0xb8: {  	[sflag:s18] =	ssyncset.done $0x0  }
0xb9: {  	s20 =	simm.s32 $0xA400;
	[sflag:s18] =	ssyncadd.s32 $0xFFFFE000  }
0xba: {  	[tilespmem:s28], [sflag:$0x1] =	stream.indirect.gather [hbm4b:s1+s25], $0x40, s20, s25, $0xb8;
	[tilespmem:$0x1CD00] =	vst v63  }
0xbb: {  	s21 =	simm.s32 $0xA480  }
0xbc: {  	[tilespmem:s30], [sflag:$0x1] =	stream.indirect.gather [hbm4b:s1+s25], $0x40, s21, s25, $0xb8;
	[tilespmem:$0x1CD00] =	vst v63  }
0xbd: {  	s22 =	simm.s32 $0xA500  }
0xbe: {  	[tilespmem:s0], [sflag:$0x1] =	stream.indirect.gather [hbm4b:s1+s25], $0x40, s22, s25, $0xb8;
	[tilespmem:$0x1CD00] =	vst v63  }
0xbf: {  	s29 =	simm.s32 $0xCA00  }
0xc0: {  	[spmem:s2] =	stream.indirect.scatter.add.f32 [tilespmem:s5], [sflag:$0x2], $0x40, s29, s25, $0xb8;
	[tilespmem:$0x1CD00] =	vst v63  }
0xc1: {  	s31 =	simm.s32 $0xCA80;
	s20 =	simm.s32 $0xC00;
	s21 =	simm.s32 $0xCB00  }
0xc2: {  	[spmem:s2] =	stream.indirect.scatter.add.f32 [tilespmem:s7], [sflag:$0x2], $0x40, s31, s25, $0xb8;
	[tilespmem:$0x1CD00] =	vst v63  }
.LBB2_2:
0xc3: {  	[spmem:s2] =	stream.indirect.scatter.add.f32 [tilespmem:s9], [sflag:$0x2], $0x40, s21, s25, $0xb8;
	[tilespmem:$0x1CD00] =	vst v63  }
0xc4: {  	s3 =	smov.u32 s20;
	s20 =	sadd.s32 $0xC00, s20;
	_ =	swait.ge [sflag:s4], $0x2000  }
0xc5: {  	p6 =	sne.s32 s20, $0x8400;
	[sflag:s4] =	ssyncset.done $0x0  }
0xc6: {  	[sflag:s4] =	ssyncadd.s32 $0xFFFFE000  }
0xc7: {  	_ =	swait.ge [sflag:s4], $0x2000  }
0xc8: {  	[sflag:s4] =	ssyncset.done $0x0  }
0xc9: {  	[sflag:s4] =	ssyncadd.s32 $0xFFFFE000  }
0xca: {  	_ =	swait.ge [sflag:s4], $0x2000  }
0xcb: {  	[sflag:s4] =	ssyncset.done $0x0  }
0xcc: {  	[sflag:s4] =	ssyncadd.s32 $0xFFFFE000  }
0xcd: {  	_ =	swait.ge [sflag:s18], $0x2000  }
0xce: {  	[sflag:s18] =	ssyncset.done $0x0  }
0xcf: {  	[sflag:s18] =	ssyncadd.s32 $0xFFFFE000  }
0xd0: {  	_ =	swait.ge [sflag:s18], $0x2000  }
0xd1: {  	[sflag:s18] =	ssyncset.done $0x0  }
0xd2: {  	[sflag:s18] =	ssyncadd.s32 $0xFFFFE000  }
0xd3: {  	_ =	swait.ge [sflag:s18], $0x2000  }
0xd4: {  	s21 =	sshra.s32 s3, $0x2;
	[sflag:s18] =	ssyncset.done $0x0  }
0xd5: {  	s3 =	sadd.s32 $0xA280, s21;
	[sflag:s18] =	ssyncadd.s32 $0xFFFFE000  }
0xd6: {  	[tilespmem:s5], [sflag:$0x1] =	stream.indirect.gather [hbm4b:s1+s25], $0x40, s3, s25, $0xb8;
	[tilespmem:$0x1CD00] =	vst v63  }
0xd7: {  	s3 =	sadd.s32 $0xA300, s21  }
0xd8: {  	[tilespmem:s7], [sflag:$0x1] =	stream.indirect.gather [hbm4b:s1+s25], $0x40, s3, s25, $0xb8;
	[tilespmem:$0x1CD00] =	vst v63  }
0xd9: {  	s3 =	sadd.s32 $0xA380, s21  }
0xda: {  	[tilespmem:s9], [sflag:$0x1] =	stream.indirect.gather [hbm4b:s1+s25], $0x40, s3, s25, $0xb8;
	[tilespmem:$0x1CD00] =	vst v63  }
0xdb: {  	s3 =	sadd.s32 $0xC880, s21  }
0xdc: {  	[spmem:s2] =	stream.indirect.scatter.add.f32 [tilespmem:s28], [sflag:$0x2], $0x40, s3, s25, $0xb8;
	[tilespmem:$0x1CD00] =	vst v63  }
0xdd: {  	s3 =	sadd.s32 $0xC900, s21  }
0xde: {  	[spmem:s2] =	stream.indirect.scatter.add.f32 [tilespmem:s30], [sflag:$0x2], $0x40, s3, s25, $0xb8;
	[tilespmem:$0x1CD00] =	vst v63  }
0xdf: {  	s3 =	sadd.s32 $0xC980, s21  }
0xe0: {  	[spmem:s2] =	stream.indirect.scatter.add.f32 [tilespmem:s0], [sflag:$0x2], $0x40, s3, s25, $0xb8;
	[tilespmem:$0x1CD00] =	vst v63  }
0xe1: {  	_ =	swait.ge [sflag:s4], $0x2000  }
0xe2: {  	[sflag:s4] =	ssyncset.done $0x0  }
0xe3: {  	[sflag:s4] =	ssyncadd.s32 $0xFFFFE000  }
0xe4: {  	_ =	swait.ge [sflag:s4], $0x2000  }
0xe5: {  	[sflag:s4] =	ssyncset.done $0x0  }
0xe6: {  	[sflag:s4] =	ssyncadd.s32 $0xFFFFE000  }
0xe7: {  	_ =	swait.ge [sflag:s4], $0x2000  }
0xe8: {  	[sflag:s4] =	ssyncset.done $0x0  }
0xe9: {  	[sflag:s4] =	ssyncadd.s32 $0xFFFFE000  }
0xea: {  	_ =	swait.ge [sflag:s18], $0x2000  }
0xeb: {  	[sflag:s18] =	ssyncset.done $0x0  }
0xec: {  	[sflag:s18] =	ssyncadd.s32 $0xFFFFE000  }
0xed: {  	_ =	swait.ge [sflag:s18], $0x2000  }
0xee: {  	[sflag:s18] =	ssyncset.done $0x0  }
0xef: {  	[sflag:s18] =	ssyncadd.s32 $0xFFFFE000  }
0xf0: {  	_ =	swait.ge [sflag:s18], $0x2000  }
0xf1: {  	[sflag:s18] =	ssyncset.done $0x0  }
0xf2: {  	s3 =	sadd.s32 $0xA400, s21;
	[sflag:s18] =	ssyncadd.s32 $0xFFFFE000  }
0xf3: {  	[tilespmem:s28], [sflag:$0x1] =	stream.indirect.gather [hbm4b:s1+s25], $0x40, s3, s25, $0xb8;
	[tilespmem:$0x1CD00] =	vst v63  }
0xf4: {  	s3 =	sadd.s32 $0xA480, s21  }
0xf5: {  	[tilespmem:s30], [sflag:$0x1] =	stream.indirect.gather [hbm4b:s1+s25], $0x40, s3, s25, $0xb8;
	[tilespmem:$0x1CD00] =	vst v63  }
0xf6: {  	s3 =	sadd.s32 $0xA500, s21  }
0xf7: {  	[tilespmem:s0], [sflag:$0x1] =	stream.indirect.gather [hbm4b:s1+s25], $0x40, s3, s25, $0xb8;
	[tilespmem:$0x1CD00] =	vst v63  }
.Ltmp0:
0xf8: {  	s3 =	sadd.s32 $0xCA00, s21;
	(pc) =	sbr.rel @p6 .LBB2_2-.Ltmp0, $4  }
0xf9: {  	[spmem:s2] =	stream.indirect.scatter.add.f32 [tilespmem:s5], [sflag:$0x2], $0x40, s3, s25, $0xb8;
	[tilespmem:$0x1CD00] =	vst v63  }
0xfa: {  	s3 =	sadd.s32 $0xCA80, s21  }
0xfb: {  	[spmem:s2] =	stream.indirect.scatter.add.f32 [tilespmem:s7], [sflag:$0x2], $0x40, s3, s25, $0xb8;
	[tilespmem:$0x1CD00] =	vst v63  }
0xfc: {  	s21 =	sadd.s32 $0xCB00, s21  }
0xfd: {  	[spmem:s2] =	stream.indirect.scatter.add.f32 [tilespmem:s9], [sflag:$0x2], $0x40, s21, s25, $0xb8;
	[tilespmem:$0x1CD00] =	vst v63  }
0xfe: {  	_ =	swait.ge [sflag:s4], $0x2000  }
0xff: {  	[sflag:s4] =	ssyncset.done $0x0  }
0x100: {  	[sflag:s4] =	ssyncadd.s32 $0xFFFFE000  }
0x101: {  	_ =	swait.ge [sflag:s4], $0x2000  }
0x102: {  	[sflag:s4] =	ssyncset.done $0x0  }
0x103: {  	[sflag:s4] =	ssyncadd.s32 $0xFFFFE000  }
0x104: {  	_ =	swait.ge [sflag:s4], $0x2000  }
0x105: {  	[sflag:s4] =	ssyncset.done $0x0  }
0x106: {  	[sflag:s4] =	ssyncadd.s32 $0xFFFFE000  }
0x107: {  	_ =	swait.ge [sflag:s18], $0x2000  }
0x108: {  	[sflag:s18] =	ssyncset.done $0x0  }
0x109: {  	[sflag:s18] =	ssyncadd.s32 $0xFFFFE000  }
0x10a: {  	_ =	swait.ge [sflag:s18], $0x2000  }
0x10b: {  	[sflag:s18] =	ssyncset.done $0x0  }
0x10c: {  	[sflag:s18] =	ssyncadd.s32 $0xFFFFE000  }
0x10d: {  	_ =	swait.ge [sflag:s18], $0x2000  }
0x10e: {  	[sflag:s18] =	ssyncset.done $0x0  }
0x10f: {  	s3 =	simm.s32 $0xC380;
	[sflag:s18] =	ssyncadd.s32 $0xFFFFE000  }
0x110: {  	[tilespmem:s5], [sflag:$0x1] =	stream.indirect.gather [hbm4b:s1+s25], $0x40, s3, s25, $0xb8;
	[tilespmem:$0x1CD00] =	vst v63  }
0x111: {  	s31 =	simm.s32 $0xC400  }
0x112: {  	[tilespmem:s7], [sflag:$0x1] =	stream.indirect.gather [hbm4b:s1+s25], $0x40, s31, s25, $0xb8;
	[tilespmem:$0x1CD00] =	vst v63  }
0x113: {  	s6 =	simm.s32 $0xC480;
	s21 =	sshra.s32 s20, $0x2  }
0x114: {  	[tilespmem:s9], [sflag:$0x1] =	stream.indirect.gather [hbm4b:s1+s25], $0x40, s6, s25, $0xb8;
	[tilespmem:$0x1CD00] =	vst v63  }
0x115: {  	s20 =	sadd.s32 $0xC880, s21  }
0x116: {  	[spmem:s2] =	stream.indirect.scatter.add.f32 [tilespmem:s28], [sflag:$0x2], $0x40, s20, s25, $0xb8;
	[tilespmem:$0x1CD00] =	vst v63  }
0x117: {  	s22 =	sadd.s32 $0xC900, s21  }
0x118: {  	[spmem:s2] =	stream.indirect.scatter.add.f32 [tilespmem:s30], [sflag:$0x2], $0x40, s22, s25, $0xb8;
	[tilespmem:$0x1CD00] =	vst v63  }
0x119: {  	s3 =	sadd.s32 $0xC980, s21  }
0x11a: {  	[spmem:s2] =	stream.indirect.scatter.add.f32 [tilespmem:s0], [sflag:$0x2], $0x40, s3, s25, $0xb8;
	[tilespmem:$0x1CD00] =	vst v63  }
0x11b: {  	_ =	swait.ge [sflag:s4], $0x2000  }
0x11c: {  	[sflag:s4] =	ssyncset.done $0x0  }
0x11d: {  	[sflag:s4] =	ssyncadd.s32 $0xFFFFE000  }
0x11e: {  	_ =	swait.ge [sflag:s4], $0x2000  }
0x11f: {  	[sflag:s4] =	ssyncset.done $0x0  }
0x120: {  	[sflag:s4] =	ssyncadd.s32 $0xFFFFE000  }
0x121: {  	_ =	swait.ge [sflag:s4], $0x2000  }
0x122: {  	[sflag:s4] =	ssyncset.done $0x0  }
0x123: {  	[sflag:s4] =	ssyncadd.s32 $0xFFFFE000  }
0x124: {  	_ =	swait.ge [sflag:s18], $0x2000  }
0x125: {  	[sflag:s18] =	ssyncset.done $0x0  }
0x126: {  	[sflag:s18] =	ssyncadd.s32 $0xFFFFE000  }
0x127: {  	_ =	swait.ge [sflag:s18], $0x2000  }
0x128: {  	[sflag:s18] =	ssyncset.done $0x0  }
0x129: {  	[sflag:s18] =	ssyncadd.s32 $0xFFFFE000  }
0x12a: {  	_ =	swait.ge [sflag:s18], $0x2000  }
0x12b: {  	[sflag:s18] =	ssyncset.done $0x0  }
0x12c: {  	[sflag:s18] =	ssyncadd.s32 $0xFFFFE000  }
0x12d: {  	[spmem:s2] =	stream.indirect.scatter.add.f32 [tilespmem:s5], [sflag:$0x2], $0x40, s8, s25, $0xb8;
	[tilespmem:$0x1CD00] =	vst v63  }
0x12e: {  	_ = 	snop  }
0x12f: {  	[spmem:s2] =	stream.indirect.scatter.add.f32 [tilespmem:s7], [sflag:$0x2], $0x40, s10, s25, $0xb8;
	[tilespmem:$0x1CD00] =	vst v63  }
0x130: {  	_ = 	snop  }
0x131: {  	[spmem:s2] =	stream.indirect.scatter.add.f32 [tilespmem:s9], [sflag:$0x2], $0x40, s11, s25, $0xb8;
	[tilespmem:$0x1CD00] =	vst v63  }
0x132: {  	_ =	swait.ge [sflag:s18], $0x2000  }
0x133: {  	[sflag:s18] =	ssyncset.done $0x0  }
0x134: {  	[sflag:s18] =	ssyncadd.s32 $0xFFFFE000  }
0x135: {  	_ =	swait.ge [sflag:s18], $0x2000  }
0x136: {  	[sflag:s18] =	ssyncset.done $0x0  }
0x137: {  	[sflag:s18] =	ssyncadd.s32 $0xFFFFE000  }
0x138: {  	_ =	swait.ge [sflag:s18], $0x2000  }
0x139: {  	s21 =	simm.s32 @p5 $0xC500;
	s20 =	simm.s32 @p5 $0xED00;
	[sflag:s18] =	ssyncset.done $0x0  }
0x13a: {  	s22 =	simm.s32 @p5 $0x3;
	s3 =	simm.s32 @p5 $0x80;
	[sflag:s18] =	ssyncadd.s32 $0xFFFFE000  }
0x13b: {  	[tilespmem:s20], [sflag:$0x3] =	stream.indirect.gather @p5 [hbm4b:s1+s3], $0x40, s21, s3, $0xb8;
	[tilespmem:$0x1CD00] =	vst v63  }
0x13c: {  	_ =	swait.ge @p5 [sflag:s22], $0x2000  }
0x13d: {  	[sflag:s22] =	ssyncset.done @p5 $0x0  }
0x13e: {  	s29 =	simm.s32 @p5 $0xEC80;
	[sflag:s22] =	ssyncadd.s32 @p5 $0xFFFFE000  }
0x13f: {  	[spmem:s2] =	stream.indirect.scatter.add.f32 @p5 [tilespmem:s20], [sflag:$0x3], $0x40, s29, s3, $0xb8;
	[tilespmem:$0x1CD00] =	vst v63  }
0x140: {  	_ =	swait.ge @p5 [sflag:s22], $0x2000  }
0x141: {  	[sflag:s22] =	ssyncset.done @p5 $0x0  }
0x142: {  	s31 =	stileid.u32;
	[sflag:s22] =	ssyncadd.s32 @p5 $0xFFFFE000  }
0x143: {  	s3 =	sshll.u32 s31, $0x6;
	[bflag:$0x0] =	sbarrier.arrive $0xFFFF  }
0x144: {  	s29 =	sshrl.u32 s12, $0x3;
	s20 =	sor.u32 $0x1C03, s3;
	s6 =	rddreg [dreg:$0xb]  }
0x145: {  	[hbm:s6@s17], [sflag:s20] =	dma.strided [spmem:s29@s26], $0x13C0, s4, $0x8   }
0x146: {  	_ =	swait.ge [sflag:s24], $0x13C0  }
0x147: {  	[sflag:s24] =	ssyncset.done $0x0  }
0x148: {  	[sflag:s24] =	ssyncadd.s32 $0xFFFFEC40  }
0x149: {  	[bflag:$0x0] =	sbarrier.arrive $0xFFFF  }
0x14a: {  	s31 =	simm.s32 @!p1 $0x9E00;
	s3 =	simm.s32 @!p1 $0x0;
	s6 =	rddreg [dreg:$0xc]  }
0x14b: {  	[tilespmem:s31], [sflag:$0x3] =	stream.linear.gather @!p1 [hbm4b:s6+s3], $0x2700, $0x38;
	[tilespmem:$0x1CD00] =	vst v63  }
0x14c: {  	s3 =	simm.s32 @!p1 $0x3  }
0x14d: {  	_ =	swait.ge @!p1 [sflag:s3], $0x2700  }
0x14e: {  	s31 =	simm.s32 @p0 $0x9E00;
	[sflag:s3] =	ssyncset.done @!p1 $0x0  }
0x14f: {  	s6 =	rddreg [dreg:$0xd];
	[sflag:s3] =	ssyncadd.s32 @!p1 $0xFFFFD900;
	s3 =	simm.s32 @p0 $0x0  }
0x150: {  	[tilespmem:s31], [sflag:$0x3] =	stream.linear.gather @p0 [hbm4b:s6+s3], $0x2700, $0x38;
	[tilespmem:$0x1CD00] =	vst v63  }
0x151: {  	s3 =	simm.s32 @p0 $0x3  }
0x152: {  	_ =	swait.ge @p0 [sflag:s3], $0x2700  }
0x153: {  	[sflag:s3] =	ssyncset.done @p0 $0x0  }
0x154: {  	s6 =	rddreg [dreg:$0xe];
	[sflag:s3] =	ssyncadd.s32 @p0 $0xFFFFD900;
	s3 =	simm.s32 @p5 $0x0  }
0x155: {  	[tilespmem:s21], [sflag:$0x3] =	stream.linear.gather @p5 [hbm4b:s6+s3], $0x80, $0x38;
	[tilespmem:$0x1CD00] =	vst v63  }
0x156: {  	_ =	swait.ge @p5 [sflag:s22], $0x80  }
0x157: {  	[sflag:s22] =	ssyncset.done @p5 $0x0  }
0x158: {  	[sflag:s22] =	ssyncadd.s32 @p5 $0xFFFFFF80  }
0x159: {  	[spmem:s12] =	stream.linear.scatter [tilespmem:s23], [sflag:$0x3], $0x2000, $0x38;
	[tilespmem:$0x1CD00] =	vst v63  }
0x15a: {  	_ =	swait.ge [sflag:s24], $0x2000  }
0x15b: {  	[sflag:s24] =	ssyncset.done $0x0  }
0x15c: {  	[sflag:s24] =	ssyncadd.s32 $0xFFFFE000  }
0x15d: {  	[spmem:s13] =	stream.linear.scatter [tilespmem:s23], [sflag:$0x3], $0x2000, $0x38;
	[tilespmem:$0x1CD00] =	vst v63  }
0x15e: {  	_ =	swait.ge [sflag:s24], $0x2000  }
0x15f: {  	[sflag:s24] =	ssyncset.done $0x0  }
0x160: {  	[sflag:s24] =	ssyncadd.s32 $0xFFFFE000  }
0x161: {  	[spmem:s14] =	stream.linear.scatter [tilespmem:s23], [sflag:$0x3], $0x2000, $0x38;
	[tilespmem:$0x1CD00] =	vst v63  }
0x162: {  	_ =	swait.ge [sflag:s24], $0x2000  }
0x163: {  	[sflag:s24] =	ssyncset.done $0x0  }
0x164: {  	[sflag:s24] =	ssyncadd.s32 $0xFFFFE000  }
0x165: {  	[spmem:s15] =	stream.linear.scatter [tilespmem:s23], [sflag:$0x3], $0x2000, $0x38;
	[tilespmem:$0x1CD00] =	vst v63  }
0x166: {  	_ =	swait.ge [sflag:s24], $0x2000  }
0x167: {  	[sflag:s24] =	ssyncset.done $0x0  }
0x168: {  	[sflag:s24] =	ssyncadd.s32 $0xFFFFE000  }
0x169: {  	[spmem:s16] =	stream.linear.scatter [tilespmem:s23], [sflag:$0x3], $0x1E00, $0x38;
	[tilespmem:$0x1CD00] =	vst v63  }
0x16a: {  	_ =	swait.ge [sflag:s24], $0x1E00  }
0x16b: {  	[sflag:s24] =	ssyncset.done $0x0  }
0x16c: {  	[sflag:s24] =	ssyncadd.s32 $0xFFFFE200  }
0x16d: {  	s22 =	simm.s32 $0x9E00;
	[bflag:$0x0] =	sbarrier.arrive $0xFFFF  }
0x16e: {  	[tilespmem:s28], [sflag:$0x1] =	stream.indirect.gather [hbm4b:s1+s25], $0x40, s22, s25, $0xb8;
	[tilespmem:$0x1CD00] =	vst v63  }
0x16f: {  	s31 =	simm.s32 $0x9E80  }
0x170: {  	[tilespmem:s30], [sflag:$0x1] =	stream.indirect.gather [hbm4b:s1+s25], $0x40, s31, s25, $0xb8;
	[tilespmem:$0x1CD00] =	vst v63  }
0x171: {  	s6 =	simm.s32 $0x9F00  }
0x172: {  	[tilespmem:s0], [sflag:$0x1] =	stream.indirect.gather [hbm4b:s1+s25], $0x40, s6, s25, $0xb8;
	[tilespmem:$0x1CD00] =	vst v63  }
0x173: {  	_ =	swait.ge [sflag:s4], $0x2000  }
0x174: {  	[sflag:s4] =	ssyncset.done $0x0  }
0x175: {  	[sflag:s4] =	ssyncadd.s32 $0xFFFFE000  }
0x176: {  	_ =	swait.ge [sflag:s4], $0x2000  }
0x177: {  	[sflag:s4] =	ssyncset.done $0x0  }
0x178: {  	[sflag:s4] =	ssyncadd.s32 $0xFFFFE000  }
0x179: {  	_ =	swait.ge [sflag:s4], $0x2000  }
0x17a: {  	[sflag:s4] =	ssyncset.done $0x0  }
0x17b: {  	s21 =	simm.s32 $0x9F80;
	[sflag:s4] =	ssyncadd.s32 $0xFFFFE000  }
0x17c: {  	[tilespmem:s5], [sflag:$0x1] =	stream.indirect.gather [hbm4b:s1+s25], $0x40, s21, s25, $0xb8;
	[tilespmem:$0x1CD00] =	vst v63  }
0x17d: {  	s22 =	simm.s32 $0xA000  }
0x17e: {  	[tilespmem:s7], [sflag:$0x1] =	stream.indirect.gather [hbm4b:s1+s25], $0x40, s22, s25, $0xb8;
	[tilespmem:$0x1CD00] =	vst v63  }
0x17f: {  	s31 =	simm.s32 $0xA080  }
0x180: {  	[tilespmem:s9], [sflag:$0x1] =	stream.indirect.gather [hbm4b:s1+s25], $0x40, s31, s25, $0xb8;
	[tilespmem:$0x1CD00] =	vst v63  }
0x181: {  	s6 =	simm.s32 $0xC580  }
0x182: {  	[spmem:s2] =	stream.indirect.scatter.add.f32 [tilespmem:s28], [sflag:$0x2], $0x40, s6, s25, $0xb8;
	[tilespmem:$0x1CD00] =	vst v63  }
0x183: {  	s21 =	simm.s32 $0xC600  }
0x184: {  	[spmem:s2] =	stream.indirect.scatter.add.f32 [tilespmem:s30], [sflag:$0x2], $0x40, s21, s25, $0xb8;
	[tilespmem:$0x1CD00] =	vst v63  }
0x185: {  	s22 =	simm.s32 $0xC680  }
0x186: {  	[spmem:s2] =	stream.indirect.scatter.add.f32 [tilespmem:s0], [sflag:$0x2], $0x40, s22, s25, $0xb8;
	[tilespmem:$0x1CD00] =	vst v63  }
0x187: {  	_ =	swait.ge [sflag:s4], $0x2000  }
0x188: {  	[sflag:s4] =	ssyncset.done $0x0  }
0x189: {  	[sflag:s4] =	ssyncadd.s32 $0xFFFFE000  }
0x18a: {  	_ =	swait.ge [sflag:s4], $0x2000  }
0x18b: {  	[sflag:s4] =	ssyncset.done $0x0  }
0x18c: {  	[sflag:s4] =	ssyncadd.s32 $0xFFFFE000  }
0x18d: {  	_ =	swait.ge [sflag:s4], $0x2000  }
0x18e: {  	[sflag:s4] =	ssyncset.done $0x0  }
0x18f: {  	[sflag:s4] =	ssyncadd.s32 $0xFFFFE000  }
0x190: {  	_ =	swait.ge [sflag:s18], $0x2000  }
0x191: {  	[sflag:s18] =	ssyncset.done $0x0  }
0x192: {  	[sflag:s18] =	ssyncadd.s32 $0xFFFFE000  }
0x193: {  	_ =	swait.ge [sflag:s18], $0x2000  }
0x194: {  	[sflag:s18] =	ssyncset.done $0x0  }
0x195: {  	[sflag:s18] =	ssyncadd.s32 $0xFFFFE000  }
0x196: {  	_ =	swait.ge [sflag:s18], $0x2000  }
0x197: {  	[sflag:s18] =	ssyncset.done $0x0  }
0x198: {  	s31 =	simm.s32 $0xA100;
	[sflag:s18] =	ssyncadd.s32 $0xFFFFE000  }
0x199: {  	[tilespmem:s28], [sflag:$0x1] =	stream.indirect.gather [hbm4b:s1+s25], $0x40, s31, s25, $0xb8;
	[tilespmem:$0x1CD00] =	vst v63  }
0x19a: {  	s6 =	simm.s32 $0xA180  }
0x19b: {  	[tilespmem:s30], [sflag:$0x1] =	stream.indirect.gather [hbm4b:s1+s25], $0x40, s6, s25, $0xb8;
	[tilespmem:$0x1CD00] =	vst v63  }
0x19c: {  	s21 =	simm.s32 $0xA200  }
0x19d: {  	[tilespmem:s0], [sflag:$0x1] =	stream.indirect.gather [hbm4b:s1+s25], $0x40, s21, s25, $0xb8;
	[tilespmem:$0x1CD00] =	vst v63  }
0x19e: {  	s22 =	simm.s32 $0xC700  }
0x19f: {  	[spmem:s2] =	stream.indirect.scatter.add.f32 [tilespmem:s5], [sflag:$0x2], $0x40, s22, s25, $0xb8;
	[tilespmem:$0x1CD00] =	vst v63  }
0x1a0: {  	s31 =	simm.s32 $0xC780  }
0x1a1: {  	[spmem:s2] =	stream.indirect.scatter.add.f32 [tilespmem:s7], [sflag:$0x2], $0x40, s31, s25, $0xb8;
	[tilespmem:$0x1CD00] =	vst v63  }
0x1a2: {  	s6 =	simm.s32 $0xC800  }
0x1a3: {  	[spmem:s2] =	stream.indirect.scatter.add.f32 [tilespmem:s9], [sflag:$0x2], $0x40, s6, s25, $0xb8;
	[tilespmem:$0x1CD00] =	vst v63  }
0x1a4: {  	_ =	swait.ge [sflag:s4], $0x2000  }
0x1a5: {  	[sflag:s4] =	ssyncset.done $0x0  }
0x1a6: {  	[sflag:s4] =	ssyncadd.s32 $0xFFFFE000  }
0x1a7: {  	_ =	swait.ge [sflag:s4], $0x2000  }
0x1a8: {  	[sflag:s4] =	ssyncset.done $0x0  }
0x1a9: {  	[sflag:s4] =	ssyncadd.s32 $0xFFFFE000  }
0x1aa: {  	_ =	swait.ge [sflag:s4], $0x2000  }
0x1ab: {  	[sflag:s4] =	ssyncset.done $0x0  }
0x1ac: {  	[sflag:s4] =	ssyncadd.s32 $0xFFFFE000  }
0x1ad: {  	_ =	swait.ge [sflag:s18], $0x2000  }
0x1ae: {  	[sflag:s18] =	ssyncset.done $0x0  }
0x1af: {  	[sflag:s18] =	ssyncadd.s32 $0xFFFFE000  }
0x1b0: {  	_ =	swait.ge [sflag:s18], $0x2000  }
0x1b1: {  	[sflag:s18] =	ssyncset.done $0x0  }
0x1b2: {  	[sflag:s18] =	ssyncadd.s32 $0xFFFFE000  }
0x1b3: {  	_ =	swait.ge [sflag:s18], $0x2000  }
0x1b4: {  	[sflag:s18] =	ssyncset.done $0x0  }
0x1b5: {  	s21 =	simm.s32 $0xA280;
	[sflag:s18] =	ssyncadd.s32 $0xFFFFE000  }
0x1b6: {  	[tilespmem:s5], [sflag:$0x1] =	stream.indirect.gather [hbm4b:s1+s25], $0x40, s21, s25, $0xb8;
	[tilespmem:$0x1CD00] =	vst v63  }
0x1b7: {  	s22 =	simm.s32 $0xA300  }
0x1b8: {  	[tilespmem:s7], [sflag:$0x1] =	stream.indirect.gather [hbm4b:s1+s25], $0x40, s22, s25, $0xb8;
	[tilespmem:$0x1CD00] =	vst v63  }
0x1b9: {  	s31 =	simm.s32 $0xA380  }
0x1ba: {  	[tilespmem:s9], [sflag:$0x1] =	stream.indirect.gather [hbm4b:s1+s25], $0x40, s31, s25, $0xb8;
	[tilespmem:$0x1CD00] =	vst v63  }
0x1bb: {  	s6 =	simm.s32 $0xC880  }
0x1bc: {  	[spmem:s2] =	stream.indirect.scatter.add.f32 [tilespmem:s28], [sflag:$0x2], $0x40, s6, s25, $0xb8;
	[tilespmem:$0x1CD00] =	vst v63  }
0x1bd: {  	s21 =	simm.s32 $0xC900  }
0x1be: {  	[spmem:s2] =	stream.indirect.scatter.add.f32 [tilespmem:s30], [sflag:$0x2], $0x40, s21, s25, $0xb8;
	[tilespmem:$0x1CD00] =	vst v63  }
0x1bf: {  	s22 =	simm.s32 $0xC980  }
0x1c0: {  	[spmem:s2] =	stream.indirect.scatter.add.f32 [tilespmem:s0], [sflag:$0x2], $0x40, s22, s25, $0xb8;
	[tilespmem:$0x1CD00] =	vst v63  }
0x1c1: {  	_ =	swait.ge [sflag:s4], $0x2000  }
0x1c2: {  	[sflag:s4] =	ssyncset.done $0x0  }
0x1c3: {  	[sflag:s4] =	ssyncadd.s32 $0xFFFFE000  }
0x1c4: {  	_ =	swait.ge [sflag:s4], $0x2000  }
0x1c5: {  	[sflag:s4] =	ssyncset.done $0x0  }
0x1c6: {  	[sflag:s4] =	ssyncadd.s32 $0xFFFFE000  }
0x1c7: {  	_ =	swait.ge [sflag:s4], $0x2000  }
0x1c8: {  	[sflag:s4] =	ssyncset.done $0x0  }
0x1c9: {  	[sflag:s4] =	ssyncadd.s32 $0xFFFFE000  }
0x1ca: {  	_ =	swait.ge [sflag:s18], $0x2000  }
0x1cb: {  	[sflag:s18] =	ssyncset.done $0x0  }
0x1cc: {  	[sflag:s18] =	ssyncadd.s32 $0xFFFFE000  }
0x1cd: {  	_ =	swait.ge [sflag:s18], $0x2000  }
0x1ce: {  	[sflag:s18] =	ssyncset.done $0x0  }
0x1cf: {  	[sflag:s18] =	ssyncadd.s32 $0xFFFFE000  }
0x1d0: {  	_ =	swait.ge [sflag:s18], $0x2000  }
0x1d1: {  	[sflag:s18] =	ssyncset.done $0x0  }
0x1d2: {  	s31 =	simm.s32 $0xA400;
	[sflag:s18] =	ssyncadd.s32 $0xFFFFE000  }
0x1d3: {  	[tilespmem:s28], [sflag:$0x1] =	stream.indirect.gather [hbm4b:s1+s25], $0x40, s31, s25, $0xb8;
	[tilespmem:$0x1CD00] =	vst v63  }
0x1d4: {  	s6 =	simm.s32 $0xA480  }
0x1d5: {  	[tilespmem:s30], [sflag:$0x1] =	stream.indirect.gather [hbm4b:s1+s25], $0x40, s6, s25, $0xb8;
	[tilespmem:$0x1CD00] =	vst v63  }
0x1d6: {  	s21 =	simm.s32 $0xA500  }
0x1d7: {  	[tilespmem:s0], [sflag:$0x1] =	stream.indirect.gather [hbm4b:s1+s25], $0x40, s21, s25, $0xb8;
	[tilespmem:$0x1CD00] =	vst v63  }
0x1d8: {  	s22 =	simm.s32 $0xCA00  }
0x1d9: {  	[spmem:s2] =	stream.indirect.scatter.add.f32 [tilespmem:s5], [sflag:$0x2], $0x40, s22, s25, $0xb8;
	[tilespmem:$0x1CD00] =	vst v63  }
0x1da: {  	s31 =	simm.s32 $0xCA80;
	s21 =	simm.s32 $0xC00;
	s22 =	simm.s32 $0xCB00  }
0x1db: {  	[spmem:s2] =	stream.indirect.scatter.add.f32 [tilespmem:s7], [sflag:$0x2], $0x40, s31, s25, $0xb8;
	[tilespmem:$0x1CD00] =	vst v63  }
.LBB2_4:
0x1dc: {  	[spmem:s2] =	stream.indirect.scatter.add.f32 [tilespmem:s9], [sflag:$0x2], $0x40, s22, s25, $0xb8;
	[tilespmem:$0x1CD00] =	vst v63  }
0x1dd: {  	s3 =	smov.u32 s21;
	s21 =	sadd.s32 $0xC00, s21;
	_ =	swait.ge [sflag:s4], $0x2000  }
0x1de: {  	p6 =	sne.s32 s21, $0x8400;
	[sflag:s4] =	ssyncset.done $0x0  }
0x1df: {  	[sflag:s4] =	ssyncadd.s32 $0xFFFFE000  }
0x1e0: {  	_ =	swait.ge [sflag:s4], $0x2000  }
0x1e1: {  	[sflag:s4] =	ssyncset.done $0x0  }
0x1e2: {  	[sflag:s4] =	ssyncadd.s32 $0xFFFFE000  }
0x1e3: {  	_ =	swait.ge [sflag:s4], $0x2000  }
0x1e4: {  	[sflag:s4] =	ssyncset.done $0x0  }
0x1e5: {  	[sflag:s4] =	ssyncadd.s32 $0xFFFFE000  }
0x1e6: {  	_ =	swait.ge [sflag:s18], $0x2000  }
0x1e7: {  	[sflag:s18] =	ssyncset.done $0x0  }
0x1e8: {  	[sflag:s18] =	ssyncadd.s32 $0xFFFFE000  }
0x1e9: {  	_ =	swait.ge [sflag:s18], $0x2000  }
0x1ea: {  	[sflag:s18] =	ssyncset.done $0x0  }
0x1eb: {  	[sflag:s18] =	ssyncadd.s32 $0xFFFFE000  }
0x1ec: {  	_ =	swait.ge [sflag:s18], $0x2000  }
0x1ed: {  	s22 =	sshra.s32 s3, $0x2;
	[sflag:s18] =	ssyncset.done $0x0  }
0x1ee: {  	s3 =	sadd.s32 $0xA280, s22;
	[sflag:s18] =	ssyncadd.s32 $0xFFFFE000  }
0x1ef: {  	[tilespmem:s5], [sflag:$0x1] =	stream.indirect.gather [hbm4b:s1+s25], $0x40, s3, s25, $0xb8;
	[tilespmem:$0x1CD00] =	vst v63  }
0x1f0: {  	s3 =	sadd.s32 $0xA300, s22  }
0x1f1: {  	[tilespmem:s7], [sflag:$0x1] =	stream.indirect.gather [hbm4b:s1+s25], $0x40, s3, s25, $0xb8;
	[tilespmem:$0x1CD00] =	vst v63  }
0x1f2: {  	s3 =	sadd.s32 $0xA380, s22  }
0x1f3: {  	[tilespmem:s9], [sflag:$0x1] =	stream.indirect.gather [hbm4b:s1+s25], $0x40, s3, s25, $0xb8;
	[tilespmem:$0x1CD00] =	vst v63  }
0x1f4: {  	s3 =	sadd.s32 $0xC880, s22  }
0x1f5: {  	[spmem:s2] =	stream.indirect.scatter.add.f32 [tilespmem:s28], [sflag:$0x2], $0x40, s3, s25, $0xb8;
	[tilespmem:$0x1CD00] =	vst v63  }
0x1f6: {  	s3 =	sadd.s32 $0xC900, s22  }
0x1f7: {  	[spmem:s2] =	stream.indirect.scatter.add.f32 [tilespmem:s30], [sflag:$0x2], $0x40, s3, s25, $0xb8;
	[tilespmem:$0x1CD00] =	vst v63  }
0x1f8: {  	s3 =	sadd.s32 $0xC980, s22  }
0x1f9: {  	[spmem:s2] =	stream.indirect.scatter.add.f32 [tilespmem:s0], [sflag:$0x2], $0x40, s3, s25, $0xb8;
	[tilespmem:$0x1CD00] =	vst v63  }
0x1fa: {  	_ =	swait.ge [sflag:s4], $0x2000  }
0x1fb: {  	[sflag:s4] =	ssyncset.done $0x0  }
0x1fc: {  	[sflag:s4] =	ssyncadd.s32 $0xFFFFE000  }
0x1fd: {  	_ =	swait.ge [sflag:s4], $0x2000  }
0x1fe: {  	[sflag:s4] =	ssyncset.done $0x0  }
0x1ff: {  	[sflag:s4] =	ssyncadd.s32 $0xFFFFE000  }
0x200: {  	_ =	swait.ge [sflag:s4], $0x2000  }
0x201: {  	[sflag:s4] =	ssyncset.done $0x0  }
0x202: {  	[sflag:s4] =	ssyncadd.s32 $0xFFFFE000  }
0x203: {  	_ =	swait.ge [sflag:s18], $0x2000  }
0x204: {  	[sflag:s18] =	ssyncset.done $0x0  }
0x205: {  	[sflag:s18] =	ssyncadd.s32 $0xFFFFE000  }
0x206: {  	_ =	swait.ge [sflag:s18], $0x2000  }
0x207: {  	[sflag:s18] =	ssyncset.done $0x0  }
0x208: {  	[sflag:s18] =	ssyncadd.s32 $0xFFFFE000  }
0x209: {  	_ =	swait.ge [sflag:s18], $0x2000  }
0x20a: {  	[sflag:s18] =	ssyncset.done $0x0  }
0x20b: {  	s3 =	sadd.s32 $0xA400, s22;
	[sflag:s18] =	ssyncadd.s32 $0xFFFFE000  }
0x20c: {  	[tilespmem:s28], [sflag:$0x1] =	stream.indirect.gather [hbm4b:s1+s25], $0x40, s3, s25, $0xb8;
	[tilespmem:$0x1CD00] =	vst v63  }
0x20d: {  	s3 =	sadd.s32 $0xA480, s22  }
0x20e: {  	[tilespmem:s30], [sflag:$0x1] =	stream.indirect.gather [hbm4b:s1+s25], $0x40, s3, s25, $0xb8;
	[tilespmem:$0x1CD00] =	vst v63  }
0x20f: {  	s3 =	sadd.s32 $0xA500, s22  }
0x210: {  	[tilespmem:s0], [sflag:$0x1] =	stream.indirect.gather [hbm4b:s1+s25], $0x40, s3, s25, $0xb8;
	[tilespmem:$0x1CD00] =	vst v63  }
.Ltmp1:
0x211: {  	s3 =	sadd.s32 $0xCA00, s22;
	(pc) =	sbr.rel @p6 .LBB2_4-.Ltmp1, $4  }
0x212: {  	[spmem:s2] =	stream.indirect.scatter.add.f32 [tilespmem:s5], [sflag:$0x2], $0x40, s3, s25, $0xb8;
	[tilespmem:$0x1CD00] =	vst v63  }
0x213: {  	s3 =	sadd.s32 $0xCA80, s22  }
0x214: {  	[spmem:s2] =	stream.indirect.scatter.add.f32 [tilespmem:s7], [sflag:$0x2], $0x40, s3, s25, $0xb8;
	[tilespmem:$0x1CD00] =	vst v63  }
0x215: {  	s22 =	sadd.s32 $0xCB00, s22  }
0x216: {  	[spmem:s2] =	stream.indirect.scatter.add.f32 [tilespmem:s9], [sflag:$0x2], $0x40, s22, s25, $0xb8;
	[tilespmem:$0x1CD00] =	vst v63  }
0x217: {  	_ =	swait.ge [sflag:s4], $0x2000  }
0x218: {  	[sflag:s4] =	ssyncset.done $0x0  }
0x219: {  	[sflag:s4] =	ssyncadd.s32 $0xFFFFE000  }
0x21a: {  	_ =	swait.ge [sflag:s4], $0x2000  }
0x21b: {  	[sflag:s4] =	ssyncset.done $0x0  }
0x21c: {  	[sflag:s4] =	ssyncadd.s32 $0xFFFFE000  }
0x21d: {  	_ =	swait.ge [sflag:s4], $0x2000  }
0x21e: {  	[sflag:s4] =	ssyncset.done $0x0  }
0x21f: {  	[sflag:s4] =	ssyncadd.s32 $0xFFFFE000  }
0x220: {  	_ =	swait.ge [sflag:s18], $0x2000  }
0x221: {  	[sflag:s18] =	ssyncset.done $0x0  }
0x222: {  	[sflag:s18] =	ssyncadd.s32 $0xFFFFE000  }
0x223: {  	_ =	swait.ge [sflag:s18], $0x2000  }
0x224: {  	[sflag:s18] =	ssyncset.done $0x0  }
0x225: {  	[sflag:s18] =	ssyncadd.s32 $0xFFFFE000  }
0x226: {  	_ =	swait.ge [sflag:s18], $0x2000  }
0x227: {  	[sflag:s18] =	ssyncset.done $0x0  }
0x228: {  	s3 =	simm.s32 $0xC380;
	[sflag:s18] =	ssyncadd.s32 $0xFFFFE000  }
0x229: {  	[tilespmem:s5], [sflag:$0x1] =	stream.indirect.gather [hbm4b:s1+s25], $0x40, s3, s25, $0xb8;
	[tilespmem:$0x1CD00] =	vst v63  }
0x22a: {  	s6 =	simm.s32 $0xC400  }
0x22b: {  	[tilespmem:s7], [sflag:$0x1] =	stream.indirect.gather [hbm4b:s1+s25], $0x40, s6, s25, $0xb8;
	[tilespmem:$0x1CD00] =	vst v63  }
0x22c: {  	s22 =	simm.s32 $0xC480;
	s31 =	sshra.s32 s21, $0x2  }
0x22d: {  	[tilespmem:s9], [sflag:$0x1] =	stream.indirect.gather [hbm4b:s1+s25], $0x40, s22, s25, $0xb8;
	[tilespmem:$0x1CD00] =	vst v63  }
0x22e: {  	s21 =	sadd.s32 $0xC880, s31  }
0x22f: {  	[spmem:s2] =	stream.indirect.scatter.add.f32 [tilespmem:s28], [sflag:$0x2], $0x40, s21, s25, $0xb8;
	[tilespmem:$0x1CD00] =	vst v63  }
0x230: {  	s6 =	sadd.s32 $0xC900, s31  }
0x231: {  	[spmem:s2] =	stream.indirect.scatter.add.f32 [tilespmem:s30], [sflag:$0x2], $0x40, s6, s25, $0xb8;
	[tilespmem:$0x1CD00] =	vst v63  }
0x232: {  	s3 =	sadd.s32 $0xC980, s31  }
0x233: {  	[spmem:s2] =	stream.indirect.scatter.add.f32 [tilespmem:s0], [sflag:$0x2], $0x40, s3, s25, $0xb8;
	[tilespmem:$0x1CD00] =	vst v63  }
0x234: {  	_ =	swait.ge [sflag:s4], $0x2000  }
0x235: {  	[sflag:s4] =	ssyncset.done $0x0  }
0x236: {  	[sflag:s4] =	ssyncadd.s32 $0xFFFFE000  }
0x237: {  	_ =	swait.ge [sflag:s4], $0x2000  }
0x238: {  	[sflag:s4] =	ssyncset.done $0x0  }
0x239: {  	[sflag:s4] =	ssyncadd.s32 $0xFFFFE000  }
0x23a: {  	_ =	swait.ge [sflag:s4], $0x2000  }
0x23b: {  	[sflag:s4] =	ssyncset.done $0x0  }
0x23c: {  	[sflag:s4] =	ssyncadd.s32 $0xFFFFE000  }
0x23d: {  	_ =	swait.ge [sflag:s18], $0x2000  }
0x23e: {  	[sflag:s18] =	ssyncset.done $0x0  }
0x23f: {  	[sflag:s18] =	ssyncadd.s32 $0xFFFFE000  }
0x240: {  	_ =	swait.ge [sflag:s18], $0x2000  }
0x241: {  	[sflag:s18] =	ssyncset.done $0x0  }
0x242: {  	[sflag:s18] =	ssyncadd.s32 $0xFFFFE000  }
0x243: {  	_ =	swait.ge [sflag:s18], $0x2000  }
0x244: {  	[sflag:s18] =	ssyncset.done $0x0  }
0x245: {  	[sflag:s18] =	ssyncadd.s32 $0xFFFFE000  }
0x246: {  	[spmem:s2] =	stream.indirect.scatter.add.f32 [tilespmem:s5], [sflag:$0x2], $0x40, s8, s25, $0xb8;
	[tilespmem:$0x1CD00] =	vst v63  }
0x247: {  	_ = 	snop  }
0x248: {  	[spmem:s2] =	stream.indirect.scatter.add.f32 [tilespmem:s7], [sflag:$0x2], $0x40, s10, s25, $0xb8;
	[tilespmem:$0x1CD00] =	vst v63  }
0x249: {  	_ = 	snop  }
0x24a: {  	[spmem:s2] =	stream.indirect.scatter.add.f32 [tilespmem:s9], [sflag:$0x2], $0x40, s11, s25, $0xb8;
	[tilespmem:$0x1CD00] =	vst v63  }
0x24b: {  	_ =	swait.ge [sflag:s18], $0x2000  }
0x24c: {  	[sflag:s18] =	ssyncset.done $0x0  }
0x24d: {  	[sflag:s18] =	ssyncadd.s32 $0xFFFFE000  }
0x24e: {  	_ =	swait.ge [sflag:s18], $0x2000  }
0x24f: {  	[sflag:s18] =	ssyncset.done $0x0  }
0x250: {  	[sflag:s18] =	ssyncadd.s32 $0xFFFFE000  }
0x251: {  	_ =	swait.ge [sflag:s18], $0x2000  }
0x252: {  	s22 =	simm.s32 @p5 $0xED00;
	[sflag:s18] =	ssyncset.done $0x0  }
0x253: {  	s21 =	simm.s32 @p5 $0xC500;
	s3 =	simm.s32 @p5 $0x80;
	[sflag:s18] =	ssyncadd.s32 $0xFFFFE000  }
0x254: {  	[tilespmem:s22], [sflag:$0x3] =	stream.indirect.gather @p5 [hbm4b:s1+s3], $0x40, s21, s3, $0xb8;
	[tilespmem:$0x1CD00] =	vst v63  }
0x255: {  	s21 =	simm.s32 @p5 $0x3  }
0x256: {  	_ =	swait.ge @p5 [sflag:s21], $0x2000  }
0x257: {  	[sflag:s21] =	ssyncset.done @p5 $0x0  }
0x258: {  	s31 =	simm.s32 @p5 $0xEC80;
	[sflag:s21] =	ssyncadd.s32 @p5 $0xFFFFE000  }
0x259: {  	[spmem:s2] =	stream.indirect.scatter.add.f32 @p5 [tilespmem:s22], [sflag:$0x3], $0x40, s31, s3, $0xb8;
	[tilespmem:$0x1CD00] =	vst v63  }
0x25a: {  	_ =	swait.ge @p5 [sflag:s21], $0x2000  }
0x25b: {  	[sflag:s21] =	ssyncset.done @p5 $0x0  }
0x25c: {  	[sflag:s21] =	ssyncadd.s32 @p5 $0xFFFFE000  }
0x25d: {  	[bflag:$0x0] =	sbarrier.arrive $0xFFFF  }
0x25e: {  	s22 =	rddreg [dreg:$0xf]  }
0x25f: {  	[hbm:s22@s17], [sflag:s20] =	dma.strided [spmem:s29@s26], $0x13C0, s4, $0x8   }
0x260: {  	_ =	swait.ge [sflag:s24], $0x13C0  }
0x261: {  	s19 =	sadd.s32 $0x1, s19;
	s31 =	rddreg [dreg:$0x10]  }
0x262: {  	p5 =	sne.s32 s19, s31  }
.Ltmp2:
0x263: {  	_ = 	snop;
	(pc) =	sbr.rel @p5 .LBB2_1-.Ltmp2, $3  }
0x264: {  	[sflag:s24] =	ssyncset.done $0x0  }
0x265: {  	[sflag:s24] =	ssyncadd.s32 $0xFFFFEC40  }
0x266: {  	[bflag:$0x0] =	sbarrier.arrive $0xFFFF;
	_ =	sdelay $0x1  }
0x267: {  	_ =	sfence.sel $0x180000  }
0x268: {  	[bflag:$0x0] =	sbarrier.arrive $0xFFFF  }
0x269: {  	_ =	strace $0x9000004A  }
0x26a: {  	s0 =	stileid.u32;
	[bflag:$0x2] =	sbarrier.arrive $0xFFFF  }
0x26b: {  	p0 =	sne.s32 s0, $0x0;
	s0 =	rddreg [dreg:$0x3]  }
0x26c: {  	s0 =	sadd.s32 @!p0 $0x100000, s0  }
0x26d: {  	[sflag:s0] =	ssyncadd.tile.s32 @!p0 $0x1;
	_ =	shalt  }
.Lfunc_end2:
_tile_overlayer_lowered:
.L_overlay_start_2:
0x26e: {  	(tag) =	ssettag $0x2  }
0x26f: {  	s0 =	rddreg [dreg:$0x0];
	s2 =	stileid.u32  }
0x270: {  	s1 =	rddreg [dreg:$0x1];
	p0 =	sne.s32 s2, $0x0  }
0x271: {  	s3 =	rddreg [dreg:$0x2];
	[bflag:$0x3] =	sbarrier.arrive $0xFFFF;
	s2 =	simm.s32 @!p0 $0x1C03  }
0x272: {  	[timem:s3], [sflag:s2] =	dma.local @!p0 [hbm:s0], s1  }
0x273: {  	s0 =	simm.s32 @!p0 $0x3  }
0x274: {  	_ =	swait.ge @!p0 [sflag:s0], s1  }
0x275: {  	s1 =	ssub.s32 @!p0 $0x0, s1;
	[sflag:s0] =	ssyncset.done @!p0 $0x0  }
0x276: {  	[sflag:s0] =	ssyncadd.s32 @!p0 s1  }
0x277: {  	[bflag:$0x3] =	sbarrier.arrive $0xFFFF  }
0x278: {  	_ =	shalt  }

// kernel: kernel.8.cloned.1.call-start
scs
__scs_entry_jumppad:
0x0: {  	(pc) =	sbr.rel $0x88, $3  }
0x1: {  	(tag) =	ssettag $0x0;
	lr =	simm.s32 $0x1  }
0x2: {  	[smem:$0x3F96] =	sst lr;
	_ =	strace $0xD0000000  }
0x3: {  	_ = 	snop  }
0x4: {  	_ = 	snop  }
0x5: {  	_ = 	snop  }
0x6: {  	_ = 	snop  }
0x7: {  	_ = 	snop  }
__scs_overlays_trampoline_lowered:
0x8: {  	[smem:$0x3FA5] =	sst s0  }
0x9: {  	[smem:$0x3FA6] =	sst s1  }
0xa: {  	[smem:$0x3FA7] =	sst s2  }
0xb: {  	[smem:$0x3FA8] =	sst s3  }
0xc: {  	[smem:$0x3FA9] =	sst s4  }
0xd: {  	[smem:$0x3FAA] =	sst s5  }
0xe: {  	[smem:$0x3FAB] =	sst s6  }
0xf: {  	[smem:$0x3FAC] =	sst s7  }
0x10: {  	[smem:$0x3FAD] =	sst s8  }
0x11: {  	[smem:$0x3FAE] =	sst s9;
	s0 =	simm.s32 @!p0 $0x0  }
0x12: {  	s1 =	sld [smem:$0x3F94];
	s0 =	simm.s32 @p0 $0x1  }
0x13: {  	[smem:$0x3FAF] =	sst s0;
	s0 =	simm.s32 @!p1 $0x0  }
0x14: {  	s2 =	sld [smem:$0x3F93];
	s0 =	simm.s32 @p1 $0x1  }
0x15: {  	[smem:$0x3FB0] =	sst s0;
	s0 =	simm.s32 @!p2 $0x0  }
0x16: {  	s3 =	sld [smem:$0x3FDB];
	s0 =	simm.s32 @p2 $0x1  }
0x17: {  	s4 =	simm.s32 $0x1BF5;
	[smem:$0x3FB2] =	sst s0  }
0x18: {  	s0 =	sld [smem:$0x3F95];
	_ =	swait.ge [sflag:s4], $0x0  }
0x19: {  	s7 =	sld [smem:$0x3F96]  }
0x1a: {  	s8 =	sadd.s32 $0xFFFFE003, lr  }
0x1b: {  	s9 =	sadd.s32 $0xFFFFFEF7, lr;
	s5 =	simm.s32 $0xFFFFFFFF;
	p2 =	slt.u32 s8, $0xFFFFF086  }
0x1c: {  	p1 =	slt.u32 s9, $0xF7A;
	s5 =	simm.s32 @!p2 $0x0  }
0x1d: {  	s5 =	simm.s32 @p1 $0x1;
	p0 =	seq.s32 s7, s2  }
0x1e: {  	s7 =	smul.u32 @!p0 $0xF7A, s2;
	p2 =	seq.s32 @!p0 s5, $0x0  }
0x1f: {  	s9 =	smul.u32 $0xF7A, s1;
	s8 =	simm.s32 @!p0 $0x1BF5;
	p2 =	por !p2, p0  }
0x20: {  	[sflag:s8] =	ssyncset.s32 @!p0 $0xFFFFF086;
	s6 =	sadd.s32 @!p0 s3, s7;
	s7 =	simm.s32 @!p0 $0x108  }
0x21: {  	s3 =	sadd.s32 s3, s9;
	s6 =	sadd.s32 @!p0 $0x88, s6;
	s7 =	simm.s32 @p2 $0x1082  }
0x22: {  	[simem:s7], [sflag:s8] =	dma.local @!p0 [hbm:s6], $0xF7A  }
0x23: {  	s9 =	sor.u32 $0xD0000000, s2;
	s6 =	simm.s32 $0x108;
	_ =	swait.ge @!p0 [sflag:s8], $0x0  }
0x24: {  	s3 =	sadd.s32 $0x88, s3;
	s6 =	simm.s32 @!p1 $0x1082;
	[sflag:s4] =	ssyncset.s32 $0xFFFFF086  }
0x25: {  	[simem:s6], [sflag:s4] =	dma.local [hbm:s3], $0xF7A  }
0x26: {  	[smem:$0x3F96] =	sst s1;
	(tag) =	ssettag s2;
	_ =	strace s9  }
0x27: {  	s1 =	sld [smem:$0x3FA6]  }
0x28: {  	s2 =	sld [smem:$0x3FA7]  }
0x29: {  	s4 =	sld [smem:$0x3FA9]  }
0x2a: {  	p0 =	seq.s32 s5, $0x0;
	s5 =	sld [smem:$0x3FAA]  }
0x2b: {  	s6 =	sld [smem:$0x3FAB]  }
0x2c: {  	s7 =	sld [smem:$0x3FAC]  }
0x2d: {  	s3 =	simm.s32 $0x108;
	s8 =	sld [smem:$0x3FAD]  }
0x2e: {  	s3 =	simm.s32 @!p0 $0x1082;
	s9 =	sld [smem:$0x3FAE]  }
0x2f: {  	lr =	sadd.s32 s0, s3;
	s0 =	sld [smem:$0x3FA5]  }
0x30: {  	s3 =	sld [smem:$0x3FA8]  }
0x31: {  	[smem:$0x3FB1] =	sst s10  }
0x32: {  	s10 =	sld [smem:$0x3FAF];
	_ =	sdelay $0x3  }
0x33: {  	p0 =	seq.s32 s10, $0x1;
	s10 =	sld [smem:$0x3FB1];
	_ =	sdelay $0x3  }
0x34: {  	[smem:$0x3FB1] =	sst s10  }
0x35: {  	s10 =	sld [smem:$0x3FB0];
	_ =	sdelay $0x3  }
0x36: {  	p1 =	seq.s32 s10, $0x1;
	s10 =	sld [smem:$0x3FB1];
	_ =	sdelay $0x3  }
0x37: {  	[smem:$0x3FB1] =	sst s10  }
0x38: {  	s10 =	sld [smem:$0x3FB2]  }
0x39: {  	_ = 	snop;
	(pc) =	sbr.ind lr, $3  }
0x3a: {  	_ = 	snop  }
0x3b: {  	_ = 	snop  }
0x3c: {  	p2 =	seq.s32 s10, $0x1;
	s10 =	sld [smem:$0x3FB1]  }
0x3d: {  	_ =	shalt  }
0x3e: {  	_ =	shalt  }
0x3f: {  	_ =	shalt  }
0x40: {  	_ =	shalt  }
0x41: {  	_ =	shalt  }
0x42: {  	_ =	shalt  }
0x43: {  	_ =	shalt  }
0x44: {  	_ =	shalt  }
0x45: {  	_ =	shalt  }
0x46: {  	_ =	shalt  }
0x47: {  	_ =	shalt  }
0x48: {  	_ =	shalt  }
0x49: {  	_ =	shalt  }
0x4a: {  	_ =	shalt  }
0x4b: {  	_ =	shalt  }
0x4c: {  	_ =	shalt  }
0x4d: {  	_ =	shalt  }
0x4e: {  	_ =	shalt  }
0x4f: {  	_ =	shalt  }
0x50: {  	_ =	shalt  }
0x51: {  	_ =	shalt  }
0x52: {  	_ =	shalt  }
0x53: {  	_ =	shalt  }
0x54: {  	_ =	shalt  }
0x55: {  	_ =	shalt  }
0x56: {  	_ =	shalt  }
0x57: {  	_ =	shalt  }
0x58: {  	_ =	shalt  }
0x59: {  	_ =	shalt  }
0x5a: {  	_ =	shalt  }
0x5b: {  	_ =	shalt  }
0x5c: {  	_ =	shalt  }
0x5d: {  	_ =	shalt  }
0x5e: {  	_ =	shalt  }
0x5f: {  	_ =	shalt  }
0x60: {  	_ =	shalt  }
0x61: {  	_ =	shalt  }
0x62: {  	_ =	shalt  }
0x63: {  	_ =	shalt  }
0x64: {  	_ =	shalt  }
0x65: {  	_ =	shalt  }
0x66: {  	_ =	shalt  }
0x67: {  	_ =	shalt  }
0x68: {  	_ =	shalt  }
0x69: {  	_ =	shalt  }
0x6a: {  	_ =	shalt  }
0x6b: {  	_ =	shalt  }
0x6c: {  	_ =	shalt  }
0x6d: {  	_ =	shalt  }
0x6e: {  	_ =	shalt  }
0x6f: {  	_ =	shalt  }
0x70: {  	_ =	shalt  }
0x71: {  	_ =	shalt  }
0x72: {  	_ =	shalt  }
0x73: {  	_ =	shalt  }
0x74: {  	_ =	shalt  }
0x75: {  	_ =	shalt  }
0x76: {  	_ =	shalt  }
0x77: {  	_ =	shalt  }
0x78: {  	_ =	shalt  }
0x79: {  	_ =	shalt  }
0x7a: {  	_ =	shalt  }
0x7b: {  	_ =	shalt  }
0x7c: {  	_ =	shalt  }
0x7d: {  	_ =	shalt  }
0x7e: {  	_ =	shalt  }
0x7f: {  	_ =	shalt  }
0x80: {  	_ =	shalt  }
0x81: {  	_ =	shalt  }
0x82: {  	_ =	shalt  }
0x83: {  	_ =	shalt  }
0x84: {  	_ =	shalt  }
0x85: {  	_ =	shalt  }
0x86: {  	_ =	shalt  }
0x87: {  	_ =	shalt  }
.Lfunc_end0:
.L_simem_size_0:
called_computation_lowered:
.L_overlay_start_0:
0x88: {  	s2 =	sld [smem:$0x3FD9]  }
0x89: {  	s3 =	sld [smem:$0x3FFE];
	_ =	sdelay $0x1  }
0x8a: {  	s1 =	srdreg.scid  }
0x8b: {  	s0 =	sand.u32 $0x1, s1  }
0x8c: {  	s14 =	sshll.u32 s0, $0xA;
	s2 =	sadd.s32 s3, s2  }
0x8d: {  	s2 =	sadd.s32 s2, s14  }
0x8e: {  	[smem:$0x3FBD] =	sst s2  }
0x8f: {  	_ = 	snop  }
0x90: {  	s2 =	sld [smem:$0x3FD0];
	_ =	sdelay $0x2  }
0x91: {  	s4 =	simm.s32 $0xA;
	s5 =	simm.s32 $0x10;
	s15 =	sld [smem:$0x3FC3]  }
0x92: {  	[smem:s5], [sflag:s4] =	dma.local [hbm:s2], $0x1  }
0x93: {  	_ =	swait.eq [sflag:s4], $0x1  }
0x94: {  	[sflag:s4] =	ssyncset.done $0x0  }
0x95: {  	s16 =	sld [smem:$0x10];
	[sflag:s4] =	ssyncadd.s32 $0xFFFFFFFF  }
0x96: {  	s17 =	sld [smem:$0x11];
	(tm) =	ssettm $0x1  }
0x97: {  	s18 =	sld [smem:$0x3FFB];
	_ =	sdelay $0x3  }
0x98: {  	_ =	strace s18  }
0x99: {  	s5 =	sld [smem:$0x3FFC];
	_ =	sdelay $0x3  }
0x9a: {  	_ =	strace s5  }
0x9b: {  	s5 =	sld [smem:$0x3FFD];
	_ =	sdelay $0x3  }
0x9c: {  	_ =	strace s5  }
0x9d: {  	_ =	strace $0x8FFFFFFF  }
0x9e: {  	s19 =	sld [smem:$0x3FDB];
	_ =	sdelay $0x1  }
0x9f: {  	s6 =	simm.s32 $_scs_section_size  }
0xa0: {  	s7 =	simm.s32 $_size__tile_overlayer_lowered;
	s8 =	simm.s32 $_tile_overlayer_lowered  }
0xa1: {  	s22 =	simm.s32 $0x1BFF;
	s21 =	sshll.u32 s8, $0x1;
	s5 =	sadd.s32 s6, s19  }
0xa2: {  	s9 =	simm.s32 $0x0;
	s20 =	sshll.u32 s7, $0x1;
	s7 =	sadd.s32 s21, s5  }
0xa3: {  	[timem:s9], [sflag:s22] =	dma.local [hbm:s7], s20  }
0xa4: {  	_ =	swait.ge [sflag:s22], s20  }
0xa5: {  	s6 =	ssub.s32 $0x0, s20;
	[sflag:s22] =	ssyncset.done $0x0  }
0xa6: {  	[sflag:s22] =	ssyncadd.s32 s6;
	_ =	sdelay $0x1  }
0xa7: {  	s23 =	simm.s32 $0x1B8B  }
0xa8: {  	_ =	swait.ge [sflag:s23], $0x1  }
0xa9: {  	[sflag:s23] =	ssyncset.done $0x0  }
0xaa: {  	s25 =	simm.s32 $0x1B8E;
	s24 =	sld [smem:$0x3FFE];
	[sflag:s23] =	ssyncadd.s32 $0xFFFFFFFF  }
0xab: {  	s26 =	simm.s32 $execute0_lowered;
	[smem:$0x3FD2] =	sst s25  }
0xac: {  	s7 =	sshll.u32 s26, $0x1;
	_ =	strace $0x80000046;
	[dreg:$0x1] =	wrdreg $0xFFFFFFFF  }
0xad: {  	s28 =	simm.s32 $_size_execute0_lowered;
	s5 =	sadd.s32 s5, s7;
	[dreg:$0x0] =	wrdreg $0x0  }
0xae: {  	s7 =	sshll.u32 s28, $0x1;
	[dreg:$0x2] =	wrdreg s5  }
0xaf: {  	[dreg:$0x3] =	wrdreg s7  }
0xb0: {  	[dreg:$0x4] =	wrdreg $0xC0  }
0xb1: {  	_ =	task [dreg:s9], $0x5FFFF  }
0xb2: {  	[dreg:$0x1] =	wrdreg $0xFFFFFFFF  }
0xb3: {  	[dreg:$0x0] =	wrdreg $0x60  }
0xb4: {  	[dreg:$0x2] =	wrdreg s24  }
0xb5: {  	[dreg:$0x3] =	wrdreg s15  }
0xb6: {  	[dreg:$0x4] =	wrdreg s17  }
0xb7: {  	[dreg:$0x5] =	wrdreg s16  }
0xb8: {  	[dreg:$0x6] =	wrdreg $0x0  }
0xb9: {  	[dreg:$0x7] =	wrdreg $0x93C00  }
0xba: {  	[dreg:$0x8] =	wrdreg $0x13C00  }
0xbb: {  	[dreg:$0x9] =	wrdreg $0x9  }
0xbc: {  	_ =	task.clear_ibuf [dreg:s9], $0xAFFFF;
	_ =	strace $0x90000046  }
0xbd: {  	s29 =	simm.s32 $0x9;
	_ =	strace $0x80000048  }
0xbe: {  	_ =	swait.ge [sflag:s29], $0x1  }
0xbf: {  	[sflag:s29] =	ssyncadd.s32 $0xFFFFFFFF  }
0xc0: {  	_ =	strace $0x90000048  }
0xc1: {  	_ =	sfence  }
0xc2: {  	s30 =	sld [smem:$0x0];
	_ =	sdelay $0x2  }
0xc3: {  	s31 =	sshll.u32 s1, $0xD;
	s1 =	sshrl.u32 s1, $0x2  }
0xc4: {  	s3 =	sand.u32 $0x4000, s31;
	s1 =	sadd.s32 s1, s30  }
0xc5: {  	s0 =	sor.u32 s3, s0;
	s1 =	sshll.u32 s1, $0x11  }
0xc6: {  	s0 =	sor.u32 s1, s0  }
0xc7: {  	s0 =	sadd.s32 $0x8F2B, s0  }
0xc8: {  	[sflag:s0] =	ssyncadd.remote.s32 $0x1  }
0xc9: {  	_ =	sfence.sel $0xFFFF  }
0xca: {  	[dreg:$0x0] =	wrdreg $0xFFFFFFFF;
	(pc) =	sbr.abs _section_cstart, $3  }
0xcb: {  	[dreg:$0x1] =	wrdreg $0xFFFFFFFF  }
0xcc: {  	_ =	task.clear_ibuf [dreg:s9], $0x2FFFF;
	_ =	strace $0x9FFFFFFF  }
0xcd: {  	(tm) =	ssettm $0x7FFFFFFF  }
tec
execute0_lowered:
.L_overlay_start_1:
0x0: {  	(tag) =	ssettag $0x1  }
0x1: {  	s0 =	rddreg [dreg:$0x0]  }
0x2: {  	s1 =	rddreg [dreg:$0x1]  }
0x3: {  	s6 =	rddreg [dreg:$0x3]  }
0x4: {  	s2 =	rddreg [dreg:$0x4]  }
0x5: {  	s7 =	rddreg [dreg:$0x5]  }
0x6: {  	s3 =	rddreg [dreg:$0x6];
	s5 =	simm.s32 $0x0;
	s9 =	srdreg.scid  }
0x7: {  	s30 =	simm.s32 $0x80;
	s31 =	simm.s32 $0x1;
	s28 =	simm.s32 $0x145C0  }
0x8: {  	s29 =	simm.s32 $0x0;
	[smem:$0x7FF] =	sst s5;
	s11 =	sadd.s32 $0x3200, s0  }
0x9: {  	s4 =	sadd.s32 $0xD000, s0;
	s8 =	sadd.s32 $0x3000, s0;
	s22 =	sand.u32 $0x1, s9  }
0xa: {  	s16 =	sadd.s32 $0xE000, s0;
	_ =	strace $0x80000047;
	[dreg:$0x8] =	wrdreg s4  }
0xb: {  	s4 =	stileid.u32;
	[dreg:$0x9] =	wrdreg s8;
	s9 =	ssub.s32 $0x2, s22  }
0xc: {  	p0 =	seq.s32 s22, $0x1;
	s8 =	sshll.u32 s22, $0x14;
	s17 =	smul.u32 $0x13C00, s22  }
0xd: {  	s23 =	sshllo.u32 s22, $0x1;
	p2 =	sne.s32 s22, $0x0;
	s14 =	smul.u32 $0x13C0, s4  }
0xe: {  	s10 =	smul.u32 $0x4E0, s4;
	s13 =	sshll.u32 s4, $0x4;
	s12 =	sshrl.u32 s9, $0x1  }
0xf: {  	s15 =	smul.u32 $0x2700, s4;
	s20 =	sor.u32 s4, s22;
	s19 =	sshll.u32 s4, $0xF  }
0x10: {  	s24 =	sshll.u32 s23, $0x13;
	p3 =	slt.u32 @p0 s4, $0xC;
	s0 =	sadd.s32 s13, s0  }
0x11: {  	s21 =	ssub.s32 s9, s12;
	s26 =	sadd.s32 s13, s11;
	s13 =	sadd.s32 s1, s13  }
0x12: {  	s18 =	sor.u32 s19, s8;
	s8 =	sshll.u32 s23, $0xB;
	p1 =	sne.s32 s20, $0x0  }
0x13: {  	p4 =	por p3, !p0;
	p5 =	por !p3, !p0;
	s9 =	sadd.s32 s14, s2  }
0x14: {  	s10 =	sadd.s32 s11, s10;
	s25 =	sshrl.u32 s15, $0x3;
	s1 =	sshrl.u32 s18, $0x3  }
0x15: {  	s18 =	sor.u32 s19, s24;
	s24 =	sadd.s32 s14, s17;
	s14 =	sadd.s32 $0x2E00, s0  }
0x16: {  	s17 =	sadd.s32 $0x2C00, s0;
	s19 =	sadd.s32 s19, s3;
	s20 =	sadd.s32 $0x4E000, s0  }
0x17: {  	s21 =	smax.u32 s21, $0x1;
	s12 =	sadd.s32 s11, s25;
	s15 =	sadd.s32 s16, s1  }
0x18: {  	s25 =	sshrl.u32 s18, $0x3;
	s11 =	sadd.s32 $0x4E00, s12;
	s12 =	sadd.s32 $0x9B40, s26  }
0x19: {  	s16 =	sadd.s32 s16, s25;
	s26 =	sshrl.u32 s24, $0x3;
	s24 =	simm.s32 $0x2  }
0x1a: {  	s25 =	simm.s32 $0xBFC0;
	s18 =	sadd.s32 s6, s26;
	s26 =	sshll.u32 s4, $0x7  }
0x1b: {  	s6 =	sshll.u32 s22, $0xC;
	s22 =	simm.s32 $0xC3C0;
	s0 =	sadd.s32 s26, s7  }
0x1c: {  	v1 =	vmov s8;
	v0 =	vmov s6;
	s26 =	simm.s32 $0xBBC0;
	s23 =	sshrl.u32 @!p2 s0, $0x3;
	s0 =	simm.s32 $0x14440  }
.LBB2_1:
0x1d: {  	s1 =	rddreg [dreg:$0x8]  }
0x1e: {  	[tilespmem:s22], [sflag:$0x2] =	stream.linear.gather [hbm4b:s1+s5], $0x8000, $0x38;
	[tilespmem:$0x14640] =	vst v63  }
0x1f: {  	_ =	swait.ge [sflag:s24], $0x8000  }
0x20: {  	[sflag:s24] =	ssyncset.done $0x0  }
0x21: {  	s6 =	rddreg [dreg:$0x9];
	[sflag:s24] =	ssyncadd.s32 $0xFFFF8000  }
0x22: {  	[tilespmem:s25], [sflag:$0x2] =	stream.linear.gather [hbm4b:s6+s5], $0x400, $0x38;
	[tilespmem:$0x14640] =	vst v63  }
0x23: {  	_ =	swait.ge [sflag:s24], $0x400  }
0x24: {  	[sflag:s24] =	ssyncset.done $0x0  }
0x25: {  	[sflag:s24] =	ssyncadd.s32 $0xFFFFFC00  }
0x26: {  	[spmem:s9] =	stream.linear.scatter [tilespmem:s22], [sflag:$0x2], $0x13C0, $0x38;
	[tilespmem:$0x14640] =	vst v63  }
0x27: {  	_ =	swait.ge [sflag:s24], $0x13C0  }
0x28: {  	[sflag:s24] =	ssyncset.done $0x0  }
0x29: {  	s1 =	simm.s32 @!p1 $0xC3C0;
	[sflag:s24] =	ssyncadd.s32 $0xFFFFEC40  }
0x2a: {  	[spmem:s7] =	stream.linear.scatter @!p1 [tilespmem:s1], [sflag:$0x2], $0x800, $0x38;
	[tilespmem:$0x14640] =	vst v63  }
0x2b: {  	s1 =	simm.s32 @!p1 $0x2  }
0x2c: {  	_ =	swait.ge @!p1 [sflag:s1], $0x800  }
0x2d: {  	[sflag:s1] =	ssyncset.done @!p1 $0x0  }
0x2e: {  	s6 =	simm.s32 @!p2 $0x9440;
	[sflag:s1] =	ssyncadd.s32 @!p1 $0xFFFFF800;
	s1 =	simm.s32 @!p2 $0x0  }
0x2f: {  	[tilespmem:s6], [sflag:$0x2] =	stream.linear.gather @!p2 [hbm4b:s10+s1], $0x2700, $0x38;
	[tilespmem:$0x14640] =	vst v63  }
0x30: {  	s1 =	simm.s32 @!p2 $0x2  }
0x31: {  	_ =	swait.ge @!p2 [sflag:s1], $0x2700  }
0x32: {  	[sflag:s1] =	ssyncset.done @!p2 $0x0  }
0x33: {  	s6 =	simm.s32 @p0 $0x9440;
	[sflag:s1] =	ssyncadd.s32 @!p2 $0xFFFFD900;
	s1 =	simm.s32 @p0 $0x0  }
0x34: {  	[tilespmem:s6], [sflag:$0x2] =	stream.linear.gather @p0 [hbm4b:s11+s1], $0x2700, $0x38;
	[tilespmem:$0x14640] =	vst v63  }
0x35: {  	s1 =	simm.s32 @p0 $0x2  }
0x36: {  	_ =	swait.ge @p0 [sflag:s1], $0x2700  }
0x37: {  	[sflag:s1] =	ssyncset.done @p0 $0x0  }
0x38: {  	s6 =	simm.s32 @!p4 $0xBB40;
	[sflag:s1] =	ssyncadd.s32 @p0 $0xFFFFD900;
	s1 =	simm.s32 @!p4 $0x0  }
0x39: {  	[tilespmem:s6], [sflag:$0x2] =	stream.linear.gather @!p4 [hbm4b:s12+s1], $0x80, $0x38;
	[tilespmem:$0x14640] =	vst v63  }
0x3a: {  	s1 =	simm.s32 @!p4 $0x2  }
0x3b: {  	_ =	swait.ge @!p4 [sflag:s1], $0x80  }
0x3c: {  	[sflag:s1] =	ssyncset.done @!p4 $0x0  }
0x3d: {  	s8 =	smov.u32 s7;
	s7 =	simm.s32 $0x143C0;
	[sflag:s1] =	ssyncadd.s32 @!p4 $0xFFFFFF80  }
0x3e: {  	[tilespmem:s7], [sflag:$0x2] =	stream.linear.gather [hbm4b:s13+s5], $0x80, $0x38;
	[tilespmem:$0x14640] =	vst v63  }
0x3f: {  	_ =	swait.ge [sflag:s24], $0x80  }
0x40: {  	[sflag:s24] =	ssyncset.done $0x0  }
0x41: {  	s3 =	simm.s32 $0x144C0;
	[sflag:s24] =	ssyncadd.s32 $0xFFFFFF80  }
0x42: {  	[tilespmem:s3], [sflag:$0x2] =	stream.linear.gather [hbm4b:s14+s5], $0x80, $0x38;
	[tilespmem:$0x14640] =	vst v63  }
0x43: {  	_ =	swait.ge [sflag:s24], $0x80  }
0x44: {  	[sflag:s24] =	ssyncset.done $0x0  }
0x45: {  	s4 =	simm.s32 $0x14540;
	[sflag:s24] =	ssyncadd.s32 $0xFFFFFF80  }
0x46: {  	[tilespmem:s4], [sflag:$0x2] =	stream.linear.gather [hbm4b:s17+s5], $0x80, $0x38;
	[tilespmem:$0x14640] =	vst v63  }
0x47: {  	_ =	swait.ge [sflag:s24], $0x80  }
0x48: {  	[sflag:s24] =	ssyncset.done $0x0  }
0x49: {  	[sflag:s24] =	ssyncadd.s32 $0xFFFFFF80  }
0x4a: {  	v2 =	vld [tilespmem:$0x144C0]  }
0x4b: {  	v3 =	vld [tilespmem:$0x14540]  }
0x4c: {  	v4 =	vld [tilespmem:$0x144D0]  }
0x4d: {  	v5 =	vld [tilespmem:$0x14550]  }
0x4e: {  	v6 =	vld [tilespmem:$0x144E0]  }
0x4f: {  	v7 =	vld [tilespmem:$0x14560]  }
0x50: {  	v8 =	vld [tilespmem:$0x144F0]  }
0x51: {  	v9 =	vld [tilespmem:$0x14570]  }
0x52: {  	v10 =	vld [tilespmem:$0x14500]  }
0x53: {  	v11 =	vld [tilespmem:$0x14580]  }
0x54: {  	v12 =	vld [tilespmem:$0x14510]  }
0x55: {  	v13 =	vld [tilespmem:$0x14590]  }
0x56: {  	v14 =	vld [tilespmem:$0x14520];
	v2 =	vshll.u32 v2, $0x8  }
0x57: {  	v61 =	vld [tilespmem:$0x145A0];
	v2 =	vadd.s32 v3, v2;
	v3 =	vshll.u32 v4, $0x8  }
0x58: {  	v62 =	vld [tilespmem:$0x14530];
	[tilespmem:$0x145C0] =	vst v2;
	v2 =	vadd.s32 v5, v3;
	v3 =	vshll.u32 v6, $0x8  }
0x59: {  	v63 =	vld [tilespmem:$0x145B0];
	[tilespmem:$0x145D0] =	vst v2;
	v2 =	vadd.s32 v7, v3;
	v3 =	vshll.u32 v8, $0x8  }
0x5a: {  	[tilespmem:$0x145E0] =	vst v2;
	v2 =	vadd.s32 v9, v3;
	v3 =	vshll.u32 v10, $0x8  }
0x5b: {  	[tilespmem:$0x145F0] =	vst v2;
	v2 =	vadd.s32 v11, v3;
	v3 =	vshll.u32 v12, $0x8  }
0x5c: {  	[tilespmem:$0x14600] =	vst v2;
	v2 =	vadd.s32 v13, v3;
	v3 =	vshll.u32 v14, $0x8  }
0x5d: {  	[tilespmem:$0x14610] =	vst v2;
	v2 =	vadd.s32 v61, v3;
	v3 =	vshll.u32 v62, $0x8  }
0x5e: {  	[tilespmem:$0x14620] =	vst v2;
	v2 =	vadd.s32 v63, v3  }
0x5f: {  	[tilespmem:$0x14630] =	vst v2  }
0x60: {  	s6 =	simm.s32 $0x9440;
	[bflag:$0x0] =	sbarrier.arrive $0xFFFF  }
0x61: {  	[spmem:s2] =	stream.indirect.scatter.add.f32 [tilespmem:s25], [sflag:$0x1], $0x8, s6, s30, $0xb8;
	[tilespmem:$0x14640] =	vst v63  }
0x62: {  	s7 =	simm.s32 $0x94C0  }
0x63: {  	[spmem:s2] =	stream.indirect.scatter.add.f32 [tilespmem:s25], [sflag:$0x1], $0x8, s7, s30, $0xb8;
	[tilespmem:$0x14640] =	vst v63  }
0x64: {  	s3 =	simm.s32 $0x9540  }
0x65: {  	[spmem:s2] =	stream.indirect.scatter.add.f32 [tilespmem:s25], [sflag:$0x1], $0x8, s3, s30, $0xb8;
	[tilespmem:$0x14640] =	vst v63  }
0x66: {  	s4 =	simm.s32 $0x95C0  }
0x67: {  	[spmem:s2] =	stream.indirect.scatter.add.f32 [tilespmem:s25], [sflag:$0x1], $0x8, s4, s30, $0xb8;
	[tilespmem:$0x14640] =	vst v63  }
0x68: {  	s6 =	simm.s32 $0x9640  }
0x69: {  	[spmem:s2] =	stream.indirect.scatter.add.f32 [tilespmem:s25], [sflag:$0x1], $0x8, s6, s30, $0xb8;
	[tilespmem:$0x14640] =	vst v63  }
0x6a: {  	s7 =	simm.s32 $0x96C0  }
0x6b: {  	[spmem:s2] =	stream.indirect.scatter.add.f32 [tilespmem:s25], [sflag:$0x1], $0x8, s7, s30, $0xb8;
	[tilespmem:$0x14640] =	vst v63  }
0x6c: {  	_ =	swait.ge [sflag:s31], $0x400  }
0x6d: {  	[sflag:s31] =	ssyncset.done $0x0  }
0x6e: {  	[sflag:s31] =	ssyncadd.s32 $0xFFFFFC00  }
0x6f: {  	_ =	swait.ge [sflag:s31], $0x400  }
0x70: {  	[sflag:s31] =	ssyncset.done $0x0  }
0x71: {  	[sflag:s31] =	ssyncadd.s32 $0xFFFFFC00  }
0x72: {  	_ =	swait.ge [sflag:s31], $0x400  }
0x73: {  	[sflag:s31] =	ssyncset.done $0x0  }
0x74: {  	[sflag:s31] =	ssyncadd.s32 $0xFFFFFC00  }
0x75: {  	_ =	swait.ge [sflag:s31], $0x400  }
0x76: {  	[sflag:s31] =	ssyncset.done $0x0  }
0x77: {  	[sflag:s31] =	ssyncadd.s32 $0xFFFFFC00  }
0x78: {  	_ =	swait.ge [sflag:s31], $0x400  }
0x79: {  	p3 =	por @p0 $0x0, $0x0;
	p6 =	por @!p4 $0x1, $0x1;
	[sflag:s31] =	ssyncset.done $0x0  }
0x7a: {  	p6 =	por @!p5 p3, p3;
	p3 =	por $0x0, $0x0;
	[sflag:s31] =	ssyncadd.s32 $0xFFFFFC00  }
0x7b: {  	p6 =	por @!p0 p3, p3;
	_ =	swait.ge [sflag:s31], $0x400  }
0x7c: {  	s1 =	simm.s32 $0x1800;
	s6 =	simm.s32 $0x300;
	[sflag:s31] =	ssyncset.done $0x0  }
.LBB2_2:
0x7d: {  	s3 =	sadd.s32 $0x9440, s6  }
0x7e: {  	[sflag:s31] =	ssyncadd.s32 $0xFFFFFC00;
	s4 =	smov.u32 s1;
	s7 =	sadd.s32 $0xC00, s1  }
0x7f: {  	[spmem:s2] =	stream.indirect.scatter.add.f32 [tilespmem:s25], [sflag:$0x1], $0x8, s3, s30, $0xb8;
	[tilespmem:$0x14640] =	vst v63  }
0x80: {  	p3 =	sne.s32 s1, $0x9000;
	s1 =	sadd.s32 $0x94C0, s6  }
0x81: {  	[spmem:s2] =	stream.indirect.scatter.add.f32 [tilespmem:s25], [sflag:$0x1], $0x8, s1, s30, $0xb8;
	[tilespmem:$0x14640] =	vst v63  }
0x82: {  	s1 =	sadd.s32 $0x9540, s6  }
0x83: {  	[spmem:s2] =	stream.indirect.scatter.add.f32 [tilespmem:s25], [sflag:$0x1], $0x8, s1, s30, $0xb8;
	[tilespmem:$0x14640] =	vst v63  }
0x84: {  	s1 =	sadd.s32 $0x95C0, s6  }
0x85: {  	[spmem:s2] =	stream.indirect.scatter.add.f32 [tilespmem:s25], [sflag:$0x1], $0x8, s1, s30, $0xb8;
	[tilespmem:$0x14640] =	vst v63  }
0x86: {  	s1 =	sadd.s32 $0x9640, s6  }
0x87: {  	[spmem:s2] =	stream.indirect.scatter.add.f32 [tilespmem:s25], [sflag:$0x1], $0x8, s1, s30, $0xb8;
	[tilespmem:$0x14640] =	vst v63  }
0x88: {  	s1 =	sadd.s32 $0x96C0, s6  }
0x89: {  	[spmem:s2] =	stream.indirect.scatter.add.f32 [tilespmem:s25], [sflag:$0x1], $0x8, s1, s30, $0xb8;
	[tilespmem:$0x14640] =	vst v63  }
0x8a: {  	_ =	swait.ge [sflag:s31], $0x400  }
0x8b: {  	[sflag:s31] =	ssyncset.done $0x0  }
0x8c: {  	[sflag:s31] =	ssyncadd.s32 $0xFFFFFC00  }
0x8d: {  	_ =	swait.ge [sflag:s31], $0x400  }
0x8e: {  	[sflag:s31] =	ssyncset.done $0x0  }
0x8f: {  	[sflag:s31] =	ssyncadd.s32 $0xFFFFFC00  }
0x90: {  	_ =	swait.ge [sflag:s31], $0x400  }
0x91: {  	[sflag:s31] =	ssyncset.done $0x0  }
0x92: {  	[sflag:s31] =	ssyncadd.s32 $0xFFFFFC00  }
0x93: {  	_ =	swait.ge [sflag:s31], $0x400  }
0x94: {  	[sflag:s31] =	ssyncset.done $0x0  }
0x95: {  	[sflag:s31] =	ssyncadd.s32 $0xFFFFFC00  }
.Ltmp0:
0x96: {  	_ =	swait.ge [sflag:s31], $0x400;
	(pc) =	sbr.rel @p3 .LBB2_2-.Ltmp0, $4  }
0x97: {  	[sflag:s31] =	ssyncset.done $0x0  }
0x98: {  	[sflag:s31] =	ssyncadd.s32 $0xFFFFFC00  }
0x99: {  	_ =	swait.ge [sflag:s31], $0x400  }
0x9a: {  	s6 =	sshra.s32 s4, $0x2;
	s1 =	smov.u32 s7;
	[sflag:s31] =	ssyncset.done $0x0  }
0x9b: {  	s1 =	sadd.s32 $0x9440, s6;
	[sflag:s31] =	ssyncadd.s32 $0xFFFFFC00  }
0x9c: {  	[spmem:s2] =	stream.indirect.scatter.add.f32 [tilespmem:s25], [sflag:$0x1], $0x8, s1, s30, $0xb8;
	[tilespmem:$0x14640] =	vst v63  }
0x9d: {  	s4 =	sadd.s32 $0x94C0, s6  }
0x9e: {  	[spmem:s2] =	stream.indirect.scatter.add.f32 [tilespmem:s25], [sflag:$0x1], $0x8, s4, s30, $0xb8;
	[tilespmem:$0x14640] =	vst v63  }
0x9f: {  	s7 =	sadd.s32 $0x9540, s6  }
0xa0: {  	[spmem:s2] =	stream.indirect.scatter.add.f32 [tilespmem:s25], [sflag:$0x1], $0x8, s7, s30, $0xb8;
	[tilespmem:$0x14640] =	vst v63  }
0xa1: {  	s3 =	sadd.s32 $0x95C0, s6  }
0xa2: {  	[spmem:s2] =	stream.indirect.scatter.add.f32 [tilespmem:s25], [sflag:$0x1], $0x8, s3, s30, $0xb8;
	[tilespmem:$0x14640] =	vst v63  }
0xa3: {  	s4 =	sadd.s32 $0x9640, s6  }
0xa4: {  	[spmem:s2] =	stream.indirect.scatter.add.f32 [tilespmem:s25], [sflag:$0x1], $0x8, s4, s30, $0xb8;
	[tilespmem:$0x14640] =	vst v63  }
0xa5: {  	s7 =	sadd.s32 $0x96C0, s6  }
0xa6: {  	[spmem:s2] =	stream.indirect.scatter.add.f32 [tilespmem:s25], [sflag:$0x1], $0x8, s7, s30, $0xb8;
	[tilespmem:$0x14640] =	vst v63  }
0xa7: {  	_ =	swait.ge [sflag:s31], $0x400  }
0xa8: {  	[sflag:s31] =	ssyncset.done $0x0  }
0xa9: {  	[sflag:s31] =	ssyncadd.s32 $0xFFFFFC00  }
0xaa: {  	_ =	swait.ge [sflag:s31], $0x400  }
0xab: {  	[sflag:s31] =	ssyncset.done $0x0  }
0xac: {  	[sflag:s31] =	ssyncadd.s32 $0xFFFFFC00  }
0xad: {  	_ =	swait.ge [sflag:s31], $0x400  }
0xae: {  	[sflag:s31] =	ssyncset.done $0x0  }
0xaf: {  	[sflag:s31] =	ssyncadd.s32 $0xFFFFFC00  }
0xb0: {  	_ =	swait.ge [sflag:s31], $0x400  }
0xb1: {  	[sflag:s31] =	ssyncset.done $0x0  }
0xb2: {  	[sflag:s31] =	ssyncadd.s32 $0xFFFFFC00  }
0xb3: {  	_ =	swait.ge [sflag:s31], $0x400  }
0xb4: {  	[sflag:s31] =	ssyncset.done $0x0  }
0xb5: {  	[sflag:s31] =	ssyncadd.s32 $0xFFFFFC00  }
0xb6: {  	_ =	swait.ge [sflag:s31], $0x400  }
0xb7: {  	s1 =	simm.s32 @p6 $0x80;
	[sflag:s31] =	ssyncset.done $0x0  }
0xb8: {  	s3 =	simm.s32 @p6 $0xBB40;
	s4 =	simm.s32 @p6 $0xBFC0;
	[sflag:s31] =	ssyncadd.s32 $0xFFFFFC00  }
0xb9: {  	[spmem:s2] =	stream.indirect.scatter.add.f32 @p6 [tilespmem:s4], [sflag:$0x2], $0x8, s3, s1, $0xb8;
	[tilespmem:$0x14640] =	vst v63  }
0xba: {  	s1 =	simm.s32 @p6 $0x2  }
0xbb: {  	_ =	swait.ge @p6 [sflag:s1], $0x400  }
0xbc: {  	s6 =	simm.s32 @!p2 $0x2;
	s3 =	simm.s32 @!p2 $0x144C0;
	[sflag:s1] =	ssyncset.done @p6 $0x0  }
0xbd: {  	s4 =	simm.s32 @!p2 $0xBFC0;
	[sflag:s1] =	ssyncadd.s32 @p6 $0xFFFFFC00;
	s1 =	simm.s32 @!p2 $0x80  }
0xbe: {  	[spmem:s8] =	stream.indirect.scatter.add.f32 @!p2 [tilespmem:s4], [sflag:$0x2], $0x8, s3, s1, $0xb8;
	[tilespmem:$0x14640] =	vst v63  }
0xbf: {  	_ =	swait.ge @!p2 [sflag:s6], $0x400  }
0xc0: {  	[sflag:s6] =	ssyncset.done @!p2 $0x0  }
0xc1: {  	[sflag:s6] =	ssyncadd.s32 @!p2 $0xFFFFFC00  }
0xc2: {  	v2 =	vld [tilespmem:$0x143C0]  }
0xc3: {  	v3 =	vld [tilespmem:$0x143D0]  }
0xc4: {  	v4 =	vld [tilespmem:$0x143E0]  }
0xc5: {  	v5 =	vld [tilespmem:$0x143F0]  }
0xc6: {  	v6 =	vld [tilespmem:$0x14400]  }
0xc7: {  	v7 =	vld [tilespmem:$0x14410];
	v2 =	vadd.s32 v0, v2  }
0xc8: {  	[tilespmem:$0x14440] =	vst v2;
	v2 =	vadd.s32 v0, v3;
	v3 =	vld [tilespmem:$0x14420]  }
0xc9: {  	v58 =	vld [tilespmem:$0x14430];
	[tilespmem:$0x14450] =	vst v2;
	v2 =	vadd.s32 v0, v4  }
0xca: {  	[tilespmem:$0x14460] =	vst v2;
	v2 =	vadd.s32 v0, v5  }
0xcb: {  	[tilespmem:$0x14470] =	vst v2;
	v2 =	vadd.s32 v0, v6  }
0xcc: {  	[tilespmem:$0x14480] =	vst v2;
	v2 =	vadd.s32 v0, v7  }
0xcd: {  	[tilespmem:$0x14490] =	vst v2;
	v2 =	vadd.s32 v0, v3  }
0xce: {  	[tilespmem:$0x144A0] =	vst v2;
	v2 =	vadd.s32 v0, v58  }
0xcf: {  	[tilespmem:$0x144B0] =	vst v2  }
0xd0: {  	[spmem:s19] =	stream.linear.scatter [tilespmem:s22], [sflag:$0x2], $0x8000, $0x38;
	[tilespmem:$0x14640] =	vst v63  }
0xd1: {  	_ =	swait.ge [sflag:s24], $0x8000  }
0xd2: {  	[sflag:s24] =	ssyncset.done $0x0  }
0xd3: {  	[sflag:s24] =	ssyncadd.s32 $0xFFFF8000  }
0xd4: {  	[bflag:$0x0] =	sbarrier.arrive $0xFFFF  }
0xd5: {  	s4 =	rddreg [dreg:$0x2]  }
0xd6: {  	[tilespmem:s26], [sflag:$0x2] =	stream.indirect.gather [hbm4b:s4+s30], $0x8, s0, s30, $0xb8;
	[tilespmem:$0x14640] =	vst v63  }
0xd7: {  	_ =	swait.ge [sflag:s24], $0x400  }
0xd8: {  	[sflag:s24] =	ssyncset.done $0x0  }
0xd9: {  	[sflag:s24] =	ssyncadd.s32 $0xFFFFFC00  }
0xda: {  	s7 =	smov.u32 s8;
	s8 =	rddreg [dreg:$0x6]  }
0xdb: {  	[spmem:s8] =	stream.indirect.scatter.add.f32 [tilespmem:s26], [sflag:$0x2], $0x8, s28, s30, $0xb8;
	[tilespmem:$0x14640] =	vst v63  }
0xdc: {  	_ =	swait.ge [sflag:s24], $0x400  }
0xdd: {  	s3 =	stileid.u32;
	[sflag:s24] =	ssyncset.done $0x0  }
0xde: {  	s1 =	sshll.u32 s3, $0x6;
	[sflag:s24] =	ssyncadd.s32 $0xFFFFFC00  }
0xdf: {  	s3 =	sshrl.u32 s19, $0x3;
	s1 =	sor.u32 $0x1C02, s1;
	[bflag:$0x0] =	sbarrier.arrive $0xFFFF  }
0xe0: {  	[hbm:s15], [sflag:s1] =	dma.local [spmem:s3], $0x1000  }
0xe1: {  	_ =	swait.ge [sflag:s24], $0x1000  }
0xe2: {  	[sflag:s24] =	ssyncset.done $0x0  }
0xe3: {  	[sflag:s24] =	ssyncadd.s32 $0xFFFFF000  }
0xe4: {  	v2 =	vld [tilespmem:$0x143C0]  }
0xe5: {  	v3 =	vld [tilespmem:$0x143D0]  }
0xe6: {  	v59 =	vld [tilespmem:$0x143E0]  }
0xe7: {  	v60 =	vld [tilespmem:$0x143F0]  }
0xe8: {  	v61 =	vld [tilespmem:$0x14400]  }
0xe9: {  	v62 =	vld [tilespmem:$0x14410];
	v2 =	vadd.s32 v1, v2  }
0xea: {  	[tilespmem:$0x14440] =	vst v2;
	v2 =	vadd.s32 v1, v3;
	v3 =	vld [tilespmem:$0x14420]  }
0xeb: {  	v63 =	vld [tilespmem:$0x14430];
	[tilespmem:$0x14450] =	vst v2;
	v2 =	vadd.s32 v1, v59  }
0xec: {  	[tilespmem:$0x14460] =	vst v2;
	v2 =	vadd.s32 v1, v60  }
0xed: {  	[tilespmem:$0x14470] =	vst v2;
	v2 =	vadd.s32 v1, v61  }
0xee: {  	[tilespmem:$0x14480] =	vst v2;
	v2 =	vadd.s32 v1, v62  }
0xef: {  	[tilespmem:$0x14490] =	vst v2;
	v2 =	vadd.s32 v1, v3  }
0xf0: {  	[tilespmem:$0x144A0] =	vst v2;
	v2 =	vadd.s32 v1, v63  }
0xf1: {  	[tilespmem:$0x144B0] =	vst v2  }
0xf2: {  	[spmem:s19] =	stream.linear.scatter [tilespmem:s22], [sflag:$0x2], $0x8000, $0x38;
	[tilespmem:$0x14640] =	vst v63  }
0xf3: {  	_ =	swait.ge [sflag:s24], $0x8000  }
0xf4: {  	[sflag:s24] =	ssyncset.done $0x0  }
0xf5: {  	[sflag:s24] =	ssyncadd.s32 $0xFFFF8000  }
0xf6: {  	[bflag:$0x0] =	sbarrier.arrive $0xFFFF  }
0xf7: {  	[tilespmem:s26], [sflag:$0x2] =	stream.indirect.gather [hbm4b:s4+s30], $0x8, s0, s30, $0xb8;
	[tilespmem:$0x14640] =	vst v63  }
0xf8: {  	_ =	swait.ge [sflag:s24], $0x400  }
0xf9: {  	[sflag:s24] =	ssyncset.done $0x0  }
0xfa: {  	[sflag:s24] =	ssyncadd.s32 $0xFFFFFC00  }
0xfb: {  	[spmem:s8] =	stream.indirect.scatter.add.f32 [tilespmem:s26], [sflag:$0x2], $0x8, s28, s30, $0xb8;
	[tilespmem:$0x14640] =	vst v63  }
0xfc: {  	_ =	swait.ge [sflag:s24], $0x400  }
0xfd: {  	[sflag:s24] =	ssyncset.done $0x0  }
0xfe: {  	[sflag:s24] =	ssyncadd.s32 $0xFFFFFC00  }
0xff: {  	[bflag:$0x0] =	sbarrier.arrive $0xFFFF  }
0x100: {  	[hbm:s16], [sflag:s1] =	dma.local [spmem:s3], $0x1000  }
0x101: {  	_ =	swait.ge [sflag:s24], $0x1000  }
0x102: {  	[sflag:s24] =	ssyncset.done $0x0  }
0x103: {  	[sflag:s24] =	ssyncadd.s32 $0xFFFFF000  }
0x104: {  	s8 =	sshrl.u32 s9, $0x3;
	[bflag:$0x0] =	sbarrier.arrive $0xFFFF  }
0x105: {  	[hbm:s18], [sflag:s1] =	dma.local [spmem:s8], $0x278  }
0x106: {  	s29 =	sadd.s32 $0x1, s29;
	_ =	swait.ge [sflag:s24], $0x278  }
0x107: {  	p3 =	sne.s32 s29, s21;
	[sflag:s24] =	ssyncset.done $0x0  }
.Ltmp1:
0x108: {  	[sflag:s24] =	ssyncadd.s32 $0xFFFFFD88;
	(pc) =	sbr.rel @p3 .LBB2_1-.Ltmp1, $4  }
0x109: {  	[hbm:s20], [sflag:s1] =	dma.local @!p2 [spmem:s23], $0x10  }
0x10a: {  	_ =	swait.ge @!p2 [sflag:s6], $0x10  }
0x10b: {  	[sflag:s6] =	ssyncset.done @!p2 $0x0  }
0x10c: {  	[sflag:s6] =	ssyncadd.s32 @!p2 $0xFFFFFFF0  }
0x10d: {  	_ =	sfence.sel $0x180000  }
0x10e: {  	[bflag:$0x0] =	sbarrier.arrive $0xFFFF  }
0x10f: {  	_ =	strace $0x90000047  }
0x110: {  	s0 =	stileid.u32;
	[bflag:$0x2] =	sbarrier.arrive $0xFFFF  }
0x111: {  	p0 =	sne.s32 s0, $0x0;
	s0 =	rddreg [dreg:$0x7]  }
0x112: {  	s0 =	sadd.s32 @!p0 $0x100000, s0  }
0x113: {  	[sflag:s0] =	ssyncadd.tile.s32 @!p0 $0x1;
	_ =	shalt  }
.Lfunc_end2:
_tile_overlayer_lowered:
.L_overlay_start_2:
0x114: {  	(tag) =	ssettag $0x2  }
0x115: {  	s0 =	rddreg [dreg:$0x0];
	s2 =	stileid.u32  }
0x116: {  	s1 =	rddreg [dreg:$0x1];
	p0 =	sne.s32 s2, $0x0  }
0x117: {  	s3 =	rddreg [dreg:$0x2];
	[bflag:$0x3] =	sbarrier.arrive $0xFFFF;
	s2 =	simm.s32 @!p0 $0x1C02  }
0x118: {  	[timem:s3], [sflag:s2] =	dma.local @!p0 [hbm:s0], s1  }
0x119: {  	s0 =	simm.s32 @!p0 $0x2  }
0x11a: {  	_ =	swait.ge @!p0 [sflag:s0], s1  }
0x11b: {  	s1 =	ssub.s32 @!p0 $0x0, s1;
	[sflag:s0] =	ssyncset.done @!p0 $0x0  }
0x11c: {  	[sflag:s0] =	ssyncadd.s32 @!p0 s1  }
0x11d: {  	[bflag:$0x3] =	sbarrier.arrive $0xFFFF  }
0x11e: {  	_ =	shalt  }

</sc_bundles>
